<compile_context>
chip_gen: v7x
topology: tpu7x:2x2x1
jax: 0.10.2.dev20260603
libtpu: 0.0.44.dev20260713+nightly
codegen_flags: <defaults>
</compile_context>

<pallas_src>
import functools

import jax
import jax.numpy as jnp
from jax import lax
from jax.experimental import pallas as pl
from jax.experimental.pallas import tpu as pltpu
from jax.experimental.pallas import tpu_sc as plsc

_N = 10000
_EP = 160000
_E = 320000
_F = 128
_G = 64

_CHUNK = 128
_NTILES = 16
_NP = 10112
_NODE_CHUNKS = _NP // _CHUNK
_F32 = jnp.float32


_NBUF = 2
_IBUF = 2 * _NBUF


def _sc_segment_sum(n_edges, want_cnt0, want_cnt1):
  n_chunks = n_edges // _CHUNK
  assert n_chunks * _CHUNK == n_edges

  mesh = plsc.VectorSubcoreMesh(
      core_axis_name="c", subcore_axis_name="s", num_cores=2,
      num_subcores=_NTILES)

  @functools.partial(
      pl.kernel,
      out_type=(
          jax.ShapeDtypeStruct((_NP, _F), _F32),
          jax.ShapeDtypeStruct((_NP, _F), _F32),
          jax.ShapeDtypeStruct((_NP,), _F32),
          jax.ShapeDtypeStruct((_NP,), _F32),
      ),
      mesh=mesh,
      scratch_types=[
          pltpu.VMEM((_CHUNK, _F), _F32),
          pltpu.VMEM((2, _CHUNK), jnp.int32),
          pltpu.VMEM((_CHUNK,), _F32),
          pltpu.VMEM((_CHUNK,), _F32),
          pltpu.VMEM_SHARED((_NP, _F), _F32),
          pltpu.VMEM_SHARED((_NP,), _F32),
          pltpu.SemaphoreType.DMA,
      ],
  )
  def k(t0, t1, sd0, sd1, o0, o1, c0, c1,
        rows, idx2, ones_v, zeros_v, accum, cacc, sem):
    c = lax.axis_index("c")
    s = lax.axis_index("s")

    def fill_row(r, carry):
      for j in range(_F // 16):
        rows[r, pl.ds(j * 16, 16)] = jnp.zeros((16,), _F32)
      return carry
    lax.fori_loop(0, _CHUNK, fill_row, 0)
    for j in range(_CHUNK // 16):
      ones_v[pl.ds(j * 16, 16)] = jnp.ones((16,), _F32)
      zeros_v[pl.ds(j * 16, 16)] = jnp.zeros((16,), _F32)

    n_zero = (_NODE_CHUNKS - s + _NTILES - 1) // _NTILES

    def full_pass(table, sd, out_ref, cnt_ref, want_cnt):
      def zero_chunk(u, carry):
        base = (s + _NTILES * u) * _CHUNK
        pltpu.sync_copy(rows, accum.at[pl.ds(base, _CHUNK)])
        if want_cnt:
          pltpu.sync_copy(zeros_v, cacc.at[pl.ds(base, _CHUNK)])
        return carry
      lax.fori_loop(0, n_zero, zero_chunk, 0)
      plsc.subcore_barrier()

      def body(t, carry):
        base = (s + _NTILES * t) * _CHUNK
        pltpu.sync_copy(sd.at[:, pl.ds(base, _CHUNK)], idx2)
        pltpu.async_copy(table.at[idx2.at[0]], rows, sem).wait()
        pltpu.sync_copy(rows, accum.at[idx2.at[1]], add=True)
        if want_cnt:
          pltpu.sync_copy(ones_v, cacc.at[idx2.at[1]], add=True)
        return carry
      n_iter = (n_chunks - s + _NTILES - 1) // _NTILES
      lax.fori_loop(0, n_iter, body, 0)
      plsc.subcore_barrier()

      def wchunk(u, carry):
        base = (s + _NTILES * u) * _CHUNK
        pltpu.sync_copy(accum.at[pl.ds(base, _CHUNK)],
                        out_ref.at[pl.ds(base, _CHUNK)])
        if want_cnt:
          pltpu.sync_copy(cacc.at[pl.ds(base, _CHUNK)],
                          cnt_ref.at[pl.ds(base, _CHUNK)])
        return carry
      lax.fori_loop(0, n_zero, wchunk, 0)

    @pl.when(c == 0)
    def _():
      full_pass(t0, sd0, o0, c0, want_cnt0)

    @pl.when(c == 1)
    def _():
      full_pass(t1, sd1, o1, c1, want_cnt1)

  return k


_BLK = 1000


def _tc1_body(x, sp, sn, aux, wpb, wnb, wpd, wnd, bias,
              hp, hn, ap, an, ssp, ssn):
  cp = jnp.maximum(aux[:, 0:1], 1.0)
  cn = jnp.maximum(aux[:, 1:2], 1.0)
  xb = x[...]
  mp = sp[...] / cp
  mn = sn[...] / cn
  dot = functools.partial(jnp.dot, preferred_element_type=_F32)
  h_p = jnp.tanh(dot(mp, wpb[0:_F, :]) + dot(xb, wpb[_F:, :]) + bias[0:1, :])
  h_n = jnp.tanh(dot(mn, wnb[0:_F, :]) + dot(xb, wnb[_F:, :]) + bias[1:2, :])
  hp[...] = h_p
  hn[...] = h_n
  ap[...] = dot(h_p, wpd[0:_F, :]) + dot(h_n, wpd[_F:2 * _F, :])
  an[...] = dot(h_p, wnd[0:_F, :]) + dot(h_n, wnd[_F:2 * _F, :])
  ssp[...] = (dot(h_p, wpd[4 * _F:5 * _F, :]) + dot(h_n, wpd[5 * _F:, :])
              + bias[2:3, :])
  ssn[...] = (dot(h_p, wnd[4 * _F:5 * _F, :]) + dot(h_n, wnd[5 * _F:, :])
              + bias[3:4, :])


def _tc1_call(x, sum_p, sum_n, aux, wpb, wnb, wpd_mid, wnd_mid, bias):
  row = lambda i: (i, 0)
  whole = lambda i: (0, 0)
  blk = pl.BlockSpec((_BLK, _F), row)
  out = jax.ShapeDtypeStruct((_N, _F), _F32)
  return pl.pallas_call(
      _tc1_body,
      grid=(_N // _BLK,),
      in_specs=[
          blk, blk, blk,
          pl.BlockSpec((_BLK, 8), row),
          pl.BlockSpec((2 * _F, _F), whole),
          pl.BlockSpec((2 * _F, _F), whole),
          pl.BlockSpec((6 * _F, _F), whole),
          pl.BlockSpec((6 * _F, _F), whole),
          pl.BlockSpec((8, _F), whole),
      ],
      out_specs=[blk] * 6,
      out_shape=[out] * 6,
  )(x, sum_p, sum_n, aux, wpb, wnb, wpd_mid, wnd_mid, bias)


def _tc2_body(s1p, s1n, s2p, s2n, ssp, ssn, aux, wpd2, wnd2, out,
              acc_p, acc_n, acc_c):
  i = pl.program_id(0)

  @pl.when(i == 0)
  def _():
    acc_p[...] = jnp.zeros_like(acc_p)
    acc_n[...] = jnp.zeros_like(acc_n)
    acc_c[...] = jnp.zeros_like(acc_c)

  cp = jnp.maximum(aux[:, 0:1], 1.0)
  cn = jnp.maximum(aux[:, 1:2], 1.0)
  ce = jnp.maximum(aux[:, 2:3], 1.0)
  bat = aux[:, 3:4]
  dot = functools.partial(jnp.dot, preferred_element_type=_F32)
  m2p = s2p[...] / ce
  m2n = s2n[...] / ce
  hp1 = jnp.tanh(s1p[...] / cp + dot(m2p, wpd2[0:_F, :])
                 + dot(m2n, wpd2[_F:, :]) + ssp[...])
  hn1 = jnp.tanh(s1n[...] / cn + dot(m2p, wnd2[0:_F, :])
                 + dot(m2n, wnd2[_F:, :]) + ssn[...])

  seg = lax.broadcasted_iota(jnp.int32, (1, _G), 1).astype(_F32)
  p_onehot = (bat == seg).astype(_F32)
  tdot = lambda a, b: lax.dot_general(
      a, b, dimension_numbers=(((0,), (0,)), ((), ())),
      preferred_element_type=_F32)
  acc_p[...] += tdot(p_onehot, hp1)
  acc_n[...] += tdot(p_onehot, hn1)
  acc_c[...] += tdot(p_onehot, jnp.ones((_BLK, _F), _F32))

  @pl.when(i == _N // _BLK - 1)
  def _():
    denom = jnp.maximum(acc_c[...], 1.0)
    out[:, 0:_F] = acc_p[...] / denom
    out[:, _F:] = acc_n[...] / denom


def _tc2_call(s1p, s1n, s2p, s2n, ssp, ssn, aux, wpd2, wnd2):
  row = lambda i: (i, 0)
  whole = lambda i: (0, 0)
  blk = pl.BlockSpec((_BLK, _F), row)
  return pl.pallas_call(
      _tc2_body,
      grid=(_N // _BLK,),
      in_specs=[
          blk, blk, blk, blk, blk, blk,
          pl.BlockSpec((_BLK, 8), row),
          pl.BlockSpec((2 * _F, _F), whole),
          pl.BlockSpec((2 * _F, _F), whole),
      ],
      out_specs=pl.BlockSpec((_G, 2 * _F), whole),
      out_shape=jax.ShapeDtypeStruct((_G, 2 * _F), _F32),
      scratch_shapes=[
          pltpu.VMEM((_G, _F), _F32),
          pltpu.VMEM((_G, _F), _F32),
          pltpu.VMEM((_G, _F), _F32),
      ],
  )(s1p, s1n, s2p, s2n, ssp, ssn, aux, wpd2, wnd2)


@jax.jit
def kernel(x, edge_index, pos_link, neg_link, batch,
           W_pb, b_pb, W_nb, b_nb, W_pd, b_pd, W_nd, b_nd):
  pos_t = pos_link.T
  neg_t = neg_link.T

  sum_p, sum_n, cnt_p, cnt_n = _sc_segment_sum(_EP, True, True)(
      x, x, pos_t, neg_t)

  zeros_col = jnp.zeros((_NP, 1), _F32)
  aux1 = jnp.concatenate(
      [cnt_p[:, None], cnt_n[:, None]] + [zeros_col] * 6, axis=1)
  bias1 = jnp.concatenate(
      [b_pb[None, :], b_nb[None, :], b_pd[None, :], b_nd[None, :],
       jnp.zeros((4, _F), _F32)], axis=0)

  h_p, h_n, a_p, a_n, s_p, s_n = _tc1_call(
      x, sum_p, sum_n, aux1, W_pb, W_nb, W_pd, W_nd, bias1)

  sum1_p, sum1_n, _, _ = _sc_segment_sum(_EP, False, False)(
      a_p, a_n, pos_t, neg_t)
  s2p, s2n, cnt_e, _ = _sc_segment_sum(_E, True, False)(
      h_p, h_n, edge_index, edge_index)

  batch_f = jnp.concatenate(
      [batch.astype(_F32), jnp.zeros((_NP - _N,), _F32)])
  aux2 = jnp.concatenate(
      [cnt_p[:, None], cnt_n[:, None], cnt_e[:, None],
       batch_f[:, None]] + [zeros_col] * 4, axis=1)

  return _tc2_call(sum1_p, sum1_n, s2p, s2n, s_p, s_n, aux2,
                   W_pd[2 * _F:4 * _F, :], W_nd[2 * _F:4 * _F, :])

# --- scband reference (transcript-rebuilt; emitter-appended) ---
"""Pipeline reference for scband-tdgcn-13898514170509 (READ-ONLY COPY).

The authoritative reference and input builder live on the scoring server;
editing this copy changes nothing except your own understanding.
"""

import jax, jax.numpy as jnp
import numpy as np

N = 10000
E = 320000
EP = 160000
IN = 128
HID = 128
OUT = 128
G = 64


def setup_inputs(seed: int = 0) -> dict:
    key = jax.random.key(seed)
    ks = jax.random.split(key, 13)
    x = jax.random.normal(ks[0], (N, IN), dtype=jnp.float32)
    edge_index = jax.random.randint(ks[1], (2, E), 0, N, dtype=jnp.int32)
    pos_link = jax.random.randint(ks[2], (EP, 2), 0, N, dtype=jnp.int32)
    neg_link = jax.random.randint(ks[3], (EP, 2), 0, N, dtype=jnp.int32)
    batch = jnp.sort(jax.random.randint(ks[4], (N,), 0, G, dtype=jnp.int32))
    # SignedLayerBase params: Linear(2*in_feats -> hid_feats) applied to [agg_neighbors, x]
    W_pb = jax.random.normal(ks[5], (2 * IN, HID), dtype=jnp.float32) * 0.05
    b_pb = jnp.zeros((HID,), dtype=jnp.float32)
    W_nb = jax.random.normal(ks[6], (2 * IN, HID), dtype=jnp.float32) * 0.05
    b_nb = jnp.zeros((HID,), dtype=jnp.float32)
    # SignedLayerDeep params: Linear(3*(2*hid) -> out_feats) applied to [agg_link, agg_edge, h]
    W_pd = jax.random.normal(ks[7], (3 * 2 * HID, OUT), dtype=jnp.float32) * 0.05
    b_pd = jnp.zeros((OUT,), dtype=jnp.float32)
    W_nd = jax.random.normal(ks[8], (3 * 2 * HID, OUT), dtype=jnp.float32) * 0.05
    b_nd = jnp.zeros((OUT,), dtype=jnp.float32)
    return {"x": x, "edge_index": edge_index, "pos_link": pos_link,
            "neg_link": neg_link, "batch": batch,
            "W_pb": W_pb, "b_pb": b_pb, "W_nb": W_nb, "b_nb": b_nb,
            "W_pd": W_pd, "b_pd": b_pd, "W_nd": W_nd, "b_nd": b_nd}


def scatter_mean(src, index, num_segments):
    s = jax.ops.segment_sum(src, index, num_segments=num_segments)
    c = jax.ops.segment_sum(jnp.ones((src.shape[0],), dtype=src.dtype), index,
                            num_segments=num_segments)
    return s / jnp.maximum(c, 1.0)[:, None]


def base_agg(x, link, W, b):
    ei = link.T  # [2, E_link], matches the numpy transpose in the torch forward
    src, dst = ei[0], ei[1]
    agg = scatter_mean(x[src], dst, x.shape[0])
    return jnp.concatenate([agg, x], axis=1) @ W + b


def deep_agg(h, link, edge_index, W, b):
    ei = link.T
    agg1 = scatter_mean(h[ei[0]], ei[1], h.shape[0])
    agg2 = scatter_mean(h[edge_index[0]], edge_index[1], h.shape[0])
    return jnp.concatenate([agg1, agg2, h], axis=1) @ W + b


def reference(x, edge_index, pos_link, neg_link, batch,
              W_pb, b_pb, W_nb, b_nb, W_pd, b_pd, W_nd, b_nd):
    h_pos0 = jnp.tanh(base_agg(x, pos_link, W_pb, b_pb))
    h_neg0 = jnp.tanh(base_agg(x, neg_link, W_nb, b_nb))
    concat_h = jnp.concatenate([h_pos0, h_neg0], axis=1)
    h_pos1 = jnp.tanh(deep_agg(concat_h, pos_link, edge_index, W_pd, b_pd))
    h_neg1 = jnp.tanh(deep_agg(concat_h, neg_link, edge_index, W_nd, b_nd))
    out = jnp.concatenate([h_pos1, h_neg1], axis=1)  # [N, 2*OUT]
    return scatter_mean(out, batch, G)  # graph-level mean pooling -> [G, 2*OUT]

if __name__ == "__main__":
    import jax
    _d = setup_inputs()
    print(jax.jit(kernel)(*tuple(_d.values())))

</pallas_src>

<mosaic_0001>
#map = affine_map<(d0, d1) -> (0, 0)>
#map1 = affine_map<(d0, d1) -> (0)>
module attributes {stable_mosaic.version = 14 : i64} {
  func.func @k(%arg0: i32, %arg1: i32, %arg2: memref<10000x128xf32, #tpu.memory_space<hbm>>, %arg3: memref<10000x128xf32, #tpu.memory_space<hbm>>, %arg4: memref<2x320000xi32, #tpu.memory_space<hbm>>, %arg5: memref<2x320000xi32, #tpu.memory_space<hbm>>, %arg6: memref<10112x128xf32, #tpu.memory_space<hbm>>, %arg7: memref<10112x128xf32, #tpu.memory_space<hbm>>, %arg8: memref<10112xf32, #tpu.memory_space<hbm>>, %arg9: memref<10112xf32, #tpu.memory_space<hbm>>, %arg10: memref<128x128xf32, #tpu.memory_space<vmem>>, %arg11: memref<2x128xi32, #tpu.memory_space<vmem>>, %arg12: memref<128xf32, #tpu.memory_space<vmem>>, %arg13: memref<128xf32, #tpu.memory_space<vmem>>, %arg14: memref<10112x128xf32, #tpu.memory_space<vmem_shared>>, %arg15: memref<10112xf32, #tpu.memory_space<vmem_shared>>, %arg16: memref<!tpu.dma_semaphore, #tpu.memory_space<semaphore_mem>>) attributes {dimension_semantics = [#tpu.dimension_semantics<core_parallel>, #tpu.dimension_semantics<subcore_parallel>], iteration_bounds = array<i64: 2, 16>, scalar_prefetch = 0 : i64, scratch_operands = 7 : i64, tpu.core_type = #tpu.core_type<sc_vector_subcore>, window_params = [{transform_indices = #map}, {transform_indices = #map}, {transform_indices = #map}, {transform_indices = #map}, {transform_indices = #map}, {transform_indices = #map}, {transform_indices = #map1}, {transform_indices = #map1}]} {
    %scan3A = arith.constant 0 : i32
    %scan3A_0 = arith.constant 0 : i32
    %scan3A_1 = arith.constant 128 : i32
    %scan3A_2 = arith.addi %scan3A_0, %scan3A_1 : i32
    %scan3A_3 = arith.constant 1 : i32
    scf.for %scan3A_127 = %scan3A_0 to %scan3A_2 step %scan3A_3  : i32 {
      %broadcast_in_dim3A_128 = arith.constant 0.000000e+00 : f32
      %broadcast_in_dim3A_129 = vector.broadcast %broadcast_in_dim3A_128 : f32 to vector<16xf32>
      %swap3A_130 = arith.index_cast %scan3A_127 : i32 to index
      %swap3A_131 = arith.constant 0 : index
      %swap3A_132 = tpu.vector_load %arg10[%swap3A_130, %swap3A_131] {strides = array<i32>} : memref<128x128xf32, #tpu.memory_space<vmem>>, vector<1x16xf32>,
      %swap3A_133 = vector.shape_cast %swap3A_132 : vector<1x16xf32> to vector<16xf32>
      %swap3A_134 = vector.shape_cast %broadcast_in_dim3A_129 : vector<16xf32> to vector<1x16xf32>
      tpu.vector_store %arg10[%swap3A_130, %swap3A_131], %swap3A_134 {strides = array<i32>} : memref<128x128xf32, #tpu.memory_space<vmem>>, vector<1x16xf32>,
      %broadcast_in_dim3A_135 = arith.constant 0.000000e+00 : f32
      %broadcast_in_dim3A_136 = vector.broadcast %broadcast_in_dim3A_135 : f32 to vector<16xf32>
      %swap3A_137 = arith.index_cast %scan3A_127 : i32 to index
      %swap3A_138 = arith.constant 16 : index
      %swap3A_139 = tpu.vector_load %arg10[%swap3A_137, %swap3A_138] {strides = array<i32>} : memref<128x128xf32, #tpu.memory_space<vmem>>, vector<1x16xf32>,
      %swap3A_140 = vector.shape_cast %swap3A_139 : vector<1x16xf32> to vector<16xf32>
      %swap3A_141 = vector.shape_cast %broadcast_in_dim3A_136 : vector<16xf32> to vector<1x16xf32>
      tpu.vector_store %arg10[%swap3A_137, %swap3A_138], %swap3A_141 {strides = array<i32>} : memref<128x128xf32, #tpu.memory_space<vmem>>, vector<1x16xf32>,
      %broadcast_in_dim3A_142 = arith.constant 0.000000e+00 : f32
      %broadcast_in_dim3A_143 = vector.broadcast %broadcast_in_dim3A_142 : f32 to vector<16xf32>
      %swap3A_144 = arith.index_cast %scan3A_127 : i32 to index
      %swap3A_145 = arith.constant 32 : index
      %swap3A_146 = tpu.vector_load %arg10[%swap3A_144, %swap3A_145] {strides = array<i32>} : memref<128x128xf32, #tpu.memory_space<vmem>>, vector<1x16xf32>,
      %swap3A_147 = vector.shape_cast %swap3A_146 : vector<1x16xf32> to vector<16xf32>
      %swap3A_148 = vector.shape_cast %broadcast_in_dim3A_143 : vector<16xf32> to vector<1x16xf32>
      tpu.vector_store %arg10[%swap3A_144, %swap3A_145], %swap3A_148 {strides = array<i32>} : memref<128x128xf32, #tpu.memory_space<vmem>>, vector<1x16xf32>,
      %broadcast_in_dim3A_149 = arith.constant 0.000000e+00 : f32
      %broadcast_in_dim3A_150 = vector.broadcast %broadcast_in_dim3A_149 : f32 to vector<16xf32>
      %swap3A_151 = arith.index_cast %scan3A_127 : i32 to index
      %swap3A_152 = arith.constant 48 : index
      %swap3A_153 = tpu.vector_load %arg10[%swap3A_151, %swap3A_152] {strides = array<i32>} : memref<128x128xf32, #tpu.memory_space<vmem>>, vector<1x16xf32>,
      %swap3A_154 = vector.shape_cast %swap3A_153 : vector<1x16xf32> to vector<16xf32>
      %swap3A_155 = vector.shape_cast %broadcast_in_dim3A_150 : vector<16xf32> to vector<1x16xf32>
      tpu.vector_store %arg10[%swap3A_151, %swap3A_152], %swap3A_155 {strides = array<i32>} : memref<128x128xf32, #tpu.memory_space<vmem>>, vector<1x16xf32>,
      %broadcast_in_dim3A_156 = arith.constant 0.000000e+00 : f32
      %broadcast_in_dim3A_157 = vector.broadcast %broadcast_in_dim3A_156 : f32 to vector<16xf32>
      %swap3A_158 = arith.index_cast %scan3A_127 : i32 to index
      %swap3A_159 = arith.constant 64 : index
      %swap3A_160 = tpu.vector_load %arg10[%swap3A_158, %swap3A_159] {strides = array<i32>} : memref<128x128xf32, #tpu.memory_space<vmem>>, vector<1x16xf32>,
      %swap3A_161 = vector.shape_cast %swap3A_160 : vector<1x16xf32> to vector<16xf32>
      %swap3A_162 = vector.shape_cast %broadcast_in_dim3A_157 : vector<16xf32> to vector<1x16xf32>
      tpu.vector_store %arg10[%swap3A_158, %swap3A_159], %swap3A_162 {strides = array<i32>} : memref<128x128xf32, #tpu.memory_space<vmem>>, vector<1x16xf32>,
      %broadcast_in_dim3A_163 = arith.constant 0.000000e+00 : f32
      %broadcast_in_dim3A_164 = vector.broadcast %broadcast_in_dim3A_163 : f32 to vector<16xf32>
      %swap3A_165 = arith.index_cast %scan3A_127 : i32 to index
      %swap3A_166 = arith.constant 80 : index
      %swap3A_167 = tpu.vector_load %arg10[%swap3A_165, %swap3A_166] {strides = array<i32>} : memref<128x128xf32, #tpu.memory_space<vmem>>, vector<1x16xf32>,
      %swap3A_168 = vector.shape_cast %swap3A_167 : vector<1x16xf32> to vector<16xf32>
      %swap3A_169 = vector.shape_cast %broadcast_in_dim3A_164 : vector<16xf32> to vector<1x16xf32>
      tpu.vector_store %arg10[%swap3A_165, %swap3A_166], %swap3A_169 {strides = array<i32>} : memref<128x128xf32, #tpu.memory_space<vmem>>, vector<1x16xf32>,
      %broadcast_in_dim3A_170 = arith.constant 0.000000e+00 : f32
      %broadcast_in_dim3A_171 = vector.broadcast %broadcast_in_dim3A_170 : f32 to vector<16xf32>
      %swap3A_172 = arith.index_cast %scan3A_127 : i32 to index
      %swap3A_173 = arith.constant 96 : index
      %swap3A_174 = tpu.vector_load %arg10[%swap3A_172, %swap3A_173] {strides = array<i32>} : memref<128x128xf32, #tpu.memory_space<vmem>>, vector<1x16xf32>,
      %swap3A_175 = vector.shape_cast %swap3A_174 : vector<1x16xf32> to vector<16xf32>
      %swap3A_176 = vector.shape_cast %broadcast_in_dim3A_171 : vector<16xf32> to vector<1x16xf32>
      tpu.vector_store %arg10[%swap3A_172, %swap3A_173], %swap3A_176 {strides = array<i32>} : memref<128x128xf32, #tpu.memory_space<vmem>>, vector<1x16xf32>,
      %broadcast_in_dim3A_177 = arith.constant 0.000000e+00 : f32
      %broadcast_in_dim3A_178 = vector.broadcast %broadcast_in_dim3A_177 : f32 to vector<16xf32>
      %swap3A_179 = arith.index_cast %scan3A_127 : i32 to index
      %swap3A_180 = arith.constant 112 : index
      %swap3A_181 = tpu.vector_load %arg10[%swap3A_179, %swap3A_180] {strides = array<i32>} : memref<128x128xf32, #tpu.memory_space<vmem>>, vector<1x16xf32>,
      %swap3A_182 = vector.shape_cast %swap3A_181 : vector<1x16xf32> to vector<16xf32>
      %swap3A_183 = vector.shape_cast %broadcast_in_dim3A_178 : vector<16xf32> to vector<1x16xf32>
      tpu.vector_store %arg10[%swap3A_179, %swap3A_180], %swap3A_183 {strides = array<i32>} : memref<128x128xf32, #tpu.memory_space<vmem>>, vector<1x16xf32>,
    }
    %scan3A_4 = arith.constant 128 : i32
    %broadcast_in_dim3A = arith.constant 1.000000e+00 : f32
    %broadcast_in_dim3A_5 = vector.broadcast %broadcast_in_dim3A : f32 to vector<16xf32>
    %swap3A = arith.constant 0 : index
    %swap3A_6 = tpu.vector_load %arg12[%swap3A] {strides = array<i32>} : memref<128xf32, #tpu.memory_space<vmem>>, vector<16xf32>,
    %swap3A_7 = vector.shape_cast %swap3A_6 : vector<16xf32> to vector<16xf32>
    %swap3A_8 = vector.shape_cast %broadcast_in_dim3A_5 : vector<16xf32> to vector<16xf32>
    tpu.vector_store %arg12[%swap3A], %swap3A_8 {strides = array<i32>} : memref<128xf32, #tpu.memory_space<vmem>>, vector<16xf32>,
    %broadcast_in_dim3A_9 = arith.constant 0.000000e+00 : f32
    %broadcast_in_dim3A_10 = vector.broadcast %broadcast_in_dim3A_9 : f32 to vector<16xf32>
    %swap3A_11 = arith.constant 0 : index
    %swap3A_12 = tpu.vector_load %arg13[%swap3A_11] {strides = array<i32>} : memref<128xf32, #tpu.memory_space<vmem>>, vector<16xf32>,
    %swap3A_13 = vector.shape_cast %swap3A_12 : vector<16xf32> to vector<16xf32>
    %swap3A_14 = vector.shape_cast %broadcast_in_dim3A_10 : vector<16xf32> to vector<16xf32>
    tpu.vector_store %arg13[%swap3A_11], %swap3A_14 {strides = array<i32>} : memref<128xf32, #tpu.memory_space<vmem>>, vector<16xf32>,
    %broadcast_in_dim3A_15 = arith.constant 1.000000e+00 : f32
    %broadcast_in_dim3A_16 = vector.broadcast %broadcast_in_dim3A_15 : f32 to vector<16xf32>
    %swap3A_17 = arith.constant 16 : index
    %swap3A_18 = tpu.vector_load %arg12[%swap3A_17] {strides = array<i32>} : memref<128xf32, #tpu.memory_space<vmem>>, vector<16xf32>,
    %swap3A_19 = vector.shape_cast %swap3A_18 : vector<16xf32> to vector<16xf32>
    %swap3A_20 = vector.shape_cast %broadcast_in_dim3A_16 : vector<16xf32> to vector<16xf32>
    tpu.vector_store %arg12[%swap3A_17], %swap3A_20 {strides = array<i32>} : memref<128xf32, #tpu.memory_space<vmem>>, vector<16xf32>,
    %broadcast_in_dim3A_21 = arith.constant 0.000000e+00 : f32
    %broadcast_in_dim3A_22 = vector.broadcast %broadcast_in_dim3A_21 : f32 to vector<16xf32>
    %swap3A_23 = arith.constant 16 : index
    %swap3A_24 = tpu.vector_load %arg13[%swap3A_23] {strides = array<i32>} : memref<128xf32, #tpu.memory_space<vmem>>, vector<16xf32>,
    %swap3A_25 = vector.shape_cast %swap3A_24 : vector<16xf32> to vector<16xf32>
    %swap3A_26 = vector.shape_cast %broadcast_in_dim3A_22 : vector<16xf32> to vector<16xf32>
    tpu.vector_store %arg13[%swap3A_23], %swap3A_26 {strides = array<i32>} : memref<128xf32, #tpu.memory_space<vmem>>, vector<16xf32>,
    %broadcast_in_dim3A_27 = arith.constant 1.000000e+00 : f32
    %broadcast_in_dim3A_28 = vector.broadcast %broadcast_in_dim3A_27 : f32 to vector<16xf32>
    %swap3A_29 = arith.constant 32 : index
    %swap3A_30 = tpu.vector_load %arg12[%swap3A_29] {strides = array<i32>} : memref<128xf32, #tpu.memory_space<vmem>>, vector<16xf32>,
    %swap3A_31 = vector.shape_cast %swap3A_30 : vector<16xf32> to vector<16xf32>
    %swap3A_32 = vector.shape_cast %broadcast_in_dim3A_28 : vector<16xf32> to vector<16xf32>
    tpu.vector_store %arg12[%swap3A_29], %swap3A_32 {strides = array<i32>} : memref<128xf32, #tpu.memory_space<vmem>>, vector<16xf32>,
    %broadcast_in_dim3A_33 = arith.constant 0.000000e+00 : f32
    %broadcast_in_dim3A_34 = vector.broadcast %broadcast_in_dim3A_33 : f32 to vector<16xf32>
    %swap3A_35 = arith.constant 32 : index
    %swap3A_36 = tpu.vector_load %arg13[%swap3A_35] {strides = array<i32>} : memref<128xf32, #tpu.memory_space<vmem>>, vector<16xf32>,
    %swap3A_37 = vector.shape_cast %swap3A_36 : vector<16xf32> to vector<16xf32>
    %swap3A_38 = vector.shape_cast %broadcast_in_dim3A_34 : vector<16xf32> to vector<16xf32>
    tpu.vector_store %arg13[%swap3A_35], %swap3A_38 {strides = array<i32>} : memref<128xf32, #tpu.memory_space<vmem>>, vector<16xf32>,
    %broadcast_in_dim3A_39 = arith.constant 1.000000e+00 : f32
    %broadcast_in_dim3A_40 = vector.broadcast %broadcast_in_dim3A_39 : f32 to vector<16xf32>
    %swap3A_41 = arith.constant 48 : index
    %swap3A_42 = tpu.vector_load %arg12[%swap3A_41] {strides = array<i32>} : memref<128xf32, #tpu.memory_space<vmem>>, vector<16xf32>,
    %swap3A_43 = vector.shape_cast %swap3A_42 : vector<16xf32> to vector<16xf32>
    %swap3A_44 = vector.shape_cast %broadcast_in_dim3A_40 : vector<16xf32> to vector<16xf32>
    tpu.vector_store %arg12[%swap3A_41], %swap3A_44 {strides = array<i32>} : memref<128xf32, #tpu.memory_space<vmem>>, vector<16xf32>,
    %broadcast_in_dim3A_45 = arith.constant 0.000000e+00 : f32
    %broadcast_in_dim3A_46 = vector.broadcast %broadcast_in_dim3A_45 : f32 to vector<16xf32>
    %swap3A_47 = arith.constant 48 : index
    %swap3A_48 = tpu.vector_load %arg13[%swap3A_47] {strides = array<i32>} : memref<128xf32, #tpu.memory_space<vmem>>, vector<16xf32>,
    %swap3A_49 = vector.shape_cast %swap3A_48 : vector<16xf32> to vector<16xf32>
    %swap3A_50 = vector.shape_cast %broadcast_in_dim3A_46 : vector<16xf32> to vector<16xf32>
    tpu.vector_store %arg13[%swap3A_47], %swap3A_50 {strides = array<i32>} : memref<128xf32, #tpu.memory_space<vmem>>, vector<16xf32>,
    %broadcast_in_dim3A_51 = arith.constant 1.000000e+00 : f32
    %broadcast_in_dim3A_52 = vector.broadcast %broadcast_in_dim3A_51 : f32 to vector<16xf32>
    %swap3A_53 = arith.constant 64 : index
    %swap3A_54 = tpu.vector_load %arg12[%swap3A_53] {strides = array<i32>} : memref<128xf32, #tpu.memory_space<vmem>>, vector<16xf32>,
    %swap3A_55 = vector.shape_cast %swap3A_54 : vector<16xf32> to vector<16xf32>
    %swap3A_56 = vector.shape_cast %broadcast_in_dim3A_52 : vector<16xf32> to vector<16xf32>
    tpu.vector_store %arg12[%swap3A_53], %swap3A_56 {strides = array<i32>} : memref<128xf32, #tpu.memory_space<vmem>>, vector<16xf32>,
    %broadcast_in_dim3A_57 = arith.constant 0.000000e+00 : f32
    %broadcast_in_dim3A_58 = vector.broadcast %broadcast_in_dim3A_57 : f32 to vector<16xf32>
    %swap3A_59 = arith.constant 64 : index
    %swap3A_60 = tpu.vector_load %arg13[%swap3A_59] {strides = array<i32>} : memref<128xf32, #tpu.memory_space<vmem>>, vector<16xf32>,
    %swap3A_61 = vector.shape_cast %swap3A_60 : vector<16xf32> to vector<16xf32>
    %swap3A_62 = vector.shape_cast %broadcast_in_dim3A_58 : vector<16xf32> to vector<16xf32>
    tpu.vector_store %arg13[%swap3A_59], %swap3A_62 {strides = array<i32>} : memref<128xf32, #tpu.memory_space<vmem>>, vector<16xf32>,
    %broadcast_in_dim3A_63 = arith.constant 1.000000e+00 : f32
    %broadcast_in_dim3A_64 = vector.broadcast %broadcast_in_dim3A_63 : f32 to vector<16xf32>
    %swap3A_65 = arith.constant 80 : index
    %swap3A_66 = tpu.vector_load %arg12[%swap3A_65] {strides = array<i32>} : memref<128xf32, #tpu.memory_space<vmem>>, vector<16xf32>,
    %swap3A_67 = vector.shape_cast %swap3A_66 : vector<16xf32> to vector<16xf32>
    %swap3A_68 = vector.shape_cast %broadcast_in_dim3A_64 : vector<16xf32> to vector<16xf32>
    tpu.vector_store %arg12[%swap3A_65], %swap3A_68 {strides = array<i32>} : memref<128xf32, #tpu.memory_space<vmem>>, vector<16xf32>,
    %broadcast_in_dim3A_69 = arith.constant 0.000000e+00 : f32
    %broadcast_in_dim3A_70 = vector.broadcast %broadcast_in_dim3A_69 : f32 to vector<16xf32>
    %swap3A_71 = arith.constant 80 : index
    %swap3A_72 = tpu.vector_load %arg13[%swap3A_71] {strides = array<i32>} : memref<128xf32, #tpu.memory_space<vmem>>, vector<16xf32>,
    %swap3A_73 = vector.shape_cast %swap3A_72 : vector<16xf32> to vector<16xf32>
    %swap3A_74 = vector.shape_cast %broadcast_in_dim3A_70 : vector<16xf32> to vector<16xf32>
    tpu.vector_store %arg13[%swap3A_71], %swap3A_74 {strides = array<i32>} : memref<128xf32, #tpu.memory_space<vmem>>, vector<16xf32>,
    %broadcast_in_dim3A_75 = arith.constant 1.000000e+00 : f32
    %broadcast_in_dim3A_76 = vector.broadcast %broadcast_in_dim3A_75 : f32 to vector<16xf32>
    %swap3A_77 = arith.constant 96 : index
    %swap3A_78 = tpu.vector_load %arg12[%swap3A_77] {strides = array<i32>} : memref<128xf32, #tpu.memory_space<vmem>>, vector<16xf32>,
    %swap3A_79 = vector.shape_cast %swap3A_78 : vector<16xf32> to vector<16xf32>
    %swap3A_80 = vector.shape_cast %broadcast_in_dim3A_76 : vector<16xf32> to vector<16xf32>
    tpu.vector_store %arg12[%swap3A_77], %swap3A_80 {strides = array<i32>} : memref<128xf32, #tpu.memory_space<vmem>>, vector<16xf32>,
    %broadcast_in_dim3A_81 = arith.constant 0.000000e+00 : f32
    %broadcast_in_dim3A_82 = vector.broadcast %broadcast_in_dim3A_81 : f32 to vector<16xf32>
    %swap3A_83 = arith.constant 96 : index
    %swap3A_84 = tpu.vector_load %arg13[%swap3A_83] {strides = array<i32>} : memref<128xf32, #tpu.memory_space<vmem>>, vector<16xf32>,
    %swap3A_85 = vector.shape_cast %swap3A_84 : vector<16xf32> to vector<16xf32>
    %swap3A_86 = vector.shape_cast %broadcast_in_dim3A_82 : vector<16xf32> to vector<16xf32>
    tpu.vector_store %arg13[%swap3A_83], %swap3A_86 {strides = array<i32>} : memref<128xf32, #tpu.memory_space<vmem>>, vector<16xf32>,
    %broadcast_in_dim3A_87 = arith.constant 1.000000e+00 : f32
    %broadcast_in_dim3A_88 = vector.broadcast %broadcast_in_dim3A_87 : f32 to vector<16xf32>
    %swap3A_89 = arith.constant 112 : index
    %swap3A_90 = tpu.vector_load %arg12[%swap3A_89] {strides = array<i32>} : memref<128xf32, #tpu.memory_space<vmem>>, vector<16xf32>,
    %swap3A_91 = vector.shape_cast %swap3A_90 : vector<16xf32> to vector<16xf32>
    %swap3A_92 = vector.shape_cast %broadcast_in_dim3A_88 : vector<16xf32> to vector<16xf32>
    tpu.vector_store %arg12[%swap3A_89], %swap3A_92 {strides = array<i32>} : memref<128xf32, #tpu.memory_space<vmem>>, vector<16xf32>,
    %broadcast_in_dim3A_93 = arith.constant 0.000000e+00 : f32
    %broadcast_in_dim3A_94 = vector.broadcast %broadcast_in_dim3A_93 : f32 to vector<16xf32>
    %swap3A_95 = arith.constant 112 : index
    %swap3A_96 = tpu.vector_load %arg13[%swap3A_95] {strides = array<i32>} : memref<128xf32, #tpu.memory_space<vmem>>, vector<16xf32>,
    %swap3A_97 = vector.shape_cast %swap3A_96 : vector<16xf32> to vector<16xf32>
    %swap3A_98 = vector.shape_cast %broadcast_in_dim3A_94 : vector<16xf32> to vector<16xf32>
    tpu.vector_store %arg13[%swap3A_95], %swap3A_98 {strides = array<i32>} : memref<128xf32, #tpu.memory_space<vmem>>, vector<16xf32>,
    %sub3A = arith.constant 79 : i32
    %sub3A_99 = arith.subi %sub3A, %arg1 : i32
    %add3A = arith.constant 16 : i32
    %add3A_100 = arith.addi %sub3A_99, %add3A : i32
    %sub3A_101 = arith.constant 1 : i32
    %sub3A_102 = arith.subi %add3A_100, %sub3A_101 : i32
    %jit3A = arith.constant 16 : i32
    %div3A = arith.divsi %sub3A_102, %jit3A : i32
    %sign3A = arith.constant 0 : i32
    %sign3A_103 = arith.cmpi sgt, %sub3A_102, %sign3A : i32
    %sign3A_104 = arith.extui %sign3A_103 : i1 to i32
    %sign3A_105 = arith.constant 0 : i32
    %sign3A_106 = arith.cmpi slt, %sub3A_102, %sign3A_105 : i32
    %sign3A_107 = arith.extui %sign3A_106 : i1 to i32
    %sign3A_108 = arith.subi %sign3A_104, %sign3A_107 : i32
    %sign3A_109 = arith.constant 0 : i32
    %sign3A_110 = arith.cmpi sgt, %jit3A, %sign3A_109 : i32
    %sign3A_111 = arith.extui %sign3A_110 : i1 to i32
    %sign3A_112 = arith.constant 0 : i32
    %sign3A_113 = arith.cmpi slt, %jit3A, %sign3A_112 : i32
    %sign3A_114 = arith.extui %sign3A_113 : i1 to i32
    %sign3A_115 = arith.subi %sign3A_111, %sign3A_114 : i32
    %ne3A = arith.cmpi ne, %sign3A_108, %sign3A_115 : i32
    %rem3A = arith.remsi %sub3A_102, %jit3A : i32
    %ne3A_116 = arith.constant 0 : i32
    %ne3A_117 = arith.cmpi ne, %rem3A, %ne3A_116 : i32
    %and3A = arith.andi %ne3A, %ne3A_117 : i1
    %sub3A_118 = arith.constant 1 : i32
    %sub3A_119 = arith.subi %div3A, %sub3A_118 : i32
    %select_n3A = arith.select %and3A, %sub3A_119, %div3A : i32
    %eq3A = arith.constant 0 : i32
    %eq3A_120 = arith.cmpi eq, %arg0, %eq3A : i32
    %convert_element_type3A = arith.extui %eq3A_120 : i1 to i32
    %cond3A = arith.constant 0 : i32
    %cond3A_121 = arith.cmpi ne, %convert_element_type3A, %cond3A : i32
    scf.if %cond3A_121 {
      %while3A = arith.constant 0 : i32
      %while3A_127 = arith.constant 0 : i32
      %while3A_128 = arith.subi %select_n3A, %while3A_127 : i32
      %while3A_129 = arith.addi %while3A_127, %while3A_128 : i32
      %while3A_130 = arith.constant 1 : i32
      %while3A_131 = arith.divsi %while3A_128, %while3A_130 : i32
      %while3A_132 = arith.muli %while3A_131, %while3A_130 : i32
      %while3A_133 = arith.addi %while3A_127, %while3A_132 : i32
      %while3A_134 = arith.constant 1 : i32
      scf.for %while3A_187 = %while3A_127 to %while3A_133 step %while3A_134  : i32 {
        %mul3A = arith.constant 16 : i32
        %mul3A_188 = arith.muli %mul3A, %while3A_187 : i32
        %add3A_189 = arith.addi %arg1, %mul3A_188 : i32
        %mul3A_190 = arith.constant 128 : i32
        %mul3A_191 = arith.muli %add3A_189, %mul3A_190 : i32
        "tpu.region"() ({
          %run_scoped3A = tpu.sem_alloc : memref<!tpu.dma_semaphore, #tpu.memory_space<semaphore_mem>>
          %dma_start3A = arith.constant 0 : i32
          %dma_start3A_192 = tpu.memref_slice %arg14[%mul3A_191, %dma_start3A] : memref<10112x128xf32, #tpu.memory_space<vmem_shared>> -> memref<128x128xf32, #tpu.memory_space<vmem_shared>>
          %dma_start3A_193 = arith.constant 0 : i32
          %dma_start3A_194 = tpu.memref_slice %arg14[%mul3A_191, %dma_start3A_193] : memref<10112x128xf32, #tpu.memory_space<vmem_shared>> -> memref<128x128xf32, #tpu.memory_space<vmem_shared>>
          tpu.enqueue_dma source(%arg10 : memref<128x128xf32, #tpu.memory_space<vmem>>) target(%dma_start3A_194 : memref<128x128xf32, #tpu.memory_space<vmem_shared>>) target_semaphore(%run_scoped3A : memref<!tpu.dma_semaphore, #tpu.memory_space<semaphore_mem>>)
          %dma_wait3A = arith.constant 0 : i32
          %dma_wait3A_195 = tpu.memref_slice %arg14[%mul3A_191, %dma_wait3A] : memref<10112x128xf32, #tpu.memory_space<vmem_shared>> -> memref<128x128xf32, #tpu.memory_space<vmem_shared>>
          %dma_wait3A_196 = arith.constant 0 : i32
          %dma_wait3A_197 = tpu.memref_slice %arg14[%mul3A_191, %dma_wait3A_196] : memref<10112x128xf32, #tpu.memory_space<vmem_shared>> -> memref<128x128xf32, #tpu.memory_space<vmem_shared>>
          tpu.wait_dma2 semaphore(%run_scoped3A : memref<!tpu.dma_semaphore, #tpu.memory_space<semaphore_mem>>) src(%arg10 : memref<128x128xf32, #tpu.memory_space<vmem>>) dst(%dma_wait3A_197 : memref<128x128xf32, #tpu.memory_space<vmem_shared>>)
          tpu.yield
        }) : () -> ()
        "tpu.region"() ({
          %run_scoped3A = tpu.sem_alloc : memref<!tpu.dma_semaphore, #tpu.memory_space<semaphore_mem>>
          %dma_start3A = tpu.memref_slice %arg15[%mul3A_191] : memref<10112xf32, #tpu.memory_space<vmem_shared>> -> memref<128xf32, #tpu.memory_space<vmem_shared>>
          %dma_start3A_192 = tpu.memref_slice %arg15[%mul3A_191] : memref<10112xf32, #tpu.memory_space<vmem_shared>> -> memref<128xf32, #tpu.memory_space<vmem_shared>>
          tpu.enqueue_dma source(%arg13 : memref<128xf32, #tpu.memory_space<vmem>>) target(%dma_start3A_192 : memref<128xf32, #tpu.memory_space<vmem_shared>>) target_semaphore(%run_scoped3A : memref<!tpu.dma_semaphore, #tpu.memory_space<semaphore_mem>>)
          %dma_wait3A = tpu.memref_slice %arg15[%mul3A_191] : memref<10112xf32, #tpu.memory_space<vmem_shared>> -> memref<128xf32, #tpu.memory_space<vmem_shared>>
          %dma_wait3A_193 = tpu.memref_slice %arg15[%mul3A_191] : memref<10112xf32, #tpu.memory_space<vmem_shared>> -> memref<128xf32, #tpu.memory_space<vmem_shared>>
          tpu.wait_dma2 semaphore(%run_scoped3A : memref<!tpu.dma_semaphore, #tpu.memory_space<semaphore_mem>>) src(%arg13 : memref<128xf32, #tpu.memory_space<vmem>>) dst(%dma_wait3A_193 : memref<128xf32, #tpu.memory_space<vmem_shared>>)
          tpu.yield
        }) : () -> ()
      }
      %while3A_135 = arith.constant 1 : i32
      scf.for %while3A_187 = %while3A_133 to %while3A_129 step %while3A_135  : i32 {
        %mul3A = arith.constant 16 : i32
        %mul3A_188 = arith.muli %mul3A, %while3A_187 : i32
        %add3A_189 = arith.addi %arg1, %mul3A_188 : i32
        %mul3A_190 = arith.constant 128 : i32
        %mul3A_191 = arith.muli %add3A_189, %mul3A_190 : i32
        "tpu.region"() ({
          %run_scoped3A = tpu.sem_alloc : memref<!tpu.dma_semaphore, #tpu.memory_space<semaphore_mem>>
          %dma_start3A = arith.constant 0 : i32
          %dma_start3A_192 = tpu.memref_slice %arg14[%mul3A_191, %dma_start3A] : memref<10112x128xf32, #tpu.memory_space<vmem_shared>> -> memref<128x128xf32, #tpu.memory_space<vmem_shared>>
          %dma_start3A_193 = arith.constant 0 : i32
          %dma_start3A_194 = tpu.memref_slice %arg14[%mul3A_191, %dma_start3A_193] : memref<10112x128xf32, #tpu.memory_space<vmem_shared>> -> memref<128x128xf32, #tpu.memory_space<vmem_shared>>
          tpu.enqueue_dma source(%arg10 : memref<128x128xf32, #tpu.memory_space<vmem>>) target(%dma_start3A_194 : memref<128x128xf32, #tpu.memory_space<vmem_shared>>) target_semaphore(%run_scoped3A : memref<!tpu.dma_semaphore, #tpu.memory_space<semaphore_mem>>)
          %dma_wait3A = arith.constant 0 : i32
          %dma_wait3A_195 = tpu.memref_slice %arg14[%mul3A_191, %dma_wait3A] : memref<10112x128xf32, #tpu.memory_space<vmem_shared>> -> memref<128x128xf32, #tpu.memory_space<vmem_shared>>
          %dma_wait3A_196 = arith.constant 0 : i32
          %dma_wait3A_197 = tpu.memref_slice %arg14[%mul3A_191, %dma_wait3A_196] : memref<10112x128xf32, #tpu.memory_space<vmem_shared>> -> memref<128x128xf32, #tpu.memory_space<vmem_shared>>
          tpu.wait_dma2 semaphore(%run_scoped3A : memref<!tpu.dma_semaphore, #tpu.memory_space<semaphore_mem>>) src(%arg10 : memref<128x128xf32, #tpu.memory_space<vmem>>) dst(%dma_wait3A_197 : memref<128x128xf32, #tpu.memory_space<vmem_shared>>)
          tpu.yield
        }) : () -> ()
        "tpu.region"() ({
          %run_scoped3A = tpu.sem_alloc : memref<!tpu.dma_semaphore, #tpu.memory_space<semaphore_mem>>
          %dma_start3A = tpu.memref_slice %arg15[%mul3A_191] : memref<10112xf32, #tpu.memory_space<vmem_shared>> -> memref<128xf32, #tpu.memory_space<vmem_shared>>
          %dma_start3A_192 = tpu.memref_slice %arg15[%mul3A_191] : memref<10112xf32, #tpu.memory_space<vmem_shared>> -> memref<128xf32, #tpu.memory_space<vmem_shared>>
          tpu.enqueue_dma source(%arg13 : memref<128xf32, #tpu.memory_space<vmem>>) target(%dma_start3A_192 : memref<128xf32, #tpu.memory_space<vmem_shared>>) target_semaphore(%run_scoped3A : memref<!tpu.dma_semaphore, #tpu.memory_space<semaphore_mem>>)
          %dma_wait3A = tpu.memref_slice %arg15[%mul3A_191] : memref<10112xf32, #tpu.memory_space<vmem_shared>> -> memref<128xf32, #tpu.memory_space<vmem_shared>>
          %dma_wait3A_193 = tpu.memref_slice %arg15[%mul3A_191] : memref<10112xf32, #tpu.memory_space<vmem_shared>> -> memref<128xf32, #tpu.memory_space<vmem_shared>>
          tpu.wait_dma2 semaphore(%run_scoped3A : memref<!tpu.dma_semaphore, #tpu.memory_space<semaphore_mem>>) src(%arg13 : memref<128xf32, #tpu.memory_space<vmem>>) dst(%dma_wait3A_193 : memref<128xf32, #tpu.memory_space<vmem_shared>>)
          tpu.yield
        }) : () -> ()
      }
      %barrier3A = arith.constant 0 : index
      tpu.barrier barrier_id(%barrier3A)
      %sub3A_136 = arith.constant 2500 : i32
      %sub3A_137 = arith.subi %sub3A_136, %arg1 : i32
      %add3A_138 = arith.constant 16 : i32
      %add3A_139 = arith.addi %sub3A_137, %add3A_138 : i32
      %sub3A_140 = arith.constant 1 : i32
      %sub3A_141 = arith.subi %add3A_139, %sub3A_140 : i32
      %jit3A_142 = arith.constant 16 : i32
      %div3A_143 = arith.divsi %sub3A_141, %jit3A_142 : i32
      %sign3A_144 = arith.constant 0 : i32
      %sign3A_145 = arith.cmpi sgt, %sub3A_141, %sign3A_144 : i32
      %sign3A_146 = arith.extui %sign3A_145 : i1 to i32
      %sign3A_147 = arith.constant 0 : i32
      %sign3A_148 = arith.cmpi slt, %sub3A_141, %sign3A_147 : i32
      %sign3A_149 = arith.extui %sign3A_148 : i1 to i32
      %sign3A_150 = arith.subi %sign3A_146, %sign3A_149 : i32
      %sign3A_151 = arith.constant 0 : i32
      %sign3A_152 = arith.cmpi sgt, %jit3A_142, %sign3A_151 : i32
      %sign3A_153 = arith.extui %sign3A_152 : i1 to i32
      %sign3A_154 = arith.constant 0 : i32
      %sign3A_155 = arith.cmpi slt, %jit3A_142, %sign3A_154 : i32
      %sign3A_156 = arith.extui %sign3A_155 : i1 to i32
      %sign3A_157 = arith.subi %sign3A_153, %sign3A_156 : i32
      %ne3A_158 = arith.cmpi ne, %sign3A_150, %sign3A_157 : i32
      %rem3A_159 = arith.remsi %sub3A_141, %jit3A_142 : i32
      %ne3A_160 = arith.constant 0 : i32
      %ne3A_161 = arith.cmpi ne, %rem3A_159, %ne3A_160 : i32
      %and3A_162 = arith.andi %ne3A_158, %ne3A_161 : i1
      %sub3A_163 = arith.constant 1 : i32
      %sub3A_164 = arith.subi %div3A_143, %sub3A_163 : i32
      %select_n3A_165 = arith.select %and3A_162, %sub3A_164, %div3A_143 : i32
      %while3A_166 = arith.constant 0 : i32
      %while3A_167 = arith.constant 0 : i32
      %while3A_168 = arith.subi %select_n3A_165, %while3A_167 : i32
      %while3A_169 = arith.addi %while3A_167, %while3A_168 : i32
      %while3A_170 = arith.constant 1 : i32
      %while3A_171 = arith.divsi %while3A_168, %while3A_170 : i32
      %while3A_172 = arith.muli %while3A_171, %while3A_170 : i32
      %while3A_173 = arith.addi %while3A_167, %while3A_172 : i32
      %while3A_174 = arith.constant 1 : i32
      scf.for %while3A_187 = %while3A_167 to %while3A_173 step %while3A_174  : i32 {
        %mul3A = arith.constant 16 : i32
        %mul3A_188 = arith.muli %mul3A, %while3A_187 : i32
        %add3A_189 = arith.addi %arg1, %mul3A_188 : i32
        %mul3A_190 = arith.constant 128 : i32
        %mul3A_191 = arith.muli %add3A_189, %mul3A_190 : i32
        "tpu.region"() ({
          %run_scoped3A_205 = tpu.sem_alloc : memref<!tpu.dma_semaphore, #tpu.memory_space<semaphore_mem>>
          %dma_start3A_206 = arith.constant 0 : i32
          %dma_start3A_207 = tpu.memref_slice %arg4[%dma_start3A_206, %mul3A_191] : memref<2x320000xi32, #tpu.memory_space<hbm>> -> memref<2x128xi32, #tpu.memory_space<hbm>>
          %dma_start3A_208 = arith.constant 0 : i32
          %dma_start3A_209 = tpu.memref_slice %arg4[%dma_start3A_208, %mul3A_191] : memref<2x320000xi32, #tpu.memory_space<hbm>> -> memref<2x128xi32, #tpu.memory_space<hbm>>
          tpu.enqueue_dma source(%dma_start3A_209 : memref<2x128xi32, #tpu.memory_space<hbm>>) target(%arg11 : memref<2x128xi32, #tpu.memory_space<vmem>>) target_semaphore(%run_scoped3A_205 : memref<!tpu.dma_semaphore, #tpu.memory_space<semaphore_mem>>)
          %dma_wait3A_210 = arith.constant 0 : i32
          %dma_wait3A_211 = tpu.memref_slice %arg4[%dma_wait3A_210, %mul3A_191] : memref<2x320000xi32, #tpu.memory_space<hbm>> -> memref<2x128xi32, #tpu.memory_space<hbm>>
          %dma_wait3A_212 = arith.constant 0 : i32
          %dma_wait3A_213 = tpu.memref_slice %arg4[%dma_wait3A_212, %mul3A_191] : memref<2x320000xi32, #tpu.memory_space<hbm>> -> memref<2x128xi32, #tpu.memory_space<hbm>>
          tpu.wait_dma2 semaphore(%run_scoped3A_205 : memref<!tpu.dma_semaphore, #tpu.memory_space<semaphore_mem>>) src(%dma_wait3A_213 : memref<2x128xi32, #tpu.memory_space<hbm>>) dst(%arg11 : memref<2x128xi32, #tpu.memory_space<vmem>>)
          tpu.yield
        }) : () -> ()
        %dma_start3A = arith.constant 0 : i32
        %dma_start3A_192 = arith.constant 0 : i32
        %dma_start3A_193 = tpu.memref_slice %arg11[%dma_start3A, %dma_start3A_192] : memref<2x128xi32, #tpu.memory_space<vmem>> -> memref<1x128xi32, #tpu.memory_space<vmem>>
        %dma_start3A_194 = tpu.memref_squeeze %dma_start3A_193 : memref<1x128xi32, #tpu.memory_space<vmem>> -> memref<128xi32, #tpu.memory_space<vmem>>
        %dma_start3A_195 = arith.constant 0 : i32
        %dma_start3A_196 = arith.constant 0 : i32
        %dma_start3A_197 = tpu.memref_slice %arg2[%dma_start3A_195, %dma_start3A_196] : memref<10000x128xf32, #tpu.memory_space<hbm>> -> memref<10000x128xf32, #tpu.memory_space<hbm>>
        tpu.enqueue_indirect_dma source(%dma_start3A_197 : memref<10000x128xf32, #tpu.memory_space<hbm>>) target(%arg10 : memref<128x128xf32, #tpu.memory_space<vmem>>) offsets(%dma_start3A_194 : memref<128xi32, #tpu.memory_space<vmem>>) semaphore(%arg16 : memref<!tpu.dma_semaphore, #tpu.memory_space<semaphore_mem>>)
        %dma_wait3A = arith.constant 0 : i32
        %dma_wait3A_198 = arith.constant 0 : i32
        %dma_wait3A_199 = tpu.memref_slice %arg11[%dma_wait3A, %dma_wait3A_198] : memref<2x128xi32, #tpu.memory_space<vmem>> -> memref<1x128xi32, #tpu.memory_space<vmem>>
        %dma_wait3A_200 = tpu.memref_squeeze %dma_wait3A_199 : memref<1x128xi32, #tpu.memory_space<vmem>> -> memref<128xi32, #tpu.memory_space<vmem>>
        %dma_wait3A_201 = arith.constant 0 : i32
        %dma_wait3A_202 = arith.constant 0 : i32
        %dma_wait3A_203 = tpu.memref_slice %arg2[%dma_wait3A_201, %dma_wait3A_202] : memref<10000x128xf32, #tpu.memory_space<hbm>> -> memref<10000x128xf32, #tpu.memory_space<hbm>>
        tpu.wait_indirect_dma semaphore(%arg16 : memref<!tpu.dma_semaphore, #tpu.memory_space<semaphore_mem>>) src(%dma_wait3A_203 : memref<10000x128xf32, #tpu.memory_space<hbm>>) dst(%arg10 : memref<128x128xf32, #tpu.memory_space<vmem>>)
        %run_scoped3A = arith.constant 1 : i32
        "tpu.region"() ({
          %run_scoped3A_205 = tpu.sem_alloc : memref<!tpu.dma_semaphore, #tpu.memory_space<semaphore_mem>>
          %dma_start3A_206 = arith.constant 0 : i32
          %dma_start3A_207 = tpu.memref_slice %arg11[%run_scoped3A, %dma_start3A_206] : memref<2x128xi32, #tpu.memory_space<vmem>> -> memref<1x128xi32, #tpu.memory_space<vmem>>
          %dma_start3A_208 = tpu.memref_squeeze %dma_start3A_207 : memref<1x128xi32, #tpu.memory_space<vmem>> -> memref<128xi32, #tpu.memory_space<vmem>>
          %dma_start3A_209 = arith.constant 0 : i32
          %dma_start3A_210 = arith.constant 0 : i32
          %dma_start3A_211 = tpu.memref_slice %arg14[%dma_start3A_209, %dma_start3A_210] : memref<10112x128xf32, #tpu.memory_space<vmem_shared>> -> memref<10112x128xf32, #tpu.memory_space<vmem_shared>>
          tpu.enqueue_indirect_dma source(%arg10 : memref<128x128xf32, #tpu.memory_space<vmem>>) target(%dma_start3A_211 : memref<10112x128xf32, #tpu.memory_space<vmem_shared>>) offsets(%dma_start3A_208 : memref<128xi32, #tpu.memory_space<vmem>>) semaphore(%run_scoped3A_205 : memref<!tpu.dma_semaphore, #tpu.memory_space<semaphore_mem>>) {add = true}
          %dma_wait3A_212 = arith.constant 0 : i32
          %dma_wait3A_213 = tpu.memref_slice %arg11[%run_scoped3A, %dma_wait3A_212] : memref<2x128xi32, #tpu.memory_space<vmem>> -> memref<1x128xi32, #tpu.memory_space<vmem>>
          %dma_wait3A_214 = tpu.memref_squeeze %dma_wait3A_213 : memref<1x128xi32, #tpu.memory_space<vmem>> -> memref<128xi32, #tpu.memory_space<vmem>>
          %dma_wait3A_215 = arith.constant 0 : i32
          %dma_wait3A_216 = arith.constant 0 : i32
          %dma_wait3A_217 = tpu.memref_slice %arg14[%dma_wait3A_215, %dma_wait3A_216] : memref<10112x128xf32, #tpu.memory_space<vmem_shared>> -> memref<10112x128xf32, #tpu.memory_space<vmem_shared>>
          tpu.wait_indirect_dma semaphore(%run_scoped3A_205 : memref<!tpu.dma_semaphore, #tpu.memory_space<semaphore_mem>>) src(%arg10 : memref<128x128xf32, #tpu.memory_space<vmem>>) dst(%dma_wait3A_217 : memref<10112x128xf32, #tpu.memory_space<vmem_shared>>)
          tpu.yield
        }) : () -> ()
        %run_scoped3A_204 = arith.constant 1 : i32
        "tpu.region"() ({
          %run_scoped3A_205 = tpu.sem_alloc : memref<!tpu.dma_semaphore, #tpu.memory_space<semaphore_mem>>
          %dma_start3A_206 = arith.constant 0 : i32
          %dma_start3A_207 = tpu.memref_slice %arg11[%run_scoped3A_204, %dma_start3A_206] : memref<2x128xi32, #tpu.memory_space<vmem>> -> memref<1x128xi32, #tpu.memory_space<vmem>>
          %dma_start3A_208 = tpu.memref_squeeze %dma_start3A_207 : memref<1x128xi32, #tpu.memory_space<vmem>> -> memref<128xi32, #tpu.memory_space<vmem>>
          %dma_start3A_209 = arith.constant 0 : i32
          %dma_start3A_210 = tpu.memref_slice %arg15[%dma_start3A_209] : memref<10112xf32, #tpu.memory_space<vmem_shared>> -> memref<10112xf32, #tpu.memory_space<vmem_shared>>
          tpu.enqueue_indirect_dma source(%arg12 : memref<128xf32, #tpu.memory_space<vmem>>) target(%dma_start3A_210 : memref<10112xf32, #tpu.memory_space<vmem_shared>>) offsets(%dma_start3A_208 : memref<128xi32, #tpu.memory_space<vmem>>) semaphore(%run_scoped3A_205 : memref<!tpu.dma_semaphore, #tpu.memory_space<semaphore_mem>>) {add = true}
          %dma_wait3A_211 = arith.constant 0 : i32
          %dma_wait3A_212 = tpu.memref_slice %arg11[%run_scoped3A_204, %dma_wait3A_211] : memref<2x128xi32, #tpu.memory_space<vmem>> -> memref<1x128xi32, #tpu.memory_space<vmem>>
          %dma_wait3A_213 = tpu.memref_squeeze %dma_wait3A_212 : memref<1x128xi32, #tpu.memory_space<vmem>> -> memref<128xi32, #tpu.memory_space<vmem>>
          %dma_wait3A_214 = arith.constant 0 : i32
          %dma_wait3A_215 = tpu.memref_slice %arg15[%dma_wait3A_214] : memref<10112xf32, #tpu.memory_space<vmem_shared>> -> memref<10112xf32, #tpu.memory_space<vmem_shared>>
          tpu.wait_indirect_dma semaphore(%run_scoped3A_205 : memref<!tpu.dma_semaphore, #tpu.memory_space<semaphore_mem>>) src(%arg12 : memref<128xf32, #tpu.memory_space<vmem>>) dst(%dma_wait3A_215 : memref<10112xf32, #tpu.memory_space<vmem_shared>>)
          tpu.yield
        }) : () -> ()
      }
      %while3A_175 = arith.constant 1 : i32
      scf.for %while3A_187 = %while3A_173 to %while3A_169 step %while3A_175  : i32 {
        %mul3A = arith.constant 16 : i32
        %mul3A_188 = arith.muli %mul3A, %while3A_187 : i32
        %add3A_189 = arith.addi %arg1, %mul3A_188 : i32
        %mul3A_190 = arith.constant 128 : i32
        %mul3A_191 = arith.muli %add3A_189, %mul3A_190 : i32
        "tpu.region"() ({
          %run_scoped3A_205 = tpu.sem_alloc : memref<!tpu.dma_semaphore, #tpu.memory_space<semaphore_mem>>
          %dma_start3A_206 = arith.constant 0 : i32
          %dma_start3A_207 = tpu.memref_slice %arg4[%dma_start3A_206, %mul3A_191] : memref<2x320000xi32, #tpu.memory_space<hbm>> -> memref<2x128xi32, #tpu.memory_space<hbm>>
          %dma_start3A_208 = arith.constant 0 : i32
          %dma_start3A_209 = tpu.memref_slice %arg4[%dma_start3A_208, %mul3A_191] : memref<2x320000xi32, #tpu.memory_space<hbm>> -> memref<2x128xi32, #tpu.memory_space<hbm>>
          tpu.enqueue_dma source(%dma_start3A_209 : memref<2x128xi32, #tpu.memory_space<hbm>>) target(%arg11 : memref<2x128xi32, #tpu.memory_space<vmem>>) target_semaphore(%run_scoped3A_205 : memref<!tpu.dma_semaphore, #tpu.memory_space<semaphore_mem>>)
          %dma_wait3A_210 = arith.constant 0 : i32
          %dma_wait3A_211 = tpu.memref_slice %arg4[%dma_wait3A_210, %mul3A_191] : memref<2x320000xi32, #tpu.memory_space<hbm>> -> memref<2x128xi32, #tpu.memory_space<hbm>>
          %dma_wait3A_212 = arith.constant 0 : i32
          %dma_wait3A_213 = tpu.memref_slice %arg4[%dma_wait3A_212, %mul3A_191] : memref<2x320000xi32, #tpu.memory_space<hbm>> -> memref<2x128xi32, #tpu.memory_space<hbm>>
          tpu.wait_dma2 semaphore(%run_scoped3A_205 : memref<!tpu.dma_semaphore, #tpu.memory_space<semaphore_mem>>) src(%dma_wait3A_213 : memref<2x128xi32, #tpu.memory_space<hbm>>) dst(%arg11 : memref<2x128xi32, #tpu.memory_space<vmem>>)
          tpu.yield
        }) : () -> ()
        %dma_start3A = arith.constant 0 : i32
        %dma_start3A_192 = arith.constant 0 : i32
        %dma_start3A_193 = tpu.memref_slice %arg11[%dma_start3A, %dma_start3A_192] : memref<2x128xi32, #tpu.memory_space<vmem>> -> memref<1x128xi32, #tpu.memory_space<vmem>>
        %dma_start3A_194 = tpu.memref_squeeze %dma_start3A_193 : memref<1x128xi32, #tpu.memory_space<vmem>> -> memref<128xi32, #tpu.memory_space<vmem>>
        %dma_start3A_195 = arith.constant 0 : i32
        %dma_start3A_196 = arith.constant 0 : i32
        %dma_start3A_197 = tpu.memref_slice %arg2[%dma_start3A_195, %dma_start3A_196] : memref<10000x128xf32, #tpu.memory_space<hbm>> -> memref<10000x128xf32, #tpu.memory_space<hbm>>
        tpu.enqueue_indirect_dma source(%dma_start3A_197 : memref<10000x128xf32, #tpu.memory_space<hbm>>) target(%arg10 : memref<128x128xf32, #tpu.memory_space<vmem>>) offsets(%dma_start3A_194 : memref<128xi32, #tpu.memory_space<vmem>>) semaphore(%arg16 : memref<!tpu.dma_semaphore, #tpu.memory_space<semaphore_mem>>)
        %dma_wait3A = arith.constant 0 : i32
        %dma_wait3A_198 = arith.constant 0 : i32
        %dma_wait3A_199 = tpu.memref_slice %arg11[%dma_wait3A, %dma_wait3A_198] : memref<2x128xi32, #tpu.memory_space<vmem>> -> memref<1x128xi32, #tpu.memory_space<vmem>>
        %dma_wait3A_200 = tpu.memref_squeeze %dma_wait3A_199 : memref<1x128xi32, #tpu.memory_space<vmem>> -> memref<128xi32, #tpu.memory_space<vmem>>
        %dma_wait3A_201 = arith.constant 0 : i32
        %dma_wait3A_202 = arith.constant 0 : i32
        %dma_wait3A_203 = tpu.memref_slice %arg2[%dma_wait3A_201, %dma_wait3A_202] : memref<10000x128xf32, #tpu.memory_space<hbm>> -> memref<10000x128xf32, #tpu.memory_space<hbm>>
        tpu.wait_indirect_dma semaphore(%arg16 : memref<!tpu.dma_semaphore, #tpu.memory_space<semaphore_mem>>) src(%dma_wait3A_203 : memref<10000x128xf32, #tpu.memory_space<hbm>>) dst(%arg10 : memref<128x128xf32, #tpu.memory_space<vmem>>)
        %run_scoped3A = arith.constant 1 : i32
        "tpu.region"() ({
          %run_scoped3A_205 = tpu.sem_alloc : memref<!tpu.dma_semaphore, #tpu.memory_space<semaphore_mem>>
          %dma_start3A_206 = arith.constant 0 : i32
          %dma_start3A_207 = tpu.memref_slice %arg11[%run_scoped3A, %dma_start3A_206] : memref<2x128xi32, #tpu.memory_space<vmem>> -> memref<1x128xi32, #tpu.memory_space<vmem>>
          %dma_start3A_208 = tpu.memref_squeeze %dma_start3A_207 : memref<1x128xi32, #tpu.memory_space<vmem>> -> memref<128xi32, #tpu.memory_space<vmem>>
          %dma_start3A_209 = arith.constant 0 : i32
          %dma_start3A_210 = arith.constant 0 : i32
          %dma_start3A_211 = tpu.memref_slice %arg14[%dma_start3A_209, %dma_start3A_210] : memref<10112x128xf32, #tpu.memory_space<vmem_shared>> -> memref<10112x128xf32, #tpu.memory_space<vmem_shared>>
          tpu.enqueue_indirect_dma source(%arg10 : memref<128x128xf32, #tpu.memory_space<vmem>>) target(%dma_start3A_211 : memref<10112x128xf32, #tpu.memory_space<vmem_shared>>) offsets(%dma_start3A_208 : memref<128xi32, #tpu.memory_space<vmem>>) semaphore(%run_scoped3A_205 : memref<!tpu.dma_semaphore, #tpu.memory_space<semaphore_mem>>) {add = true}
          %dma_wait3A_212 = arith.constant 0 : i32
          %dma_wait3A_213 = tpu.memref_slice %arg11[%run_scoped3A, %dma_wait3A_212] : memref<2x128xi32, #tpu.memory_space<vmem>> -> memref<1x128xi32, #tpu.memory_space<vmem>>
          %dma_wait3A_214 = tpu.memref_squeeze %dma_wait3A_213 : memref<1x128xi32, #tpu.memory_space<vmem>> -> memref<128xi32, #tpu.memory_space<vmem>>
          %dma_wait3A_215 = arith.constant 0 : i32
          %dma_wait3A_216 = arith.constant 0 : i32
          %dma_wait3A_217 = tpu.memref_slice %arg14[%dma_wait3A_215, %dma_wait3A_216] : memref<10112x128xf32, #tpu.memory_space<vmem_shared>> -> memref<10112x128xf32, #tpu.memory_space<vmem_shared>>
          tpu.wait_indirect_dma semaphore(%run_scoped3A_205 : memref<!tpu.dma_semaphore, #tpu.memory_space<semaphore_mem>>) src(%arg10 : memref<128x128xf32, #tpu.memory_space<vmem>>) dst(%dma_wait3A_217 : memref<10112x128xf32, #tpu.memory_space<vmem_shared>>)
          tpu.yield
        }) : () -> ()
        %run_scoped3A_204 = arith.constant 1 : i32
        "tpu.region"() ({
          %run_scoped3A_205 = tpu.sem_alloc : memref<!tpu.dma_semaphore, #tpu.memory_space<semaphore_mem>>
          %dma_start3A_206 = arith.constant 0 : i32
          %dma_start3A_207 = tpu.memref_slice %arg11[%run_scoped3A_204, %dma_start3A_206] : memref<2x128xi32, #tpu.memory_space<vmem>> -> memref<1x128xi32, #tpu.memory_space<vmem>>
          %dma_start3A_208 = tpu.memref_squeeze %dma_start3A_207 : memref<1x128xi32, #tpu.memory_space<vmem>> -> memref<128xi32, #tpu.memory_space<vmem>>
          %dma_start3A_209 = arith.constant 0 : i32
          %dma_start3A_210 = tpu.memref_slice %arg15[%dma_start3A_209] : memref<10112xf32, #tpu.memory_space<vmem_shared>> -> memref<10112xf32, #tpu.memory_space<vmem_shared>>
          tpu.enqueue_indirect_dma source(%arg12 : memref<128xf32, #tpu.memory_space<vmem>>) target(%dma_start3A_210 : memref<10112xf32, #tpu.memory_space<vmem_shared>>) offsets(%dma_start3A_208 : memref<128xi32, #tpu.memory_space<vmem>>) semaphore(%run_scoped3A_205 : memref<!tpu.dma_semaphore, #tpu.memory_space<semaphore_mem>>) {add = true}
          %dma_wait3A_211 = arith.constant 0 : i32
          %dma_wait3A_212 = tpu.memref_slice %arg11[%run_scoped3A_204, %dma_wait3A_211] : memref<2x128xi32, #tpu.memory_space<vmem>> -> memref<1x128xi32, #tpu.memory_space<vmem>>
          %dma_wait3A_213 = tpu.memref_squeeze %dma_wait3A_212 : memref<1x128xi32, #tpu.memory_space<vmem>> -> memref<128xi32, #tpu.memory_space<vmem>>
          %dma_wait3A_214 = arith.constant 0 : i32
          %dma_wait3A_215 = tpu.memref_slice %arg15[%dma_wait3A_214] : memref<10112xf32, #tpu.memory_space<vmem_shared>> -> memref<10112xf32, #tpu.memory_space<vmem_shared>>
          tpu.wait_indirect_dma semaphore(%run_scoped3A_205 : memref<!tpu.dma_semaphore, #tpu.memory_space<semaphore_mem>>) src(%arg12 : memref<128xf32, #tpu.memory_space<vmem>>) dst(%dma_wait3A_215 : memref<10112xf32, #tpu.memory_space<vmem_shared>>)
          tpu.yield
        }) : () -> ()
      }
      %barrier3A_176 = arith.constant 0 : index
      tpu.barrier barrier_id(%barrier3A_176)
      %while3A_177 = arith.constant 0 : i32
      %while3A_178 = arith.constant 0 : i32
      %while3A_179 = arith.subi %select_n3A, %while3A_178 : i32
      %while3A_180 = arith.addi %while3A_178, %while3A_179 : i32
      %while3A_181 = arith.constant 1 : i32
      %while3A_182 = arith.divsi %while3A_179, %while3A_181 : i32
      %while3A_183 = arith.muli %while3A_182, %while3A_181 : i32
      %while3A_184 = arith.addi %while3A_178, %while3A_183 : i32
      %while3A_185 = arith.constant 1 : i32
      scf.for %while3A_187 = %while3A_178 to %while3A_184 step %while3A_185  : i32 {
        %mul3A = arith.constant 16 : i32
        %mul3A_188 = arith.muli %mul3A, %while3A_187 : i32
        %add3A_189 = arith.addi %arg1, %mul3A_188 : i32
        %mul3A_190 = arith.constant 128 : i32
        %mul3A_191 = arith.muli %add3A_189, %mul3A_190 : i32
        "tpu.region"() ({
          %run_scoped3A = tpu.sem_alloc : memref<!tpu.dma_semaphore, #tpu.memory_space<semaphore_mem>>
          %dma_start3A = arith.constant 0 : i32
          %dma_start3A_192 = tpu.memref_slice %arg6[%mul3A_191, %dma_start3A] : memref<10112x128xf32, #tpu.memory_space<hbm>> -> memref<128x128xf32, #tpu.memory_space<hbm>>
          %dma_start3A_193 = arith.constant 0 : i32
          %dma_start3A_194 = tpu.memref_slice %arg14[%mul3A_191, %dma_start3A_193] : memref<10112x128xf32, #tpu.memory_space<vmem_shared>> -> memref<128x128xf32, #tpu.memory_space<vmem_shared>>
          tpu.enqueue_dma source(%dma_start3A_194 : memref<128x128xf32, #tpu.memory_space<vmem_shared>>) target(%dma_start3A_192 : memref<128x128xf32, #tpu.memory_space<hbm>>) target_semaphore(%run_scoped3A : memref<!tpu.dma_semaphore, #tpu.memory_space<semaphore_mem>>)
          %dma_wait3A = arith.constant 0 : i32
          %dma_wait3A_195 = tpu.memref_slice %arg6[%mul3A_191, %dma_wait3A] : memref<10112x128xf32, #tpu.memory_space<hbm>> -> memref<128x128xf32, #tpu.memory_space<hbm>>
          %dma_wait3A_196 = arith.constant 0 : i32
          %dma_wait3A_197 = tpu.memref_slice %arg14[%mul3A_191, %dma_wait3A_196] : memref<10112x128xf32, #tpu.memory_space<vmem_shared>> -> memref<128x128xf32, #tpu.memory_space<vmem_shared>>
          tpu.wait_dma2 semaphore(%run_scoped3A : memref<!tpu.dma_semaphore, #tpu.memory_space<semaphore_mem>>) src(%dma_wait3A_197 : memref<128x128xf32, #tpu.memory_space<vmem_shared>>) dst(%dma_wait3A_195 : memref<128x128xf32, #tpu.memory_space<hbm>>)
          tpu.yield
        }) : () -> ()
        "tpu.region"() ({
          %run_scoped3A = tpu.sem_alloc : memref<!tpu.dma_semaphore, #tpu.memory_space<semaphore_mem>>
          %dma_start3A = tpu.memref_slice %arg8[%mul3A_191] : memref<10112xf32, #tpu.memory_space<hbm>> -> memref<128xf32, #tpu.memory_space<hbm>>
          %dma_start3A_192 = tpu.memref_slice %arg15[%mul3A_191] : memref<10112xf32, #tpu.memory_space<vmem_shared>> -> memref<128xf32, #tpu.memory_space<vmem_shared>>
          tpu.enqueue_dma source(%dma_start3A_192 : memref<128xf32, #tpu.memory_space<vmem_shared>>) target(%dma_start3A : memref<128xf32, #tpu.memory_space<hbm>>) target_semaphore(%run_scoped3A : memref<!tpu.dma_semaphore, #tpu.memory_space<semaphore_mem>>)
          %dma_wait3A = tpu.memref_slice %arg8[%mul3A_191] : memref<10112xf32, #tpu.memory_space<hbm>> -> memref<128xf32, #tpu.memory_space<hbm>>
          %dma_wait3A_193 = tpu.memref_slice %arg15[%mul3A_191] : memref<10112xf32, #tpu.memory_space<vmem_shared>> -> memref<128xf32, #tpu.memory_space<vmem_shared>>
          tpu.wait_dma2 semaphore(%run_scoped3A : memref<!tpu.dma_semaphore, #tpu.memory_space<semaphore_mem>>) src(%dma_wait3A_193 : memref<128xf32, #tpu.memory_space<vmem_shared>>) dst(%dma_wait3A : memref<128xf32, #tpu.memory_space<hbm>>)
          tpu.yield
        }) : () -> ()
      }
      %while3A_186 = arith.constant 1 : i32
      scf.for %while3A_187 = %while3A_184 to %while3A_180 step %while3A_186  : i32 {
        %mul3A = arith.constant 16 : i32
        %mul3A_188 = arith.muli %mul3A, %while3A_187 : i32
        %add3A_189 = arith.addi %arg1, %mul3A_188 : i32
        %mul3A_190 = arith.constant 128 : i32
        %mul3A_191 = arith.muli %add3A_189, %mul3A_190 : i32
        "tpu.region"() ({
          %run_scoped3A = tpu.sem_alloc : memref<!tpu.dma_semaphore, #tpu.memory_space<semaphore_mem>>
          %dma_start3A = arith.constant 0 : i32
          %dma_start3A_192 = tpu.memref_slice %arg6[%mul3A_191, %dma_start3A] : memref<10112x128xf32, #tpu.memory_space<hbm>> -> memref<128x128xf32, #tpu.memory_space<hbm>>
          %dma_start3A_193 = arith.constant 0 : i32
          %dma_start3A_194 = tpu.memref_slice %arg14[%mul3A_191, %dma_start3A_193] : memref<10112x128xf32, #tpu.memory_space<vmem_shared>> -> memref<128x128xf32, #tpu.memory_space<vmem_shared>>
          tpu.enqueue_dma source(%dma_start3A_194 : memref<128x128xf32, #tpu.memory_space<vmem_shared>>) target(%dma_start3A_192 : memref<128x128xf32, #tpu.memory_space<hbm>>) target_semaphore(%run_scoped3A : memref<!tpu.dma_semaphore, #tpu.memory_space<semaphore_mem>>)
          %dma_wait3A = arith.constant 0 : i32
          %dma_wait3A_195 = tpu.memref_slice %arg6[%mul3A_191, %dma_wait3A] : memref<10112x128xf32, #tpu.memory_space<hbm>> -> memref<128x128xf32, #tpu.memory_space<hbm>>
          %dma_wait3A_196 = arith.constant 0 : i32
          %dma_wait3A_197 = tpu.memref_slice %arg14[%mul3A_191, %dma_wait3A_196] : memref<10112x128xf32, #tpu.memory_space<vmem_shared>> -> memref<128x128xf32, #tpu.memory_space<vmem_shared>>
          tpu.wait_dma2 semaphore(%run_scoped3A : memref<!tpu.dma_semaphore, #tpu.memory_space<semaphore_mem>>) src(%dma_wait3A_197 : memref<128x128xf32, #tpu.memory_space<vmem_shared>>) dst(%dma_wait3A_195 : memref<128x128xf32, #tpu.memory_space<hbm>>)
          tpu.yield
        }) : () -> ()
        "tpu.region"() ({
          %run_scoped3A = tpu.sem_alloc : memref<!tpu.dma_semaphore, #tpu.memory_space<semaphore_mem>>
          %dma_start3A = tpu.memref_slice %arg8[%mul3A_191] : memref<10112xf32, #tpu.memory_space<hbm>> -> memref<128xf32, #tpu.memory_space<hbm>>
          %dma_start3A_192 = tpu.memref_slice %arg15[%mul3A_191] : memref<10112xf32, #tpu.memory_space<vmem_shared>> -> memref<128xf32, #tpu.memory_space<vmem_shared>>
          tpu.enqueue_dma source(%dma_start3A_192 : memref<128xf32, #tpu.memory_space<vmem_shared>>) target(%dma_start3A : memref<128xf32, #tpu.memory_space<hbm>>) target_semaphore(%run_scoped3A : memref<!tpu.dma_semaphore, #tpu.memory_space<semaphore_mem>>)
          %dma_wait3A = tpu.memref_slice %arg8[%mul3A_191] : memref<10112xf32, #tpu.memory_space<hbm>> -> memref<128xf32, #tpu.memory_space<hbm>>
          %dma_wait3A_193 = tpu.memref_slice %arg15[%mul3A_191] : memref<10112xf32, #tpu.memory_space<vmem_shared>> -> memref<128xf32, #tpu.memory_space<vmem_shared>>
          tpu.wait_dma2 semaphore(%run_scoped3A : memref<!tpu.dma_semaphore, #tpu.memory_space<semaphore_mem>>) src(%dma_wait3A_193 : memref<128xf32, #tpu.memory_space<vmem_shared>>) dst(%dma_wait3A : memref<128xf32, #tpu.memory_space<hbm>>)
          tpu.yield
        }) : () -> ()
      }
    } else {
    }
    %eq3A_122 = arith.constant 1 : i32
    %eq3A_123 = arith.cmpi eq, %arg0, %eq3A_122 : i32
    %convert_element_type3A_124 = arith.extui %eq3A_123 : i1 to i32
    %cond3A_125 = arith.constant 0 : i32
    %cond3A_126 = arith.cmpi ne, %convert_element_type3A_124, %cond3A_125 : i32
    scf.if %cond3A_126 {
      %while3A = arith.constant 0 : i32
      %while3A_127 = arith.constant 0 : i32
      %while3A_128 = arith.subi %select_n3A, %while3A_127 : i32
      %while3A_129 = arith.addi %while3A_127, %while3A_128 : i32
      %while3A_130 = arith.constant 1 : i32
      %while3A_131 = arith.divsi %while3A_128, %while3A_130 : i32
      %while3A_132 = arith.muli %while3A_131, %while3A_130 : i32
      %while3A_133 = arith.addi %while3A_127, %while3A_132 : i32
      %while3A_134 = arith.constant 1 : i32
      scf.for %while3A_187 = %while3A_127 to %while3A_133 step %while3A_134  : i32 {
        %mul3A = arith.constant 16 : i32
        %mul3A_188 = arith.muli %mul3A, %while3A_187 : i32
        %add3A_189 = arith.addi %arg1, %mul3A_188 : i32
        %mul3A_190 = arith.constant 128 : i32
        %mul3A_191 = arith.muli %add3A_189, %mul3A_190 : i32
        "tpu.region"() ({
          %run_scoped3A = tpu.sem_alloc : memref<!tpu.dma_semaphore, #tpu.memory_space<semaphore_mem>>
          %dma_start3A = arith.constant 0 : i32
          %dma_start3A_192 = tpu.memref_slice %arg14[%mul3A_191, %dma_start3A] : memref<10112x128xf32, #tpu.memory_space<vmem_shared>> -> memref<128x128xf32, #tpu.memory_space<vmem_shared>>
          %dma_start3A_193 = arith.constant 0 : i32
          %dma_start3A_194 = tpu.memref_slice %arg14[%mul3A_191, %dma_start3A_193] : memref<10112x128xf32, #tpu.memory_space<vmem_shared>> -> memref<128x128xf32, #tpu.memory_space<vmem_shared>>
          tpu.enqueue_dma source(%arg10 : memref<128x128xf32, #tpu.memory_space<vmem>>) target(%dma_start3A_194 : memref<128x128xf32, #tpu.memory_space<vmem_shared>>) target_semaphore(%run_scoped3A : memref<!tpu.dma_semaphore, #tpu.memory_space<semaphore_mem>>)
          %dma_wait3A = arith.constant 0 : i32
          %dma_wait3A_195 = tpu.memref_slice %arg14[%mul3A_191, %dma_wait3A] : memref<10112x128xf32, #tpu.memory_space<vmem_shared>> -> memref<128x128xf32, #tpu.memory_space<vmem_shared>>
          %dma_wait3A_196 = arith.constant 0 : i32
          %dma_wait3A_197 = tpu.memref_slice %arg14[%mul3A_191, %dma_wait3A_196] : memref<10112x128xf32, #tpu.memory_space<vmem_shared>> -> memref<128x128xf32, #tpu.memory_space<vmem_shared>>
          tpu.wait_dma2 semaphore(%run_scoped3A : memref<!tpu.dma_semaphore, #tpu.memory_space<semaphore_mem>>) src(%arg10 : memref<128x128xf32, #tpu.memory_space<vmem>>) dst(%dma_wait3A_197 : memref<128x128xf32, #tpu.memory_space<vmem_shared>>)
          tpu.yield
        }) : () -> ()
      }
      %while3A_135 = arith.constant 1 : i32
      scf.for %while3A_187 = %while3A_133 to %while3A_129 step %while3A_135  : i32 {
        %mul3A = arith.constant 16 : i32
        %mul3A_188 = arith.muli %mul3A, %while3A_187 : i32
        %add3A_189 = arith.addi %arg1, %mul3A_188 : i32
        %mul3A_190 = arith.constant 128 : i32
        %mul3A_191 = arith.muli %add3A_189, %mul3A_190 : i32
        "tpu.region"() ({
          %run_scoped3A = tpu.sem_alloc : memref<!tpu.dma_semaphore, #tpu.memory_space<semaphore_mem>>
          %dma_start3A = arith.constant 0 : i32
          %dma_start3A_192 = tpu.memref_slice %arg14[%mul3A_191, %dma_start3A] : memref<10112x128xf32, #tpu.memory_space<vmem_shared>> -> memref<128x128xf32, #tpu.memory_space<vmem_shared>>
          %dma_start3A_193 = arith.constant 0 : i32
          %dma_start3A_194 = tpu.memref_slice %arg14[%mul3A_191, %dma_start3A_193] : memref<10112x128xf32, #tpu.memory_space<vmem_shared>> -> memref<128x128xf32, #tpu.memory_space<vmem_shared>>
          tpu.enqueue_dma source(%arg10 : memref<128x128xf32, #tpu.memory_space<vmem>>) target(%dma_start3A_194 : memref<128x128xf32, #tpu.memory_space<vmem_shared>>) target_semaphore(%run_scoped3A : memref<!tpu.dma_semaphore, #tpu.memory_space<semaphore_mem>>)
          %dma_wait3A = arith.constant 0 : i32
          %dma_wait3A_195 = tpu.memref_slice %arg14[%mul3A_191, %dma_wait3A] : memref<10112x128xf32, #tpu.memory_space<vmem_shared>> -> memref<128x128xf32, #tpu.memory_space<vmem_shared>>
          %dma_wait3A_196 = arith.constant 0 : i32
          %dma_wait3A_197 = tpu.memref_slice %arg14[%mul3A_191, %dma_wait3A_196] : memref<10112x128xf32, #tpu.memory_space<vmem_shared>> -> memref<128x128xf32, #tpu.memory_space<vmem_shared>>
          tpu.wait_dma2 semaphore(%run_scoped3A : memref<!tpu.dma_semaphore, #tpu.memory_space<semaphore_mem>>) src(%arg10 : memref<128x128xf32, #tpu.memory_space<vmem>>) dst(%dma_wait3A_197 : memref<128x128xf32, #tpu.memory_space<vmem_shared>>)
          tpu.yield
        }) : () -> ()
      }
      %barrier3A = arith.constant 0 : index
      tpu.barrier barrier_id(%barrier3A)
      %sub3A_136 = arith.constant 2500 : i32
      %sub3A_137 = arith.subi %sub3A_136, %arg1 : i32
      %add3A_138 = arith.constant 16 : i32
      %add3A_139 = arith.addi %sub3A_137, %add3A_138 : i32
      %sub3A_140 = arith.constant 1 : i32
      %sub3A_141 = arith.subi %add3A_139, %sub3A_140 : i32
      %jit3A_142 = arith.constant 16 : i32
      %div3A_143 = arith.divsi %sub3A_141, %jit3A_142 : i32
      %sign3A_144 = arith.constant 0 : i32
      %sign3A_145 = arith.cmpi sgt, %sub3A_141, %sign3A_144 : i32
      %sign3A_146 = arith.extui %sign3A_145 : i1 to i32
      %sign3A_147 = arith.constant 0 : i32
      %sign3A_148 = arith.cmpi slt, %sub3A_141, %sign3A_147 : i32
      %sign3A_149 = arith.extui %sign3A_148 : i1 to i32
      %sign3A_150 = arith.subi %sign3A_146, %sign3A_149 : i32
      %sign3A_151 = arith.constant 0 : i32
      %sign3A_152 = arith.cmpi sgt, %jit3A_142, %sign3A_151 : i32
      %sign3A_153 = arith.extui %sign3A_152 : i1 to i32
      %sign3A_154 = arith.constant 0 : i32
      %sign3A_155 = arith.cmpi slt, %jit3A_142, %sign3A_154 : i32
      %sign3A_156 = arith.extui %sign3A_155 : i1 to i32
      %sign3A_157 = arith.subi %sign3A_153, %sign3A_156 : i32
      %ne3A_158 = arith.cmpi ne, %sign3A_150, %sign3A_157 : i32
      %rem3A_159 = arith.remsi %sub3A_141, %jit3A_142 : i32
      %ne3A_160 = arith.constant 0 : i32
      %ne3A_161 = arith.cmpi ne, %rem3A_159, %ne3A_160 : i32
      %and3A_162 = arith.andi %ne3A_158, %ne3A_161 : i1
      %sub3A_163 = arith.constant 1 : i32
      %sub3A_164 = arith.subi %div3A_143, %sub3A_163 : i32
      %select_n3A_165 = arith.select %and3A_162, %sub3A_164, %div3A_143 : i32
      %while3A_166 = arith.constant 0 : i32
      %while3A_167 = arith.constant 0 : i32
      %while3A_168 = arith.subi %select_n3A_165, %while3A_167 : i32
      %while3A_169 = arith.addi %while3A_167, %while3A_168 : i32
      %while3A_170 = arith.constant 1 : i32
      %while3A_171 = arith.divsi %while3A_168, %while3A_170 : i32
      %while3A_172 = arith.muli %while3A_171, %while3A_170 : i32
      %while3A_173 = arith.addi %while3A_167, %while3A_172 : i32
      %while3A_174 = arith.constant 1 : i32
      scf.for %while3A_187 = %while3A_167 to %while3A_173 step %while3A_174  : i32 {
        %mul3A = arith.constant 16 : i32
        %mul3A_188 = arith.muli %mul3A, %while3A_187 : i32
        %add3A_189 = arith.addi %arg1, %mul3A_188 : i32
        %mul3A_190 = arith.constant 128 : i32
        %mul3A_191 = arith.muli %add3A_189, %mul3A_190 : i32
        "tpu.region"() ({
          %run_scoped3A_204 = tpu.sem_alloc : memref<!tpu.dma_semaphore, #tpu.memory_space<semaphore_mem>>
          %dma_start3A_205 = arith.constant 0 : i32
          %dma_start3A_206 = tpu.memref_slice %arg5[%dma_start3A_205, %mul3A_191] : memref<2x320000xi32, #tpu.memory_space<hbm>> -> memref<2x128xi32, #tpu.memory_space<hbm>>
          %dma_start3A_207 = arith.constant 0 : i32
          %dma_start3A_208 = tpu.memref_slice %arg5[%dma_start3A_207, %mul3A_191] : memref<2x320000xi32, #tpu.memory_space<hbm>> -> memref<2x128xi32, #tpu.memory_space<hbm>>
          tpu.enqueue_dma source(%dma_start3A_208 : memref<2x128xi32, #tpu.memory_space<hbm>>) target(%arg11 : memref<2x128xi32, #tpu.memory_space<vmem>>) target_semaphore(%run_scoped3A_204 : memref<!tpu.dma_semaphore, #tpu.memory_space<semaphore_mem>>)
          %dma_wait3A_209 = arith.constant 0 : i32
          %dma_wait3A_210 = tpu.memref_slice %arg5[%dma_wait3A_209, %mul3A_191] : memref<2x320000xi32, #tpu.memory_space<hbm>> -> memref<2x128xi32, #tpu.memory_space<hbm>>
          %dma_wait3A_211 = arith.constant 0 : i32
          %dma_wait3A_212 = tpu.memref_slice %arg5[%dma_wait3A_211, %mul3A_191] : memref<2x320000xi32, #tpu.memory_space<hbm>> -> memref<2x128xi32, #tpu.memory_space<hbm>>
          tpu.wait_dma2 semaphore(%run_scoped3A_204 : memref<!tpu.dma_semaphore, #tpu.memory_space<semaphore_mem>>) src(%dma_wait3A_212 : memref<2x128xi32, #tpu.memory_space<hbm>>) dst(%arg11 : memref<2x128xi32, #tpu.memory_space<vmem>>)
          tpu.yield
        }) : () -> ()
        %dma_start3A = arith.constant 0 : i32
        %dma_start3A_192 = arith.constant 0 : i32
        %dma_start3A_193 = tpu.memref_slice %arg11[%dma_start3A, %dma_start3A_192] : memref<2x128xi32, #tpu.memory_space<vmem>> -> memref<1x128xi32, #tpu.memory_space<vmem>>
        %dma_start3A_194 = tpu.memref_squeeze %dma_start3A_193 : memref<1x128xi32, #tpu.memory_space<vmem>> -> memref<128xi32, #tpu.memory_space<vmem>>
        %dma_start3A_195 = arith.constant 0 : i32
        %dma_start3A_196 = arith.constant 0 : i32
        %dma_start3A_197 = tpu.memref_slice %arg3[%dma_start3A_195, %dma_start3A_196] : memref<10000x128xf32, #tpu.memory_space<hbm>> -> memref<10000x128xf32, #tpu.memory_space<hbm>>
        tpu.enqueue_indirect_dma source(%dma_start3A_197 : memref<10000x128xf32, #tpu.memory_space<hbm>>) target(%arg10 : memref<128x128xf32, #tpu.memory_space<vmem>>) offsets(%dma_start3A_194 : memref<128xi32, #tpu.memory_space<vmem>>) semaphore(%arg16 : memref<!tpu.dma_semaphore, #tpu.memory_space<semaphore_mem>>)
        %dma_wait3A = arith.constant 0 : i32
        %dma_wait3A_198 = arith.constant 0 : i32
        %dma_wait3A_199 = tpu.memref_slice %arg11[%dma_wait3A, %dma_wait3A_198] : memref<2x128xi32, #tpu.memory_space<vmem>> -> memref<1x128xi32, #tpu.memory_space<vmem>>
        %dma_wait3A_200 = tpu.memref_squeeze %dma_wait3A_199 : memref<1x128xi32, #tpu.memory_space<vmem>> -> memref<128xi32, #tpu.memory_space<vmem>>
        %dma_wait3A_201 = arith.constant 0 : i32
        %dma_wait3A_202 = arith.constant 0 : i32
        %dma_wait3A_203 = tpu.memref_slice %arg3[%dma_wait3A_201, %dma_wait3A_202] : memref<10000x128xf32, #tpu.memory_space<hbm>> -> memref<10000x128xf32, #tpu.memory_space<hbm>>
        tpu.wait_indirect_dma semaphore(%arg16 : memref<!tpu.dma_semaphore, #tpu.memory_space<semaphore_mem>>) src(%dma_wait3A_203 : memref<10000x128xf32, #tpu.memory_space<hbm>>) dst(%arg10 : memref<128x128xf32, #tpu.memory_space<vmem>>)
        %run_scoped3A = arith.constant 1 : i32
        "tpu.region"() ({
          %run_scoped3A_204 = tpu.sem_alloc : memref<!tpu.dma_semaphore, #tpu.memory_space<semaphore_mem>>
          %dma_start3A_205 = arith.constant 0 : i32
          %dma_start3A_206 = tpu.memref_slice %arg11[%run_scoped3A, %dma_start3A_205] : memref<2x128xi32, #tpu.memory_space<vmem>> -> memref<1x128xi32, #tpu.memory_space<vmem>>
          %dma_start3A_207 = tpu.memref_squeeze %dma_start3A_206 : memref<1x128xi32, #tpu.memory_space<vmem>> -> memref<128xi32, #tpu.memory_space<vmem>>
          %dma_start3A_208 = arith.constant 0 : i32
          %dma_start3A_209 = arith.constant 0 : i32
          %dma_start3A_210 = tpu.memref_slice %arg14[%dma_start3A_208, %dma_start3A_209] : memref<10112x128xf32, #tpu.memory_space<vmem_shared>> -> memref<10112x128xf32, #tpu.memory_space<vmem_shared>>
          tpu.enqueue_indirect_dma source(%arg10 : memref<128x128xf32, #tpu.memory_space<vmem>>) target(%dma_start3A_210 : memref<10112x128xf32, #tpu.memory_space<vmem_shared>>) offsets(%dma_start3A_207 : memref<128xi32, #tpu.memory_space<vmem>>) semaphore(%run_scoped3A_204 : memref<!tpu.dma_semaphore, #tpu.memory_space<semaphore_mem>>) {add = true}
          %dma_wait3A_211 = arith.constant 0 : i32
          %dma_wait3A_212 = tpu.memref_slice %arg11[%run_scoped3A, %dma_wait3A_211] : memref<2x128xi32, #tpu.memory_space<vmem>> -> memref<1x128xi32, #tpu.memory_space<vmem>>
          %dma_wait3A_213 = tpu.memref_squeeze %dma_wait3A_212 : memref<1x128xi32, #tpu.memory_space<vmem>> -> memref<128xi32, #tpu.memory_space<vmem>>
          %dma_wait3A_214 = arith.constant 0 : i32
          %dma_wait3A_215 = arith.constant 0 : i32
          %dma_wait3A_216 = tpu.memref_slice %arg14[%dma_wait3A_214, %dma_wait3A_215] : memref<10112x128xf32, #tpu.memory_space<vmem_shared>> -> memref<10112x128xf32, #tpu.memory_space<vmem_shared>>
          tpu.wait_indirect_dma semaphore(%run_scoped3A_204 : memref<!tpu.dma_semaphore, #tpu.memory_space<semaphore_mem>>) src(%arg10 : memref<128x128xf32, #tpu.memory_space<vmem>>) dst(%dma_wait3A_216 : memref<10112x128xf32, #tpu.memory_space<vmem_shared>>)
          tpu.yield
        }) : () -> ()
      }
      %while3A_175 = arith.constant 1 : i32
      scf.for %while3A_187 = %while3A_173 to %while3A_169 step %while3A_175  : i32 {
        %mul3A = arith.constant 16 : i32
        %mul3A_188 = arith.muli %mul3A, %while3A_187 : i32
        %add3A_189 = arith.addi %arg1, %mul3A_188 : i32
        %mul3A_190 = arith.constant 128 : i32
        %mul3A_191 = arith.muli %add3A_189, %mul3A_190 : i32
        "tpu.region"() ({
          %run_scoped3A_204 = tpu.sem_alloc : memref<!tpu.dma_semaphore, #tpu.memory_space<semaphore_mem>>
          %dma_start3A_205 = arith.constant 0 : i32
          %dma_start3A_206 = tpu.memref_slice %arg5[%dma_start3A_205, %mul3A_191] : memref<2x320000xi32, #tpu.memory_space<hbm>> -> memref<2x128xi32, #tpu.memory_space<hbm>>
          %dma_start3A_207 = arith.constant 0 : i32
          %dma_start3A_208 = tpu.memref_slice %arg5[%dma_start3A_207, %mul3A_191] : memref<2x320000xi32, #tpu.memory_space<hbm>> -> memref<2x128xi32, #tpu.memory_space<hbm>>
          tpu.enqueue_dma source(%dma_start3A_208 : memref<2x128xi32, #tpu.memory_space<hbm>>) target(%arg11 : memref<2x128xi32, #tpu.memory_space<vmem>>) target_semaphore(%run_scoped3A_204 : memref<!tpu.dma_semaphore, #tpu.memory_space<semaphore_mem>>)
          %dma_wait3A_209 = arith.constant 0 : i32
          %dma_wait3A_210 = tpu.memref_slice %arg5[%dma_wait3A_209, %mul3A_191] : memref<2x320000xi32, #tpu.memory_space<hbm>> -> memref<2x128xi32, #tpu.memory_space<hbm>>
          %dma_wait3A_211 = arith.constant 0 : i32
          %dma_wait3A_212 = tpu.memref_slice %arg5[%dma_wait3A_211, %mul3A_191] : memref<2x320000xi32, #tpu.memory_space<hbm>> -> memref<2x128xi32, #tpu.memory_space<hbm>>
          tpu.wait_dma2 semaphore(%run_scoped3A_204 : memref<!tpu.dma_semaphore, #tpu.memory_space<semaphore_mem>>) src(%dma_wait3A_212 : memref<2x128xi32, #tpu.memory_space<hbm>>) dst(%arg11 : memref<2x128xi32, #tpu.memory_space<vmem>>)
          tpu.yield
        }) : () -> ()
        %dma_start3A = arith.constant 0 : i32
        %dma_start3A_192 = arith.constant 0 : i32
        %dma_start3A_193 = tpu.memref_slice %arg11[%dma_start3A, %dma_start3A_192] : memref<2x128xi32, #tpu.memory_space<vmem>> -> memref<1x128xi32, #tpu.memory_space<vmem>>
        %dma_start3A_194 = tpu.memref_squeeze %dma_start3A_193 : memref<1x128xi32, #tpu.memory_space<vmem>> -> memref<128xi32, #tpu.memory_space<vmem>>
        %dma_start3A_195 = arith.constant 0 : i32
        %dma_start3A_196 = arith.constant 0 : i32
        %dma_start3A_197 = tpu.memref_slice %arg3[%dma_start3A_195, %dma_start3A_196] : memref<10000x128xf32, #tpu.memory_space<hbm>> -> memref<10000x128xf32, #tpu.memory_space<hbm>>
        tpu.enqueue_indirect_dma source(%dma_start3A_197 : memref<10000x128xf32, #tpu.memory_space<hbm>>) target(%arg10 : memref<128x128xf32, #tpu.memory_space<vmem>>) offsets(%dma_start3A_194 : memref<128xi32, #tpu.memory_space<vmem>>) semaphore(%arg16 : memref<!tpu.dma_semaphore, #tpu.memory_space<semaphore_mem>>)
        %dma_wait3A = arith.constant 0 : i32
        %dma_wait3A_198 = arith.constant 0 : i32
        %dma_wait3A_199 = tpu.memref_slice %arg11[%dma_wait3A, %dma_wait3A_198] : memref<2x128xi32, #tpu.memory_space<vmem>> -> memref<1x128xi32, #tpu.memory_space<vmem>>
        %dma_wait3A_200 = tpu.memref_squeeze %dma_wait3A_199 : memref<1x128xi32, #tpu.memory_space<vmem>> -> memref<128xi32, #tpu.memory_space<vmem>>
        %dma_wait3A_201 = arith.constant 0 : i32
        %dma_wait3A_202 = arith.constant 0 : i32
        %dma_wait3A_203 = tpu.memref_slice %arg3[%dma_wait3A_201, %dma_wait3A_202] : memref<10000x128xf32, #tpu.memory_space<hbm>> -> memref<10000x128xf32, #tpu.memory_space<hbm>>
        tpu.wait_indirect_dma semaphore(%arg16 : memref<!tpu.dma_semaphore, #tpu.memory_space<semaphore_mem>>) src(%dma_wait3A_203 : memref<10000x128xf32, #tpu.memory_space<hbm>>) dst(%arg10 : memref<128x128xf32, #tpu.memory_space<vmem>>)
        %run_scoped3A = arith.constant 1 : i32
        "tpu.region"() ({
          %run_scoped3A_204 = tpu.sem_alloc : memref<!tpu.dma_semaphore, #tpu.memory_space<semaphore_mem>>
          %dma_start3A_205 = arith.constant 0 : i32
          %dma_start3A_206 = tpu.memref_slice %arg11[%run_scoped3A, %dma_start3A_205] : memref<2x128xi32, #tpu.memory_space<vmem>> -> memref<1x128xi32, #tpu.memory_space<vmem>>
          %dma_start3A_207 = tpu.memref_squeeze %dma_start3A_206 : memref<1x128xi32, #tpu.memory_space<vmem>> -> memref<128xi32, #tpu.memory_space<vmem>>
          %dma_start3A_208 = arith.constant 0 : i32
          %dma_start3A_209 = arith.constant 0 : i32
          %dma_start3A_210 = tpu.memref_slice %arg14[%dma_start3A_208, %dma_start3A_209] : memref<10112x128xf32, #tpu.memory_space<vmem_shared>> -> memref<10112x128xf32, #tpu.memory_space<vmem_shared>>
          tpu.enqueue_indirect_dma source(%arg10 : memref<128x128xf32, #tpu.memory_space<vmem>>) target(%dma_start3A_210 : memref<10112x128xf32, #tpu.memory_space<vmem_shared>>) offsets(%dma_start3A_207 : memref<128xi32, #tpu.memory_space<vmem>>) semaphore(%run_scoped3A_204 : memref<!tpu.dma_semaphore, #tpu.memory_space<semaphore_mem>>) {add = true}
          %dma_wait3A_211 = arith.constant 0 : i32
          %dma_wait3A_212 = tpu.memref_slice %arg11[%run_scoped3A, %dma_wait3A_211] : memref<2x128xi32, #tpu.memory_space<vmem>> -> memref<1x128xi32, #tpu.memory_space<vmem>>
          %dma_wait3A_213 = tpu.memref_squeeze %dma_wait3A_212 : memref<1x128xi32, #tpu.memory_space<vmem>> -> memref<128xi32, #tpu.memory_space<vmem>>
          %dma_wait3A_214 = arith.constant 0 : i32
          %dma_wait3A_215 = arith.constant 0 : i32
          %dma_wait3A_216 = tpu.memref_slice %arg14[%dma_wait3A_214, %dma_wait3A_215] : memref<10112x128xf32, #tpu.memory_space<vmem_shared>> -> memref<10112x128xf32, #tpu.memory_space<vmem_shared>>
          tpu.wait_indirect_dma semaphore(%run_scoped3A_204 : memref<!tpu.dma_semaphore, #tpu.memory_space<semaphore_mem>>) src(%arg10 : memref<128x128xf32, #tpu.memory_space<vmem>>) dst(%dma_wait3A_216 : memref<10112x128xf32, #tpu.memory_space<vmem_shared>>)
          tpu.yield
        }) : () -> ()
      }
      %barrier3A_176 = arith.constant 0 : index
      tpu.barrier barrier_id(%barrier3A_176)
      %while3A_177 = arith.constant 0 : i32
      %while3A_178 = arith.constant 0 : i32
      %while3A_179 = arith.subi %select_n3A, %while3A_178 : i32
      %while3A_180 = arith.addi %while3A_178, %while3A_179 : i32
      %while3A_181 = arith.constant 1 : i32
      %while3A_182 = arith.divsi %while3A_179, %while3A_181 : i32
      %while3A_183 = arith.muli %while3A_182, %while3A_181 : i32
      %while3A_184 = arith.addi %while3A_178, %while3A_183 : i32
      %while3A_185 = arith.constant 1 : i32
      scf.for %while3A_187 = %while3A_178 to %while3A_184 step %while3A_185  : i32 {
        %mul3A = arith.constant 16 : i32
        %mul3A_188 = arith.muli %mul3A, %while3A_187 : i32
        %add3A_189 = arith.addi %arg1, %mul3A_188 : i32
        %mul3A_190 = arith.constant 128 : i32
        %mul3A_191 = arith.muli %add3A_189, %mul3A_190 : i32
        "tpu.region"() ({
          %run_scoped3A = tpu.sem_alloc : memref<!tpu.dma_semaphore, #tpu.memory_space<semaphore_mem>>
          %dma_start3A = arith.constant 0 : i32
          %dma_start3A_192 = tpu.memref_slice %arg7[%mul3A_191, %dma_start3A] : memref<10112x128xf32, #tpu.memory_space<hbm>> -> memref<128x128xf32, #tpu.memory_space<hbm>>
          %dma_start3A_193 = arith.constant 0 : i32
          %dma_start3A_194 = tpu.memref_slice %arg14[%mul3A_191, %dma_start3A_193] : memref<10112x128xf32, #tpu.memory_space<vmem_shared>> -> memref<128x128xf32, #tpu.memory_space<vmem_shared>>
          tpu.enqueue_dma source(%dma_start3A_194 : memref<128x128xf32, #tpu.memory_space<vmem_shared>>) target(%dma_start3A_192 : memref<128x128xf32, #tpu.memory_space<hbm>>) target_semaphore(%run_scoped3A : memref<!tpu.dma_semaphore, #tpu.memory_space<semaphore_mem>>)
          %dma_wait3A = arith.constant 0 : i32
          %dma_wait3A_195 = tpu.memref_slice %arg7[%mul3A_191, %dma_wait3A] : memref<10112x128xf32, #tpu.memory_space<hbm>> -> memref<128x128xf32, #tpu.memory_space<hbm>>
          %dma_wait3A_196 = arith.constant 0 : i32
          %dma_wait3A_197 = tpu.memref_slice %arg14[%mul3A_191, %dma_wait3A_196] : memref<10112x128xf32, #tpu.memory_space<vmem_shared>> -> memref<128x128xf32, #tpu.memory_space<vmem_shared>>
          tpu.wait_dma2 semaphore(%run_scoped3A : memref<!tpu.dma_semaphore, #tpu.memory_space<semaphore_mem>>) src(%dma_wait3A_197 : memref<128x128xf32, #tpu.memory_space<vmem_shared>>) dst(%dma_wait3A_195 : memref<128x128xf32, #tpu.memory_space<hbm>>)
          tpu.yield
        }) : () -> ()
      }
      %while3A_186 = arith.constant 1 : i32
      scf.for %while3A_187 = %while3A_184 to %while3A_180 step %while3A_186  : i32 {
        %mul3A = arith.constant 16 : i32
        %mul3A_188 = arith.muli %mul3A, %while3A_187 : i32
        %add3A_189 = arith.addi %arg1, %mul3A_188 : i32
        %mul3A_190 = arith.constant 128 : i32
        %mul3A_191 = arith.muli %add3A_189, %mul3A_190 : i32
        "tpu.region"() ({
          %run_scoped3A = tpu.sem_alloc : memref<!tpu.dma_semaphore, #tpu.memory_space<semaphore_mem>>
          %dma_start3A = arith.constant 0 : i32
          %dma_start3A_192 = tpu.memref_slice %arg7[%mul3A_191, %dma_start3A] : memref<10112x128xf32, #tpu.memory_space<hbm>> -> memref<128x128xf32, #tpu.memory_space<hbm>>
          %dma_start3A_193 = arith.constant 0 : i32
          %dma_start3A_194 = tpu.memref_slice %arg14[%mul3A_191, %dma_start3A_193] : memref<10112x128xf32, #tpu.memory_space<vmem_shared>> -> memref<128x128xf32, #tpu.memory_space<vmem_shared>>
          tpu.enqueue_dma source(%dma_start3A_194 : memref<128x128xf32, #tpu.memory_space<vmem_shared>>) target(%dma_start3A_192 : memref<128x128xf32, #tpu.memory_space<hbm>>) target_semaphore(%run_scoped3A : memref<!tpu.dma_semaphore, #tpu.memory_space<semaphore_mem>>)
          %dma_wait3A = arith.constant 0 : i32
          %dma_wait3A_195 = tpu.memref_slice %arg7[%mul3A_191, %dma_wait3A] : memref<10112x128xf32, #tpu.memory_space<hbm>> -> memref<128x128xf32, #tpu.memory_space<hbm>>
          %dma_wait3A_196 = arith.constant 0 : i32
          %dma_wait3A_197 = tpu.memref_slice %arg14[%mul3A_191, %dma_wait3A_196] : memref<10112x128xf32, #tpu.memory_space<vmem_shared>> -> memref<128x128xf32, #tpu.memory_space<vmem_shared>>
          tpu.wait_dma2 semaphore(%run_scoped3A : memref<!tpu.dma_semaphore, #tpu.memory_space<semaphore_mem>>) src(%dma_wait3A_197 : memref<128x128xf32, #tpu.memory_space<vmem_shared>>) dst(%dma_wait3A_195 : memref<128x128xf32, #tpu.memory_space<hbm>>)
          tpu.yield
        }) : () -> ()
      }
    } else {
    }
    return
  }
}

#map = affine_map<(d0, d1) -> (0, 0)>
#map1 = affine_map<(d0, d1) -> (0)>
module attributes {stable_mosaic.version = 14 : i64} {
  func.func @k(%arg0: i32, %arg1: i32, %arg2: memref<10000x128xf32, #tpu.memory_space<hbm>>, %arg3: memref<10000x128xf32, #tpu.memory_space<hbm>>, %arg4: memref<2x160000xi32, #tpu.memory_space<hbm>>, %arg5: memref<2x160000xi32, #tpu.memory_space<hbm>>, %arg6: memref<10112x128xf32, #tpu.memory_space<hbm>>, %arg7: memref<10112x128xf32, #tpu.memory_space<hbm>>, %arg8: memref<10112xf32, #tpu.memory_space<hbm>>, %arg9: memref<10112xf32, #tpu.memory_space<hbm>>, %arg10: memref<128x128xf32, #tpu.memory_space<vmem>>, %arg11: memref<2x128xi32, #tpu.memory_space<vmem>>, %arg12: memref<128xf32, #tpu.memory_space<vmem>>, %arg13: memref<128xf32, #tpu.memory_space<vmem>>, %arg14: memref<10112x128xf32, #tpu.memory_space<vmem_shared>>, %arg15: memref<10112xf32, #tpu.memory_space<vmem_shared>>, %arg16: memref<!tpu.dma_semaphore, #tpu.memory_space<semaphore_mem>>) attributes {dimension_semantics = [#tpu.dimension_semantics<core_parallel>, #tpu.dimension_semantics<subcore_parallel>], iteration_bounds = array<i64: 2, 16>, scalar_prefetch = 0 : i64, scratch_operands = 7 : i64, tpu.core_type = #tpu.core_type<sc_vector_subcore>, window_params = [{transform_indices = #map}, {transform_indices = #map}, {transform_indices = #map}, {transform_indices = #map}, {transform_indices = #map}, {transform_indices = #map}, {transform_indices = #map1}, {transform_indices = #map1}]} {
    %scan3A = arith.constant 0 : i32
    %scan3A_0 = arith.constant 0 : i32
    %scan3A_1 = arith.constant 128 : i32
    %scan3A_2 = arith.addi %scan3A_0, %scan3A_1 : i32
    %scan3A_3 = arith.constant 1 : i32
    scf.for %scan3A_127 = %scan3A_0 to %scan3A_2 step %scan3A_3  : i32 {
      %broadcast_in_dim3A_128 = arith.constant 0.000000e+00 : f32
      %broadcast_in_dim3A_129 = vector.broadcast %broadcast_in_dim3A_128 : f32 to vector<16xf32>
      %swap3A_130 = arith.index_cast %scan3A_127 : i32 to index
      %swap3A_131 = arith.constant 0 : index
      %swap3A_132 = tpu.vector_load %arg10[%swap3A_130, %swap3A_131] {strides = array<i32>} : memref<128x128xf32, #tpu.memory_space<vmem>>, vector<1x16xf32>,
      %swap3A_133 = vector.shape_cast %swap3A_132 : vector<1x16xf32> to vector<16xf32>
      %swap3A_134 = vector.shape_cast %broadcast_in_dim3A_129 : vector<16xf32> to vector<1x16xf32>
      tpu.vector_store %arg10[%swap3A_130, %swap3A_131], %swap3A_134 {strides = array<i32>} : memref<128x128xf32, #tpu.memory_space<vmem>>, vector<1x16xf32>,
      %broadcast_in_dim3A_135 = arith.constant 0.000000e+00 : f32
      %broadcast_in_dim3A_136 = vector.broadcast %broadcast_in_dim3A_135 : f32 to vector<16xf32>
      %swap3A_137 = arith.index_cast %scan3A_127 : i32 to index
      %swap3A_138 = arith.constant 16 : index
      %swap3A_139 = tpu.vector_load %arg10[%swap3A_137, %swap3A_138] {strides = array<i32>} : memref<128x128xf32, #tpu.memory_space<vmem>>, vector<1x16xf32>,
      %swap3A_140 = vector.shape_cast %swap3A_139 : vector<1x16xf32> to vector<16xf32>
      %swap3A_141 = vector.shape_cast %broadcast_in_dim3A_136 : vector<16xf32> to vector<1x16xf32>
      tpu.vector_store %arg10[%swap3A_137, %swap3A_138], %swap3A_141 {strides = array<i32>} : memref<128x128xf32, #tpu.memory_space<vmem>>, vector<1x16xf32>,
      %broadcast_in_dim3A_142 = arith.constant 0.000000e+00 : f32
      %broadcast_in_dim3A_143 = vector.broadcast %broadcast_in_dim3A_142 : f32 to vector<16xf32>
      %swap3A_144 = arith.index_cast %scan3A_127 : i32 to index
      %swap3A_145 = arith.constant 32 : index
      %swap3A_146 = tpu.vector_load %arg10[%swap3A_144, %swap3A_145] {strides = array<i32>} : memref<128x128xf32, #tpu.memory_space<vmem>>, vector<1x16xf32>,
      %swap3A_147 = vector.shape_cast %swap3A_146 : vector<1x16xf32> to vector<16xf32>
      %swap3A_148 = vector.shape_cast %broadcast_in_dim3A_143 : vector<16xf32> to vector<1x16xf32>
      tpu.vector_store %arg10[%swap3A_144, %swap3A_145], %swap3A_148 {strides = array<i32>} : memref<128x128xf32, #tpu.memory_space<vmem>>, vector<1x16xf32>,
      %broadcast_in_dim3A_149 = arith.constant 0.000000e+00 : f32
      %broadcast_in_dim3A_150 = vector.broadcast %broadcast_in_dim3A_149 : f32 to vector<16xf32>
      %swap3A_151 = arith.index_cast %scan3A_127 : i32 to index
      %swap3A_152 = arith.constant 48 : index
      %swap3A_153 = tpu.vector_load %arg10[%swap3A_151, %swap3A_152] {strides = array<i32>} : memref<128x128xf32, #tpu.memory_space<vmem>>, vector<1x16xf32>,
      %swap3A_154 = vector.shape_cast %swap3A_153 : vector<1x16xf32> to vector<16xf32>
      %swap3A_155 = vector.shape_cast %broadcast_in_dim3A_150 : vector<16xf32> to vector<1x16xf32>
      tpu.vector_store %arg10[%swap3A_151, %swap3A_152], %swap3A_155 {strides = array<i32>} : memref<128x128xf32, #tpu.memory_space<vmem>>, vector<1x16xf32>,
      %broadcast_in_dim3A_156 = arith.constant 0.000000e+00 : f32
      %broadcast_in_dim3A_157 = vector.broadcast %broadcast_in_dim3A_156 : f32 to vector<16xf32>
      %swap3A_158 = arith.index_cast %scan3A_127 : i32 to index
      %swap3A_159 = arith.constant 64 : index
      %swap3A_160 = tpu.vector_load %arg10[%swap3A_158, %swap3A_159] {strides = array<i32>} : memref<128x128xf32, #tpu.memory_space<vmem>>, vector<1x16xf32>,
      %swap3A_161 = vector.shape_cast %swap3A_160 : vector<1x16xf32> to vector<16xf32>
      %swap3A_162 = vector.shape_cast %broadcast_in_dim3A_157 : vector<16xf32> to vector<1x16xf32>
      tpu.vector_store %arg10[%swap3A_158, %swap3A_159], %swap3A_162 {strides = array<i32>} : memref<128x128xf32, #tpu.memory_space<vmem>>, vector<1x16xf32>,
      %broadcast_in_dim3A_163 = arith.constant 0.000000e+00 : f32
      %broadcast_in_dim3A_164 = vector.broadcast %broadcast_in_dim3A_163 : f32 to vector<16xf32>
      %swap3A_165 = arith.index_cast %scan3A_127 : i32 to index
      %swap3A_166 = arith.constant 80 : index
      %swap3A_167 = tpu.vector_load %arg10[%swap3A_165, %swap3A_166] {strides = array<i32>} : memref<128x128xf32, #tpu.memory_space<vmem>>, vector<1x16xf32>,
      %swap3A_168 = vector.shape_cast %swap3A_167 : vector<1x16xf32> to vector<16xf32>
      %swap3A_169 = vector.shape_cast %broadcast_in_dim3A_164 : vector<16xf32> to vector<1x16xf32>
      tpu.vector_store %arg10[%swap3A_165, %swap3A_166], %swap3A_169 {strides = array<i32>} : memref<128x128xf32, #tpu.memory_space<vmem>>, vector<1x16xf32>,
      %broadcast_in_dim3A_170 = arith.constant 0.000000e+00 : f32
      %broadcast_in_dim3A_171 = vector.broadcast %broadcast_in_dim3A_170 : f32 to vector<16xf32>
      %swap3A_172 = arith.index_cast %scan3A_127 : i32 to index
      %swap3A_173 = arith.constant 96 : index
      %swap3A_174 = tpu.vector_load %arg10[%swap3A_172, %swap3A_173] {strides = array<i32>} : memref<128x128xf32, #tpu.memory_space<vmem>>, vector<1x16xf32>,
      %swap3A_175 = vector.shape_cast %swap3A_174 : vector<1x16xf32> to vector<16xf32>
      %swap3A_176 = vector.shape_cast %broadcast_in_dim3A_171 : vector<16xf32> to vector<1x16xf32>
      tpu.vector_store %arg10[%swap3A_172, %swap3A_173], %swap3A_176 {strides = array<i32>} : memref<128x128xf32, #tpu.memory_space<vmem>>, vector<1x16xf32>,
      %broadcast_in_dim3A_177 = arith.constant 0.000000e+00 : f32
      %broadcast_in_dim3A_178 = vector.broadcast %broadcast_in_dim3A_177 : f32 to vector<16xf32>
      %swap3A_179 = arith.index_cast %scan3A_127 : i32 to index
      %swap3A_180 = arith.constant 112 : index
      %swap3A_181 = tpu.vector_load %arg10[%swap3A_179, %swap3A_180] {strides = array<i32>} : memref<128x128xf32, #tpu.memory_space<vmem>>, vector<1x16xf32>,
      %swap3A_182 = vector.shape_cast %swap3A_181 : vector<1x16xf32> to vector<16xf32>
      %swap3A_183 = vector.shape_cast %broadcast_in_dim3A_178 : vector<16xf32> to vector<1x16xf32>
      tpu.vector_store %arg10[%swap3A_179, %swap3A_180], %swap3A_183 {strides = array<i32>} : memref<128x128xf32, #tpu.memory_space<vmem>>, vector<1x16xf32>,
    }
    %scan3A_4 = arith.constant 128 : i32
    %broadcast_in_dim3A = arith.constant 1.000000e+00 : f32
    %broadcast_in_dim3A_5 = vector.broadcast %broadcast_in_dim3A : f32 to vector<16xf32>
    %swap3A = arith.constant 0 : index
    %swap3A_6 = tpu.vector_load %arg12[%swap3A] {strides = array<i32>} : memref<128xf32, #tpu.memory_space<vmem>>, vector<16xf32>,
    %swap3A_7 = vector.shape_cast %swap3A_6 : vector<16xf32> to vector<16xf32>
    %swap3A_8 = vector.shape_cast %broadcast_in_dim3A_5 : vector<16xf32> to vector<16xf32>
    tpu.vector_store %arg12[%swap3A], %swap3A_8 {strides = array<i32>} : memref<128xf32, #tpu.memory_space<vmem>>, vector<16xf32>,
    %broadcast_in_dim3A_9 = arith.constant 0.000000e+00 : f32
    %broadcast_in_dim3A_10 = vector.broadcast %broadcast_in_dim3A_9 : f32 to vector<16xf32>
    %swap3A_11 = arith.constant 0 : index
    %swap3A_12 = tpu.vector_load %arg13[%swap3A_11] {strides = array<i32>} : memref<128xf32, #tpu.memory_space<vmem>>, vector<16xf32>,
    %swap3A_13 = vector.shape_cast %swap3A_12 : vector<16xf32> to vector<16xf32>
    %swap3A_14 = vector.shape_cast %broadcast_in_dim3A_10 : vector<16xf32> to vector<16xf32>
    tpu.vector_store %arg13[%swap3A_11], %swap3A_14 {strides = array<i32>} : memref<128xf32, #tpu.memory_space<vmem>>, vector<16xf32>,
    %broadcast_in_dim3A_15 = arith.constant 1.000000e+00 : f32
    %broadcast_in_dim3A_16 = vector.broadcast %broadcast_in_dim3A_15 : f32 to vector<16xf32>
    %swap3A_17 = arith.constant 16 : index
    %swap3A_18 = tpu.vector_load %arg12[%swap3A_17] {strides = array<i32>} : memref<128xf32, #tpu.memory_space<vmem>>, vector<16xf32>,
    %swap3A_19 = vector.shape_cast %swap3A_18 : vector<16xf32> to vector<16xf32>
    %swap3A_20 = vector.shape_cast %broadcast_in_dim3A_16 : vector<16xf32> to vector<16xf32>
    tpu.vector_store %arg12[%swap3A_17], %swap3A_20 {strides = array<i32>} : memref<128xf32, #tpu.memory_space<vmem>>, vector<16xf32>,
    %broadcast_in_dim3A_21 = arith.constant 0.000000e+00 : f32
    %broadcast_in_dim3A_22 = vector.broadcast %broadcast_in_dim3A_21 : f32 to vector<16xf32>
    %swap3A_23 = arith.constant 16 : index
    %swap3A_24 = tpu.vector_load %arg13[%swap3A_23] {strides = array<i32>} : memref<128xf32, #tpu.memory_space<vmem>>, vector<16xf32>,
    %swap3A_25 = vector.shape_cast %swap3A_24 : vector<16xf32> to vector<16xf32>
    %swap3A_26 = vector.shape_cast %broadcast_in_dim3A_22 : vector<16xf32> to vector<16xf32>
    tpu.vector_store %arg13[%swap3A_23], %swap3A_26 {strides = array<i32>} : memref<128xf32, #tpu.memory_space<vmem>>, vector<16xf32>,
    %broadcast_in_dim3A_27 = arith.constant 1.000000e+00 : f32
    %broadcast_in_dim3A_28 = vector.broadcast %broadcast_in_dim3A_27 : f32 to vector<16xf32>
    %swap3A_29 = arith.constant 32 : index
    %swap3A_30 = tpu.vector_load %arg12[%swap3A_29] {strides = array<i32>} : memref<128xf32, #tpu.memory_space<vmem>>, vector<16xf32>,
    %swap3A_31 = vector.shape_cast %swap3A_30 : vector<16xf32> to vector<16xf32>
    %swap3A_32 = vector.shape_cast %broadcast_in_dim3A_28 : vector<16xf32> to vector<16xf32>
    tpu.vector_store %arg12[%swap3A_29], %swap3A_32 {strides = array<i32>} : memref<128xf32, #tpu.memory_space<vmem>>, vector<16xf32>,
    %broadcast_in_dim3A_33 = arith.constant 0.000000e+00 : f32
    %broadcast_in_dim3A_34 = vector.broadcast %broadcast_in_dim3A_33 : f32 to vector<16xf32>
    %swap3A_35 = arith.constant 32 : index
    %swap3A_36 = tpu.vector_load %arg13[%swap3A_35] {strides = array<i32>} : memref<128xf32, #tpu.memory_space<vmem>>, vector<16xf32>,
    %swap3A_37 = vector.shape_cast %swap3A_36 : vector<16xf32> to vector<16xf32>
    %swap3A_38 = vector.shape_cast %broadcast_in_dim3A_34 : vector<16xf32> to vector<16xf32>
    tpu.vector_store %arg13[%swap3A_35], %swap3A_38 {strides = array<i32>} : memref<128xf32, #tpu.memory_space<vmem>>, vector<16xf32>,
    %broadcast_in_dim3A_39 = arith.constant 1.000000e+00 : f32
    %broadcast_in_dim3A_40 = vector.broadcast %broadcast_in_dim3A_39 : f32 to vector<16xf32>
    %swap3A_41 = arith.constant 48 : index
    %swap3A_42 = tpu.vector_load %arg12[%swap3A_41] {strides = array<i32>} : memref<128xf32, #tpu.memory_space<vmem>>, vector<16xf32>,
    %swap3A_43 = vector.shape_cast %swap3A_42 : vector<16xf32> to vector<16xf32>
    %swap3A_44 = vector.shape_cast %broadcast_in_dim3A_40 : vector<16xf32> to vector<16xf32>
    tpu.vector_store %arg12[%swap3A_41], %swap3A_44 {strides = array<i32>} : memref<128xf32, #tpu.memory_space<vmem>>, vector<16xf32>,
    %broadcast_in_dim3A_45 = arith.constant 0.000000e+00 : f32
    %broadcast_in_dim3A_46 = vector.broadcast %broadcast_in_dim3A_45 : f32 to vector<16xf32>
    %swap3A_47 = arith.constant 48 : index
    %swap3A_48 = tpu.vector_load %arg13[%swap3A_47] {strides = array<i32>} : memref<128xf32, #tpu.memory_space<vmem>>, vector<16xf32>,
    %swap3A_49 = vector.shape_cast %swap3A_48 : vector<16xf32> to vector<16xf32>
    %swap3A_50 = vector.shape_cast %broadcast_in_dim3A_46 : vector<16xf32> to vector<16xf32>
    tpu.vector_store %arg13[%swap3A_47], %swap3A_50 {strides = array<i32>} : memref<128xf32, #tpu.memory_space<vmem>>, vector<16xf32>,
    %broadcast_in_dim3A_51 = arith.constant 1.000000e+00 : f32
    %broadcast_in_dim3A_52 = vector.broadcast %broadcast_in_dim3A_51 : f32 to vector<16xf32>
    %swap3A_53 = arith.constant 64 : index
    %swap3A_54 = tpu.vector_load %arg12[%swap3A_53] {strides = array<i32>} : memref<128xf32, #tpu.memory_space<vmem>>, vector<16xf32>,
    %swap3A_55 = vector.shape_cast %swap3A_54 : vector<16xf32> to vector<16xf32>
    %swap3A_56 = vector.shape_cast %broadcast_in_dim3A_52 : vector<16xf32> to vector<16xf32>
    tpu.vector_store %arg12[%swap3A_53], %swap3A_56 {strides = array<i32>} : memref<128xf32, #tpu.memory_space<vmem>>, vector<16xf32>,
    %broadcast_in_dim3A_57 = arith.constant 0.000000e+00 : f32
    %broadcast_in_dim3A_58 = vector.broadcast %broadcast_in_dim3A_57 : f32 to vector<16xf32>
    %swap3A_59 = arith.constant 64 : index
    %swap3A_60 = tpu.vector_load %arg13[%swap3A_59] {strides = array<i32>} : memref<128xf32, #tpu.memory_space<vmem>>, vector<16xf32>,
    %swap3A_61 = vector.shape_cast %swap3A_60 : vector<16xf32> to vector<16xf32>
    %swap3A_62 = vector.shape_cast %broadcast_in_dim3A_58 : vector<16xf32> to vector<16xf32>
    tpu.vector_store %arg13[%swap3A_59], %swap3A_62 {strides = array<i32>} : memref<128xf32, #tpu.memory_space<vmem>>, vector<16xf32>,
    %broadcast_in_dim3A_63 = arith.constant 1.000000e+00 : f32
    %broadcast_in_dim3A_64 = vector.broadcast %broadcast_in_dim3A_63 : f32 to vector<16xf32>
    %swap3A_65 = arith.constant 80 : index
    %swap3A_66 = tpu.vector_load %arg12[%swap3A_65] {strides = array<i32>} : memref<128xf32, #tpu.memory_space<vmem>>, vector<16xf32>,
    %swap3A_67 = vector.shape_cast %swap3A_66 : vector<16xf32> to vector<16xf32>
    %swap3A_68 = vector.shape_cast %broadcast_in_dim3A_64 : vector<16xf32> to vector<16xf32>
    tpu.vector_store %arg12[%swap3A_65], %swap3A_68 {strides = array<i32>} : memref<128xf32, #tpu.memory_space<vmem>>, vector<16xf32>,
    %broadcast_in_dim3A_69 = arith.constant 0.000000e+00 : f32
    %broadcast_in_dim3A_70 = vector.broadcast %broadcast_in_dim3A_69 : f32 to vector<16xf32>
    %swap3A_71 = arith.constant 80 : index
    %swap3A_72 = tpu.vector_load %arg13[%swap3A_71] {strides = array<i32>} : memref<128xf32, #tpu.memory_space<vmem>>, vector<16xf32>,
    %swap3A_73 = vector.shape_cast %swap3A_72 : vector<16xf32> to vector<16xf32>
    %swap3A_74 = vector.shape_cast %broadcast_in_dim3A_70 : vector<16xf32> to vector<16xf32>
    tpu.vector_store %arg13[%swap3A_71], %swap3A_74 {strides = array<i32>} : memref<128xf32, #tpu.memory_space<vmem>>, vector<16xf32>,
    %broadcast_in_dim3A_75 = arith.constant 1.000000e+00 : f32
    %broadcast_in_dim3A_76 = vector.broadcast %broadcast_in_dim3A_75 : f32 to vector<16xf32>
    %swap3A_77 = arith.constant 96 : index
    %swap3A_78 = tpu.vector_load %arg12[%swap3A_77] {strides = array<i32>} : memref<128xf32, #tpu.memory_space<vmem>>, vector<16xf32>,
    %swap3A_79 = vector.shape_cast %swap3A_78 : vector<16xf32> to vector<16xf32>
    %swap3A_80 = vector.shape_cast %broadcast_in_dim3A_76 : vector<16xf32> to vector<16xf32>
    tpu.vector_store %arg12[%swap3A_77], %swap3A_80 {strides = array<i32>} : memref<128xf32, #tpu.memory_space<vmem>>, vector<16xf32>,
    %broadcast_in_dim3A_81 = arith.constant 0.000000e+00 : f32
    %broadcast_in_dim3A_82 = vector.broadcast %broadcast_in_dim3A_81 : f32 to vector<16xf32>
    %swap3A_83 = arith.constant 96 : index
    %swap3A_84 = tpu.vector_load %arg13[%swap3A_83] {strides = array<i32>} : memref<128xf32, #tpu.memory_space<vmem>>, vector<16xf32>,
    %swap3A_85 = vector.shape_cast %swap3A_84 : vector<16xf32> to vector<16xf32>
    %swap3A_86 = vector.shape_cast %broadcast_in_dim3A_82 : vector<16xf32> to vector<16xf32>
    tpu.vector_store %arg13[%swap3A_83], %swap3A_86 {strides = array<i32>} : memref<128xf32, #tpu.memory_space<vmem>>, vector<16xf32>,
    %broadcast_in_dim3A_87 = arith.constant 1.000000e+00 : f32
    %broadcast_in_dim3A_88 = vector.broadcast %broadcast_in_dim3A_87 : f32 to vector<16xf32>
    %swap3A_89 = arith.constant 112 : index
    %swap3A_90 = tpu.vector_load %arg12[%swap3A_89] {strides = array<i32>} : memref<128xf32, #tpu.memory_space<vmem>>, vector<16xf32>,
    %swap3A_91 = vector.shape_cast %swap3A_90 : vector<16xf32> to vector<16xf32>
    %swap3A_92 = vector.shape_cast %broadcast_in_dim3A_88 : vector<16xf32> to vector<16xf32>
    tpu.vector_store %arg12[%swap3A_89], %swap3A_92 {strides = array<i32>} : memref<128xf32, #tpu.memory_space<vmem>>, vector<16xf32>,
    %broadcast_in_dim3A_93 = arith.constant 0.000000e+00 : f32
    %broadcast_in_dim3A_94 = vector.broadcast %broadcast_in_dim3A_93 : f32 to vector<16xf32>
    %swap3A_95 = arith.constant 112 : index
    %swap3A_96 = tpu.vector_load %arg13[%swap3A_95] {strides = array<i32>} : memref<128xf32, #tpu.memory_space<vmem>>, vector<16xf32>,
    %swap3A_97 = vector.shape_cast %swap3A_96 : vector<16xf32> to vector<16xf32>
    %swap3A_98 = vector.shape_cast %broadcast_in_dim3A_94 : vector<16xf32> to vector<16xf32>
    tpu.vector_store %arg13[%swap3A_95], %swap3A_98 {strides = array<i32>} : memref<128xf32, #tpu.memory_space<vmem>>, vector<16xf32>,
    %sub3A = arith.constant 79 : i32
    %sub3A_99 = arith.subi %sub3A, %arg1 : i32
    %add3A = arith.constant 16 : i32
    %add3A_100 = arith.addi %sub3A_99, %add3A : i32
    %sub3A_101 = arith.constant 1 : i32
    %sub3A_102 = arith.subi %add3A_100, %sub3A_101 : i32
    %jit3A = arith.constant 16 : i32
    %div3A = arith.divsi %sub3A_102, %jit3A : i32
    %sign3A = arith.constant 0 : i32
    %sign3A_103 = arith.cmpi sgt, %sub3A_102, %sign3A : i32
    %sign3A_104 = arith.extui %sign3A_103 : i1 to i32
    %sign3A_105 = arith.constant 0 : i32
    %sign3A_106 = arith.cmpi slt, %sub3A_102, %sign3A_105 : i32
    %sign3A_107 = arith.extui %sign3A_106 : i1 to i32
    %sign3A_108 = arith.subi %sign3A_104, %sign3A_107 : i32
    %sign3A_109 = arith.constant 0 : i32
    %sign3A_110 = arith.cmpi sgt, %jit3A, %sign3A_109 : i32
    %sign3A_111 = arith.extui %sign3A_110 : i1 to i32
    %sign3A_112 = arith.constant 0 : i32
    %sign3A_113 = arith.cmpi slt, %jit3A, %sign3A_112 : i32
    %sign3A_114 = arith.extui %sign3A_113 : i1 to i32
    %sign3A_115 = arith.subi %sign3A_111, %sign3A_114 : i32
    %ne3A = arith.cmpi ne, %sign3A_108, %sign3A_115 : i32
    %rem3A = arith.remsi %sub3A_102, %jit3A : i32
    %ne3A_116 = arith.constant 0 : i32
    %ne3A_117 = arith.cmpi ne, %rem3A, %ne3A_116 : i32
    %and3A = arith.andi %ne3A, %ne3A_117 : i1
    %sub3A_118 = arith.constant 1 : i32
    %sub3A_119 = arith.subi %div3A, %sub3A_118 : i32
    %select_n3A = arith.select %and3A, %sub3A_119, %div3A : i32
    %eq3A = arith.constant 0 : i32
    %eq3A_120 = arith.cmpi eq, %arg0, %eq3A : i32
    %convert_element_type3A = arith.extui %eq3A_120 : i1 to i32
    %cond3A = arith.constant 0 : i32
    %cond3A_121 = arith.cmpi ne, %convert_element_type3A, %cond3A : i32
    scf.if %cond3A_121 {
      %while3A = arith.constant 0 : i32
      %while3A_127 = arith.constant 0 : i32
      %while3A_128 = arith.subi %select_n3A, %while3A_127 : i32
      %while3A_129 = arith.addi %while3A_127, %while3A_128 : i32
      %while3A_130 = arith.constant 1 : i32
      %while3A_131 = arith.divsi %while3A_128, %while3A_130 : i32
      %while3A_132 = arith.muli %while3A_131, %while3A_130 : i32
      %while3A_133 = arith.addi %while3A_127, %while3A_132 : i32
      %while3A_134 = arith.constant 1 : i32
      scf.for %while3A_187 = %while3A_127 to %while3A_133 step %while3A_134  : i32 {
        %mul3A = arith.constant 16 : i32
        %mul3A_188 = arith.muli %mul3A, %while3A_187 : i32
        %add3A_189 = arith.addi %arg1, %mul3A_188 : i32
        %mul3A_190 = arith.constant 128 : i32
        %mul3A_191 = arith.muli %add3A_189, %mul3A_190 : i32
        "tpu.region"() ({
          %run_scoped3A = tpu.sem_alloc : memref<!tpu.dma_semaphore, #tpu.memory_space<semaphore_mem>>
          %dma_start3A = arith.constant 0 : i32
          %dma_start3A_192 = tpu.memref_slice %arg14[%mul3A_191, %dma_start3A] : memref<10112x128xf32, #tpu.memory_space<vmem_shared>> -> memref<128x128xf32, #tpu.memory_space<vmem_shared>>
          %dma_start3A_193 = arith.constant 0 : i32
          %dma_start3A_194 = tpu.memref_slice %arg14[%mul3A_191, %dma_start3A_193] : memref<10112x128xf32, #tpu.memory_space<vmem_shared>> -> memref<128x128xf32, #tpu.memory_space<vmem_shared>>
          tpu.enqueue_dma source(%arg10 : memref<128x128xf32, #tpu.memory_space<vmem>>) target(%dma_start3A_194 : memref<128x128xf32, #tpu.memory_space<vmem_shared>>) target_semaphore(%run_scoped3A : memref<!tpu.dma_semaphore, #tpu.memory_space<semaphore_mem>>)
          %dma_wait3A = arith.constant 0 : i32
          %dma_wait3A_195 = tpu.memref_slice %arg14[%mul3A_191, %dma_wait3A] : memref<10112x128xf32, #tpu.memory_space<vmem_shared>> -> memref<128x128xf32, #tpu.memory_space<vmem_shared>>
          %dma_wait3A_196 = arith.constant 0 : i32
          %dma_wait3A_197 = tpu.memref_slice %arg14[%mul3A_191, %dma_wait3A_196] : memref<10112x128xf32, #tpu.memory_space<vmem_shared>> -> memref<128x128xf32, #tpu.memory_space<vmem_shared>>
          tpu.wait_dma2 semaphore(%run_scoped3A : memref<!tpu.dma_semaphore, #tpu.memory_space<semaphore_mem>>) src(%arg10 : memref<128x128xf32, #tpu.memory_space<vmem>>) dst(%dma_wait3A_197 : memref<128x128xf32, #tpu.memory_space<vmem_shared>>)
          tpu.yield
        }) : () -> ()
        "tpu.region"() ({
          %run_scoped3A = tpu.sem_alloc : memref<!tpu.dma_semaphore, #tpu.memory_space<semaphore_mem>>
          %dma_start3A = tpu.memref_slice %arg15[%mul3A_191] : memref<10112xf32, #tpu.memory_space<vmem_shared>> -> memref<128xf32, #tpu.memory_space<vmem_shared>>
          %dma_start3A_192 = tpu.memref_slice %arg15[%mul3A_191] : memref<10112xf32, #tpu.memory_space<vmem_shared>> -> memref<128xf32, #tpu.memory_space<vmem_shared>>
          tpu.enqueue_dma source(%arg13 : memref<128xf32, #tpu.memory_space<vmem>>) target(%dma_start3A_192 : memref<128xf32, #tpu.memory_space<vmem_shared>>) target_semaphore(%run_scoped3A : memref<!tpu.dma_semaphore, #tpu.memory_space<semaphore_mem>>)
          %dma_wait3A = tpu.memref_slice %arg15[%mul3A_191] : memref<10112xf32, #tpu.memory_space<vmem_shared>> -> memref<128xf32, #tpu.memory_space<vmem_shared>>
          %dma_wait3A_193 = tpu.memref_slice %arg15[%mul3A_191] : memref<10112xf32, #tpu.memory_space<vmem_shared>> -> memref<128xf32, #tpu.memory_space<vmem_shared>>
          tpu.wait_dma2 semaphore(%run_scoped3A : memref<!tpu.dma_semaphore, #tpu.memory_space<semaphore_mem>>) src(%arg13 : memref<128xf32, #tpu.memory_space<vmem>>) dst(%dma_wait3A_193 : memref<128xf32, #tpu.memory_space<vmem_shared>>)
          tpu.yield
        }) : () -> ()
      }
      %while3A_135 = arith.constant 1 : i32
      scf.for %while3A_187 = %while3A_133 to %while3A_129 step %while3A_135  : i32 {
        %mul3A = arith.constant 16 : i32
        %mul3A_188 = arith.muli %mul3A, %while3A_187 : i32
        %add3A_189 = arith.addi %arg1, %mul3A_188 : i32
        %mul3A_190 = arith.constant 128 : i32
        %mul3A_191 = arith.muli %add3A_189, %mul3A_190 : i32
        "tpu.region"() ({
          %run_scoped3A = tpu.sem_alloc : memref<!tpu.dma_semaphore, #tpu.memory_space<semaphore_mem>>
          %dma_start3A = arith.constant 0 : i32
          %dma_start3A_192 = tpu.memref_slice %arg14[%mul3A_191, %dma_start3A] : memref<10112x128xf32, #tpu.memory_space<vmem_shared>> -> memref<128x128xf32, #tpu.memory_space<vmem_shared>>
          %dma_start3A_193 = arith.constant 0 : i32
          %dma_start3A_194 = tpu.memref_slice %arg14[%mul3A_191, %dma_start3A_193] : memref<10112x128xf32, #tpu.memory_space<vmem_shared>> -> memref<128x128xf32, #tpu.memory_space<vmem_shared>>
          tpu.enqueue_dma source(%arg10 : memref<128x128xf32, #tpu.memory_space<vmem>>) target(%dma_start3A_194 : memref<128x128xf32, #tpu.memory_space<vmem_shared>>) target_semaphore(%run_scoped3A : memref<!tpu.dma_semaphore, #tpu.memory_space<semaphore_mem>>)
          %dma_wait3A = arith.constant 0 : i32
          %dma_wait3A_195 = tpu.memref_slice %arg14[%mul3A_191, %dma_wait3A] : memref<10112x128xf32, #tpu.memory_space<vmem_shared>> -> memref<128x128xf32, #tpu.memory_space<vmem_shared>>
          %dma_wait3A_196 = arith.constant 0 : i32
          %dma_wait3A_197 = tpu.memref_slice %arg14[%mul3A_191, %dma_wait3A_196] : memref<10112x128xf32, #tpu.memory_space<vmem_shared>> -> memref<128x128xf32, #tpu.memory_space<vmem_shared>>
          tpu.wait_dma2 semaphore(%run_scoped3A : memref<!tpu.dma_semaphore, #tpu.memory_space<semaphore_mem>>) src(%arg10 : memref<128x128xf32, #tpu.memory_space<vmem>>) dst(%dma_wait3A_197 : memref<128x128xf32, #tpu.memory_space<vmem_shared>>)
          tpu.yield
        }) : () -> ()
        "tpu.region"() ({
          %run_scoped3A = tpu.sem_alloc : memref<!tpu.dma_semaphore, #tpu.memory_space<semaphore_mem>>
          %dma_start3A = tpu.memref_slice %arg15[%mul3A_191] : memref<10112xf32, #tpu.memory_space<vmem_shared>> -> memref<128xf32, #tpu.memory_space<vmem_shared>>
          %dma_start3A_192 = tpu.memref_slice %arg15[%mul3A_191] : memref<10112xf32, #tpu.memory_space<vmem_shared>> -> memref<128xf32, #tpu.memory_space<vmem_shared>>
          tpu.enqueue_dma source(%arg13 : memref<128xf32, #tpu.memory_space<vmem>>) target(%dma_start3A_192 : memref<128xf32, #tpu.memory_space<vmem_shared>>) target_semaphore(%run_scoped3A : memref<!tpu.dma_semaphore, #tpu.memory_space<semaphore_mem>>)
          %dma_wait3A = tpu.memref_slice %arg15[%mul3A_191] : memref<10112xf32, #tpu.memory_space<vmem_shared>> -> memref<128xf32, #tpu.memory_space<vmem_shared>>
          %dma_wait3A_193 = tpu.memref_slice %arg15[%mul3A_191] : memref<10112xf32, #tpu.memory_space<vmem_shared>> -> memref<128xf32, #tpu.memory_space<vmem_shared>>
          tpu.wait_dma2 semaphore(%run_scoped3A : memref<!tpu.dma_semaphore, #tpu.memory_space<semaphore_mem>>) src(%arg13 : memref<128xf32, #tpu.memory_space<vmem>>) dst(%dma_wait3A_193 : memref<128xf32, #tpu.memory_space<vmem_shared>>)
          tpu.yield
        }) : () -> ()
      }
      %barrier3A = arith.constant 0 : index
      tpu.barrier barrier_id(%barrier3A)
      %sub3A_136 = arith.constant 1250 : i32
      %sub3A_137 = arith.subi %sub3A_136, %arg1 : i32
      %add3A_138 = arith.constant 16 : i32
      %add3A_139 = arith.addi %sub3A_137, %add3A_138 : i32
      %sub3A_140 = arith.constant 1 : i32
      %sub3A_141 = arith.subi %add3A_139, %sub3A_140 : i32
      %jit3A_142 = arith.constant 16 : i32
      %div3A_143 = arith.divsi %sub3A_141, %jit3A_142 : i32
      %sign3A_144 = arith.constant 0 : i32
      %sign3A_145 = arith.cmpi sgt, %sub3A_141, %sign3A_144 : i32
      %sign3A_146 = arith.extui %sign3A_145 : i1 to i32
      %sign3A_147 = arith.constant 0 : i32
      %sign3A_148 = arith.cmpi slt, %sub3A_141, %sign3A_147 : i32
      %sign3A_149 = arith.extui %sign3A_148 : i1 to i32
      %sign3A_150 = arith.subi %sign3A_146, %sign3A_149 : i32
      %sign3A_151 = arith.constant 0 : i32
      %sign3A_152 = arith.cmpi sgt, %jit3A_142, %sign3A_151 : i32
      %sign3A_153 = arith.extui %sign3A_152 : i1 to i32
      %sign3A_154 = arith.constant 0 : i32
      %sign3A_155 = arith.cmpi slt, %jit3A_142, %sign3A_154 : i32
      %sign3A_156 = arith.extui %sign3A_155 : i1 to i32
      %sign3A_157 = arith.subi %sign3A_153, %sign3A_156 : i32
      %ne3A_158 = arith.cmpi ne, %sign3A_150, %sign3A_157 : i32
      %rem3A_159 = arith.remsi %sub3A_141, %jit3A_142 : i32
      %ne3A_160 = arith.constant 0 : i32
      %ne3A_161 = arith.cmpi ne, %rem3A_159, %ne3A_160 : i32
      %and3A_162 = arith.andi %ne3A_158, %ne3A_161 : i1
      %sub3A_163 = arith.constant 1 : i32
      %sub3A_164 = arith.subi %div3A_143, %sub3A_163 : i32
      %select_n3A_165 = arith.select %and3A_162, %sub3A_164, %div3A_143 : i32
      %while3A_166 = arith.constant 0 : i32
      %while3A_167 = arith.constant 0 : i32
      %while3A_168 = arith.subi %select_n3A_165, %while3A_167 : i32
      %while3A_169 = arith.addi %while3A_167, %while3A_168 : i32
      %while3A_170 = arith.constant 1 : i32
      %while3A_171 = arith.divsi %while3A_168, %while3A_170 : i32
      %while3A_172 = arith.muli %while3A_171, %while3A_170 : i32
      %while3A_173 = arith.addi %while3A_167, %while3A_172 : i32
      %while3A_174 = arith.constant 1 : i32
      scf.for %while3A_187 = %while3A_167 to %while3A_173 step %while3A_174  : i32 {
        %mul3A = arith.constant 16 : i32
        %mul3A_188 = arith.muli %mul3A, %while3A_187 : i32
        %add3A_189 = arith.addi %arg1, %mul3A_188 : i32
        %mul3A_190 = arith.constant 128 : i32
        %mul3A_191 = arith.muli %add3A_189, %mul3A_190 : i32
        "tpu.region"() ({
          %run_scoped3A_205 = tpu.sem_alloc : memref<!tpu.dma_semaphore, #tpu.memory_space<semaphore_mem>>
          %dma_start3A_206 = arith.constant 0 : i32
          %dma_start3A_207 = tpu.memref_slice %arg4[%dma_start3A_206, %mul3A_191] : memref<2x160000xi32, #tpu.memory_space<hbm>> -> memref<2x128xi32, #tpu.memory_space<hbm>>
          %dma_start3A_208 = arith.constant 0 : i32
          %dma_start3A_209 = tpu.memref_slice %arg4[%dma_start3A_208, %mul3A_191] : memref<2x160000xi32, #tpu.memory_space<hbm>> -> memref<2x128xi32, #tpu.memory_space<hbm>>
          tpu.enqueue_dma source(%dma_start3A_209 : memref<2x128xi32, #tpu.memory_space<hbm>>) target(%arg11 : memref<2x128xi32, #tpu.memory_space<vmem>>) target_semaphore(%run_scoped3A_205 : memref<!tpu.dma_semaphore, #tpu.memory_space<semaphore_mem>>)
          %dma_wait3A_210 = arith.constant 0 : i32
          %dma_wait3A_211 = tpu.memref_slice %arg4[%dma_wait3A_210, %mul3A_191] : memref<2x160000xi32, #tpu.memory_space<hbm>> -> memref<2x128xi32, #tpu.memory_space<hbm>>
          %dma_wait3A_212 = arith.constant 0 : i32
          %dma_wait3A_213 = tpu.memref_slice %arg4[%dma_wait3A_212, %mul3A_191] : memref<2x160000xi32, #tpu.memory_space<hbm>> -> memref<2x128xi32, #tpu.memory_space<hbm>>
          tpu.wait_dma2 semaphore(%run_scoped3A_205 : memref<!tpu.dma_semaphore, #tpu.memory_space<semaphore_mem>>) src(%dma_wait3A_213 : memref<2x128xi32, #tpu.memory_space<hbm>>) dst(%arg11 : memref<2x128xi32, #tpu.memory_space<vmem>>)
          tpu.yield
        }) : () -> ()
        %dma_start3A = arith.constant 0 : i32
        %dma_start3A_192 = arith.constant 0 : i32
        %dma_start3A_193 = tpu.memref_slice %arg11[%dma_start3A, %dma_start3A_192] : memref<2x128xi32, #tpu.memory_space<vmem>> -> memref<1x128xi32, #tpu.memory_space<vmem>>
        %dma_start3A_194 = tpu.memref_squeeze %dma_start3A_193 : memref<1x128xi32, #tpu.memory_space<vmem>> -> memref<128xi32, #tpu.memory_space<vmem>>
        %dma_start3A_195 = arith.constant 0 : i32
        %dma_start3A_196 = arith.constant 0 : i32
        %dma_start3A_197 = tpu.memref_slice %arg2[%dma_start3A_195, %dma_start3A_196] : memref<10000x128xf32, #tpu.memory_space<hbm>> -> memref<10000x128xf32, #tpu.memory_space<hbm>>
        tpu.enqueue_indirect_dma source(%dma_start3A_197 : memref<10000x128xf32, #tpu.memory_space<hbm>>) target(%arg10 : memref<128x128xf32, #tpu.memory_space<vmem>>) offsets(%dma_start3A_194 : memref<128xi32, #tpu.memory_space<vmem>>) semaphore(%arg16 : memref<!tpu.dma_semaphore, #tpu.memory_space<semaphore_mem>>)
        %dma_wait3A = arith.constant 0 : i32
        %dma_wait3A_198 = arith.constant 0 : i32
        %dma_wait3A_199 = tpu.memref_slice %arg11[%dma_wait3A, %dma_wait3A_198] : memref<2x128xi32, #tpu.memory_space<vmem>> -> memref<1x128xi32, #tpu.memory_space<vmem>>
        %dma_wait3A_200 = tpu.memref_squeeze %dma_wait3A_199 : memref<1x128xi32, #tpu.memory_space<vmem>> -> memref<128xi32, #tpu.memory_space<vmem>>
        %dma_wait3A_201 = arith.constant 0 : i32
        %dma_wait3A_202 = arith.constant 0 : i32
        %dma_wait3A_203 = tpu.memref_slice %arg2[%dma_wait3A_201, %dma_wait3A_202] : memref<10000x128xf32, #tpu.memory_space<hbm>> -> memref<10000x128xf32, #tpu.memory_space<hbm>>
        tpu.wait_indirect_dma semaphore(%arg16 : memref<!tpu.dma_semaphore, #tpu.memory_space<semaphore_mem>>) src(%dma_wait3A_203 : memref<10000x128xf32, #tpu.memory_space<hbm>>) dst(%arg10 : memref<128x128xf32, #tpu.memory_space<vmem>>)
        %run_scoped3A = arith.constant 1 : i32
        "tpu.region"() ({
          %run_scoped3A_205 = tpu.sem_alloc : memref<!tpu.dma_semaphore, #tpu.memory_space<semaphore_mem>>
          %dma_start3A_206 = arith.constant 0 : i32
          %dma_start3A_207 = tpu.memref_slice %arg11[%run_scoped3A, %dma_start3A_206] : memref<2x128xi32, #tpu.memory_space<vmem>> -> memref<1x128xi32, #tpu.memory_space<vmem>>
          %dma_start3A_208 = tpu.memref_squeeze %dma_start3A_207 : memref<1x128xi32, #tpu.memory_space<vmem>> -> memref<128xi32, #tpu.memory_space<vmem>>
          %dma_start3A_209 = arith.constant 0 : i32
          %dma_start3A_210 = arith.constant 0 : i32
          %dma_start3A_211 = tpu.memref_slice %arg14[%dma_start3A_209, %dma_start3A_210] : memref<10112x128xf32, #tpu.memory_space<vmem_shared>> -> memref<10112x128xf32, #tpu.memory_space<vmem_shared>>
          tpu.enqueue_indirect_dma source(%arg10 : memref<128x128xf32, #tpu.memory_space<vmem>>) target(%dma_start3A_211 : memref<10112x128xf32, #tpu.memory_space<vmem_shared>>) offsets(%dma_start3A_208 : memref<128xi32, #tpu.memory_space<vmem>>) semaphore(%run_scoped3A_205 : memref<!tpu.dma_semaphore, #tpu.memory_space<semaphore_mem>>) {add = true}
          %dma_wait3A_212 = arith.constant 0 : i32
          %dma_wait3A_213 = tpu.memref_slice %arg11[%run_scoped3A, %dma_wait3A_212] : memref<2x128xi32, #tpu.memory_space<vmem>> -> memref<1x128xi32, #tpu.memory_space<vmem>>
          %dma_wait3A_214 = tpu.memref_squeeze %dma_wait3A_213 : memref<1x128xi32, #tpu.memory_space<vmem>> -> memref<128xi32, #tpu.memory_space<vmem>>
          %dma_wait3A_215 = arith.constant 0 : i32
          %dma_wait3A_216 = arith.constant 0 : i32
          %dma_wait3A_217 = tpu.memref_slice %arg14[%dma_wait3A_215, %dma_wait3A_216] : memref<10112x128xf32, #tpu.memory_space<vmem_shared>> -> memref<10112x128xf32, #tpu.memory_space<vmem_shared>>
          tpu.wait_indirect_dma semaphore(%run_scoped3A_205 : memref<!tpu.dma_semaphore, #tpu.memory_space<semaphore_mem>>) src(%arg10 : memref<128x128xf32, #tpu.memory_space<vmem>>) dst(%dma_wait3A_217 : memref<10112x128xf32, #tpu.memory_space<vmem_shared>>)
          tpu.yield
        }) : () -> ()
        %run_scoped3A_204 = arith.constant 1 : i32
        "tpu.region"() ({
          %run_scoped3A_205 = tpu.sem_alloc : memref<!tpu.dma_semaphore, #tpu.memory_space<semaphore_mem>>
          %dma_start3A_206 = arith.constant 0 : i32
          %dma_start3A_207 = tpu.memref_slice %arg11[%run_scoped3A_204, %dma_start3A_206] : memref<2x128xi32, #tpu.memory_space<vmem>> -> memref<1x128xi32, #tpu.memory_space<vmem>>
          %dma_start3A_208 = tpu.memref_squeeze %dma_start3A_207 : memref<1x128xi32, #tpu.memory_space<vmem>> -> memref<128xi32, #tpu.memory_space<vmem>>
          %dma_start3A_209 = arith.constant 0 : i32
          %dma_start3A_210 = tpu.memref_slice %arg15[%dma_start3A_209] : memref<10112xf32, #tpu.memory_space<vmem_shared>> -> memref<10112xf32, #tpu.memory_space<vmem_shared>>
          tpu.enqueue_indirect_dma source(%arg12 : memref<128xf32, #tpu.memory_space<vmem>>) target(%dma_start3A_210 : memref<10112xf32, #tpu.memory_space<vmem_shared>>) offsets(%dma_start3A_208 : memref<128xi32, #tpu.memory_space<vmem>>) semaphore(%run_scoped3A_205 : memref<!tpu.dma_semaphore, #tpu.memory_space<semaphore_mem>>) {add = true}
          %dma_wait3A_211 = arith.constant 0 : i32
          %dma_wait3A_212 = tpu.memref_slice %arg11[%run_scoped3A_204, %dma_wait3A_211] : memref<2x128xi32, #tpu.memory_space<vmem>> -> memref<1x128xi32, #tpu.memory_space<vmem>>
          %dma_wait3A_213 = tpu.memref_squeeze %dma_wait3A_212 : memref<1x128xi32, #tpu.memory_space<vmem>> -> memref<128xi32, #tpu.memory_space<vmem>>
          %dma_wait3A_214 = arith.constant 0 : i32
          %dma_wait3A_215 = tpu.memref_slice %arg15[%dma_wait3A_214] : memref<10112xf32, #tpu.memory_space<vmem_shared>> -> memref<10112xf32, #tpu.memory_space<vmem_shared>>
          tpu.wait_indirect_dma semaphore(%run_scoped3A_205 : memref<!tpu.dma_semaphore, #tpu.memory_space<semaphore_mem>>) src(%arg12 : memref<128xf32, #tpu.memory_space<vmem>>) dst(%dma_wait3A_215 : memref<10112xf32, #tpu.memory_space<vmem_shared>>)
          tpu.yield
        }) : () -> ()
      }
      %while3A_175 = arith.constant 1 : i32
      scf.for %while3A_187 = %while3A_173 to %while3A_169 step %while3A_175  : i32 {
        %mul3A = arith.constant 16 : i32
        %mul3A_188 = arith.muli %mul3A, %while3A_187 : i32
        %add3A_189 = arith.addi %arg1, %mul3A_188 : i32
        %mul3A_190 = arith.constant 128 : i32
        %mul3A_191 = arith.muli %add3A_189, %mul3A_190 : i32
        "tpu.region"() ({
          %run_scoped3A_205 = tpu.sem_alloc : memref<!tpu.dma_semaphore, #tpu.memory_space<semaphore_mem>>
          %dma_start3A_206 = arith.constant 0 : i32
          %dma_start3A_207 = tpu.memref_slice %arg4[%dma_start3A_206, %mul3A_191] : memref<2x160000xi32, #tpu.memory_space<hbm>> -> memref<2x128xi32, #tpu.memory_space<hbm>>
          %dma_start3A_208 = arith.constant 0 : i32
          %dma_start3A_209 = tpu.memref_slice %arg4[%dma_start3A_208, %mul3A_191] : memref<2x160000xi32, #tpu.memory_space<hbm>> -> memref<2x128xi32, #tpu.memory_space<hbm>>
          tpu.enqueue_dma source(%dma_start3A_209 : memref<2x128xi32, #tpu.memory_space<hbm>>) target(%arg11 : memref<2x128xi32, #tpu.memory_space<vmem>>) target_semaphore(%run_scoped3A_205 : memref<!tpu.dma_semaphore, #tpu.memory_space<semaphore_mem>>)
          %dma_wait3A_210 = arith.constant 0 : i32
          %dma_wait3A_211 = tpu.memref_slice %arg4[%dma_wait3A_210, %mul3A_191] : memref<2x160000xi32, #tpu.memory_space<hbm>> -> memref<2x128xi32, #tpu.memory_space<hbm>>
          %dma_wait3A_212 = arith.constant 0 : i32
          %dma_wait3A_213 = tpu.memref_slice %arg4[%dma_wait3A_212, %mul3A_191] : memref<2x160000xi32, #tpu.memory_space<hbm>> -> memref<2x128xi32, #tpu.memory_space<hbm>>
          tpu.wait_dma2 semaphore(%run_scoped3A_205 : memref<!tpu.dma_semaphore, #tpu.memory_space<semaphore_mem>>) src(%dma_wait3A_213 : memref<2x128xi32, #tpu.memory_space<hbm>>) dst(%arg11 : memref<2x128xi32, #tpu.memory_space<vmem>>)
          tpu.yield
        }) : () -> ()
        %dma_start3A = arith.constant 0 : i32
        %dma_start3A_192 = arith.constant 0 : i32
        %dma_start3A_193 = tpu.memref_slice %arg11[%dma_start3A, %dma_start3A_192] : memref<2x128xi32, #tpu.memory_space<vmem>> -> memref<1x128xi32, #tpu.memory_space<vmem>>
        %dma_start3A_194 = tpu.memref_squeeze %dma_start3A_193 : memref<1x128xi32, #tpu.memory_space<vmem>> -> memref<128xi32, #tpu.memory_space<vmem>>
        %dma_start3A_195 = arith.constant 0 : i32
        %dma_start3A_196 = arith.constant 0 : i32
        %dma_start3A_197 = tpu.memref_slice %arg2[%dma_start3A_195, %dma_start3A_196] : memref<10000x128xf32, #tpu.memory_space<hbm>> -> memref<10000x128xf32, #tpu.memory_space<hbm>>
        tpu.enqueue_indirect_dma source(%dma_start3A_197 : memref<10000x128xf32, #tpu.memory_space<hbm>>) target(%arg10 : memref<128x128xf32, #tpu.memory_space<vmem>>) offsets(%dma_start3A_194 : memref<128xi32, #tpu.memory_space<vmem>>) semaphore(%arg16 : memref<!tpu.dma_semaphore, #tpu.memory_space<semaphore_mem>>)
        %dma_wait3A = arith.constant 0 : i32
        %dma_wait3A_198 = arith.constant 0 : i32
        %dma_wait3A_199 = tpu.memref_slice %arg11[%dma_wait3A, %dma_wait3A_198] : memref<2x128xi32, #tpu.memory_space<vmem>> -> memref<1x128xi32, #tpu.memory_space<vmem>>
        %dma_wait3A_200 = tpu.memref_squeeze %dma_wait3A_199 : memref<1x128xi32, #tpu.memory_space<vmem>> -> memref<128xi32, #tpu.memory_space<vmem>>
        %dma_wait3A_201 = arith.constant 0 : i32
        %dma_wait3A_202 = arith.constant 0 : i32
        %dma_wait3A_203 = tpu.memref_slice %arg2[%dma_wait3A_201, %dma_wait3A_202] : memref<10000x128xf32, #tpu.memory_space<hbm>> -> memref<10000x128xf32, #tpu.memory_space<hbm>>
        tpu.wait_indirect_dma semaphore(%arg16 : memref<!tpu.dma_semaphore, #tpu.memory_space<semaphore_mem>>) src(%dma_wait3A_203 : memref<10000x128xf32, #tpu.memory_space<hbm>>) dst(%arg10 : memref<128x128xf32, #tpu.memory_space<vmem>>)
        %run_scoped3A = arith.constant 1 : i32
        "tpu.region"() ({
          %run_scoped3A_205 = tpu.sem_alloc : memref<!tpu.dma_semaphore, #tpu.memory_space<semaphore_mem>>
          %dma_start3A_206 = arith.constant 0 : i32
          %dma_start3A_207 = tpu.memref_slice %arg11[%run_scoped3A, %dma_start3A_206] : memref<2x128xi32, #tpu.memory_space<vmem>> -> memref<1x128xi32, #tpu.memory_space<vmem>>
          %dma_start3A_208 = tpu.memref_squeeze %dma_start3A_207 : memref<1x128xi32, #tpu.memory_space<vmem>> -> memref<128xi32, #tpu.memory_space<vmem>>
          %dma_start3A_209 = arith.constant 0 : i32
          %dma_start3A_210 = arith.constant 0 : i32
          %dma_start3A_211 = tpu.memref_slice %arg14[%dma_start3A_209, %dma_start3A_210] : memref<10112x128xf32, #tpu.memory_space<vmem_shared>> -> memref<10112x128xf32, #tpu.memory_space<vmem_shared>>
          tpu.enqueue_indirect_dma source(%arg10 : memref<128x128xf32, #tpu.memory_space<vmem>>) target(%dma_start3A_211 : memref<10112x128xf32, #tpu.memory_space<vmem_shared>>) offsets(%dma_start3A_208 : memref<128xi32, #tpu.memory_space<vmem>>) semaphore(%run_scoped3A_205 : memref<!tpu.dma_semaphore, #tpu.memory_space<semaphore_mem>>) {add = true}
          %dma_wait3A_212 = arith.constant 0 : i32
          %dma_wait3A_213 = tpu.memref_slice %arg11[%run_scoped3A, %dma_wait3A_212] : memref<2x128xi32, #tpu.memory_space<vmem>> -> memref<1x128xi32, #tpu.memory_space<vmem>>
          %dma_wait3A_214 = tpu.memref_squeeze %dma_wait3A_213 : memref<1x128xi32, #tpu.memory_space<vmem>> -> memref<128xi32, #tpu.memory_space<vmem>>
          %dma_wait3A_215 = arith.constant 0 : i32
          %dma_wait3A_216 = arith.constant 0 : i32
          %dma_wait3A_217 = tpu.memref_slice %arg14[%dma_wait3A_215, %dma_wait3A_216] : memref<10112x128xf32, #tpu.memory_space<vmem_shared>> -> memref<10112x128xf32, #tpu.memory_space<vmem_shared>>
          tpu.wait_indirect_dma semaphore(%run_scoped3A_205 : memref<!tpu.dma_semaphore, #tpu.memory_space<semaphore_mem>>) src(%arg10 : memref<128x128xf32, #tpu.memory_space<vmem>>) dst(%dma_wait3A_217 : memref<10112x128xf32, #tpu.memory_space<vmem_shared>>)
          tpu.yield
        }) : () -> ()
        %run_scoped3A_204 = arith.constant 1 : i32
        "tpu.region"() ({
          %run_scoped3A_205 = tpu.sem_alloc : memref<!tpu.dma_semaphore, #tpu.memory_space<semaphore_mem>>
          %dma_start3A_206 = arith.constant 0 : i32
          %dma_start3A_207 = tpu.memref_slice %arg11[%run_scoped3A_204, %dma_start3A_206] : memref<2x128xi32, #tpu.memory_space<vmem>> -> memref<1x128xi32, #tpu.memory_space<vmem>>
          %dma_start3A_208 = tpu.memref_squeeze %dma_start3A_207 : memref<1x128xi32, #tpu.memory_space<vmem>> -> memref<128xi32, #tpu.memory_space<vmem>>
          %dma_start3A_209 = arith.constant 0 : i32
          %dma_start3A_210 = tpu.memref_slice %arg15[%dma_start3A_209] : memref<10112xf32, #tpu.memory_space<vmem_shared>> -> memref<10112xf32, #tpu.memory_space<vmem_shared>>
          tpu.enqueue_indirect_dma source(%arg12 : memref<128xf32, #tpu.memory_space<vmem>>) target(%dma_start3A_210 : memref<10112xf32, #tpu.memory_space<vmem_shared>>) offsets(%dma_start3A_208 : memref<128xi32, #tpu.memory_space<vmem>>) semaphore(%run_scoped3A_205 : memref<!tpu.dma_semaphore, #tpu.memory_space<semaphore_mem>>) {add = true}
          %dma_wait3A_211 = arith.constant 0 : i32
          %dma_wait3A_212 = tpu.memref_slice %arg11[%run_scoped3A_204, %dma_wait3A_211] : memref<2x128xi32, #tpu.memory_space<vmem>> -> memref<1x128xi32, #tpu.memory_space<vmem>>
          %dma_wait3A_213 = tpu.memref_squeeze %dma_wait3A_212 : memref<1x128xi32, #tpu.memory_space<vmem>> -> memref<128xi32, #tpu.memory_space<vmem>>
          %dma_wait3A_214 = arith.constant 0 : i32
          %dma_wait3A_215 = tpu.memref_slice %arg15[%dma_wait3A_214] : memref<10112xf32, #tpu.memory_space<vmem_shared>> -> memref<10112xf32, #tpu.memory_space<vmem_shared>>
          tpu.wait_indirect_dma semaphore(%run_scoped3A_205 : memref<!tpu.dma_semaphore, #tpu.memory_space<semaphore_mem>>) src(%arg12 : memref<128xf32, #tpu.memory_space<vmem>>) dst(%dma_wait3A_215 : memref<10112xf32, #tpu.memory_space<vmem_shared>>)
          tpu.yield
        }) : () -> ()
      }
      %barrier3A_176 = arith.constant 0 : index
      tpu.barrier barrier_id(%barrier3A_176)
      %while3A_177 = arith.constant 0 : i32
      %while3A_178 = arith.constant 0 : i32
      %while3A_179 = arith.subi %select_n3A, %while3A_178 : i32
      %while3A_180 = arith.addi %while3A_178, %while3A_179 : i32
      %while3A_181 = arith.constant 1 : i32
      %while3A_182 = arith.divsi %while3A_179, %while3A_181 : i32
      %while3A_183 = arith.muli %while3A_182, %while3A_181 : i32
      %while3A_184 = arith.addi %while3A_178, %while3A_183 : i32
      %while3A_185 = arith.constant 1 : i32
      scf.for %while3A_187 = %while3A_178 to %while3A_184 step %while3A_185  : i32 {
        %mul3A = arith.constant 16 : i32
        %mul3A_188 = arith.muli %mul3A, %while3A_187 : i32
        %add3A_189 = arith.addi %arg1, %mul3A_188 : i32
        %mul3A_190 = arith.constant 128 : i32
        %mul3A_191 = arith.muli %add3A_189, %mul3A_190 : i32
        "tpu.region"() ({
          %run_scoped3A = tpu.sem_alloc : memref<!tpu.dma_semaphore, #tpu.memory_space<semaphore_mem>>
          %dma_start3A = arith.constant 0 : i32
          %dma_start3A_192 = tpu.memref_slice %arg6[%mul3A_191, %dma_start3A] : memref<10112x128xf32, #tpu.memory_space<hbm>> -> memref<128x128xf32, #tpu.memory_space<hbm>>
          %dma_start3A_193 = arith.constant 0 : i32
          %dma_start3A_194 = tpu.memref_slice %arg14[%mul3A_191, %dma_start3A_193] : memref<10112x128xf32, #tpu.memory_space<vmem_shared>> -> memref<128x128xf32, #tpu.memory_space<vmem_shared>>
          tpu.enqueue_dma source(%dma_start3A_194 : memref<128x128xf32, #tpu.memory_space<vmem_shared>>) target(%dma_start3A_192 : memref<128x128xf32, #tpu.memory_space<hbm>>) target_semaphore(%run_scoped3A : memref<!tpu.dma_semaphore, #tpu.memory_space<semaphore_mem>>)
          %dma_wait3A = arith.constant 0 : i32
          %dma_wait3A_195 = tpu.memref_slice %arg6[%mul3A_191, %dma_wait3A] : memref<10112x128xf32, #tpu.memory_space<hbm>> -> memref<128x128xf32, #tpu.memory_space<hbm>>
          %dma_wait3A_196 = arith.constant 0 : i32
          %dma_wait3A_197 = tpu.memref_slice %arg14[%mul3A_191, %dma_wait3A_196] : memref<10112x128xf32, #tpu.memory_space<vmem_shared>> -> memref<128x128xf32, #tpu.memory_space<vmem_shared>>
          tpu.wait_dma2 semaphore(%run_scoped3A : memref<!tpu.dma_semaphore, #tpu.memory_space<semaphore_mem>>) src(%dma_wait3A_197 : memref<128x128xf32, #tpu.memory_space<vmem_shared>>) dst(%dma_wait3A_195 : memref<128x128xf32, #tpu.memory_space<hbm>>)
          tpu.yield
        }) : () -> ()
        "tpu.region"() ({
          %run_scoped3A = tpu.sem_alloc : memref<!tpu.dma_semaphore, #tpu.memory_space<semaphore_mem>>
          %dma_start3A = tpu.memref_slice %arg8[%mul3A_191] : memref<10112xf32, #tpu.memory_space<hbm>> -> memref<128xf32, #tpu.memory_space<hbm>>
          %dma_start3A_192 = tpu.memref_slice %arg15[%mul3A_191] : memref<10112xf32, #tpu.memory_space<vmem_shared>> -> memref<128xf32, #tpu.memory_space<vmem_shared>>
          tpu.enqueue_dma source(%dma_start3A_192 : memref<128xf32, #tpu.memory_space<vmem_shared>>) target(%dma_start3A : memref<128xf32, #tpu.memory_space<hbm>>) target_semaphore(%run_scoped3A : memref<!tpu.dma_semaphore, #tpu.memory_space<semaphore_mem>>)
          %dma_wait3A = tpu.memref_slice %arg8[%mul3A_191] : memref<10112xf32, #tpu.memory_space<hbm>> -> memref<128xf32, #tpu.memory_space<hbm>>
          %dma_wait3A_193 = tpu.memref_slice %arg15[%mul3A_191] : memref<10112xf32, #tpu.memory_space<vmem_shared>> -> memref<128xf32, #tpu.memory_space<vmem_shared>>
          tpu.wait_dma2 semaphore(%run_scoped3A : memref<!tpu.dma_semaphore, #tpu.memory_space<semaphore_mem>>) src(%dma_wait3A_193 : memref<128xf32, #tpu.memory_space<vmem_shared>>) dst(%dma_wait3A : memref<128xf32, #tpu.memory_space<hbm>>)
          tpu.yield
        }) : () -> ()
      }
      %while3A_186 = arith.constant 1 : i32
      scf.for %while3A_187 = %while3A_184 to %while3A_180 step %while3A_186  : i32 {
        %mul3A = arith.constant 16 : i32
        %mul3A_188 = arith.muli %mul3A, %while3A_187 : i32
        %add3A_189 = arith.addi %arg1, %mul3A_188 : i32
        %mul3A_190 = arith.constant 128 : i32
        %mul3A_191 = arith.muli %add3A_189, %mul3A_190 : i32
        "tpu.region"() ({
          %run_scoped3A = tpu.sem_alloc : memref<!tpu.dma_semaphore, #tpu.memory_space<semaphore_mem>>
          %dma_start3A = arith.constant 0 : i32
          %dma_start3A_192 = tpu.memref_slice %arg6[%mul3A_191, %dma_start3A] : memref<10112x128xf32, #tpu.memory_space<hbm>> -> memref<128x128xf32, #tpu.memory_space<hbm>>
          %dma_start3A_193 = arith.constant 0 : i32
          %dma_start3A_194 = tpu.memref_slice %arg14[%mul3A_191, %dma_start3A_193] : memref<10112x128xf32, #tpu.memory_space<vmem_shared>> -> memref<128x128xf32, #tpu.memory_space<vmem_shared>>
          tpu.enqueue_dma source(%dma_start3A_194 : memref<128x128xf32, #tpu.memory_space<vmem_shared>>) target(%dma_start3A_192 : memref<128x128xf32, #tpu.memory_space<hbm>>) target_semaphore(%run_scoped3A : memref<!tpu.dma_semaphore, #tpu.memory_space<semaphore_mem>>)
          %dma_wait3A = arith.constant 0 : i32
          %dma_wait3A_195 = tpu.memref_slice %arg6[%mul3A_191, %dma_wait3A] : memref<10112x128xf32, #tpu.memory_space<hbm>> -> memref<128x128xf32, #tpu.memory_space<hbm>>
          %dma_wait3A_196 = arith.constant 0 : i32
          %dma_wait3A_197 = tpu.memref_slice %arg14[%mul3A_191, %dma_wait3A_196] : memref<10112x128xf32, #tpu.memory_space<vmem_shared>> -> memref<128x128xf32, #tpu.memory_space<vmem_shared>>
          tpu.wait_dma2 semaphore(%run_scoped3A : memref<!tpu.dma_semaphore, #tpu.memory_space<semaphore_mem>>) src(%dma_wait3A_197 : memref<128x128xf32, #tpu.memory_space<vmem_shared>>) dst(%dma_wait3A_195 : memref<128x128xf32, #tpu.memory_space<hbm>>)
          tpu.yield
        }) : () -> ()
        "tpu.region"() ({
          %run_scoped3A = tpu.sem_alloc : memref<!tpu.dma_semaphore, #tpu.memory_space<semaphore_mem>>
          %dma_start3A = tpu.memref_slice %arg8[%mul3A_191] : memref<10112xf32, #tpu.memory_space<hbm>> -> memref<128xf32, #tpu.memory_space<hbm>>
          %dma_start3A_192 = tpu.memref_slice %arg15[%mul3A_191] : memref<10112xf32, #tpu.memory_space<vmem_shared>> -> memref<128xf32, #tpu.memory_space<vmem_shared>>
          tpu.enqueue_dma source(%dma_start3A_192 : memref<128xf32, #tpu.memory_space<vmem_shared>>) target(%dma_start3A : memref<128xf32, #tpu.memory_space<hbm>>) target_semaphore(%run_scoped3A : memref<!tpu.dma_semaphore, #tpu.memory_space<semaphore_mem>>)
          %dma_wait3A = tpu.memref_slice %arg8[%mul3A_191] : memref<10112xf32, #tpu.memory_space<hbm>> -> memref<128xf32, #tpu.memory_space<hbm>>
          %dma_wait3A_193 = tpu.memref_slice %arg15[%mul3A_191] : memref<10112xf32, #tpu.memory_space<vmem_shared>> -> memref<128xf32, #tpu.memory_space<vmem_shared>>
          tpu.wait_dma2 semaphore(%run_scoped3A : memref<!tpu.dma_semaphore, #tpu.memory_space<semaphore_mem>>) src(%dma_wait3A_193 : memref<128xf32, #tpu.memory_space<vmem_shared>>) dst(%dma_wait3A : memref<128xf32, #tpu.memory_space<hbm>>)
          tpu.yield
        }) : () -> ()
      }
    } else {
    }
    %eq3A_122 = arith.constant 1 : i32
    %eq3A_123 = arith.cmpi eq, %arg0, %eq3A_122 : i32
    %convert_element_type3A_124 = arith.extui %eq3A_123 : i1 to i32
    %cond3A_125 = arith.constant 0 : i32
    %cond3A_126 = arith.cmpi ne, %convert_element_type3A_124, %cond3A_125 : i32
    scf.if %cond3A_126 {
      %while3A = arith.constant 0 : i32
      %while3A_127 = arith.constant 0 : i32
      %while3A_128 = arith.subi %select_n3A, %while3A_127 : i32
      %while3A_129 = arith.addi %while3A_127, %while3A_128 : i32
      %while3A_130 = arith.constant 1 : i32
      %while3A_131 = arith.divsi %while3A_128, %while3A_130 : i32
      %while3A_132 = arith.muli %while3A_131, %while3A_130 : i32
      %while3A_133 = arith.addi %while3A_127, %while3A_132 : i32
      %while3A_134 = arith.constant 1 : i32
      scf.for %while3A_187 = %while3A_127 to %while3A_133 step %while3A_134  : i32 {
        %mul3A = arith.constant 16 : i32
        %mul3A_188 = arith.muli %mul3A, %while3A_187 : i32
        %add3A_189 = arith.addi %arg1, %mul3A_188 : i32
        %mul3A_190 = arith.constant 128 : i32
        %mul3A_191 = arith.muli %add3A_189, %mul3A_190 : i32
        "tpu.region"() ({
          %run_scoped3A = tpu.sem_alloc : memref<!tpu.dma_semaphore, #tpu.memory_space<semaphore_mem>>
          %dma_start3A = arith.constant 0 : i32
          %dma_start3A_192 = tpu.memref_slice %arg14[%mul3A_191, %dma_start3A] : memref<10112x128xf32, #tpu.memory_space<vmem_shared>> -> memref<128x128xf32, #tpu.memory_space<vmem_shared>>
          %dma_start3A_193 = arith.constant 0 : i32
          %dma_start3A_194 = tpu.memref_slice %arg14[%mul3A_191, %dma_start3A_193] : memref<10112x128xf32, #tpu.memory_space<vmem_shared>> -> memref<128x128xf32, #tpu.memory_space<vmem_shared>>
          tpu.enqueue_dma source(%arg10 : memref<128x128xf32, #tpu.memory_space<vmem>>) target(%dma_start3A_194 : memref<128x128xf32, #tpu.memory_space<vmem_shared>>) target_semaphore(%run_scoped3A : memref<!tpu.dma_semaphore, #tpu.memory_space<semaphore_mem>>)
          %dma_wait3A = arith.constant 0 : i32
          %dma_wait3A_195 = tpu.memref_slice %arg14[%mul3A_191, %dma_wait3A] : memref<10112x128xf32, #tpu.memory_space<vmem_shared>> -> memref<128x128xf32, #tpu.memory_space<vmem_shared>>
          %dma_wait3A_196 = arith.constant 0 : i32
          %dma_wait3A_197 = tpu.memref_slice %arg14[%mul3A_191, %dma_wait3A_196] : memref<10112x128xf32, #tpu.memory_space<vmem_shared>> -> memref<128x128xf32, #tpu.memory_space<vmem_shared>>
          tpu.wait_dma2 semaphore(%run_scoped3A : memref<!tpu.dma_semaphore, #tpu.memory_space<semaphore_mem>>) src(%arg10 : memref<128x128xf32, #tpu.memory_space<vmem>>) dst(%dma_wait3A_197 : memref<128x128xf32, #tpu.memory_space<vmem_shared>>)
          tpu.yield
        }) : () -> ()
        "tpu.region"() ({
          %run_scoped3A = tpu.sem_alloc : memref<!tpu.dma_semaphore, #tpu.memory_space<semaphore_mem>>
          %dma_start3A = tpu.memref_slice %arg15[%mul3A_191] : memref<10112xf32, #tpu.memory_space<vmem_shared>> -> memref<128xf32, #tpu.memory_space<vmem_shared>>
          %dma_start3A_192 = tpu.memref_slice %arg15[%mul3A_191] : memref<10112xf32, #tpu.memory_space<vmem_shared>> -> memref<128xf32, #tpu.memory_space<vmem_shared>>
          tpu.enqueue_dma source(%arg13 : memref<128xf32, #tpu.memory_space<vmem>>) target(%dma_start3A_192 : memref<128xf32, #tpu.memory_space<vmem_shared>>) target_semaphore(%run_scoped3A : memref<!tpu.dma_semaphore, #tpu.memory_space<semaphore_mem>>)
          %dma_wait3A = tpu.memref_slice %arg15[%mul3A_191] : memref<10112xf32, #tpu.memory_space<vmem_shared>> -> memref<128xf32, #tpu.memory_space<vmem_shared>>
          %dma_wait3A_193 = tpu.memref_slice %arg15[%mul3A_191] : memref<10112xf32, #tpu.memory_space<vmem_shared>> -> memref<128xf32, #tpu.memory_space<vmem_shared>>
          tpu.wait_dma2 semaphore(%run_scoped3A : memref<!tpu.dma_semaphore, #tpu.memory_space<semaphore_mem>>) src(%arg13 : memref<128xf32, #tpu.memory_space<vmem>>) dst(%dma_wait3A_193 : memref<128xf32, #tpu.memory_space<vmem_shared>>)
          tpu.yield
        }) : () -> ()
      }
      %while3A_135 = arith.constant 1 : i32
      scf.for %while3A_187 = %while3A_133 to %while3A_129 step %while3A_135  : i32 {
        %mul3A = arith.constant 16 : i32
        %mul3A_188 = arith.muli %mul3A, %while3A_187 : i32
        %add3A_189 = arith.addi %arg1, %mul3A_188 : i32
        %mul3A_190 = arith.constant 128 : i32
        %mul3A_191 = arith.muli %add3A_189, %mul3A_190 : i32
        "tpu.region"() ({
          %run_scoped3A = tpu.sem_alloc : memref<!tpu.dma_semaphore, #tpu.memory_space<semaphore_mem>>
          %dma_start3A = arith.constant 0 : i32
          %dma_start3A_192 = tpu.memref_slice %arg14[%mul3A_191, %dma_start3A] : memref<10112x128xf32, #tpu.memory_space<vmem_shared>> -> memref<128x128xf32, #tpu.memory_space<vmem_shared>>
          %dma_start3A_193 = arith.constant 0 : i32
          %dma_start3A_194 = tpu.memref_slice %arg14[%mul3A_191, %dma_start3A_193] : memref<10112x128xf32, #tpu.memory_space<vmem_shared>> -> memref<128x128xf32, #tpu.memory_space<vmem_shared>>
          tpu.enqueue_dma source(%arg10 : memref<128x128xf32, #tpu.memory_space<vmem>>) target(%dma_start3A_194 : memref<128x128xf32, #tpu.memory_space<vmem_shared>>) target_semaphore(%run_scoped3A : memref<!tpu.dma_semaphore, #tpu.memory_space<semaphore_mem>>)
          %dma_wait3A = arith.constant 0 : i32
          %dma_wait3A_195 = tpu.memref_slice %arg14[%mul3A_191, %dma_wait3A] : memref<10112x128xf32, #tpu.memory_space<vmem_shared>> -> memref<128x128xf32, #tpu.memory_space<vmem_shared>>
          %dma_wait3A_196 = arith.constant 0 : i32
          %dma_wait3A_197 = tpu.memref_slice %arg14[%mul3A_191, %dma_wait3A_196] : memref<10112x128xf32, #tpu.memory_space<vmem_shared>> -> memref<128x128xf32, #tpu.memory_space<vmem_shared>>
          tpu.wait_dma2 semaphore(%run_scoped3A : memref<!tpu.dma_semaphore, #tpu.memory_space<semaphore_mem>>) src(%arg10 : memref<128x128xf32, #tpu.memory_space<vmem>>) dst(%dma_wait3A_197 : memref<128x128xf32, #tpu.memory_space<vmem_shared>>)
          tpu.yield
        }) : () -> ()
        "tpu.region"() ({
          %run_scoped3A = tpu.sem_alloc : memref<!tpu.dma_semaphore, #tpu.memory_space<semaphore_mem>>
          %dma_start3A = tpu.memref_slice %arg15[%mul3A_191] : memref<10112xf32, #tpu.memory_space<vmem_shared>> -> memref<128xf32, #tpu.memory_space<vmem_shared>>
          %dma_start3A_192 = tpu.memref_slice %arg15[%mul3A_191] : memref<10112xf32, #tpu.memory_space<vmem_shared>> -> memref<128xf32, #tpu.memory_space<vmem_shared>>
          tpu.enqueue_dma source(%arg13 : memref<128xf32, #tpu.memory_space<vmem>>) target(%dma_start3A_192 : memref<128xf32, #tpu.memory_space<vmem_shared>>) target_semaphore(%run_scoped3A : memref<!tpu.dma_semaphore, #tpu.memory_space<semaphore_mem>>)
          %dma_wait3A = tpu.memref_slice %arg15[%mul3A_191] : memref<10112xf32, #tpu.memory_space<vmem_shared>> -> memref<128xf32, #tpu.memory_space<vmem_shared>>
          %dma_wait3A_193 = tpu.memref_slice %arg15[%mul3A_191] : memref<10112xf32, #tpu.memory_space<vmem_shared>> -> memref<128xf32, #tpu.memory_space<vmem_shared>>
          tpu.wait_dma2 semaphore(%run_scoped3A : memref<!tpu.dma_semaphore, #tpu.memory_space<semaphore_mem>>) src(%arg13 : memref<128xf32, #tpu.memory_space<vmem>>) dst(%dma_wait3A_193 : memref<128xf32, #tpu.memory_space<vmem_shared>>)
          tpu.yield
        }) : () -> ()
      }
      %barrier3A = arith.constant 0 : index
      tpu.barrier barrier_id(%barrier3A)
      %sub3A_136 = arith.constant 1250 : i32
      %sub3A_137 = arith.subi %sub3A_136, %arg1 : i32
      %add3A_138 = arith.constant 16 : i32
      %add3A_139 = arith.addi %sub3A_137, %add3A_138 : i32
      %sub3A_140 = arith.constant 1 : i32
      %sub3A_141 = arith.subi %add3A_139, %sub3A_140 : i32
      %jit3A_142 = arith.constant 16 : i32
      %div3A_143 = arith.divsi %sub3A_141, %jit3A_142 : i32
      %sign3A_144 = arith.constant 0 : i32
      %sign3A_145 = arith.cmpi sgt, %sub3A_141, %sign3A_144 : i32
      %sign3A_146 = arith.extui %sign3A_145 : i1 to i32
      %sign3A_147 = arith.constant 0 : i32
      %sign3A_148 = arith.cmpi slt, %sub3A_141, %sign3A_147 : i32
      %sign3A_149 = arith.extui %sign3A_148 : i1 to i32
      %sign3A_150 = arith.subi %sign3A_146, %sign3A_149 : i32
      %sign3A_151 = arith.constant 0 : i32
      %sign3A_152 = arith.cmpi sgt, %jit3A_142, %sign3A_151 : i32
      %sign3A_153 = arith.extui %sign3A_152 : i1 to i32
      %sign3A_154 = arith.constant 0 : i32
      %sign3A_155 = arith.cmpi slt, %jit3A_142, %sign3A_154 : i32
      %sign3A_156 = arith.extui %sign3A_155 : i1 to i32
      %sign3A_157 = arith.subi %sign3A_153, %sign3A_156 : i32
      %ne3A_158 = arith.cmpi ne, %sign3A_150, %sign3A_157 : i32
      %rem3A_159 = arith.remsi %sub3A_141, %jit3A_142 : i32
      %ne3A_160 = arith.constant 0 : i32
      %ne3A_161 = arith.cmpi ne, %rem3A_159, %ne3A_160 : i32
      %and3A_162 = arith.andi %ne3A_158, %ne3A_161 : i1
      %sub3A_163 = arith.constant 1 : i32
      %sub3A_164 = arith.subi %div3A_143, %sub3A_163 : i32
      %select_n3A_165 = arith.select %and3A_162, %sub3A_164, %div3A_143 : i32
      %while3A_166 = arith.constant 0 : i32
      %while3A_167 = arith.constant 0 : i32
      %while3A_168 = arith.subi %select_n3A_165, %while3A_167 : i32
      %while3A_169 = arith.addi %while3A_167, %while3A_168 : i32
      %while3A_170 = arith.constant 1 : i32
      %while3A_171 = arith.divsi %while3A_168, %while3A_170 : i32
      %while3A_172 = arith.muli %while3A_171, %while3A_170 : i32
      %while3A_173 = arith.addi %while3A_167, %while3A_172 : i32
      %while3A_174 = arith.constant 1 : i32
      scf.for %while3A_187 = %while3A_167 to %while3A_173 step %while3A_174  : i32 {
        %mul3A = arith.constant 16 : i32
        %mul3A_188 = arith.muli %mul3A, %while3A_187 : i32
        %add3A_189 = arith.addi %arg1, %mul3A_188 : i32
        %mul3A_190 = arith.constant 128 : i32
        %mul3A_191 = arith.muli %add3A_189, %mul3A_190 : i32
        "tpu.region"() ({
          %run_scoped3A_205 = tpu.sem_alloc : memref<!tpu.dma_semaphore, #tpu.memory_space<semaphore_mem>>
          %dma_start3A_206 = arith.constant 0 : i32
          %dma_start3A_207 = tpu.memref_slice %arg5[%dma_start3A_206, %mul3A_191] : memref<2x160000xi32, #tpu.memory_space<hbm>> -> memref<2x128xi32, #tpu.memory_space<hbm>>
          %dma_start3A_208 = arith.constant 0 : i32
          %dma_start3A_209 = tpu.memref_slice %arg5[%dma_start3A_208, %mul3A_191] : memref<2x160000xi32, #tpu.memory_space<hbm>> -> memref<2x128xi32, #tpu.memory_space<hbm>>
          tpu.enqueue_dma source(%dma_start3A_209 : memref<2x128xi32, #tpu.memory_space<hbm>>) target(%arg11 : memref<2x128xi32, #tpu.memory_space<vmem>>) target_semaphore(%run_scoped3A_205 : memref<!tpu.dma_semaphore, #tpu.memory_space<semaphore_mem>>)
          %dma_wait3A_210 = arith.constant 0 : i32
          %dma_wait3A_211 = tpu.memref_slice %arg5[%dma_wait3A_210, %mul3A_191] : memref<2x160000xi32, #tpu.memory_space<hbm>> -> memref<2x128xi32, #tpu.memory_space<hbm>>
          %dma_wait3A_212 = arith.constant 0 : i32
          %dma_wait3A_213 = tpu.memref_slice %arg5[%dma_wait3A_212, %mul3A_191] : memref<2x160000xi32, #tpu.memory_space<hbm>> -> memref<2x128xi32, #tpu.memory_space<hbm>>
          tpu.wait_dma2 semaphore(%run_scoped3A_205 : memref<!tpu.dma_semaphore, #tpu.memory_space<semaphore_mem>>) src(%dma_wait3A_213 : memref<2x128xi32, #tpu.memory_space<hbm>>) dst(%arg11 : memref<2x128xi32, #tpu.memory_space<vmem>>)
          tpu.yield
        }) : () -> ()
        %dma_start3A = arith.constant 0 : i32
        %dma_start3A_192 = arith.constant 0 : i32
        %dma_start3A_193 = tpu.memref_slice %arg11[%dma_start3A, %dma_start3A_192] : memref<2x128xi32, #tpu.memory_space<vmem>> -> memref<1x128xi32, #tpu.memory_space<vmem>>
        %dma_start3A_194 = tpu.memref_squeeze %dma_start3A_193 : memref<1x128xi32, #tpu.memory_space<vmem>> -> memref<128xi32, #tpu.memory_space<vmem>>
        %dma_start3A_195 = arith.constant 0 : i32
        %dma_start3A_196 = arith.constant 0 : i32
        %dma_start3A_197 = tpu.memref_slice %arg3[%dma_start3A_195, %dma_start3A_196] : memref<10000x128xf32, #tpu.memory_space<hbm>> -> memref<10000x128xf32, #tpu.memory_space<hbm>>
        tpu.enqueue_indirect_dma source(%dma_start3A_197 : memref<10000x128xf32, #tpu.memory_space<hbm>>) target(%arg10 : memref<128x128xf32, #tpu.memory_space<vmem>>) offsets(%dma_start3A_194 : memref<128xi32, #tpu.memory_space<vmem>>) semaphore(%arg16 : memref<!tpu.dma_semaphore, #tpu.memory_space<semaphore_mem>>)
        %dma_wait3A = arith.constant 0 : i32
        %dma_wait3A_198 = arith.constant 0 : i32
        %dma_wait3A_199 = tpu.memref_slice %arg11[%dma_wait3A, %dma_wait3A_198] : memref<2x128xi32, #tpu.memory_space<vmem>> -> memref<1x128xi32, #tpu.memory_space<vmem>>
        %dma_wait3A_200 = tpu.memref_squeeze %dma_wait3A_199 : memref<1x128xi32, #tpu.memory_space<vmem>> -> memref<128xi32, #tpu.memory_space<vmem>>
        %dma_wait3A_201 = arith.constant 0 : i32
        %dma_wait3A_202 = arith.constant 0 : i32
        %dma_wait3A_203 = tpu.memref_slice %arg3[%dma_wait3A_201, %dma_wait3A_202] : memref<10000x128xf32, #tpu.memory_space<hbm>> -> memref<10000x128xf32, #tpu.memory_space<hbm>>
        tpu.wait_indirect_dma semaphore(%arg16 : memref<!tpu.dma_semaphore, #tpu.memory_space<semaphore_mem>>) src(%dma_wait3A_203 : memref<10000x128xf32, #tpu.memory_space<hbm>>) dst(%arg10 : memref<128x128xf32, #tpu.memory_space<vmem>>)
        %run_scoped3A = arith.constant 1 : i32
        "tpu.region"() ({
          %run_scoped3A_205 = tpu.sem_alloc : memref<!tpu.dma_semaphore, #tpu.memory_space<semaphore_mem>>
          %dma_start3A_206 = arith.constant 0 : i32
          %dma_start3A_207 = tpu.memref_slice %arg11[%run_scoped3A, %dma_start3A_206] : memref<2x128xi32, #tpu.memory_space<vmem>> -> memref<1x128xi32, #tpu.memory_space<vmem>>
          %dma_start3A_208 = tpu.memref_squeeze %dma_start3A_207 : memref<1x128xi32, #tpu.memory_space<vmem>> -> memref<128xi32, #tpu.memory_space<vmem>>
          %dma_start3A_209 = arith.constant 0 : i32
          %dma_start3A_210 = arith.constant 0 : i32
          %dma_start3A_211 = tpu.memref_slice %arg14[%dma_start3A_209, %dma_start3A_210] : memref<10112x128xf32, #tpu.memory_space<vmem_shared>> -> memref<10112x128xf32, #tpu.memory_space<vmem_shared>>
          tpu.enqueue_indirect_dma source(%arg10 : memref<128x128xf32, #tpu.memory_space<vmem>>) target(%dma_start3A_211 : memref<10112x128xf32, #tpu.memory_space<vmem_shared>>) offsets(%dma_start3A_208 : memref<128xi32, #tpu.memory_space<vmem>>) semaphore(%run_scoped3A_205 : memref<!tpu.dma_semaphore, #tpu.memory_space<semaphore_mem>>) {add = true}
          %dma_wait3A_212 = arith.constant 0 : i32
          %dma_wait3A_213 = tpu.memref_slice %arg11[%run_scoped3A, %dma_wait3A_212] : memref<2x128xi32, #tpu.memory_space<vmem>> -> memref<1x128xi32, #tpu.memory_space<vmem>>
          %dma_wait3A_214 = tpu.memref_squeeze %dma_wait3A_213 : memref<1x128xi32, #tpu.memory_space<vmem>> -> memref<128xi32, #tpu.memory_space<vmem>>
          %dma_wait3A_215 = arith.constant 0 : i32
          %dma_wait3A_216 = arith.constant 0 : i32
          %dma_wait3A_217 = tpu.memref_slice %arg14[%dma_wait3A_215, %dma_wait3A_216] : memref<10112x128xf32, #tpu.memory_space<vmem_shared>> -> memref<10112x128xf32, #tpu.memory_space<vmem_shared>>
          tpu.wait_indirect_dma semaphore(%run_scoped3A_205 : memref<!tpu.dma_semaphore, #tpu.memory_space<semaphore_mem>>) src(%arg10 : memref<128x128xf32, #tpu.memory_space<vmem>>) dst(%dma_wait3A_217 : memref<10112x128xf32, #tpu.memory_space<vmem_shared>>)
          tpu.yield
        }) : () -> ()
        %run_scoped3A_204 = arith.constant 1 : i32
        "tpu.region"() ({
          %run_scoped3A_205 = tpu.sem_alloc : memref<!tpu.dma_semaphore, #tpu.memory_space<semaphore_mem>>
          %dma_start3A_206 = arith.constant 0 : i32
          %dma_start3A_207 = tpu.memref_slice %arg11[%run_scoped3A_204, %dma_start3A_206] : memref<2x128xi32, #tpu.memory_space<vmem>> -> memref<1x128xi32, #tpu.memory_space<vmem>>
          %dma_start3A_208 = tpu.memref_squeeze %dma_start3A_207 : memref<1x128xi32, #tpu.memory_space<vmem>> -> memref<128xi32, #tpu.memory_space<vmem>>
          %dma_start3A_209 = arith.constant 0 : i32
          %dma_start3A_210 = tpu.memref_slice %arg15[%dma_start3A_209] : memref<10112xf32, #tpu.memory_space<vmem_shared>> -> memref<10112xf32, #tpu.memory_space<vmem_shared>>
          tpu.enqueue_indirect_dma source(%arg12 : memref<128xf32, #tpu.memory_space<vmem>>) target(%dma_start3A_210 : memref<10112xf32, #tpu.memory_space<vmem_shared>>) offsets(%dma_start3A_208 : memref<128xi32, #tpu.memory_space<vmem>>) semaphore(%run_scoped3A_205 : memref<!tpu.dma_semaphore, #tpu.memory_space<semaphore_mem>>) {add = true}
          %dma_wait3A_211 = arith.constant 0 : i32
          %dma_wait3A_212 = tpu.memref_slice %arg11[%run_scoped3A_204, %dma_wait3A_211] : memref<2x128xi32, #tpu.memory_space<vmem>> -> memref<1x128xi32, #tpu.memory_space<vmem>>
          %dma_wait3A_213 = tpu.memref_squeeze %dma_wait3A_212 : memref<1x128xi32, #tpu.memory_space<vmem>> -> memref<128xi32, #tpu.memory_space<vmem>>
          %dma_wait3A_214 = arith.constant 0 : i32
          %dma_wait3A_215 = tpu.memref_slice %arg15[%dma_wait3A_214] : memref<10112xf32, #tpu.memory_space<vmem_shared>> -> memref<10112xf32, #tpu.memory_space<vmem_shared>>
          tpu.wait_indirect_dma semaphore(%run_scoped3A_205 : memref<!tpu.dma_semaphore, #tpu.memory_space<semaphore_mem>>) src(%arg12 : memref<128xf32, #tpu.memory_space<vmem>>) dst(%dma_wait3A_215 : memref<10112xf32, #tpu.memory_space<vmem_shared>>)
          tpu.yield
        }) : () -> ()
      }
      %while3A_175 = arith.constant 1 : i32
      scf.for %while3A_187 = %while3A_173 to %while3A_169 step %while3A_175  : i32 {
        %mul3A = arith.constant 16 : i32
        %mul3A_188 = arith.muli %mul3A, %while3A_187 : i32
        %add3A_189 = arith.addi %arg1, %mul3A_188 : i32
        %mul3A_190 = arith.constant 128 : i32
        %mul3A_191 = arith.muli %add3A_189, %mul3A_190 : i32
        "tpu.region"() ({
          %run_scoped3A_205 = tpu.sem_alloc : memref<!tpu.dma_semaphore, #tpu.memory_space<semaphore_mem>>
          %dma_start3A_206 = arith.constant 0 : i32
          %dma_start3A_207 = tpu.memref_slice %arg5[%dma_start3A_206, %mul3A_191] : memref<2x160000xi32, #tpu.memory_space<hbm>> -> memref<2x128xi32, #tpu.memory_space<hbm>>
          %dma_start3A_208 = arith.constant 0 : i32
          %dma_start3A_209 = tpu.memref_slice %arg5[%dma_start3A_208, %mul3A_191] : memref<2x160000xi32, #tpu.memory_space<hbm>> -> memref<2x128xi32, #tpu.memory_space<hbm>>
          tpu.enqueue_dma source(%dma_start3A_209 : memref<2x128xi32, #tpu.memory_space<hbm>>) target(%arg11 : memref<2x128xi32, #tpu.memory_space<vmem>>) target_semaphore(%run_scoped3A_205 : memref<!tpu.dma_semaphore, #tpu.memory_space<semaphore_mem>>)
          %dma_wait3A_210 = arith.constant 0 : i32
          %dma_wait3A_211 = tpu.memref_slice %arg5[%dma_wait3A_210, %mul3A_191] : memref<2x160000xi32, #tpu.memory_space<hbm>> -> memref<2x128xi32, #tpu.memory_space<hbm>>
          %dma_wait3A_212 = arith.constant 0 : i32
          %dma_wait3A_213 = tpu.memref_slice %arg5[%dma_wait3A_212, %mul3A_191] : memref<2x160000xi32, #tpu.memory_space<hbm>> -> memref<2x128xi32, #tpu.memory_space<hbm>>
          tpu.wait_dma2 semaphore(%run_scoped3A_205 : memref<!tpu.dma_semaphore, #tpu.memory_space<semaphore_mem>>) src(%dma_wait3A_213 : memref<2x128xi32, #tpu.memory_space<hbm>>) dst(%arg11 : memref<2x128xi32, #tpu.memory_space<vmem>>)
          tpu.yield
        }) : () -> ()
        %dma_start3A = arith.constant 0 : i32
        %dma_start3A_192 = arith.constant 0 : i32
        %dma_start3A_193 = tpu.memref_slice %arg11[%dma_start3A, %dma_start3A_192] : memref<2x128xi32, #tpu.memory_space<vmem>> -> memref<1x128xi32, #tpu.memory_space<vmem>>
        %dma_start3A_194 = tpu.memref_squeeze %dma_start3A_193 : memref<1x128xi32, #tpu.memory_space<vmem>> -> memref<128xi32, #tpu.memory_space<vmem>>
        %dma_start3A_195 = arith.constant 0 : i32
        %dma_start3A_196 = arith.constant 0 : i32
        %dma_start3A_197 = tpu.memref_slice %arg3[%dma_start3A_195, %dma_start3A_196] : memref<10000x128xf32, #tpu.memory_space<hbm>> -> memref<10000x128xf32, #tpu.memory_space<hbm>>
        tpu.enqueue_indirect_dma source(%dma_start3A_197 : memref<10000x128xf32, #tpu.memory_space<hbm>>) target(%arg10 : memref<128x128xf32, #tpu.memory_space<vmem>>) offsets(%dma_start3A_194 : memref<128xi32, #tpu.memory_space<vmem>>) semaphore(%arg16 : memref<!tpu.dma_semaphore, #tpu.memory_space<semaphore_mem>>)
        %dma_wait3A = arith.constant 0 : i32
        %dma_wait3A_198 = arith.constant 0 : i32
        %dma_wait3A_199 = tpu.memref_slice %arg11[%dma_wait3A, %dma_wait3A_198] : memref<2x128xi32, #tpu.memory_space<vmem>> -> memref<1x128xi32, #tpu.memory_space<vmem>>
        %dma_wait3A_200 = tpu.memref_squeeze %dma_wait3A_199 : memref<1x128xi32, #tpu.memory_space<vmem>> -> memref<128xi32, #tpu.memory_space<vmem>>
        %dma_wait3A_201 = arith.constant 0 : i32
        %dma_wait3A_202 = arith.constant 0 : i32
        %dma_wait3A_203 = tpu.memref_slice %arg3[%dma_wait3A_201, %dma_wait3A_202] : memref<10000x128xf32, #tpu.memory_space<hbm>> -> memref<10000x128xf32, #tpu.memory_space<hbm>>
        tpu.wait_indirect_dma semaphore(%arg16 : memref<!tpu.dma_semaphore, #tpu.memory_space<semaphore_mem>>) src(%dma_wait3A_203 : memref<10000x128xf32, #tpu.memory_space<hbm>>) dst(%arg10 : memref<128x128xf32, #tpu.memory_space<vmem>>)
        %run_scoped3A = arith.constant 1 : i32
        "tpu.region"() ({
          %run_scoped3A_205 = tpu.sem_alloc : memref<!tpu.dma_semaphore, #tpu.memory_space<semaphore_mem>>
          %dma_start3A_206 = arith.constant 0 : i32
          %dma_start3A_207 = tpu.memref_slice %arg11[%run_scoped3A, %dma_start3A_206] : memref<2x128xi32, #tpu.memory_space<vmem>> -> memref<1x128xi32, #tpu.memory_space<vmem>>
          %dma_start3A_208 = tpu.memref_squeeze %dma_start3A_207 : memref<1x128xi32, #tpu.memory_space<vmem>> -> memref<128xi32, #tpu.memory_space<vmem>>
          %dma_start3A_209 = arith.constant 0 : i32
          %dma_start3A_210 = arith.constant 0 : i32
          %dma_start3A_211 = tpu.memref_slice %arg14[%dma_start3A_209, %dma_start3A_210] : memref<10112x128xf32, #tpu.memory_space<vmem_shared>> -> memref<10112x128xf32, #tpu.memory_space<vmem_shared>>
          tpu.enqueue_indirect_dma source(%arg10 : memref<128x128xf32, #tpu.memory_space<vmem>>) target(%dma_start3A_211 : memref<10112x128xf32, #tpu.memory_space<vmem_shared>>) offsets(%dma_start3A_208 : memref<128xi32, #tpu.memory_space<vmem>>) semaphore(%run_scoped3A_205 : memref<!tpu.dma_semaphore, #tpu.memory_space<semaphore_mem>>) {add = true}
          %dma_wait3A_212 = arith.constant 0 : i32
          %dma_wait3A_213 = tpu.memref_slice %arg11[%run_scoped3A, %dma_wait3A_212] : memref<2x128xi32, #tpu.memory_space<vmem>> -> memref<1x128xi32, #tpu.memory_space<vmem>>
          %dma_wait3A_214 = tpu.memref_squeeze %dma_wait3A_213 : memref<1x128xi32, #tpu.memory_space<vmem>> -> memref<128xi32, #tpu.memory_space<vmem>>
          %dma_wait3A_215 = arith.constant 0 : i32
          %dma_wait3A_216 = arith.constant 0 : i32
          %dma_wait3A_217 = tpu.memref_slice %arg14[%dma_wait3A_215, %dma_wait3A_216] : memref<10112x128xf32, #tpu.memory_space<vmem_shared>> -> memref<10112x128xf32, #tpu.memory_space<vmem_shared>>
          tpu.wait_indirect_dma semaphore(%run_scoped3A_205 : memref<!tpu.dma_semaphore, #tpu.memory_space<semaphore_mem>>) src(%arg10 : memref<128x128xf32, #tpu.memory_space<vmem>>) dst(%dma_wait3A_217 : memref<10112x128xf32, #tpu.memory_space<vmem_shared>>)
          tpu.yield
        }) : () -> ()
        %run_scoped3A_204 = arith.constant 1 : i32
        "tpu.region"() ({
          %run_scoped3A_205 = tpu.sem_alloc : memref<!tpu.dma_semaphore, #tpu.memory_space<semaphore_mem>>
          %dma_start3A_206 = arith.constant 0 : i32
          %dma_start3A_207 = tpu.memref_slice %arg11[%run_scoped3A_204, %dma_start3A_206] : memref<2x128xi32, #tpu.memory_space<vmem>> -> memref<1x128xi32, #tpu.memory_space<vmem>>
          %dma_start3A_208 = tpu.memref_squeeze %dma_start3A_207 : memref<1x128xi32, #tpu.memory_space<vmem>> -> memref<128xi32, #tpu.memory_space<vmem>>
          %dma_start3A_209 = arith.constant 0 : i32
          %dma_start3A_210 = tpu.memref_slice %arg15[%dma_start3A_209] : memref<10112xf32, #tpu.memory_space<vmem_shared>> -> memref<10112xf32, #tpu.memory_space<vmem_shared>>
          tpu.enqueue_indirect_dma source(%arg12 : memref<128xf32, #tpu.memory_space<vmem>>) target(%dma_start3A_210 : memref<10112xf32, #tpu.memory_space<vmem_shared>>) offsets(%dma_start3A_208 : memref<128xi32, #tpu.memory_space<vmem>>) semaphore(%run_scoped3A_205 : memref<!tpu.dma_semaphore, #tpu.memory_space<semaphore_mem>>) {add = true}
          %dma_wait3A_211 = arith.constant 0 : i32
          %dma_wait3A_212 = tpu.memref_slice %arg11[%run_scoped3A_204, %dma_wait3A_211] : memref<2x128xi32, #tpu.memory_space<vmem>> -> memref<1x128xi32, #tpu.memory_space<vmem>>
          %dma_wait3A_213 = tpu.memref_squeeze %dma_wait3A_212 : memref<1x128xi32, #tpu.memory_space<vmem>> -> memref<128xi32, #tpu.memory_space<vmem>>
          %dma_wait3A_214 = arith.constant 0 : i32
          %dma_wait3A_215 = tpu.memref_slice %arg15[%dma_wait3A_214] : memref<10112xf32, #tpu.memory_space<vmem_shared>> -> memref<10112xf32, #tpu.memory_space<vmem_shared>>
          tpu.wait_indirect_dma semaphore(%run_scoped3A_205 : memref<!tpu.dma_semaphore, #tpu.memory_space<semaphore_mem>>) src(%arg12 : memref<128xf32, #tpu.memory_space<vmem>>) dst(%dma_wait3A_215 : memref<10112xf32, #tpu.memory_space<vmem_shared>>)
          tpu.yield
        }) : () -> ()
      }
      %barrier3A_176 = arith.constant 0 : index
      tpu.barrier barrier_id(%barrier3A_176)
      %while3A_177 = arith.constant 0 : i32
      %while3A_178 = arith.constant 0 : i32
      %while3A_179 = arith.subi %select_n3A, %while3A_178 : i32
      %while3A_180 = arith.addi %while3A_178, %while3A_179 : i32
      %while3A_181 = arith.constant 1 : i32
      %while3A_182 = arith.divsi %while3A_179, %while3A_181 : i32
      %while3A_183 = arith.muli %while3A_182, %while3A_181 : i32
      %while3A_184 = arith.addi %while3A_178, %while3A_183 : i32
      %while3A_185 = arith.constant 1 : i32
      scf.for %while3A_187 = %while3A_178 to %while3A_184 step %while3A_185  : i32 {
        %mul3A = arith.constant 16 : i32
        %mul3A_188 = arith.muli %mul3A, %while3A_187 : i32
        %add3A_189 = arith.addi %arg1, %mul3A_188 : i32
        %mul3A_190 = arith.constant 128 : i32
        %mul3A_191 = arith.muli %add3A_189, %mul3A_190 : i32
        "tpu.region"() ({
          %run_scoped3A = tpu.sem_alloc : memref<!tpu.dma_semaphore, #tpu.memory_space<semaphore_mem>>
          %dma_start3A = arith.constant 0 : i32
          %dma_start3A_192 = tpu.memref_slice %arg7[%mul3A_191, %dma_start3A] : memref<10112x128xf32, #tpu.memory_space<hbm>> -> memref<128x128xf32, #tpu.memory_space<hbm>>
          %dma_start3A_193 = arith.constant 0 : i32
          %dma_start3A_194 = tpu.memref_slice %arg14[%mul3A_191, %dma_start3A_193] : memref<10112x128xf32, #tpu.memory_space<vmem_shared>> -> memref<128x128xf32, #tpu.memory_space<vmem_shared>>
          tpu.enqueue_dma source(%dma_start3A_194 : memref<128x128xf32, #tpu.memory_space<vmem_shared>>) target(%dma_start3A_192 : memref<128x128xf32, #tpu.memory_space<hbm>>) target_semaphore(%run_scoped3A : memref<!tpu.dma_semaphore, #tpu.memory_space<semaphore_mem>>)
          %dma_wait3A = arith.constant 0 : i32
          %dma_wait3A_195 = tpu.memref_slice %arg7[%mul3A_191, %dma_wait3A] : memref<10112x128xf32, #tpu.memory_space<hbm>> -> memref<128x128xf32, #tpu.memory_space<hbm>>
          %dma_wait3A_196 = arith.constant 0 : i32
          %dma_wait3A_197 = tpu.memref_slice %arg14[%mul3A_191, %dma_wait3A_196] : memref<10112x128xf32, #tpu.memory_space<vmem_shared>> -> memref<128x128xf32, #tpu.memory_space<vmem_shared>>
          tpu.wait_dma2 semaphore(%run_scoped3A : memref<!tpu.dma_semaphore, #tpu.memory_space<semaphore_mem>>) src(%dma_wait3A_197 : memref<128x128xf32, #tpu.memory_space<vmem_shared>>) dst(%dma_wait3A_195 : memref<128x128xf32, #tpu.memory_space<hbm>>)
          tpu.yield
        }) : () -> ()
        "tpu.region"() ({
          %run_scoped3A = tpu.sem_alloc : memref<!tpu.dma_semaphore, #tpu.memory_space<semaphore_mem>>
          %dma_start3A = tpu.memref_slice %arg9[%mul3A_191] : memref<10112xf32, #tpu.memory_space<hbm>> -> memref<128xf32, #tpu.memory_space<hbm>>
          %dma_start3A_192 = tpu.memref_slice %arg15[%mul3A_191] : memref<10112xf32, #tpu.memory_space<vmem_shared>> -> memref<128xf32, #tpu.memory_space<vmem_shared>>
          tpu.enqueue_dma source(%dma_start3A_192 : memref<128xf32, #tpu.memory_space<vmem_shared>>) target(%dma_start3A : memref<128xf32, #tpu.memory_space<hbm>>) target_semaphore(%run_scoped3A : memref<!tpu.dma_semaphore, #tpu.memory_space<semaphore_mem>>)
          %dma_wait3A = tpu.memref_slice %arg9[%mul3A_191] : memref<10112xf32, #tpu.memory_space<hbm>> -> memref<128xf32, #tpu.memory_space<hbm>>
          %dma_wait3A_193 = tpu.memref_slice %arg15[%mul3A_191] : memref<10112xf32, #tpu.memory_space<vmem_shared>> -> memref<128xf32, #tpu.memory_space<vmem_shared>>
          tpu.wait_dma2 semaphore(%run_scoped3A : memref<!tpu.dma_semaphore, #tpu.memory_space<semaphore_mem>>) src(%dma_wait3A_193 : memref<128xf32, #tpu.memory_space<vmem_shared>>) dst(%dma_wait3A : memref<128xf32, #tpu.memory_space<hbm>>)
          tpu.yield
        }) : () -> ()
      }
      %while3A_186 = arith.constant 1 : i32
      scf.for %while3A_187 = %while3A_184 to %while3A_180 step %while3A_186  : i32 {
        %mul3A = arith.constant 16 : i32
        %mul3A_188 = arith.muli %mul3A, %while3A_187 : i32
        %add3A_189 = arith.addi %arg1, %mul3A_188 : i32
        %mul3A_190 = arith.constant 128 : i32
        %mul3A_191 = arith.muli %add3A_189, %mul3A_190 : i32
        "tpu.region"() ({
          %run_scoped3A = tpu.sem_alloc : memref<!tpu.dma_semaphore, #tpu.memory_space<semaphore_mem>>
          %dma_start3A = arith.constant 0 : i32
          %dma_start3A_192 = tpu.memref_slice %arg7[%mul3A_191, %dma_start3A] : memref<10112x128xf32, #tpu.memory_space<hbm>> -> memref<128x128xf32, #tpu.memory_space<hbm>>
          %dma_start3A_193 = arith.constant 0 : i32
          %dma_start3A_194 = tpu.memref_slice %arg14[%mul3A_191, %dma_start3A_193] : memref<10112x128xf32, #tpu.memory_space<vmem_shared>> -> memref<128x128xf32, #tpu.memory_space<vmem_shared>>
          tpu.enqueue_dma source(%dma_start3A_194 : memref<128x128xf32, #tpu.memory_space<vmem_shared>>) target(%dma_start3A_192 : memref<128x128xf32, #tpu.memory_space<hbm>>) target_semaphore(%run_scoped3A : memref<!tpu.dma_semaphore, #tpu.memory_space<semaphore_mem>>)
          %dma_wait3A = arith.constant 0 : i32
          %dma_wait3A_195 = tpu.memref_slice %arg7[%mul3A_191, %dma_wait3A] : memref<10112x128xf32, #tpu.memory_space<hbm>> -> memref<128x128xf32, #tpu.memory_space<hbm>>
          %dma_wait3A_196 = arith.constant 0 : i32
          %dma_wait3A_197 = tpu.memref_slice %arg14[%mul3A_191, %dma_wait3A_196] : memref<10112x128xf32, #tpu.memory_space<vmem_shared>> -> memref<128x128xf32, #tpu.memory_space<vmem_shared>>
          tpu.wait_dma2 semaphore(%run_scoped3A : memref<!tpu.dma_semaphore, #tpu.memory_space<semaphore_mem>>) src(%dma_wait3A_197 : memref<128x128xf32, #tpu.memory_space<vmem_shared>>) dst(%dma_wait3A_195 : memref<128x128xf32, #tpu.memory_space<hbm>>)
          tpu.yield
        }) : () -> ()
        "tpu.region"() ({
          %run_scoped3A = tpu.sem_alloc : memref<!tpu.dma_semaphore, #tpu.memory_space<semaphore_mem>>
          %dma_start3A = tpu.memref_slice %arg9[%mul3A_191] : memref<10112xf32, #tpu.memory_space<hbm>> -> memref<128xf32, #tpu.memory_space<hbm>>
          %dma_start3A_192 = tpu.memref_slice %arg15[%mul3A_191] : memref<10112xf32, #tpu.memory_space<vmem_shared>> -> memref<128xf32, #tpu.memory_space<vmem_shared>>
          tpu.enqueue_dma source(%dma_start3A_192 : memref<128xf32, #tpu.memory_space<vmem_shared>>) target(%dma_start3A : memref<128xf32, #tpu.memory_space<hbm>>) target_semaphore(%run_scoped3A : memref<!tpu.dma_semaphore, #tpu.memory_space<semaphore_mem>>)
          %dma_wait3A = tpu.memref_slice %arg9[%mul3A_191] : memref<10112xf32, #tpu.memory_space<hbm>> -> memref<128xf32, #tpu.memory_space<hbm>>
          %dma_wait3A_193 = tpu.memref_slice %arg15[%mul3A_191] : memref<10112xf32, #tpu.memory_space<vmem_shared>> -> memref<128xf32, #tpu.memory_space<vmem_shared>>
          tpu.wait_dma2 semaphore(%run_scoped3A : memref<!tpu.dma_semaphore, #tpu.memory_space<semaphore_mem>>) src(%dma_wait3A_193 : memref<128xf32, #tpu.memory_space<vmem_shared>>) dst(%dma_wait3A : memref<128xf32, #tpu.memory_space<hbm>>)
          tpu.yield
        }) : () -> ()
      }
    } else {
    }
    return
  }
}

#map = affine_map<(d0, d1) -> (0, 0)>
#map1 = affine_map<(d0, d1) -> (0)>
module attributes {stable_mosaic.version = 14 : i64} {
  func.func @k(%arg0: i32, %arg1: i32, %arg2: memref<10000x128xf32, #tpu.memory_space<hbm>>, %arg3: memref<10000x128xf32, #tpu.memory_space<hbm>>, %arg4: memref<2x160000xi32, #tpu.memory_space<hbm>>, %arg5: memref<2x160000xi32, #tpu.memory_space<hbm>>, %arg6: memref<10112x128xf32, #tpu.memory_space<hbm>>, %arg7: memref<10112x128xf32, #tpu.memory_space<hbm>>, %arg8: memref<10112xf32, #tpu.memory_space<hbm>>, %arg9: memref<10112xf32, #tpu.memory_space<hbm>>, %arg10: memref<128x128xf32, #tpu.memory_space<vmem>>, %arg11: memref<2x128xi32, #tpu.memory_space<vmem>>, %arg12: memref<128xf32, #tpu.memory_space<vmem>>, %arg13: memref<128xf32, #tpu.memory_space<vmem>>, %arg14: memref<10112x128xf32, #tpu.memory_space<vmem_shared>>, %arg15: memref<10112xf32, #tpu.memory_space<vmem_shared>>, %arg16: memref<!tpu.dma_semaphore, #tpu.memory_space<semaphore_mem>>) attributes {dimension_semantics = [#tpu.dimension_semantics<core_parallel>, #tpu.dimension_semantics<subcore_parallel>], iteration_bounds = array<i64: 2, 16>, scalar_prefetch = 0 : i64, scratch_operands = 7 : i64, tpu.core_type = #tpu.core_type<sc_vector_subcore>, window_params = [{transform_indices = #map}, {transform_indices = #map}, {transform_indices = #map}, {transform_indices = #map}, {transform_indices = #map}, {transform_indices = #map}, {transform_indices = #map1}, {transform_indices = #map1}]} {
    %scan3A = arith.constant 0 : i32
    %scan3A_0 = arith.constant 0 : i32
    %scan3A_1 = arith.constant 128 : i32
    %scan3A_2 = arith.addi %scan3A_0, %scan3A_1 : i32
    %scan3A_3 = arith.constant 1 : i32
    scf.for %scan3A_127 = %scan3A_0 to %scan3A_2 step %scan3A_3  : i32 {
      %broadcast_in_dim3A_128 = arith.constant 0.000000e+00 : f32
      %broadcast_in_dim3A_129 = vector.broadcast %broadcast_in_dim3A_128 : f32 to vector<16xf32>
      %swap3A_130 = arith.index_cast %scan3A_127 : i32 to index
      %swap3A_131 = arith.constant 0 : index
      %swap3A_132 = tpu.vector_load %arg10[%swap3A_130, %swap3A_131] {strides = array<i32>} : memref<128x128xf32, #tpu.memory_space<vmem>>, vector<1x16xf32>,
      %swap3A_133 = vector.shape_cast %swap3A_132 : vector<1x16xf32> to vector<16xf32>
      %swap3A_134 = vector.shape_cast %broadcast_in_dim3A_129 : vector<16xf32> to vector<1x16xf32>
      tpu.vector_store %arg10[%swap3A_130, %swap3A_131], %swap3A_134 {strides = array<i32>} : memref<128x128xf32, #tpu.memory_space<vmem>>, vector<1x16xf32>,
      %broadcast_in_dim3A_135 = arith.constant 0.000000e+00 : f32
      %broadcast_in_dim3A_136 = vector.broadcast %broadcast_in_dim3A_135 : f32 to vector<16xf32>
      %swap3A_137 = arith.index_cast %scan3A_127 : i32 to index
      %swap3A_138 = arith.constant 16 : index
      %swap3A_139 = tpu.vector_load %arg10[%swap3A_137, %swap3A_138] {strides = array<i32>} : memref<128x128xf32, #tpu.memory_space<vmem>>, vector<1x16xf32>,
      %swap3A_140 = vector.shape_cast %swap3A_139 : vector<1x16xf32> to vector<16xf32>
      %swap3A_141 = vector.shape_cast %broadcast_in_dim3A_136 : vector<16xf32> to vector<1x16xf32>
      tpu.vector_store %arg10[%swap3A_137, %swap3A_138], %swap3A_141 {strides = array<i32>} : memref<128x128xf32, #tpu.memory_space<vmem>>, vector<1x16xf32>,
      %broadcast_in_dim3A_142 = arith.constant 0.000000e+00 : f32
      %broadcast_in_dim3A_143 = vector.broadcast %broadcast_in_dim3A_142 : f32 to vector<16xf32>
      %swap3A_144 = arith.index_cast %scan3A_127 : i32 to index
      %swap3A_145 = arith.constant 32 : index
      %swap3A_146 = tpu.vector_load %arg10[%swap3A_144, %swap3A_145] {strides = array<i32>} : memref<128x128xf32, #tpu.memory_space<vmem>>, vector<1x16xf32>,
      %swap3A_147 = vector.shape_cast %swap3A_146 : vector<1x16xf32> to vector<16xf32>
      %swap3A_148 = vector.shape_cast %broadcast_in_dim3A_143 : vector<16xf32> to vector<1x16xf32>
      tpu.vector_store %arg10[%swap3A_144, %swap3A_145], %swap3A_148 {strides = array<i32>} : memref<128x128xf32, #tpu.memory_space<vmem>>, vector<1x16xf32>,
      %broadcast_in_dim3A_149 = arith.constant 0.000000e+00 : f32
      %broadcast_in_dim3A_150 = vector.broadcast %broadcast_in_dim3A_149 : f32 to vector<16xf32>
      %swap3A_151 = arith.index_cast %scan3A_127 : i32 to index
      %swap3A_152 = arith.constant 48 : index
      %swap3A_153 = tpu.vector_load %arg10[%swap3A_151, %swap3A_152] {strides = array<i32>} : memref<128x128xf32, #tpu.memory_space<vmem>>, vector<1x16xf32>,
      %swap3A_154 = vector.shape_cast %swap3A_153 : vector<1x16xf32> to vector<16xf32>
      %swap3A_155 = vector.shape_cast %broadcast_in_dim3A_150 : vector<16xf32> to vector<1x16xf32>
      tpu.vector_store %arg10[%swap3A_151, %swap3A_152], %swap3A_155 {strides = array<i32>} : memref<128x128xf32, #tpu.memory_space<vmem>>, vector<1x16xf32>,
      %broadcast_in_dim3A_156 = arith.constant 0.000000e+00 : f32
      %broadcast_in_dim3A_157 = vector.broadcast %broadcast_in_dim3A_156 : f32 to vector<16xf32>
      %swap3A_158 = arith.index_cast %scan3A_127 : i32 to index
      %swap3A_159 = arith.constant 64 : index
      %swap3A_160 = tpu.vector_load %arg10[%swap3A_158, %swap3A_159] {strides = array<i32>} : memref<128x128xf32, #tpu.memory_space<vmem>>, vector<1x16xf32>,
      %swap3A_161 = vector.shape_cast %swap3A_160 : vector<1x16xf32> to vector<16xf32>
      %swap3A_162 = vector.shape_cast %broadcast_in_dim3A_157 : vector<16xf32> to vector<1x16xf32>
      tpu.vector_store %arg10[%swap3A_158, %swap3A_159], %swap3A_162 {strides = array<i32>} : memref<128x128xf32, #tpu.memory_space<vmem>>, vector<1x16xf32>,
      %broadcast_in_dim3A_163 = arith.constant 0.000000e+00 : f32
      %broadcast_in_dim3A_164 = vector.broadcast %broadcast_in_dim3A_163 : f32 to vector<16xf32>
      %swap3A_165 = arith.index_cast %scan3A_127 : i32 to index
      %swap3A_166 = arith.constant 80 : index
      %swap3A_167 = tpu.vector_load %arg10[%swap3A_165, %swap3A_166] {strides = array<i32>} : memref<128x128xf32, #tpu.memory_space<vmem>>, vector<1x16xf32>,
      %swap3A_168 = vector.shape_cast %swap3A_167 : vector<1x16xf32> to vector<16xf32>
      %swap3A_169 = vector.shape_cast %broadcast_in_dim3A_164 : vector<16xf32> to vector<1x16xf32>
      tpu.vector_store %arg10[%swap3A_165, %swap3A_166], %swap3A_169 {strides = array<i32>} : memref<128x128xf32, #tpu.memory_space<vmem>>, vector<1x16xf32>,
      %broadcast_in_dim3A_170 = arith.constant 0.000000e+00 : f32
      %broadcast_in_dim3A_171 = vector.broadcast %broadcast_in_dim3A_170 : f32 to vector<16xf32>
      %swap3A_172 = arith.index_cast %scan3A_127 : i32 to index
      %swap3A_173 = arith.constant 96 : index
      %swap3A_174 = tpu.vector_load %arg10[%swap3A_172, %swap3A_173] {strides = array<i32>} : memref<128x128xf32, #tpu.memory_space<vmem>>, vector<1x16xf32>,
      %swap3A_175 = vector.shape_cast %swap3A_174 : vector<1x16xf32> to vector<16xf32>
      %swap3A_176 = vector.shape_cast %broadcast_in_dim3A_171 : vector<16xf32> to vector<1x16xf32>
      tpu.vector_store %arg10[%swap3A_172, %swap3A_173], %swap3A_176 {strides = array<i32>} : memref<128x128xf32, #tpu.memory_space<vmem>>, vector<1x16xf32>,
      %broadcast_in_dim3A_177 = arith.constant 0.000000e+00 : f32
      %broadcast_in_dim3A_178 = vector.broadcast %broadcast_in_dim3A_177 : f32 to vector<16xf32>
      %swap3A_179 = arith.index_cast %scan3A_127 : i32 to index
      %swap3A_180 = arith.constant 112 : index
      %swap3A_181 = tpu.vector_load %arg10[%swap3A_179, %swap3A_180] {strides = array<i32>} : memref<128x128xf32, #tpu.memory_space<vmem>>, vector<1x16xf32>,
      %swap3A_182 = vector.shape_cast %swap3A_181 : vector<1x16xf32> to vector<16xf32>
      %swap3A_183 = vector.shape_cast %broadcast_in_dim3A_178 : vector<16xf32> to vector<1x16xf32>
      tpu.vector_store %arg10[%swap3A_179, %swap3A_180], %swap3A_183 {strides = array<i32>} : memref<128x128xf32, #tpu.memory_space<vmem>>, vector<1x16xf32>,
    }
    %scan3A_4 = arith.constant 128 : i32
    %broadcast_in_dim3A = arith.constant 1.000000e+00 : f32
    %broadcast_in_dim3A_5 = vector.broadcast %broadcast_in_dim3A : f32 to vector<16xf32>
    %swap3A = arith.constant 0 : index
    %swap3A_6 = tpu.vector_load %arg12[%swap3A] {strides = array<i32>} : memref<128xf32, #tpu.memory_space<vmem>>, vector<16xf32>,
    %swap3A_7 = vector.shape_cast %swap3A_6 : vector<16xf32> to vector<16xf32>
    %swap3A_8 = vector.shape_cast %broadcast_in_dim3A_5 : vector<16xf32> to vector<16xf32>
    tpu.vector_store %arg12[%swap3A], %swap3A_8 {strides = array<i32>} : memref<128xf32, #tpu.memory_space<vmem>>, vector<16xf32>,
    %broadcast_in_dim3A_9 = arith.constant 0.000000e+00 : f32
    %broadcast_in_dim3A_10 = vector.broadcast %broadcast_in_dim3A_9 : f32 to vector<16xf32>
    %swap3A_11 = arith.constant 0 : index
    %swap3A_12 = tpu.vector_load %arg13[%swap3A_11] {strides = array<i32>} : memref<128xf32, #tpu.memory_space<vmem>>, vector<16xf32>,
    %swap3A_13 = vector.shape_cast %swap3A_12 : vector<16xf32> to vector<16xf32>
    %swap3A_14 = vector.shape_cast %broadcast_in_dim3A_10 : vector<16xf32> to vector<16xf32>
    tpu.vector_store %arg13[%swap3A_11], %swap3A_14 {strides = array<i32>} : memref<128xf32, #tpu.memory_space<vmem>>, vector<16xf32>,
    %broadcast_in_dim3A_15 = arith.constant 1.000000e+00 : f32
    %broadcast_in_dim3A_16 = vector.broadcast %broadcast_in_dim3A_15 : f32 to vector<16xf32>
    %swap3A_17 = arith.constant 16 : index
    %swap3A_18 = tpu.vector_load %arg12[%swap3A_17] {strides = array<i32>} : memref<128xf32, #tpu.memory_space<vmem>>, vector<16xf32>,
    %swap3A_19 = vector.shape_cast %swap3A_18 : vector<16xf32> to vector<16xf32>
    %swap3A_20 = vector.shape_cast %broadcast_in_dim3A_16 : vector<16xf32> to vector<16xf32>
    tpu.vector_store %arg12[%swap3A_17], %swap3A_20 {strides = array<i32>} : memref<128xf32, #tpu.memory_space<vmem>>, vector<16xf32>,
    %broadcast_in_dim3A_21 = arith.constant 0.000000e+00 : f32
    %broadcast_in_dim3A_22 = vector.broadcast %broadcast_in_dim3A_21 : f32 to vector<16xf32>
    %swap3A_23 = arith.constant 16 : index
    %swap3A_24 = tpu.vector_load %arg13[%swap3A_23] {strides = array<i32>} : memref<128xf32, #tpu.memory_space<vmem>>, vector<16xf32>,
    %swap3A_25 = vector.shape_cast %swap3A_24 : vector<16xf32> to vector<16xf32>
    %swap3A_26 = vector.shape_cast %broadcast_in_dim3A_22 : vector<16xf32> to vector<16xf32>
    tpu.vector_store %arg13[%swap3A_23], %swap3A_26 {strides = array<i32>} : memref<128xf32, #tpu.memory_space<vmem>>, vector<16xf32>,
    %broadcast_in_dim3A_27 = arith.constant 1.000000e+00 : f32
    %broadcast_in_dim3A_28 = vector.broadcast %broadcast_in_dim3A_27 : f32 to vector<16xf32>
    %swap3A_29 = arith.constant 32 : index
    %swap3A_30 = tpu.vector_load %arg12[%swap3A_29] {strides = array<i32>} : memref<128xf32, #tpu.memory_space<vmem>>, vector<16xf32>,
    %swap3A_31 = vector.shape_cast %swap3A_30 : vector<16xf32> to vector<16xf32>
    %swap3A_32 = vector.shape_cast %broadcast_in_dim3A_28 : vector<16xf32> to vector<16xf32>
    tpu.vector_store %arg12[%swap3A_29], %swap3A_32 {strides = array<i32>} : memref<128xf32, #tpu.memory_space<vmem>>, vector<16xf32>,
    %broadcast_in_dim3A_33 = arith.constant 0.000000e+00 : f32
    %broadcast_in_dim3A_34 = vector.broadcast %broadcast_in_dim3A_33 : f32 to vector<16xf32>
    %swap3A_35 = arith.constant 32 : index
    %swap3A_36 = tpu.vector_load %arg13[%swap3A_35] {strides = array<i32>} : memref<128xf32, #tpu.memory_space<vmem>>, vector<16xf32>,
    %swap3A_37 = vector.shape_cast %swap3A_36 : vector<16xf32> to vector<16xf32>
    %swap3A_38 = vector.shape_cast %broadcast_in_dim3A_34 : vector<16xf32> to vector<16xf32>
    tpu.vector_store %arg13[%swap3A_35], %swap3A_38 {strides = array<i32>} : memref<128xf32, #tpu.memory_space<vmem>>, vector<16xf32>,
    %broadcast_in_dim3A_39 = arith.constant 1.000000e+00 : f32
    %broadcast_in_dim3A_40 = vector.broadcast %broadcast_in_dim3A_39 : f32 to vector<16xf32>
    %swap3A_41 = arith.constant 48 : index
    %swap3A_42 = tpu.vector_load %arg12[%swap3A_41] {strides = array<i32>} : memref<128xf32, #tpu.memory_space<vmem>>, vector<16xf32>,
    %swap3A_43 = vector.shape_cast %swap3A_42 : vector<16xf32> to vector<16xf32>
    %swap3A_44 = vector.shape_cast %broadcast_in_dim3A_40 : vector<16xf32> to vector<16xf32>
    tpu.vector_store %arg12[%swap3A_41], %swap3A_44 {strides = array<i32>} : memref<128xf32, #tpu.memory_space<vmem>>, vector<16xf32>,
    %broadcast_in_dim3A_45 = arith.constant 0.000000e+00 : f32
    %broadcast_in_dim3A_46 = vector.broadcast %broadcast_in_dim3A_45 : f32 to vector<16xf32>
    %swap3A_47 = arith.constant 48 : index
    %swap3A_48 = tpu.vector_load %arg13[%swap3A_47] {strides = array<i32>} : memref<128xf32, #tpu.memory_space<vmem>>, vector<16xf32>,
    %swap3A_49 = vector.shape_cast %swap3A_48 : vector<16xf32> to vector<16xf32>
    %swap3A_50 = vector.shape_cast %broadcast_in_dim3A_46 : vector<16xf32> to vector<16xf32>
    tpu.vector_store %arg13[%swap3A_47], %swap3A_50 {strides = array<i32>} : memref<128xf32, #tpu.memory_space<vmem>>, vector<16xf32>,
    %broadcast_in_dim3A_51 = arith.constant 1.000000e+00 : f32
    %broadcast_in_dim3A_52 = vector.broadcast %broadcast_in_dim3A_51 : f32 to vector<16xf32>
    %swap3A_53 = arith.constant 64 : index
    %swap3A_54 = tpu.vector_load %arg12[%swap3A_53] {strides = array<i32>} : memref<128xf32, #tpu.memory_space<vmem>>, vector<16xf32>,
    %swap3A_55 = vector.shape_cast %swap3A_54 : vector<16xf32> to vector<16xf32>
    %swap3A_56 = vector.shape_cast %broadcast_in_dim3A_52 : vector<16xf32> to vector<16xf32>
    tpu.vector_store %arg12[%swap3A_53], %swap3A_56 {strides = array<i32>} : memref<128xf32, #tpu.memory_space<vmem>>, vector<16xf32>,
    %broadcast_in_dim3A_57 = arith.constant 0.000000e+00 : f32
    %broadcast_in_dim3A_58 = vector.broadcast %broadcast_in_dim3A_57 : f32 to vector<16xf32>
    %swap3A_59 = arith.constant 64 : index
    %swap3A_60 = tpu.vector_load %arg13[%swap3A_59] {strides = array<i32>} : memref<128xf32, #tpu.memory_space<vmem>>, vector<16xf32>,
    %swap3A_61 = vector.shape_cast %swap3A_60 : vector<16xf32> to vector<16xf32>
    %swap3A_62 = vector.shape_cast %broadcast_in_dim3A_58 : vector<16xf32> to vector<16xf32>
    tpu.vector_store %arg13[%swap3A_59], %swap3A_62 {strides = array<i32>} : memref<128xf32, #tpu.memory_space<vmem>>, vector<16xf32>,
    %broadcast_in_dim3A_63 = arith.constant 1.000000e+00 : f32
    %broadcast_in_dim3A_64 = vector.broadcast %broadcast_in_dim3A_63 : f32 to vector<16xf32>
    %swap3A_65 = arith.constant 80 : index
    %swap3A_66 = tpu.vector_load %arg12[%swap3A_65] {strides = array<i32>} : memref<128xf32, #tpu.memory_space<vmem>>, vector<16xf32>,
    %swap3A_67 = vector.shape_cast %swap3A_66 : vector<16xf32> to vector<16xf32>
    %swap3A_68 = vector.shape_cast %broadcast_in_dim3A_64 : vector<16xf32> to vector<16xf32>
    tpu.vector_store %arg12[%swap3A_65], %swap3A_68 {strides = array<i32>} : memref<128xf32, #tpu.memory_space<vmem>>, vector<16xf32>,
    %broadcast_in_dim3A_69 = arith.constant 0.000000e+00 : f32
    %broadcast_in_dim3A_70 = vector.broadcast %broadcast_in_dim3A_69 : f32 to vector<16xf32>
    %swap3A_71 = arith.constant 80 : index
    %swap3A_72 = tpu.vector_load %arg13[%swap3A_71] {strides = array<i32>} : memref<128xf32, #tpu.memory_space<vmem>>, vector<16xf32>,
    %swap3A_73 = vector.shape_cast %swap3A_72 : vector<16xf32> to vector<16xf32>
    %swap3A_74 = vector.shape_cast %broadcast_in_dim3A_70 : vector<16xf32> to vector<16xf32>
    tpu.vector_store %arg13[%swap3A_71], %swap3A_74 {strides = array<i32>} : memref<128xf32, #tpu.memory_space<vmem>>, vector<16xf32>,
    %broadcast_in_dim3A_75 = arith.constant 1.000000e+00 : f32
    %broadcast_in_dim3A_76 = vector.broadcast %broadcast_in_dim3A_75 : f32 to vector<16xf32>
    %swap3A_77 = arith.constant 96 : index
    %swap3A_78 = tpu.vector_load %arg12[%swap3A_77] {strides = array<i32>} : memref<128xf32, #tpu.memory_space<vmem>>, vector<16xf32>,
    %swap3A_79 = vector.shape_cast %swap3A_78 : vector<16xf32> to vector<16xf32>
    %swap3A_80 = vector.shape_cast %broadcast_in_dim3A_76 : vector<16xf32> to vector<16xf32>
    tpu.vector_store %arg12[%swap3A_77], %swap3A_80 {strides = array<i32>} : memref<128xf32, #tpu.memory_space<vmem>>, vector<16xf32>,
    %broadcast_in_dim3A_81 = arith.constant 0.000000e+00 : f32
    %broadcast_in_dim3A_82 = vector.broadcast %broadcast_in_dim3A_81 : f32 to vector<16xf32>
    %swap3A_83 = arith.constant 96 : index
    %swap3A_84 = tpu.vector_load %arg13[%swap3A_83] {strides = array<i32>} : memref<128xf32, #tpu.memory_space<vmem>>, vector<16xf32>,
    %swap3A_85 = vector.shape_cast %swap3A_84 : vector<16xf32> to vector<16xf32>
    %swap3A_86 = vector.shape_cast %broadcast_in_dim3A_82 : vector<16xf32> to vector<16xf32>
    tpu.vector_store %arg13[%swap3A_83], %swap3A_86 {strides = array<i32>} : memref<128xf32, #tpu.memory_space<vmem>>, vector<16xf32>,
    %broadcast_in_dim3A_87 = arith.constant 1.000000e+00 : f32
    %broadcast_in_dim3A_88 = vector.broadcast %broadcast_in_dim3A_87 : f32 to vector<16xf32>
    %swap3A_89 = arith.constant 112 : index
    %swap3A_90 = tpu.vector_load %arg12[%swap3A_89] {strides = array<i32>} : memref<128xf32, #tpu.memory_space<vmem>>, vector<16xf32>,
    %swap3A_91 = vector.shape_cast %swap3A_90 : vector<16xf32> to vector<16xf32>
    %swap3A_92 = vector.shape_cast %broadcast_in_dim3A_88 : vector<16xf32> to vector<16xf32>
    tpu.vector_store %arg12[%swap3A_89], %swap3A_92 {strides = array<i32>} : memref<128xf32, #tpu.memory_space<vmem>>, vector<16xf32>,
    %broadcast_in_dim3A_93 = arith.constant 0.000000e+00 : f32
    %broadcast_in_dim3A_94 = vector.broadcast %broadcast_in_dim3A_93 : f32 to vector<16xf32>
    %swap3A_95 = arith.constant 112 : index
    %swap3A_96 = tpu.vector_load %arg13[%swap3A_95] {strides = array<i32>} : memref<128xf32, #tpu.memory_space<vmem>>, vector<16xf32>,
    %swap3A_97 = vector.shape_cast %swap3A_96 : vector<16xf32> to vector<16xf32>
    %swap3A_98 = vector.shape_cast %broadcast_in_dim3A_94 : vector<16xf32> to vector<16xf32>
    tpu.vector_store %arg13[%swap3A_95], %swap3A_98 {strides = array<i32>} : memref<128xf32, #tpu.memory_space<vmem>>, vector<16xf32>,
    %sub3A = arith.constant 79 : i32
    %sub3A_99 = arith.subi %sub3A, %arg1 : i32
    %add3A = arith.constant 16 : i32
    %add3A_100 = arith.addi %sub3A_99, %add3A : i32
    %sub3A_101 = arith.constant 1 : i32
    %sub3A_102 = arith.subi %add3A_100, %sub3A_101 : i32
    %jit3A = arith.constant 16 : i32
    %div3A = arith.divsi %sub3A_102, %jit3A : i32
    %sign3A = arith.constant 0 : i32
    %sign3A_103 = arith.cmpi sgt, %sub3A_102, %sign3A : i32
    %sign3A_104 = arith.extui %sign3A_103 : i1 to i32
    %sign3A_105 = arith.constant 0 : i32
    %sign3A_106 = arith.cmpi slt, %sub3A_102, %sign3A_105 : i32
    %sign3A_107 = arith.extui %sign3A_106 : i1 to i32
    %sign3A_108 = arith.subi %sign3A_104, %sign3A_107 : i32
    %sign3A_109 = arith.constant 0 : i32
    %sign3A_110 = arith.cmpi sgt, %jit3A, %sign3A_109 : i32
    %sign3A_111 = arith.extui %sign3A_110 : i1 to i32
    %sign3A_112 = arith.constant 0 : i32
    %sign3A_113 = arith.cmpi slt, %jit3A, %sign3A_112 : i32
    %sign3A_114 = arith.extui %sign3A_113 : i1 to i32
    %sign3A_115 = arith.subi %sign3A_111, %sign3A_114 : i32
    %ne3A = arith.cmpi ne, %sign3A_108, %sign3A_115 : i32
    %rem3A = arith.remsi %sub3A_102, %jit3A : i32
    %ne3A_116 = arith.constant 0 : i32
    %ne3A_117 = arith.cmpi ne, %rem3A, %ne3A_116 : i32
    %and3A = arith.andi %ne3A, %ne3A_117 : i1
    %sub3A_118 = arith.constant 1 : i32
    %sub3A_119 = arith.subi %div3A, %sub3A_118 : i32
    %select_n3A = arith.select %and3A, %sub3A_119, %div3A : i32
    %eq3A = arith.constant 0 : i32
    %eq3A_120 = arith.cmpi eq, %arg0, %eq3A : i32
    %convert_element_type3A = arith.extui %eq3A_120 : i1 to i32
    %cond3A = arith.constant 0 : i32
    %cond3A_121 = arith.cmpi ne, %convert_element_type3A, %cond3A : i32
    scf.if %cond3A_121 {
      %while3A = arith.constant 0 : i32
      %while3A_127 = arith.constant 0 : i32
      %while3A_128 = arith.subi %select_n3A, %while3A_127 : i32
      %while3A_129 = arith.addi %while3A_127, %while3A_128 : i32
      %while3A_130 = arith.constant 1 : i32
      %while3A_131 = arith.divsi %while3A_128, %while3A_130 : i32
      %while3A_132 = arith.muli %while3A_131, %while3A_130 : i32
      %while3A_133 = arith.addi %while3A_127, %while3A_132 : i32
      %while3A_134 = arith.constant 1 : i32
      scf.for %while3A_187 = %while3A_127 to %while3A_133 step %while3A_134  : i32 {
        %mul3A = arith.constant 16 : i32
        %mul3A_188 = arith.muli %mul3A, %while3A_187 : i32
        %add3A_189 = arith.addi %arg1, %mul3A_188 : i32
        %mul3A_190 = arith.constant 128 : i32
        %mul3A_191 = arith.muli %add3A_189, %mul3A_190 : i32
        "tpu.region"() ({
          %run_scoped3A = tpu.sem_alloc : memref<!tpu.dma_semaphore, #tpu.memory_space<semaphore_mem>>
          %dma_start3A = arith.constant 0 : i32
          %dma_start3A_192 = tpu.memref_slice %arg14[%mul3A_191, %dma_start3A] : memref<10112x128xf32, #tpu.memory_space<vmem_shared>> -> memref<128x128xf32, #tpu.memory_space<vmem_shared>>
          %dma_start3A_193 = arith.constant 0 : i32
          %dma_start3A_194 = tpu.memref_slice %arg14[%mul3A_191, %dma_start3A_193] : memref<10112x128xf32, #tpu.memory_space<vmem_shared>> -> memref<128x128xf32, #tpu.memory_space<vmem_shared>>
          tpu.enqueue_dma source(%arg10 : memref<128x128xf32, #tpu.memory_space<vmem>>) target(%dma_start3A_194 : memref<128x128xf32, #tpu.memory_space<vmem_shared>>) target_semaphore(%run_scoped3A : memref<!tpu.dma_semaphore, #tpu.memory_space<semaphore_mem>>)
          %dma_wait3A = arith.constant 0 : i32
          %dma_wait3A_195 = tpu.memref_slice %arg14[%mul3A_191, %dma_wait3A] : memref<10112x128xf32, #tpu.memory_space<vmem_shared>> -> memref<128x128xf32, #tpu.memory_space<vmem_shared>>
          %dma_wait3A_196 = arith.constant 0 : i32
          %dma_wait3A_197 = tpu.memref_slice %arg14[%mul3A_191, %dma_wait3A_196] : memref<10112x128xf32, #tpu.memory_space<vmem_shared>> -> memref<128x128xf32, #tpu.memory_space<vmem_shared>>
          tpu.wait_dma2 semaphore(%run_scoped3A : memref<!tpu.dma_semaphore, #tpu.memory_space<semaphore_mem>>) src(%arg10 : memref<128x128xf32, #tpu.memory_space<vmem>>) dst(%dma_wait3A_197 : memref<128x128xf32, #tpu.memory_space<vmem_shared>>)
          tpu.yield
        }) : () -> ()
      }
      %while3A_135 = arith.constant 1 : i32
      scf.for %while3A_187 = %while3A_133 to %while3A_129 step %while3A_135  : i32 {
        %mul3A = arith.constant 16 : i32
        %mul3A_188 = arith.muli %mul3A, %while3A_187 : i32
        %add3A_189 = arith.addi %arg1, %mul3A_188 : i32
        %mul3A_190 = arith.constant 128 : i32
        %mul3A_191 = arith.muli %add3A_189, %mul3A_190 : i32
        "tpu.region"() ({
          %run_scoped3A = tpu.sem_alloc : memref<!tpu.dma_semaphore, #tpu.memory_space<semaphore_mem>>
          %dma_start3A = arith.constant 0 : i32
          %dma_start3A_192 = tpu.memref_slice %arg14[%mul3A_191, %dma_start3A] : memref<10112x128xf32, #tpu.memory_space<vmem_shared>> -> memref<128x128xf32, #tpu.memory_space<vmem_shared>>
          %dma_start3A_193 = arith.constant 0 : i32
          %dma_start3A_194 = tpu.memref_slice %arg14[%mul3A_191, %dma_start3A_193] : memref<10112x128xf32, #tpu.memory_space<vmem_shared>> -> memref<128x128xf32, #tpu.memory_space<vmem_shared>>
          tpu.enqueue_dma source(%arg10 : memref<128x128xf32, #tpu.memory_space<vmem>>) target(%dma_start3A_194 : memref<128x128xf32, #tpu.memory_space<vmem_shared>>) target_semaphore(%run_scoped3A : memref<!tpu.dma_semaphore, #tpu.memory_space<semaphore_mem>>)
          %dma_wait3A = arith.constant 0 : i32
          %dma_wait3A_195 = tpu.memref_slice %arg14[%mul3A_191, %dma_wait3A] : memref<10112x128xf32, #tpu.memory_space<vmem_shared>> -> memref<128x128xf32, #tpu.memory_space<vmem_shared>>
          %dma_wait3A_196 = arith.constant 0 : i32
          %dma_wait3A_197 = tpu.memref_slice %arg14[%mul3A_191, %dma_wait3A_196] : memref<10112x128xf32, #tpu.memory_space<vmem_shared>> -> memref<128x128xf32, #tpu.memory_space<vmem_shared>>
          tpu.wait_dma2 semaphore(%run_scoped3A : memref<!tpu.dma_semaphore, #tpu.memory_space<semaphore_mem>>) src(%arg10 : memref<128x128xf32, #tpu.memory_space<vmem>>) dst(%dma_wait3A_197 : memref<128x128xf32, #tpu.memory_space<vmem_shared>>)
          tpu.yield
        }) : () -> ()
      }
      %barrier3A = arith.constant 0 : index
      tpu.barrier barrier_id(%barrier3A)
      %sub3A_136 = arith.constant 1250 : i32
      %sub3A_137 = arith.subi %sub3A_136, %arg1 : i32
      %add3A_138 = arith.constant 16 : i32
      %add3A_139 = arith.addi %sub3A_137, %add3A_138 : i32
      %sub3A_140 = arith.constant 1 : i32
      %sub3A_141 = arith.subi %add3A_139, %sub3A_140 : i32
      %jit3A_142 = arith.constant 16 : i32
      %div3A_143 = arith.divsi %sub3A_141, %jit3A_142 : i32
      %sign3A_144 = arith.constant 0 : i32
      %sign3A_145 = arith.cmpi sgt, %sub3A_141, %sign3A_144 : i32
      %sign3A_146 = arith.extui %sign3A_145 : i1 to i32
      %sign3A_147 = arith.constant 0 : i32
      %sign3A_148 = arith.cmpi slt, %sub3A_141, %sign3A_147 : i32
      %sign3A_149 = arith.extui %sign3A_148 : i1 to i32
      %sign3A_150 = arith.subi %sign3A_146, %sign3A_149 : i32
      %sign3A_151 = arith.constant 0 : i32
      %sign3A_152 = arith.cmpi sgt, %jit3A_142, %sign3A_151 : i32
      %sign3A_153 = arith.extui %sign3A_152 : i1 to i32
      %sign3A_154 = arith.constant 0 : i32
      %sign3A_155 = arith.cmpi slt, %jit3A_142, %sign3A_154 : i32
      %sign3A_156 = arith.extui %sign3A_155 : i1 to i32
      %sign3A_157 = arith.subi %sign3A_153, %sign3A_156 : i32
      %ne3A_158 = arith.cmpi ne, %sign3A_150, %sign3A_157 : i32
      %rem3A_159 = arith.remsi %sub3A_141, %jit3A_142 : i32
      %ne3A_160 = arith.constant 0 : i32
      %ne3A_161 = arith.cmpi ne, %rem3A_159, %ne3A_160 : i32
      %and3A_162 = arith.andi %ne3A_158, %ne3A_161 : i1
      %sub3A_163 = arith.constant 1 : i32
      %sub3A_164 = arith.subi %div3A_143, %sub3A_163 : i32
      %select_n3A_165 = arith.select %and3A_162, %sub3A_164, %div3A_143 : i32
      %while3A_166 = arith.constant 0 : i32
      %while3A_167 = arith.constant 0 : i32
      %while3A_168 = arith.subi %select_n3A_165, %while3A_167 : i32
      %while3A_169 = arith.addi %while3A_167, %while3A_168 : i32
      %while3A_170 = arith.constant 1 : i32
      %while3A_171 = arith.divsi %while3A_168, %while3A_170 : i32
      %while3A_172 = arith.muli %while3A_171, %while3A_170 : i32
      %while3A_173 = arith.addi %while3A_167, %while3A_172 : i32
      %while3A_174 = arith.constant 1 : i32
      scf.for %while3A_187 = %while3A_167 to %while3A_173 step %while3A_174  : i32 {
        %mul3A = arith.constant 16 : i32
        %mul3A_188 = arith.muli %mul3A, %while3A_187 : i32
        %add3A_189 = arith.addi %arg1, %mul3A_188 : i32
        %mul3A_190 = arith.constant 128 : i32
        %mul3A_191 = arith.muli %add3A_189, %mul3A_190 : i32
        "tpu.region"() ({
          %run_scoped3A_204 = tpu.sem_alloc : memref<!tpu.dma_semaphore, #tpu.memory_space<semaphore_mem>>
          %dma_start3A_205 = arith.constant 0 : i32
          %dma_start3A_206 = tpu.memref_slice %arg4[%dma_start3A_205, %mul3A_191] : memref<2x160000xi32, #tpu.memory_space<hbm>> -> memref<2x128xi32, #tpu.memory_space<hbm>>
          %dma_start3A_207 = arith.constant 0 : i32
          %dma_start3A_208 = tpu.memref_slice %arg4[%dma_start3A_207, %mul3A_191] : memref<2x160000xi32, #tpu.memory_space<hbm>> -> memref<2x128xi32, #tpu.memory_space<hbm>>
          tpu.enqueue_dma source(%dma_start3A_208 : memref<2x128xi32, #tpu.memory_space<hbm>>) target(%arg11 : memref<2x128xi32, #tpu.memory_space<vmem>>) target_semaphore(%run_scoped3A_204 : memref<!tpu.dma_semaphore, #tpu.memory_space<semaphore_mem>>)
          %dma_wait3A_209 = arith.constant 0 : i32
          %dma_wait3A_210 = tpu.memref_slice %arg4[%dma_wait3A_209, %mul3A_191] : memref<2x160000xi32, #tpu.memory_space<hbm>> -> memref<2x128xi32, #tpu.memory_space<hbm>>
          %dma_wait3A_211 = arith.constant 0 : i32
          %dma_wait3A_212 = tpu.memref_slice %arg4[%dma_wait3A_211, %mul3A_191] : memref<2x160000xi32, #tpu.memory_space<hbm>> -> memref<2x128xi32, #tpu.memory_space<hbm>>
          tpu.wait_dma2 semaphore(%run_scoped3A_204 : memref<!tpu.dma_semaphore, #tpu.memory_space<semaphore_mem>>) src(%dma_wait3A_212 : memref<2x128xi32, #tpu.memory_space<hbm>>) dst(%arg11 : memref<2x128xi32, #tpu.memory_space<vmem>>)
          tpu.yield
        }) : () -> ()
        %dma_start3A = arith.constant 0 : i32
        %dma_start3A_192 = arith.constant 0 : i32
        %dma_start3A_193 = tpu.memref_slice %arg11[%dma_start3A, %dma_start3A_192] : memref<2x128xi32, #tpu.memory_space<vmem>> -> memref<1x128xi32, #tpu.memory_space<vmem>>
        %dma_start3A_194 = tpu.memref_squeeze %dma_start3A_193 : memref<1x128xi32, #tpu.memory_space<vmem>> -> memref<128xi32, #tpu.memory_space<vmem>>
        %dma_start3A_195 = arith.constant 0 : i32
        %dma_start3A_196 = arith.constant 0 : i32
        %dma_start3A_197 = tpu.memref_slice %arg2[%dma_start3A_195, %dma_start3A_196] : memref<10000x128xf32, #tpu.memory_space<hbm>> -> memref<10000x128xf32, #tpu.memory_space<hbm>>
        tpu.enqueue_indirect_dma source(%dma_start3A_197 : memref<10000x128xf32, #tpu.memory_space<hbm>>) target(%arg10 : memref<128x128xf32, #tpu.memory_space<vmem>>) offsets(%dma_start3A_194 : memref<128xi32, #tpu.memory_space<vmem>>) semaphore(%arg16 : memref<!tpu.dma_semaphore, #tpu.memory_space<semaphore_mem>>)
        %dma_wait3A = arith.constant 0 : i32
        %dma_wait3A_198 = arith.constant 0 : i32
        %dma_wait3A_199 = tpu.memref_slice %arg11[%dma_wait3A, %dma_wait3A_198] : memref<2x128xi32, #tpu.memory_space<vmem>> -> memref<1x128xi32, #tpu.memory_space<vmem>>
        %dma_wait3A_200 = tpu.memref_squeeze %dma_wait3A_199 : memref<1x128xi32, #tpu.memory_space<vmem>> -> memref<128xi32, #tpu.memory_space<vmem>>
        %dma_wait3A_201 = arith.constant 0 : i32
        %dma_wait3A_202 = arith.constant 0 : i32
        %dma_wait3A_203 = tpu.memref_slice %arg2[%dma_wait3A_201, %dma_wait3A_202] : memref<10000x128xf32, #tpu.memory_space<hbm>> -> memref<10000x128xf32, #tpu.memory_space<hbm>>
        tpu.wait_indirect_dma semaphore(%arg16 : memref<!tpu.dma_semaphore, #tpu.memory_space<semaphore_mem>>) src(%dma_wait3A_203 : memref<10000x128xf32, #tpu.memory_space<hbm>>) dst(%arg10 : memref<128x128xf32, #tpu.memory_space<vmem>>)
        %run_scoped3A = arith.constant 1 : i32
        "tpu.region"() ({
          %run_scoped3A_204 = tpu.sem_alloc : memref<!tpu.dma_semaphore, #tpu.memory_space<semaphore_mem>>
          %dma_start3A_205 = arith.constant 0 : i32
          %dma_start3A_206 = tpu.memref_slice %arg11[%run_scoped3A, %dma_start3A_205] : memref<2x128xi32, #tpu.memory_space<vmem>> -> memref<1x128xi32, #tpu.memory_space<vmem>>
          %dma_start3A_207 = tpu.memref_squeeze %dma_start3A_206 : memref<1x128xi32, #tpu.memory_space<vmem>> -> memref<128xi32, #tpu.memory_space<vmem>>
          %dma_start3A_208 = arith.constant 0 : i32
          %dma_start3A_209 = arith.constant 0 : i32
          %dma_start3A_210 = tpu.memref_slice %arg14[%dma_start3A_208, %dma_start3A_209] : memref<10112x128xf32, #tpu.memory_space<vmem_shared>> -> memref<10112x128xf32, #tpu.memory_space<vmem_shared>>
          tpu.enqueue_indirect_dma source(%arg10 : memref<128x128xf32, #tpu.memory_space<vmem>>) target(%dma_start3A_210 : memref<10112x128xf32, #tpu.memory_space<vmem_shared>>) offsets(%dma_start3A_207 : memref<128xi32, #tpu.memory_space<vmem>>) semaphore(%run_scoped3A_204 : memref<!tpu.dma_semaphore, #tpu.memory_space<semaphore_mem>>) {add = true}
          %dma_wait3A_211 = arith.constant 0 : i32
          %dma_wait3A_212 = tpu.memref_slice %arg11[%run_scoped3A, %dma_wait3A_211] : memref<2x128xi32, #tpu.memory_space<vmem>> -> memref<1x128xi32, #tpu.memory_space<vmem>>
          %dma_wait3A_213 = tpu.memref_squeeze %dma_wait3A_212 : memref<1x128xi32, #tpu.memory_space<vmem>> -> memref<128xi32, #tpu.memory_space<vmem>>
          %dma_wait3A_214 = arith.constant 0 : i32
          %dma_wait3A_215 = arith.constant 0 : i32
          %dma_wait3A_216 = tpu.memref_slice %arg14[%dma_wait3A_214, %dma_wait3A_215] : memref<10112x128xf32, #tpu.memory_space<vmem_shared>> -> memref<10112x128xf32, #tpu.memory_space<vmem_shared>>
          tpu.wait_indirect_dma semaphore(%run_scoped3A_204 : memref<!tpu.dma_semaphore, #tpu.memory_space<semaphore_mem>>) src(%arg10 : memref<128x128xf32, #tpu.memory_space<vmem>>) dst(%dma_wait3A_216 : memref<10112x128xf32, #tpu.memory_space<vmem_shared>>)
          tpu.yield
        }) : () -> ()
      }
      %while3A_175 = arith.constant 1 : i32
      scf.for %while3A_187 = %while3A_173 to %while3A_169 step %while3A_175  : i32 {
        %mul3A = arith.constant 16 : i32
        %mul3A_188 = arith.muli %mul3A, %while3A_187 : i32
        %add3A_189 = arith.addi %arg1, %mul3A_188 : i32
        %mul3A_190 = arith.constant 128 : i32
        %mul3A_191 = arith.muli %add3A_189, %mul3A_190 : i32
        "tpu.region"() ({
          %run_scoped3A_204 = tpu.sem_alloc : memref<!tpu.dma_semaphore, #tpu.memory_space<semaphore_mem>>
          %dma_start3A_205 = arith.constant 0 : i32
          %dma_start3A_206 = tpu.memref_slice %arg4[%dma_start3A_205, %mul3A_191] : memref<2x160000xi32, #tpu.memory_space<hbm>> -> memref<2x128xi32, #tpu.memory_space<hbm>>
          %dma_start3A_207 = arith.constant 0 : i32
          %dma_start3A_208 = tpu.memref_slice %arg4[%dma_start3A_207, %mul3A_191] : memref<2x160000xi32, #tpu.memory_space<hbm>> -> memref<2x128xi32, #tpu.memory_space<hbm>>
          tpu.enqueue_dma source(%dma_start3A_208 : memref<2x128xi32, #tpu.memory_space<hbm>>) target(%arg11 : memref<2x128xi32, #tpu.memory_space<vmem>>) target_semaphore(%run_scoped3A_204 : memref<!tpu.dma_semaphore, #tpu.memory_space<semaphore_mem>>)
          %dma_wait3A_209 = arith.constant 0 : i32
          %dma_wait3A_210 = tpu.memref_slice %arg4[%dma_wait3A_209, %mul3A_191] : memref<2x160000xi32, #tpu.memory_space<hbm>> -> memref<2x128xi32, #tpu.memory_space<hbm>>
          %dma_wait3A_211 = arith.constant 0 : i32
          %dma_wait3A_212 = tpu.memref_slice %arg4[%dma_wait3A_211, %mul3A_191] : memref<2x160000xi32, #tpu.memory_space<hbm>> -> memref<2x128xi32, #tpu.memory_space<hbm>>
          tpu.wait_dma2 semaphore(%run_scoped3A_204 : memref<!tpu.dma_semaphore, #tpu.memory_space<semaphore_mem>>) src(%dma_wait3A_212 : memref<2x128xi32, #tpu.memory_space<hbm>>) dst(%arg11 : memref<2x128xi32, #tpu.memory_space<vmem>>)
          tpu.yield
        }) : () -> ()
        %dma_start3A = arith.constant 0 : i32
        %dma_start3A_192 = arith.constant 0 : i32
        %dma_start3A_193 = tpu.memref_slice %arg11[%dma_start3A, %dma_start3A_192] : memref<2x128xi32, #tpu.memory_space<vmem>> -> memref<1x128xi32, #tpu.memory_space<vmem>>
        %dma_start3A_194 = tpu.memref_squeeze %dma_start3A_193 : memref<1x128xi32, #tpu.memory_space<vmem>> -> memref<128xi32, #tpu.memory_space<vmem>>
        %dma_start3A_195 = arith.constant 0 : i32
        %dma_start3A_196 = arith.constant 0 : i32
        %dma_start3A_197 = tpu.memref_slice %arg2[%dma_start3A_195, %dma_start3A_196] : memref<10000x128xf32, #tpu.memory_space<hbm>> -> memref<10000x128xf32, #tpu.memory_space<hbm>>
        tpu.enqueue_indirect_dma source(%dma_start3A_197 : memref<10000x128xf32, #tpu.memory_space<hbm>>) target(%arg10 : memref<128x128xf32, #tpu.memory_space<vmem>>) offsets(%dma_start3A_194 : memref<128xi32, #tpu.memory_space<vmem>>) semaphore(%arg16 : memref<!tpu.dma_semaphore, #tpu.memory_space<semaphore_mem>>)
        %dma_wait3A = arith.constant 0 : i32
        %dma_wait3A_198 = arith.constant 0 : i32
        %dma_wait3A_199 = tpu.memref_slice %arg11[%dma_wait3A, %dma_wait3A_198] : memref<2x128xi32, #tpu.memory_space<vmem>> -> memref<1x128xi32, #tpu.memory_space<vmem>>
        %dma_wait3A_200 = tpu.memref_squeeze %dma_wait3A_199 : memref<1x128xi32, #tpu.memory_space<vmem>> -> memref<128xi32, #tpu.memory_space<vmem>>
        %dma_wait3A_201 = arith.constant 0 : i32
        %dma_wait3A_202 = arith.constant 0 : i32
        %dma_wait3A_203 = tpu.memref_slice %arg2[%dma_wait3A_201, %dma_wait3A_202] : memref<10000x128xf32, #tpu.memory_space<hbm>> -> memref<10000x128xf32, #tpu.memory_space<hbm>>
        tpu.wait_indirect_dma semaphore(%arg16 : memref<!tpu.dma_semaphore, #tpu.memory_space<semaphore_mem>>) src(%dma_wait3A_203 : memref<10000x128xf32, #tpu.memory_space<hbm>>) dst(%arg10 : memref<128x128xf32, #tpu.memory_space<vmem>>)
        %run_scoped3A = arith.constant 1 : i32
        "tpu.region"() ({
          %run_scoped3A_204 = tpu.sem_alloc : memref<!tpu.dma_semaphore, #tpu.memory_space<semaphore_mem>>
          %dma_start3A_205 = arith.constant 0 : i32
          %dma_start3A_206 = tpu.memref_slice %arg11[%run_scoped3A, %dma_start3A_205] : memref<2x128xi32, #tpu.memory_space<vmem>> -> memref<1x128xi32, #tpu.memory_space<vmem>>
          %dma_start3A_207 = tpu.memref_squeeze %dma_start3A_206 : memref<1x128xi32, #tpu.memory_space<vmem>> -> memref<128xi32, #tpu.memory_space<vmem>>
          %dma_start3A_208 = arith.constant 0 : i32
          %dma_start3A_209 = arith.constant 0 : i32
          %dma_start3A_210 = tpu.memref_slice %arg14[%dma_start3A_208, %dma_start3A_209] : memref<10112x128xf32, #tpu.memory_space<vmem_shared>> -> memref<10112x128xf32, #tpu.memory_space<vmem_shared>>
          tpu.enqueue_indirect_dma source(%arg10 : memref<128x128xf32, #tpu.memory_space<vmem>>) target(%dma_start3A_210 : memref<10112x128xf32, #tpu.memory_space<vmem_shared>>) offsets(%dma_start3A_207 : memref<128xi32, #tpu.memory_space<vmem>>) semaphore(%run_scoped3A_204 : memref<!tpu.dma_semaphore, #tpu.memory_space<semaphore_mem>>) {add = true}
          %dma_wait3A_211 = arith.constant 0 : i32
          %dma_wait3A_212 = tpu.memref_slice %arg11[%run_scoped3A, %dma_wait3A_211] : memref<2x128xi32, #tpu.memory_space<vmem>> -> memref<1x128xi32, #tpu.memory_space<vmem>>
          %dma_wait3A_213 = tpu.memref_squeeze %dma_wait3A_212 : memref<1x128xi32, #tpu.memory_space<vmem>> -> memref<128xi32, #tpu.memory_space<vmem>>
          %dma_wait3A_214 = arith.constant 0 : i32
          %dma_wait3A_215 = arith.constant 0 : i32
          %dma_wait3A_216 = tpu.memref_slice %arg14[%dma_wait3A_214, %dma_wait3A_215] : memref<10112x128xf32, #tpu.memory_space<vmem_shared>> -> memref<10112x128xf32, #tpu.memory_space<vmem_shared>>
          tpu.wait_indirect_dma semaphore(%run_scoped3A_204 : memref<!tpu.dma_semaphore, #tpu.memory_space<semaphore_mem>>) src(%arg10 : memref<128x128xf32, #tpu.memory_space<vmem>>) dst(%dma_wait3A_216 : memref<10112x128xf32, #tpu.memory_space<vmem_shared>>)
          tpu.yield
        }) : () -> ()
      }
      %barrier3A_176 = arith.constant 0 : index
      tpu.barrier barrier_id(%barrier3A_176)
      %while3A_177 = arith.constant 0 : i32
      %while3A_178 = arith.constant 0 : i32
      %while3A_179 = arith.subi %select_n3A, %while3A_178 : i32
      %while3A_180 = arith.addi %while3A_178, %while3A_179 : i32
      %while3A_181 = arith.constant 1 : i32
      %while3A_182 = arith.divsi %while3A_179, %while3A_181 : i32
      %while3A_183 = arith.muli %while3A_182, %while3A_181 : i32
      %while3A_184 = arith.addi %while3A_178, %while3A_183 : i32
      %while3A_185 = arith.constant 1 : i32
      scf.for %while3A_187 = %while3A_178 to %while3A_184 step %while3A_185  : i32 {
        %mul3A = arith.constant 16 : i32
        %mul3A_188 = arith.muli %mul3A, %while3A_187 : i32
        %add3A_189 = arith.addi %arg1, %mul3A_188 : i32
        %mul3A_190 = arith.constant 128 : i32
        %mul3A_191 = arith.muli %add3A_189, %mul3A_190 : i32
        "tpu.region"() ({
          %run_scoped3A = tpu.sem_alloc : memref<!tpu.dma_semaphore, #tpu.memory_space<semaphore_mem>>
          %dma_start3A = arith.constant 0 : i32
          %dma_start3A_192 = tpu.memref_slice %arg6[%mul3A_191, %dma_start3A] : memref<10112x128xf32, #tpu.memory_space<hbm>> -> memref<128x128xf32, #tpu.memory_space<hbm>>
          %dma_start3A_193 = arith.constant 0 : i32
          %dma_start3A_194 = tpu.memref_slice %arg14[%mul3A_191, %dma_start3A_193] : memref<10112x128xf32, #tpu.memory_space<vmem_shared>> -> memref<128x128xf32, #tpu.memory_space<vmem_shared>>
          tpu.enqueue_dma source(%dma_start3A_194 : memref<128x128xf32, #tpu.memory_space<vmem_shared>>) target(%dma_start3A_192 : memref<128x128xf32, #tpu.memory_space<hbm>>) target_semaphore(%run_scoped3A : memref<!tpu.dma_semaphore, #tpu.memory_space<semaphore_mem>>)
          %dma_wait3A = arith.constant 0 : i32
          %dma_wait3A_195 = tpu.memref_slice %arg6[%mul3A_191, %dma_wait3A] : memref<10112x128xf32, #tpu.memory_space<hbm>> -> memref<128x128xf32, #tpu.memory_space<hbm>>
          %dma_wait3A_196 = arith.constant 0 : i32
          %dma_wait3A_197 = tpu.memref_slice %arg14[%mul3A_191, %dma_wait3A_196] : memref<10112x128xf32, #tpu.memory_space<vmem_shared>> -> memref<128x128xf32, #tpu.memory_space<vmem_shared>>
          tpu.wait_dma2 semaphore(%run_scoped3A : memref<!tpu.dma_semaphore, #tpu.memory_space<semaphore_mem>>) src(%dma_wait3A_197 : memref<128x128xf32, #tpu.memory_space<vmem_shared>>) dst(%dma_wait3A_195 : memref<128x128xf32, #tpu.memory_space<hbm>>)
          tpu.yield
        }) : () -> ()
      }
      %while3A_186 = arith.constant 1 : i32
      scf.for %while3A_187 = %while3A_184 to %while3A_180 step %while3A_186  : i32 {
        %mul3A = arith.constant 16 : i32
        %mul3A_188 = arith.muli %mul3A, %while3A_187 : i32
        %add3A_189 = arith.addi %arg1, %mul3A_188 : i32
        %mul3A_190 = arith.constant 128 : i32
        %mul3A_191 = arith.muli %add3A_189, %mul3A_190 : i32
        "tpu.region"() ({
          %run_scoped3A = tpu.sem_alloc : memref<!tpu.dma_semaphore, #tpu.memory_space<semaphore_mem>>
          %dma_start3A = arith.constant 0 : i32
          %dma_start3A_192 = tpu.memref_slice %arg6[%mul3A_191, %dma_start3A] : memref<10112x128xf32, #tpu.memory_space<hbm>> -> memref<128x128xf32, #tpu.memory_space<hbm>>
          %dma_start3A_193 = arith.constant 0 : i32
          %dma_start3A_194 = tpu.memref_slice %arg14[%mul3A_191, %dma_start3A_193] : memref<10112x128xf32, #tpu.memory_space<vmem_shared>> -> memref<128x128xf32, #tpu.memory_space<vmem_shared>>
          tpu.enqueue_dma source(%dma_start3A_194 : memref<128x128xf32, #tpu.memory_space<vmem_shared>>) target(%dma_start3A_192 : memref<128x128xf32, #tpu.memory_space<hbm>>) target_semaphore(%run_scoped3A : memref<!tpu.dma_semaphore, #tpu.memory_space<semaphore_mem>>)
          %dma_wait3A = arith.constant 0 : i32
          %dma_wait3A_195 = tpu.memref_slice %arg6[%mul3A_191, %dma_wait3A] : memref<10112x128xf32, #tpu.memory_space<hbm>> -> memref<128x128xf32, #tpu.memory_space<hbm>>
          %dma_wait3A_196 = arith.constant 0 : i32
          %dma_wait3A_197 = tpu.memref_slice %arg14[%mul3A_191, %dma_wait3A_196] : memref<10112x128xf32, #tpu.memory_space<vmem_shared>> -> memref<128x128xf32, #tpu.memory_space<vmem_shared>>
          tpu.wait_dma2 semaphore(%run_scoped3A : memref<!tpu.dma_semaphore, #tpu.memory_space<semaphore_mem>>) src(%dma_wait3A_197 : memref<128x128xf32, #tpu.memory_space<vmem_shared>>) dst(%dma_wait3A_195 : memref<128x128xf32, #tpu.memory_space<hbm>>)
          tpu.yield
        }) : () -> ()
      }
    } else {
    }
    %eq3A_122 = arith.constant 1 : i32
    %eq3A_123 = arith.cmpi eq, %arg0, %eq3A_122 : i32
    %convert_element_type3A_124 = arith.extui %eq3A_123 : i1 to i32
    %cond3A_125 = arith.constant 0 : i32
    %cond3A_126 = arith.cmpi ne, %convert_element_type3A_124, %cond3A_125 : i32
    scf.if %cond3A_126 {
      %while3A = arith.constant 0 : i32
      %while3A_127 = arith.constant 0 : i32
      %while3A_128 = arith.subi %select_n3A, %while3A_127 : i32
      %while3A_129 = arith.addi %while3A_127, %while3A_128 : i32
      %while3A_130 = arith.constant 1 : i32
      %while3A_131 = arith.divsi %while3A_128, %while3A_130 : i32
      %while3A_132 = arith.muli %while3A_131, %while3A_130 : i32
      %while3A_133 = arith.addi %while3A_127, %while3A_132 : i32
      %while3A_134 = arith.constant 1 : i32
      scf.for %while3A_187 = %while3A_127 to %while3A_133 step %while3A_134  : i32 {
        %mul3A = arith.constant 16 : i32
        %mul3A_188 = arith.muli %mul3A, %while3A_187 : i32
        %add3A_189 = arith.addi %arg1, %mul3A_188 : i32
        %mul3A_190 = arith.constant 128 : i32
        %mul3A_191 = arith.muli %add3A_189, %mul3A_190 : i32
        "tpu.region"() ({
          %run_scoped3A = tpu.sem_alloc : memref<!tpu.dma_semaphore, #tpu.memory_space<semaphore_mem>>
          %dma_start3A = arith.constant 0 : i32
          %dma_start3A_192 = tpu.memref_slice %arg14[%mul3A_191, %dma_start3A] : memref<10112x128xf32, #tpu.memory_space<vmem_shared>> -> memref<128x128xf32, #tpu.memory_space<vmem_shared>>
          %dma_start3A_193 = arith.constant 0 : i32
          %dma_start3A_194 = tpu.memref_slice %arg14[%mul3A_191, %dma_start3A_193] : memref<10112x128xf32, #tpu.memory_space<vmem_shared>> -> memref<128x128xf32, #tpu.memory_space<vmem_shared>>
          tpu.enqueue_dma source(%arg10 : memref<128x128xf32, #tpu.memory_space<vmem>>) target(%dma_start3A_194 : memref<128x128xf32, #tpu.memory_space<vmem_shared>>) target_semaphore(%run_scoped3A : memref<!tpu.dma_semaphore, #tpu.memory_space<semaphore_mem>>)
          %dma_wait3A = arith.constant 0 : i32
          %dma_wait3A_195 = tpu.memref_slice %arg14[%mul3A_191, %dma_wait3A] : memref<10112x128xf32, #tpu.memory_space<vmem_shared>> -> memref<128x128xf32, #tpu.memory_space<vmem_shared>>
          %dma_wait3A_196 = arith.constant 0 : i32
          %dma_wait3A_197 = tpu.memref_slice %arg14[%mul3A_191, %dma_wait3A_196] : memref<10112x128xf32, #tpu.memory_space<vmem_shared>> -> memref<128x128xf32, #tpu.memory_space<vmem_shared>>
          tpu.wait_dma2 semaphore(%run_scoped3A : memref<!tpu.dma_semaphore, #tpu.memory_space<semaphore_mem>>) src(%arg10 : memref<128x128xf32, #tpu.memory_space<vmem>>) dst(%dma_wait3A_197 : memref<128x128xf32, #tpu.memory_space<vmem_shared>>)
          tpu.yield
        }) : () -> ()
      }
      %while3A_135 = arith.constant 1 : i32
      scf.for %while3A_187 = %while3A_133 to %while3A_129 step %while3A_135  : i32 {
        %mul3A = arith.constant 16 : i32
        %mul3A_188 = arith.muli %mul3A, %while3A_187 : i32
        %add3A_189 = arith.addi %arg1, %mul3A_188 : i32
        %mul3A_190 = arith.constant 128 : i32
        %mul3A_191 = arith.muli %add3A_189, %mul3A_190 : i32
        "tpu.region"() ({
          %run_scoped3A = tpu.sem_alloc : memref<!tpu.dma_semaphore, #tpu.memory_space<semaphore_mem>>
          %dma_start3A = arith.constant 0 : i32
          %dma_start3A_192 = tpu.memref_slice %arg14[%mul3A_191, %dma_start3A] : memref<10112x128xf32, #tpu.memory_space<vmem_shared>> -> memref<128x128xf32, #tpu.memory_space<vmem_shared>>
          %dma_start3A_193 = arith.constant 0 : i32
          %dma_start3A_194 = tpu.memref_slice %arg14[%mul3A_191, %dma_start3A_193] : memref<10112x128xf32, #tpu.memory_space<vmem_shared>> -> memref<128x128xf32, #tpu.memory_space<vmem_shared>>
          tpu.enqueue_dma source(%arg10 : memref<128x128xf32, #tpu.memory_space<vmem>>) target(%dma_start3A_194 : memref<128x128xf32, #tpu.memory_space<vmem_shared>>) target_semaphore(%run_scoped3A : memref<!tpu.dma_semaphore, #tpu.memory_space<semaphore_mem>>)
          %dma_wait3A = arith.constant 0 : i32
          %dma_wait3A_195 = tpu.memref_slice %arg14[%mul3A_191, %dma_wait3A] : memref<10112x128xf32, #tpu.memory_space<vmem_shared>> -> memref<128x128xf32, #tpu.memory_space<vmem_shared>>
          %dma_wait3A_196 = arith.constant 0 : i32
          %dma_wait3A_197 = tpu.memref_slice %arg14[%mul3A_191, %dma_wait3A_196] : memref<10112x128xf32, #tpu.memory_space<vmem_shared>> -> memref<128x128xf32, #tpu.memory_space<vmem_shared>>
          tpu.wait_dma2 semaphore(%run_scoped3A : memref<!tpu.dma_semaphore, #tpu.memory_space<semaphore_mem>>) src(%arg10 : memref<128x128xf32, #tpu.memory_space<vmem>>) dst(%dma_wait3A_197 : memref<128x128xf32, #tpu.memory_space<vmem_shared>>)
          tpu.yield
        }) : () -> ()
      }
      %barrier3A = arith.constant 0 : index
      tpu.barrier barrier_id(%barrier3A)
      %sub3A_136 = arith.constant 1250 : i32
      %sub3A_137 = arith.subi %sub3A_136, %arg1 : i32
      %add3A_138 = arith.constant 16 : i32
      %add3A_139 = arith.addi %sub3A_137, %add3A_138 : i32
      %sub3A_140 = arith.constant 1 : i32
      %sub3A_141 = arith.subi %add3A_139, %sub3A_140 : i32
      %jit3A_142 = arith.constant 16 : i32
      %div3A_143 = arith.divsi %sub3A_141, %jit3A_142 : i32
      %sign3A_144 = arith.constant 0 : i32
      %sign3A_145 = arith.cmpi sgt, %sub3A_141, %sign3A_144 : i32
      %sign3A_146 = arith.extui %sign3A_145 : i1 to i32
      %sign3A_147 = arith.constant 0 : i32
      %sign3A_148 = arith.cmpi slt, %sub3A_141, %sign3A_147 : i32
      %sign3A_149 = arith.extui %sign3A_148 : i1 to i32
      %sign3A_150 = arith.subi %sign3A_146, %sign3A_149 : i32
      %sign3A_151 = arith.constant 0 : i32
      %sign3A_152 = arith.cmpi sgt, %jit3A_142, %sign3A_151 : i32
      %sign3A_153 = arith.extui %sign3A_152 : i1 to i32
      %sign3A_154 = arith.constant 0 : i32
      %sign3A_155 = arith.cmpi slt, %jit3A_142, %sign3A_154 : i32
      %sign3A_156 = arith.extui %sign3A_155 : i1 to i32
      %sign3A_157 = arith.subi %sign3A_153, %sign3A_156 : i32
      %ne3A_158 = arith.cmpi ne, %sign3A_150, %sign3A_157 : i32
      %rem3A_159 = arith.remsi %sub3A_141, %jit3A_142 : i32
      %ne3A_160 = arith.constant 0 : i32
      %ne3A_161 = arith.cmpi ne, %rem3A_159, %ne3A_160 : i32
      %and3A_162 = arith.andi %ne3A_158, %ne3A_161 : i1
      %sub3A_163 = arith.constant 1 : i32
      %sub3A_164 = arith.subi %div3A_143, %sub3A_163 : i32
      %select_n3A_165 = arith.select %and3A_162, %sub3A_164, %div3A_143 : i32
      %while3A_166 = arith.constant 0 : i32
      %while3A_167 = arith.constant 0 : i32
      %while3A_168 = arith.subi %select_n3A_165, %while3A_167 : i32
      %while3A_169 = arith.addi %while3A_167, %while3A_168 : i32
      %while3A_170 = arith.constant 1 : i32
      %while3A_171 = arith.divsi %while3A_168, %while3A_170 : i32
      %while3A_172 = arith.muli %while3A_171, %while3A_170 : i32
      %while3A_173 = arith.addi %while3A_167, %while3A_172 : i32
      %while3A_174 = arith.constant 1 : i32
      scf.for %while3A_187 = %while3A_167 to %while3A_173 step %while3A_174  : i32 {
        %mul3A = arith.constant 16 : i32
        %mul3A_188 = arith.muli %mul3A, %while3A_187 : i32
        %add3A_189 = arith.addi %arg1, %mul3A_188 : i32
        %mul3A_190 = arith.constant 128 : i32
        %mul3A_191 = arith.muli %add3A_189, %mul3A_190 : i32
        "tpu.region"() ({
          %run_scoped3A_204 = tpu.sem_alloc : memref<!tpu.dma_semaphore, #tpu.memory_space<semaphore_mem>>
          %dma_start3A_205 = arith.constant 0 : i32
          %dma_start3A_206 = tpu.memref_slice %arg5[%dma_start3A_205, %mul3A_191] : memref<2x160000xi32, #tpu.memory_space<hbm>> -> memref<2x128xi32, #tpu.memory_space<hbm>>
          %dma_start3A_207 = arith.constant 0 : i32
          %dma_start3A_208 = tpu.memref_slice %arg5[%dma_start3A_207, %mul3A_191] : memref<2x160000xi32, #tpu.memory_space<hbm>> -> memref<2x128xi32, #tpu.memory_space<hbm>>
          tpu.enqueue_dma source(%dma_start3A_208 : memref<2x128xi32, #tpu.memory_space<hbm>>) target(%arg11 : memref<2x128xi32, #tpu.memory_space<vmem>>) target_semaphore(%run_scoped3A_204 : memref<!tpu.dma_semaphore, #tpu.memory_space<semaphore_mem>>)
          %dma_wait3A_209 = arith.constant 0 : i32
          %dma_wait3A_210 = tpu.memref_slice %arg5[%dma_wait3A_209, %mul3A_191] : memref<2x160000xi32, #tpu.memory_space<hbm>> -> memref<2x128xi32, #tpu.memory_space<hbm>>
          %dma_wait3A_211 = arith.constant 0 : i32
          %dma_wait3A_212 = tpu.memref_slice %arg5[%dma_wait3A_211, %mul3A_191] : memref<2x160000xi32, #tpu.memory_space<hbm>> -> memref<2x128xi32, #tpu.memory_space<hbm>>
          tpu.wait_dma2 semaphore(%run_scoped3A_204 : memref<!tpu.dma_semaphore, #tpu.memory_space<semaphore_mem>>) src(%dma_wait3A_212 : memref<2x128xi32, #tpu.memory_space<hbm>>) dst(%arg11 : memref<2x128xi32, #tpu.memory_space<vmem>>)
          tpu.yield
        }) : () -> ()
        %dma_start3A = arith.constant 0 : i32
        %dma_start3A_192 = arith.constant 0 : i32
        %dma_start3A_193 = tpu.memref_slice %arg11[%dma_start3A, %dma_start3A_192] : memref<2x128xi32, #tpu.memory_space<vmem>> -> memref<1x128xi32, #tpu.memory_space<vmem>>
        %dma_start3A_194 = tpu.memref_squeeze %dma_start3A_193 : memref<1x128xi32, #tpu.memory_space<vmem>> -> memref<128xi32, #tpu.memory_space<vmem>>
        %dma_start3A_195 = arith.constant 0 : i32
        %dma_start3A_196 = arith.constant 0 : i32
        %dma_start3A_197 = tpu.memref_slice %arg3[%dma_start3A_195, %dma_start3A_196] : memref<10000x128xf32, #tpu.memory_space<hbm>> -> memref<10000x128xf32, #tpu.memory_space<hbm>>
        tpu.enqueue_indirect_dma source(%dma_start3A_197 : memref<10000x128xf32, #tpu.memory_space<hbm>>) target(%arg10 : memref<128x128xf32, #tpu.memory_space<vmem>>) offsets(%dma_start3A_194 : memref<128xi32, #tpu.memory_space<vmem>>) semaphore(%arg16 : memref<!tpu.dma_semaphore, #tpu.memory_space<semaphore_mem>>)
        %dma_wait3A = arith.constant 0 : i32
        %dma_wait3A_198 = arith.constant 0 : i32
        %dma_wait3A_199 = tpu.memref_slice %arg11[%dma_wait3A, %dma_wait3A_198] : memref<2x128xi32, #tpu.memory_space<vmem>> -> memref<1x128xi32, #tpu.memory_space<vmem>>
        %dma_wait3A_200 = tpu.memref_squeeze %dma_wait3A_199 : memref<1x128xi32, #tpu.memory_space<vmem>> -> memref<128xi32, #tpu.memory_space<vmem>>
        %dma_wait3A_201 = arith.constant 0 : i32
        %dma_wait3A_202 = arith.constant 0 : i32
        %dma_wait3A_203 = tpu.memref_slice %arg3[%dma_wait3A_201, %dma_wait3A_202] : memref<10000x128xf32, #tpu.memory_space<hbm>> -> memref<10000x128xf32, #tpu.memory_space<hbm>>
        tpu.wait_indirect_dma semaphore(%arg16 : memref<!tpu.dma_semaphore, #tpu.memory_space<semaphore_mem>>) src(%dma_wait3A_203 : memref<10000x128xf32, #tpu.memory_space<hbm>>) dst(%arg10 : memref<128x128xf32, #tpu.memory_space<vmem>>)
        %run_scoped3A = arith.constant 1 : i32
        "tpu.region"() ({
          %run_scoped3A_204 = tpu.sem_alloc : memref<!tpu.dma_semaphore, #tpu.memory_space<semaphore_mem>>
          %dma_start3A_205 = arith.constant 0 : i32
          %dma_start3A_206 = tpu.memref_slice %arg11[%run_scoped3A, %dma_start3A_205] : memref<2x128xi32, #tpu.memory_space<vmem>> -> memref<1x128xi32, #tpu.memory_space<vmem>>
          %dma_start3A_207 = tpu.memref_squeeze %dma_start3A_206 : memref<1x128xi32, #tpu.memory_space<vmem>> -> memref<128xi32, #tpu.memory_space<vmem>>
          %dma_start3A_208 = arith.constant 0 : i32
          %dma_start3A_209 = arith.constant 0 : i32
          %dma_start3A_210 = tpu.memref_slice %arg14[%dma_start3A_208, %dma_start3A_209] : memref<10112x128xf32, #tpu.memory_space<vmem_shared>> -> memref<10112x128xf32, #tpu.memory_space<vmem_shared>>
          tpu.enqueue_indirect_dma source(%arg10 : memref<128x128xf32, #tpu.memory_space<vmem>>) target(%dma_start3A_210 : memref<10112x128xf32, #tpu.memory_space<vmem_shared>>) offsets(%dma_start3A_207 : memref<128xi32, #tpu.memory_space<vmem>>) semaphore(%run_scoped3A_204 : memref<!tpu.dma_semaphore, #tpu.memory_space<semaphore_mem>>) {add = true}
          %dma_wait3A_211 = arith.constant 0 : i32
          %dma_wait3A_212 = tpu.memref_slice %arg11[%run_scoped3A, %dma_wait3A_211] : memref<2x128xi32, #tpu.memory_space<vmem>> -> memref<1x128xi32, #tpu.memory_space<vmem>>
          %dma_wait3A_213 = tpu.memref_squeeze %dma_wait3A_212 : memref<1x128xi32, #tpu.memory_space<vmem>> -> memref<128xi32, #tpu.memory_space<vmem>>
          %dma_wait3A_214 = arith.constant 0 : i32
          %dma_wait3A_215 = arith.constant 0 : i32
          %dma_wait3A_216 = tpu.memref_slice %arg14[%dma_wait3A_214, %dma_wait3A_215] : memref<10112x128xf32, #tpu.memory_space<vmem_shared>> -> memref<10112x128xf32, #tpu.memory_space<vmem_shared>>
          tpu.wait_indirect_dma semaphore(%run_scoped3A_204 : memref<!tpu.dma_semaphore, #tpu.memory_space<semaphore_mem>>) src(%arg10 : memref<128x128xf32, #tpu.memory_space<vmem>>) dst(%dma_wait3A_216 : memref<10112x128xf32, #tpu.memory_space<vmem_shared>>)
          tpu.yield
        }) : () -> ()
      }
      %while3A_175 = arith.constant 1 : i32
      scf.for %while3A_187 = %while3A_173 to %while3A_169 step %while3A_175  : i32 {
        %mul3A = arith.constant 16 : i32
        %mul3A_188 = arith.muli %mul3A, %while3A_187 : i32
        %add3A_189 = arith.addi %arg1, %mul3A_188 : i32
        %mul3A_190 = arith.constant 128 : i32
        %mul3A_191 = arith.muli %add3A_189, %mul3A_190 : i32
        "tpu.region"() ({
          %run_scoped3A_204 = tpu.sem_alloc : memref<!tpu.dma_semaphore, #tpu.memory_space<semaphore_mem>>
          %dma_start3A_205 = arith.constant 0 : i32
          %dma_start3A_206 = tpu.memref_slice %arg5[%dma_start3A_205, %mul3A_191] : memref<2x160000xi32, #tpu.memory_space<hbm>> -> memref<2x128xi32, #tpu.memory_space<hbm>>
          %dma_start3A_207 = arith.constant 0 : i32
          %dma_start3A_208 = tpu.memref_slice %arg5[%dma_start3A_207, %mul3A_191] : memref<2x160000xi32, #tpu.memory_space<hbm>> -> memref<2x128xi32, #tpu.memory_space<hbm>>
          tpu.enqueue_dma source(%dma_start3A_208 : memref<2x128xi32, #tpu.memory_space<hbm>>) target(%arg11 : memref<2x128xi32, #tpu.memory_space<vmem>>) target_semaphore(%run_scoped3A_204 : memref<!tpu.dma_semaphore, #tpu.memory_space<semaphore_mem>>)
          %dma_wait3A_209 = arith.constant 0 : i32
          %dma_wait3A_210 = tpu.memref_slice %arg5[%dma_wait3A_209, %mul3A_191] : memref<2x160000xi32, #tpu.memory_space<hbm>> -> memref<2x128xi32, #tpu.memory_space<hbm>>
          %dma_wait3A_211 = arith.constant 0 : i32
          %dma_wait3A_212 = tpu.memref_slice %arg5[%dma_wait3A_211, %mul3A_191] : memref<2x160000xi32, #tpu.memory_space<hbm>> -> memref<2x128xi32, #tpu.memory_space<hbm>>
          tpu.wait_dma2 semaphore(%run_scoped3A_204 : memref<!tpu.dma_semaphore, #tpu.memory_space<semaphore_mem>>) src(%dma_wait3A_212 : memref<2x128xi32, #tpu.memory_space<hbm>>) dst(%arg11 : memref<2x128xi32, #tpu.memory_space<vmem>>)
          tpu.yield
        }) : () -> ()
        %dma_start3A = arith.constant 0 : i32
        %dma_start3A_192 = arith.constant 0 : i32
        %dma_start3A_193 = tpu.memref_slice %arg11[%dma_start3A, %dma_start3A_192] : memref<2x128xi32, #tpu.memory_space<vmem>> -> memref<1x128xi32, #tpu.memory_space<vmem>>
        %dma_start3A_194 = tpu.memref_squeeze %dma_start3A_193 : memref<1x128xi32, #tpu.memory_space<vmem>> -> memref<128xi32, #tpu.memory_space<vmem>>
        %dma_start3A_195 = arith.constant 0 : i32
        %dma_start3A_196 = arith.constant 0 : i32
        %dma_start3A_197 = tpu.memref_slice %arg3[%dma_start3A_195, %dma_start3A_196] : memref<10000x128xf32, #tpu.memory_space<hbm>> -> memref<10000x128xf32, #tpu.memory_space<hbm>>
        tpu.enqueue_indirect_dma source(%dma_start3A_197 : memref<10000x128xf32, #tpu.memory_space<hbm>>) target(%arg10 : memref<128x128xf32, #tpu.memory_space<vmem>>) offsets(%dma_start3A_194 : memref<128xi32, #tpu.memory_space<vmem>>) semaphore(%arg16 : memref<!tpu.dma_semaphore, #tpu.memory_space<semaphore_mem>>)
        %dma_wait3A = arith.constant 0 : i32
        %dma_wait3A_198 = arith.constant 0 : i32
        %dma_wait3A_199 = tpu.memref_slice %arg11[%dma_wait3A, %dma_wait3A_198] : memref<2x128xi32, #tpu.memory_space<vmem>> -> memref<1x128xi32, #tpu.memory_space<vmem>>
        %dma_wait3A_200 = tpu.memref_squeeze %dma_wait3A_199 : memref<1x128xi32, #tpu.memory_space<vmem>> -> memref<128xi32, #tpu.memory_space<vmem>>
        %dma_wait3A_201 = arith.constant 0 : i32
        %dma_wait3A_202 = arith.constant 0 : i32
        %dma_wait3A_203 = tpu.memref_slice %arg3[%dma_wait3A_201, %dma_wait3A_202] : memref<10000x128xf32, #tpu.memory_space<hbm>> -> memref<10000x128xf32, #tpu.memory_space<hbm>>
        tpu.wait_indirect_dma semaphore(%arg16 : memref<!tpu.dma_semaphore, #tpu.memory_space<semaphore_mem>>) src(%dma_wait3A_203 : memref<10000x128xf32, #tpu.memory_space<hbm>>) dst(%arg10 : memref<128x128xf32, #tpu.memory_space<vmem>>)
        %run_scoped3A = arith.constant 1 : i32
        "tpu.region"() ({
          %run_scoped3A_204 = tpu.sem_alloc : memref<!tpu.dma_semaphore, #tpu.memory_space<semaphore_mem>>
          %dma_start3A_205 = arith.constant 0 : i32
          %dma_start3A_206 = tpu.memref_slice %arg11[%run_scoped3A, %dma_start3A_205] : memref<2x128xi32, #tpu.memory_space<vmem>> -> memref<1x128xi32, #tpu.memory_space<vmem>>
          %dma_start3A_207 = tpu.memref_squeeze %dma_start3A_206 : memref<1x128xi32, #tpu.memory_space<vmem>> -> memref<128xi32, #tpu.memory_space<vmem>>
          %dma_start3A_208 = arith.constant 0 : i32
          %dma_start3A_209 = arith.constant 0 : i32
          %dma_start3A_210 = tpu.memref_slice %arg14[%dma_start3A_208, %dma_start3A_209] : memref<10112x128xf32, #tpu.memory_space<vmem_shared>> -> memref<10112x128xf32, #tpu.memory_space<vmem_shared>>
          tpu.enqueue_indirect_dma source(%arg10 : memref<128x128xf32, #tpu.memory_space<vmem>>) target(%dma_start3A_210 : memref<10112x128xf32, #tpu.memory_space<vmem_shared>>) offsets(%dma_start3A_207 : memref<128xi32, #tpu.memory_space<vmem>>) semaphore(%run_scoped3A_204 : memref<!tpu.dma_semaphore, #tpu.memory_space<semaphore_mem>>) {add = true}
          %dma_wait3A_211 = arith.constant 0 : i32
          %dma_wait3A_212 = tpu.memref_slice %arg11[%run_scoped3A, %dma_wait3A_211] : memref<2x128xi32, #tpu.memory_space<vmem>> -> memref<1x128xi32, #tpu.memory_space<vmem>>
          %dma_wait3A_213 = tpu.memref_squeeze %dma_wait3A_212 : memref<1x128xi32, #tpu.memory_space<vmem>> -> memref<128xi32, #tpu.memory_space<vmem>>
          %dma_wait3A_214 = arith.constant 0 : i32
          %dma_wait3A_215 = arith.constant 0 : i32
          %dma_wait3A_216 = tpu.memref_slice %arg14[%dma_wait3A_214, %dma_wait3A_215] : memref<10112x128xf32, #tpu.memory_space<vmem_shared>> -> memref<10112x128xf32, #tpu.memory_space<vmem_shared>>
          tpu.wait_indirect_dma semaphore(%run_scoped3A_204 : memref<!tpu.dma_semaphore, #tpu.memory_space<semaphore_mem>>) src(%arg10 : memref<128x128xf32, #tpu.memory_space<vmem>>) dst(%dma_wait3A_216 : memref<10112x128xf32, #tpu.memory_space<vmem_shared>>)
          tpu.yield
        }) : () -> ()
      }
      %barrier3A_176 = arith.constant 0 : index
      tpu.barrier barrier_id(%barrier3A_176)
      %while3A_177 = arith.constant 0 : i32
      %while3A_178 = arith.constant 0 : i32
      %while3A_179 = arith.subi %select_n3A, %while3A_178 : i32
      %while3A_180 = arith.addi %while3A_178, %while3A_179 : i32
      %while3A_181 = arith.constant 1 : i32
      %while3A_182 = arith.divsi %while3A_179, %while3A_181 : i32
      %while3A_183 = arith.muli %while3A_182, %while3A_181 : i32
      %while3A_184 = arith.addi %while3A_178, %while3A_183 : i32
      %while3A_185 = arith.constant 1 : i32
      scf.for %while3A_187 = %while3A_178 to %while3A_184 step %while3A_185  : i32 {
        %mul3A = arith.constant 16 : i32
        %mul3A_188 = arith.muli %mul3A, %while3A_187 : i32
        %add3A_189 = arith.addi %arg1, %mul3A_188 : i32
        %mul3A_190 = arith.constant 128 : i32
        %mul3A_191 = arith.muli %add3A_189, %mul3A_190 : i32
        "tpu.region"() ({
          %run_scoped3A = tpu.sem_alloc : memref<!tpu.dma_semaphore, #tpu.memory_space<semaphore_mem>>
          %dma_start3A = arith.constant 0 : i32
          %dma_start3A_192 = tpu.memref_slice %arg7[%mul3A_191, %dma_start3A] : memref<10112x128xf32, #tpu.memory_space<hbm>> -> memref<128x128xf32, #tpu.memory_space<hbm>>
          %dma_start3A_193 = arith.constant 0 : i32
          %dma_start3A_194 = tpu.memref_slice %arg14[%mul3A_191, %dma_start3A_193] : memref<10112x128xf32, #tpu.memory_space<vmem_shared>> -> memref<128x128xf32, #tpu.memory_space<vmem_shared>>
          tpu.enqueue_dma source(%dma_start3A_194 : memref<128x128xf32, #tpu.memory_space<vmem_shared>>) target(%dma_start3A_192 : memref<128x128xf32, #tpu.memory_space<hbm>>) target_semaphore(%run_scoped3A : memref<!tpu.dma_semaphore, #tpu.memory_space<semaphore_mem>>)
          %dma_wait3A = arith.constant 0 : i32
          %dma_wait3A_195 = tpu.memref_slice %arg7[%mul3A_191, %dma_wait3A] : memref<10112x128xf32, #tpu.memory_space<hbm>> -> memref<128x128xf32, #tpu.memory_space<hbm>>
          %dma_wait3A_196 = arith.constant 0 : i32
          %dma_wait3A_197 = tpu.memref_slice %arg14[%mul3A_191, %dma_wait3A_196] : memref<10112x128xf32, #tpu.memory_space<vmem_shared>> -> memref<128x128xf32, #tpu.memory_space<vmem_shared>>
          tpu.wait_dma2 semaphore(%run_scoped3A : memref<!tpu.dma_semaphore, #tpu.memory_space<semaphore_mem>>) src(%dma_wait3A_197 : memref<128x128xf32, #tpu.memory_space<vmem_shared>>) dst(%dma_wait3A_195 : memref<128x128xf32, #tpu.memory_space<hbm>>)
          tpu.yield
        }) : () -> ()
      }
      %while3A_186 = arith.constant 1 : i32
      scf.for %while3A_187 = %while3A_184 to %while3A_180 step %while3A_186  : i32 {
        %mul3A = arith.constant 16 : i32
        %mul3A_188 = arith.muli %mul3A, %while3A_187 : i32
        %add3A_189 = arith.addi %arg1, %mul3A_188 : i32
        %mul3A_190 = arith.constant 128 : i32
        %mul3A_191 = arith.muli %add3A_189, %mul3A_190 : i32
        "tpu.region"() ({
          %run_scoped3A = tpu.sem_alloc : memref<!tpu.dma_semaphore, #tpu.memory_space<semaphore_mem>>
          %dma_start3A = arith.constant 0 : i32
          %dma_start3A_192 = tpu.memref_slice %arg7[%mul3A_191, %dma_start3A] : memref<10112x128xf32, #tpu.memory_space<hbm>> -> memref<128x128xf32, #tpu.memory_space<hbm>>
          %dma_start3A_193 = arith.constant 0 : i32
          %dma_start3A_194 = tpu.memref_slice %arg14[%mul3A_191, %dma_start3A_193] : memref<10112x128xf32, #tpu.memory_space<vmem_shared>> -> memref<128x128xf32, #tpu.memory_space<vmem_shared>>
          tpu.enqueue_dma source(%dma_start3A_194 : memref<128x128xf32, #tpu.memory_space<vmem_shared>>) target(%dma_start3A_192 : memref<128x128xf32, #tpu.memory_space<hbm>>) target_semaphore(%run_scoped3A : memref<!tpu.dma_semaphore, #tpu.memory_space<semaphore_mem>>)
          %dma_wait3A = arith.constant 0 : i32
          %dma_wait3A_195 = tpu.memref_slice %arg7[%mul3A_191, %dma_wait3A] : memref<10112x128xf32, #tpu.memory_space<hbm>> -> memref<128x128xf32, #tpu.memory_space<hbm>>
          %dma_wait3A_196 = arith.constant 0 : i32
          %dma_wait3A_197 = tpu.memref_slice %arg14[%mul3A_191, %dma_wait3A_196] : memref<10112x128xf32, #tpu.memory_space<vmem_shared>> -> memref<128x128xf32, #tpu.memory_space<vmem_shared>>
          tpu.wait_dma2 semaphore(%run_scoped3A : memref<!tpu.dma_semaphore, #tpu.memory_space<semaphore_mem>>) src(%dma_wait3A_197 : memref<128x128xf32, #tpu.memory_space<vmem_shared>>) dst(%dma_wait3A_195 : memref<128x128xf32, #tpu.memory_space<hbm>>)
          tpu.yield
        }) : () -> ()
      }
    } else {
    }
    return
  }
}

module attributes {stable_mosaic.version = 14 : i64} {
  func.func @_tc1_body(%arg0: i32, %arg1: memref<1000x128xf32, #tpu.memory_space<vmem>>, %arg2: memref<1000x128xf32, #tpu.memory_space<vmem>>, %arg3: memref<1000x128xf32, #tpu.memory_space<vmem>>, %arg4: memref<1000x8xf32, #tpu.memory_space<vmem>>, %arg5: memref<256x128xf32, #tpu.memory_space<vmem>>, %arg6: memref<256x128xf32, #tpu.memory_space<vmem>>, %arg7: memref<768x128xf32, #tpu.memory_space<vmem>>, %arg8: memref<768x128xf32, #tpu.memory_space<vmem>>, %arg9: memref<8x128xf32, #tpu.memory_space<vmem>>, %arg10: memref<1000x128xf32, #tpu.memory_space<vmem>>, %arg11: memref<1000x128xf32, #tpu.memory_space<vmem>>, %arg12: memref<1000x128xf32, #tpu.memory_space<vmem>>, %arg13: memref<1000x128xf32, #tpu.memory_space<vmem>>, %arg14: memref<1000x128xf32, #tpu.memory_space<vmem>>, %arg15: memref<1000x128xf32, #tpu.memory_space<vmem>>) attributes {dimension_semantics = [#tpu.dimension_semantics<arbitrary>], iteration_bounds = array<i64: 10>, scalar_prefetch = 0 : i64, scratch_operands = 0 : i64, tpu.core_type = #tpu.core_type<tc>, window_params = [{transform_indices = @transform_0, window_bounds = array<i64: 1000, 128>}, {transform_indices = @transform_1, window_bounds = array<i64: 1000, 128>}, {transform_indices = @transform_2, window_bounds = array<i64: 1000, 128>}, {transform_indices = @transform_3, window_bounds = array<i64: 1000, 8>}, {pipeline_mode = #tpu.pipeline_mode<synchronous>, transform_indices = @transform_4, window_bounds = array<i64: 256, 128>}, {pipeline_mode = #tpu.pipeline_mode<synchronous>, transform_indices = @transform_5, window_bounds = array<i64: 256, 128>}, {pipeline_mode = #tpu.pipeline_mode<synchronous>, transform_indices = @transform_6, window_bounds = array<i64: 768, 128>}, {pipeline_mode = #tpu.pipeline_mode<synchronous>, transform_indices = @transform_7, window_bounds = array<i64: 768, 128>}, {pipeline_mode = #tpu.pipeline_mode<synchronous>, transform_indices = @transform_8, window_bounds = array<i64: 8, 128>}, {transform_indices = @transform_9, window_bounds = array<i64: 1000, 128>}, {transform_indices = @transform_10, window_bounds = array<i64: 1000, 128>}, {transform_indices = @transform_11, window_bounds = array<i64: 1000, 128>}, {transform_indices = @transform_12, window_bounds = array<i64: 1000, 128>}, {transform_indices = @transform_13, window_bounds = array<i64: 1000, 128>}, {transform_indices = @transform_14, window_bounds = array<i64: 1000, 128>}]} {
    %get3A = arith.constant 0 : index
    %get3A_0 = arith.constant 0 : index
    %get3A_1 = vector.load %arg4[%get3A, %get3A_0] : memref<1000x8xf32, #tpu.memory_space<vmem>>, vector<1000x1xf32>
    %max3A = arith.constant 1.000000e+00 : f32
    %max3A_2 = vector.broadcast %max3A : f32 to vector<1000x1xf32>
    %max3A_3 = arith.maximumf %get3A_1, %max3A_2 : vector<1000x1xf32>
    %get3A_4 = arith.constant 0 : index
    %get3A_5 = arith.constant 1 : index
    %get3A_6 = vector.load %arg4[%get3A_4, %get3A_5] : memref<1000x8xf32, #tpu.memory_space<vmem>>, vector<1000x1xf32>
    %max3A_7 = arith.constant 1.000000e+00 : f32
    %max3A_8 = vector.broadcast %max3A_7 : f32 to vector<1000x1xf32>
    %max3A_9 = arith.maximumf %get3A_6, %max3A_8 : vector<1000x1xf32>
    %get3A_10 = arith.constant 0 : index
    %get3A_11 = arith.constant 0 : index
    %get3A_12 = vector.load %arg1[%get3A_10, %get3A_11] : memref<1000x128xf32, #tpu.memory_space<vmem>>, vector<1000x128xf32>
    %get3A_13 = arith.constant 0 : index
    %get3A_14 = arith.constant 0 : index
    %get3A_15 = vector.load %arg2[%get3A_13, %get3A_14] : memref<1000x128xf32, #tpu.memory_space<vmem>>, vector<1000x128xf32>
    %div3A = vector.broadcast %max3A_3 : vector<1000x1xf32> to vector<1000x128xf32>
    %div3A_16 = arith.divf %get3A_15, %div3A : vector<1000x128xf32>
    %get3A_17 = arith.constant 0 : index
    %get3A_18 = arith.constant 0 : index
    %get3A_19 = vector.load %arg3[%get3A_17, %get3A_18] : memref<1000x128xf32, #tpu.memory_space<vmem>>, vector<1000x128xf32>
    %div3A_20 = vector.broadcast %max3A_9 : vector<1000x1xf32> to vector<1000x128xf32>
    %div3A_21 = arith.divf %get3A_19, %div3A_20 : vector<1000x128xf32>
    %get3A_22 = arith.constant 0 : index
    %get3A_23 = arith.constant 0 : index
    %get3A_24 = vector.load %arg5[%get3A_22, %get3A_23] : memref<256x128xf32, #tpu.memory_space<vmem>>, vector<128x128xf32>
    %dot_general3A = arith.constant dense<0.000000e+00> : vector<1000x128xf32>
    %dot_general3A_25 = tpu.matmul %div3A_16, %get3A_24, %dot_general3A {dimension_numbers = #tpu.dot_dimension_numbers<[1], [0], [0], [1], [0, 0, 1, 1], [], []>, transpose_lhs_hint = false} : vector<1000x128xf32>, vector<128x128xf32>, vector<1000x128xf32> -> vector<1000x128xf32>
    %get3A_26 = arith.constant 128 : index
    %get3A_27 = arith.constant 0 : index
    %get3A_28 = vector.load %arg5[%get3A_26, %get3A_27] : memref<256x128xf32, #tpu.memory_space<vmem>>, vector<128x128xf32>
    %dot_general3A_29 = arith.constant dense<0.000000e+00> : vector<1000x128xf32>
    %dot_general3A_30 = tpu.matmul %get3A_12, %get3A_28, %dot_general3A_29 {dimension_numbers = #tpu.dot_dimension_numbers<[1], [0], [0], [1], [0, 0, 1, 1], [], []>, transpose_lhs_hint = false} : vector<1000x128xf32>, vector<128x128xf32>, vector<1000x128xf32> -> vector<1000x128xf32>
    %add3A = arith.addf %dot_general3A_25, %dot_general3A_30 : vector<1000x128xf32>
    %get3A_31 = arith.constant 0 : index
    %get3A_32 = arith.constant 0 : index
    %get3A_33 = vector.load %arg9[%get3A_31, %get3A_32] : memref<8x128xf32, #tpu.memory_space<vmem>>, vector<1x128xf32>
    %add3A_34 = vector.broadcast %get3A_33 : vector<1x128xf32> to vector<1000x128xf32>
    %add3A_35 = arith.addf %add3A, %add3A_34 : vector<1000x128xf32>
    %tanh3A = math.tanh %add3A_35 : vector<1000x128xf32>
    %get3A_36 = arith.constant 0 : index
    %get3A_37 = arith.constant 0 : index
    %get3A_38 = vector.load %arg6[%get3A_36, %get3A_37] : memref<256x128xf32, #tpu.memory_space<vmem>>, vector<128x128xf32>
    %dot_general3A_39 = arith.constant dense<0.000000e+00> : vector<1000x128xf32>
    %dot_general3A_40 = tpu.matmul %div3A_21, %get3A_38, %dot_general3A_39 {dimension_numbers = #tpu.dot_dimension_numbers<[1], [0], [0], [1], [0, 0, 1, 1], [], []>, transpose_lhs_hint = false} : vector<1000x128xf32>, vector<128x128xf32>, vector<1000x128xf32> -> vector<1000x128xf32>
    %get3A_41 = arith.constant 128 : index
    %get3A_42 = arith.constant 0 : index
    %get3A_43 = vector.load %arg6[%get3A_41, %get3A_42] : memref<256x128xf32, #tpu.memory_space<vmem>>, vector<128x128xf32>
    %dot_general3A_44 = arith.constant dense<0.000000e+00> : vector<1000x128xf32>
    %dot_general3A_45 = tpu.matmul %get3A_12, %get3A_43, %dot_general3A_44 {dimension_numbers = #tpu.dot_dimension_numbers<[1], [0], [0], [1], [0, 0, 1, 1], [], []>, transpose_lhs_hint = false} : vector<1000x128xf32>, vector<128x128xf32>, vector<1000x128xf32> -> vector<1000x128xf32>
    %add3A_46 = arith.addf %dot_general3A_40, %dot_general3A_45 : vector<1000x128xf32>
    %get3A_47 = arith.constant 1 : index
    %get3A_48 = arith.constant 0 : index
    %get3A_49 = vector.load %arg9[%get3A_47, %get3A_48] : memref<8x128xf32, #tpu.memory_space<vmem>>, vector<1x128xf32>
    %add3A_50 = vector.broadcast %get3A_49 : vector<1x128xf32> to vector<1000x128xf32>
    %add3A_51 = arith.addf %add3A_46, %add3A_50 : vector<1000x128xf32>
    %tanh3A_52 = math.tanh %add3A_51 : vector<1000x128xf32>
    %swap3A = arith.constant 0 : index
    %swap3A_53 = arith.constant 0 : index
    %swap3A_54 = vector.load %arg10[%swap3A, %swap3A_53] : memref<1000x128xf32, #tpu.memory_space<vmem>>, vector<1000x128xf32>
    tpu.vector_store %arg10[%swap3A, %swap3A_53], %tanh3A {strides = array<i32>} : memref<1000x128xf32, #tpu.memory_space<vmem>>, vector<1000x128xf32>,
    %swap3A_55 = arith.constant 0 : index
    %swap3A_56 = arith.constant 0 : index
    %swap3A_57 = vector.load %arg11[%swap3A_55, %swap3A_56] : memref<1000x128xf32, #tpu.memory_space<vmem>>, vector<1000x128xf32>
    tpu.vector_store %arg11[%swap3A_55, %swap3A_56], %tanh3A_52 {strides = array<i32>} : memref<1000x128xf32, #tpu.memory_space<vmem>>, vector<1000x128xf32>,
    %get3A_58 = arith.constant 0 : index
    %get3A_59 = arith.constant 0 : index
    %get3A_60 = vector.load %arg7[%get3A_58, %get3A_59] : memref<768x128xf32, #tpu.memory_space<vmem>>, vector<128x128xf32>
    %dot_general3A_61 = arith.constant dense<0.000000e+00> : vector<1000x128xf32>
    %dot_general3A_62 = tpu.matmul %tanh3A, %get3A_60, %dot_general3A_61 {dimension_numbers = #tpu.dot_dimension_numbers<[1], [0], [0], [1], [0, 0, 1, 1], [], []>, transpose_lhs_hint = false} : vector<1000x128xf32>, vector<128x128xf32>, vector<1000x128xf32> -> vector<1000x128xf32>
    %get3A_63 = arith.constant 128 : index
    %get3A_64 = arith.constant 0 : index
    %get3A_65 = vector.load %arg7[%get3A_63, %get3A_64] : memref<768x128xf32, #tpu.memory_space<vmem>>, vector<128x128xf32>
    %dot_general3A_66 = arith.constant dense<0.000000e+00> : vector<1000x128xf32>
    %dot_general3A_67 = tpu.matmul %tanh3A_52, %get3A_65, %dot_general3A_66 {dimension_numbers = #tpu.dot_dimension_numbers<[1], [0], [0], [1], [0, 0, 1, 1], [], []>, transpose_lhs_hint = false} : vector<1000x128xf32>, vector<128x128xf32>, vector<1000x128xf32> -> vector<1000x128xf32>
    %add3A_68 = arith.addf %dot_general3A_62, %dot_general3A_67 : vector<1000x128xf32>
    %swap3A_69 = arith.constant 0 : index
    %swap3A_70 = arith.constant 0 : index
    %swap3A_71 = vector.load %arg12[%swap3A_69, %swap3A_70] : memref<1000x128xf32, #tpu.memory_space<vmem>>, vector<1000x128xf32>
    tpu.vector_store %arg12[%swap3A_69, %swap3A_70], %add3A_68 {strides = array<i32>} : memref<1000x128xf32, #tpu.memory_space<vmem>>, vector<1000x128xf32>,
    %get3A_72 = arith.constant 0 : index
    %get3A_73 = arith.constant 0 : index
    %get3A_74 = vector.load %arg8[%get3A_72, %get3A_73] : memref<768x128xf32, #tpu.memory_space<vmem>>, vector<128x128xf32>
    %dot_general3A_75 = arith.constant dense<0.000000e+00> : vector<1000x128xf32>
    %dot_general3A_76 = tpu.matmul %tanh3A, %get3A_74, %dot_general3A_75 {dimension_numbers = #tpu.dot_dimension_numbers<[1], [0], [0], [1], [0, 0, 1, 1], [], []>, transpose_lhs_hint = false} : vector<1000x128xf32>, vector<128x128xf32>, vector<1000x128xf32> -> vector<1000x128xf32>
    %get3A_77 = arith.constant 128 : index
    %get3A_78 = arith.constant 0 : index
    %get3A_79 = vector.load %arg8[%get3A_77, %get3A_78] : memref<768x128xf32, #tpu.memory_space<vmem>>, vector<128x128xf32>
    %dot_general3A_80 = arith.constant dense<0.000000e+00> : vector<1000x128xf32>
    %dot_general3A_81 = tpu.matmul %tanh3A_52, %get3A_79, %dot_general3A_80 {dimension_numbers = #tpu.dot_dimension_numbers<[1], [0], [0], [1], [0, 0, 1, 1], [], []>, transpose_lhs_hint = false} : vector<1000x128xf32>, vector<128x128xf32>, vector<1000x128xf32> -> vector<1000x128xf32>
    %add3A_82 = arith.addf %dot_general3A_76, %dot_general3A_81 : vector<1000x128xf32>
    %swap3A_83 = arith.constant 0 : index
    %swap3A_84 = arith.constant 0 : index
    %swap3A_85 = vector.load %arg13[%swap3A_83, %swap3A_84] : memref<1000x128xf32, #tpu.memory_space<vmem>>, vector<1000x128xf32>
    tpu.vector_store %arg13[%swap3A_83, %swap3A_84], %add3A_82 {strides = array<i32>} : memref<1000x128xf32, #tpu.memory_space<vmem>>, vector<1000x128xf32>,
    %get3A_86 = arith.constant 512 : index
    %get3A_87 = arith.constant 0 : index
    %get3A_88 = vector.load %arg7[%get3A_86, %get3A_87] : memref<768x128xf32, #tpu.memory_space<vmem>>, vector<128x128xf32>
    %dot_general3A_89 = arith.constant dense<0.000000e+00> : vector<1000x128xf32>
    %dot_general3A_90 = tpu.matmul %tanh3A, %get3A_88, %dot_general3A_89 {dimension_numbers = #tpu.dot_dimension_numbers<[1], [0], [0], [1], [0, 0, 1, 1], [], []>, transpose_lhs_hint = false} : vector<1000x128xf32>, vector<128x128xf32>, vector<1000x128xf32> -> vector<1000x128xf32>
    %get3A_91 = arith.constant 640 : index
    %get3A_92 = arith.constant 0 : index
    %get3A_93 = vector.load %arg7[%get3A_91, %get3A_92] : memref<768x128xf32, #tpu.memory_space<vmem>>, vector<128x128xf32>
    %dot_general3A_94 = arith.constant dense<0.000000e+00> : vector<1000x128xf32>
    %dot_general3A_95 = tpu.matmul %tanh3A_52, %get3A_93, %dot_general3A_94 {dimension_numbers = #tpu.dot_dimension_numbers<[1], [0], [0], [1], [0, 0, 1, 1], [], []>, transpose_lhs_hint = false} : vector<1000x128xf32>, vector<128x128xf32>, vector<1000x128xf32> -> vector<1000x128xf32>
    %add3A_96 = arith.addf %dot_general3A_90, %dot_general3A_95 : vector<1000x128xf32>
    %get3A_97 = arith.constant 2 : index
    %get3A_98 = arith.constant 0 : index
    %get3A_99 = vector.load %arg9[%get3A_97, %get3A_98] : memref<8x128xf32, #tpu.memory_space<vmem>>, vector<1x128xf32>
    %add3A_100 = vector.broadcast %get3A_99 : vector<1x128xf32> to vector<1000x128xf32>
    %add3A_101 = arith.addf %add3A_96, %add3A_100 : vector<1000x128xf32>
    %swap3A_102 = arith.constant 0 : index
    %swap3A_103 = arith.constant 0 : index
    %swap3A_104 = vector.load %arg14[%swap3A_102, %swap3A_103] : memref<1000x128xf32, #tpu.memory_space<vmem>>, vector<1000x128xf32>
    tpu.vector_store %arg14[%swap3A_102, %swap3A_103], %add3A_101 {strides = array<i32>} : memref<1000x128xf32, #tpu.memory_space<vmem>>, vector<1000x128xf32>,
    %get3A_105 = arith.constant 512 : index
    %get3A_106 = arith.constant 0 : index
    %get3A_107 = vector.load %arg8[%get3A_105, %get3A_106] : memref<768x128xf32, #tpu.memory_space<vmem>>, vector<128x128xf32>
    %dot_general3A_108 = arith.constant dense<0.000000e+00> : vector<1000x128xf32>
    %dot_general3A_109 = tpu.matmul %tanh3A, %get3A_107, %dot_general3A_108 {dimension_numbers = #tpu.dot_dimension_numbers<[1], [0], [0], [1], [0, 0, 1, 1], [], []>, transpose_lhs_hint = false} : vector<1000x128xf32>, vector<128x128xf32>, vector<1000x128xf32> -> vector<1000x128xf32>
    %get3A_110 = arith.constant 640 : index
    %get3A_111 = arith.constant 0 : index
    %get3A_112 = vector.load %arg8[%get3A_110, %get3A_111] : memref<768x128xf32, #tpu.memory_space<vmem>>, vector<128x128xf32>
    %dot_general3A_113 = arith.constant dense<0.000000e+00> : vector<1000x128xf32>
    %dot_general3A_114 = tpu.matmul %tanh3A_52, %get3A_112, %dot_general3A_113 {dimension_numbers = #tpu.dot_dimension_numbers<[1], [0], [0], [1], [0, 0, 1, 1], [], []>, transpose_lhs_hint = false} : vector<1000x128xf32>, vector<128x128xf32>, vector<1000x128xf32> -> vector<1000x128xf32>
    %add3A_115 = arith.addf %dot_general3A_109, %dot_general3A_114 : vector<1000x128xf32>
    %get3A_116 = arith.constant 3 : index
    %get3A_117 = arith.constant 0 : index
    %get3A_118 = vector.load %arg9[%get3A_116, %get3A_117] : memref<8x128xf32, #tpu.memory_space<vmem>>, vector<1x128xf32>
    %add3A_119 = vector.broadcast %get3A_118 : vector<1x128xf32> to vector<1000x128xf32>
    %add3A_120 = arith.addf %add3A_115, %add3A_119 : vector<1000x128xf32>
    %swap3A_121 = arith.constant 0 : index
    %swap3A_122 = arith.constant 0 : index
    %swap3A_123 = vector.load %arg15[%swap3A_121, %swap3A_122] : memref<1000x128xf32, #tpu.memory_space<vmem>>, vector<1000x128xf32>
    tpu.vector_store %arg15[%swap3A_121, %swap3A_122], %add3A_120 {strides = array<i32>} : memref<1000x128xf32, #tpu.memory_space<vmem>>, vector<1000x128xf32>,
    return
  }
  func.func @transform_0(%arg0: i32) -> (i32, i32) {
    %c0_i32 = arith.constant 0 : i32
    %c0_i32_0 = arith.constant 0 : i32
    return %arg0, %c0_i32 : i32, i32
  }
  func.func @transform_1(%arg0: i32) -> (i32, i32) {
    %c0_i32 = arith.constant 0 : i32
    %c0_i32_0 = arith.constant 0 : i32
    return %arg0, %c0_i32 : i32, i32
  }
  func.func @transform_2(%arg0: i32) -> (i32, i32) {
    %c0_i32 = arith.constant 0 : i32
    %c0_i32_0 = arith.constant 0 : i32
    return %arg0, %c0_i32 : i32, i32
  }
  func.func @transform_3(%arg0: i32) -> (i32, i32) {
    %c0_i32 = arith.constant 0 : i32
    %c0_i32_0 = arith.constant 0 : i32
    return %arg0, %c0_i32 : i32, i32
  }
  func.func @transform_4(%arg0: i32) -> (i32, i32) {
    %c0_i32 = arith.constant 0 : i32
    %c0_i32_0 = arith.constant 0 : i32
    %c0_i32_1 = arith.constant 0 : i32
    return %c0_i32, %c0_i32_0 : i32, i32
  }
  func.func @transform_5(%arg0: i32) -> (i32, i32) {
    %c0_i32 = arith.constant 0 : i32
    %c0_i32_0 = arith.constant 0 : i32
    %c0_i32_1 = arith.constant 0 : i32
    return %c0_i32, %c0_i32_0 : i32, i32
  }
  func.func @transform_6(%arg0: i32) -> (i32, i32) {
    %c0_i32 = arith.constant 0 : i32
    %c0_i32_0 = arith.constant 0 : i32
    %c0_i32_1 = arith.constant 0 : i32
    return %c0_i32, %c0_i32_0 : i32, i32
  }
  func.func @transform_7(%arg0: i32) -> (i32, i32) {
    %c0_i32 = arith.constant 0 : i32
    %c0_i32_0 = arith.constant 0 : i32
    %c0_i32_1 = arith.constant 0 : i32
    return %c0_i32, %c0_i32_0 : i32, i32
  }
  func.func @transform_8(%arg0: i32) -> (i32, i32) {
    %c0_i32 = arith.constant 0 : i32
    %c0_i32_0 = arith.constant 0 : i32
    %c0_i32_1 = arith.constant 0 : i32
    return %c0_i32, %c0_i32_0 : i32, i32
  }
  func.func @transform_9(%arg0: i32) -> (i32, i32) {
    %c0_i32 = arith.constant 0 : i32
    %c0_i32_0 = arith.constant 0 : i32
    return %arg0, %c0_i32 : i32, i32
  }
  func.func @transform_10(%arg0: i32) -> (i32, i32) {
    %c0_i32 = arith.constant 0 : i32
    %c0_i32_0 = arith.constant 0 : i32
    return %arg0, %c0_i32 : i32, i32
  }
  func.func @transform_11(%arg0: i32) -> (i32, i32) {
    %c0_i32 = arith.constant 0 : i32
    %c0_i32_0 = arith.constant 0 : i32
    return %arg0, %c0_i32 : i32, i32
  }
  func.func @transform_12(%arg0: i32) -> (i32, i32) {
    %c0_i32 = arith.constant 0 : i32
    %c0_i32_0 = arith.constant 0 : i32
    return %arg0, %c0_i32 : i32, i32
  }
  func.func @transform_13(%arg0: i32) -> (i32, i32) {
    %c0_i32 = arith.constant 0 : i32
    %c0_i32_0 = arith.constant 0 : i32
    return %arg0, %c0_i32 : i32, i32
  }
  func.func @transform_14(%arg0: i32) -> (i32, i32) {
    %c0_i32 = arith.constant 0 : i32
    %c0_i32_0 = arith.constant 0 : i32
    return %arg0, %c0_i32 : i32, i32
  }
}

module attributes {stable_mosaic.version = 14 : i64} {
  func.func @_tc2_body(%arg0: i32, %arg1: memref<1000x128xf32, #tpu.memory_space<vmem>>, %arg2: memref<1000x128xf32, #tpu.memory_space<vmem>>, %arg3: memref<1000x128xf32, #tpu.memory_space<vmem>>, %arg4: memref<1000x128xf32, #tpu.memory_space<vmem>>, %arg5: memref<1000x128xf32, #tpu.memory_space<vmem>>, %arg6: memref<1000x128xf32, #tpu.memory_space<vmem>>, %arg7: memref<1000x8xf32, #tpu.memory_space<vmem>>, %arg8: memref<256x128xf32, #tpu.memory_space<vmem>>, %arg9: memref<256x128xf32, #tpu.memory_space<vmem>>, %arg10: memref<64x256xf32, #tpu.memory_space<vmem>>, %arg11: memref<64x128xf32, #tpu.memory_space<vmem>>, %arg12: memref<64x128xf32, #tpu.memory_space<vmem>>, %arg13: memref<64x128xf32, #tpu.memory_space<vmem>>) attributes {dimension_semantics = [#tpu.dimension_semantics<arbitrary>], iteration_bounds = array<i64: 10>, scalar_prefetch = 0 : i64, scratch_operands = 3 : i64, tpu.core_type = #tpu.core_type<tc>, window_params = [{transform_indices = @transform_0, window_bounds = array<i64: 1000, 128>}, {transform_indices = @transform_1, window_bounds = array<i64: 1000, 128>}, {transform_indices = @transform_2, window_bounds = array<i64: 1000, 128>}, {transform_indices = @transform_3, window_bounds = array<i64: 1000, 128>}, {transform_indices = @transform_4, window_bounds = array<i64: 1000, 128>}, {transform_indices = @transform_5, window_bounds = array<i64: 1000, 128>}, {transform_indices = @transform_6, window_bounds = array<i64: 1000, 8>}, {pipeline_mode = #tpu.pipeline_mode<synchronous>, transform_indices = @transform_7, window_bounds = array<i64: 256, 128>}, {pipeline_mode = #tpu.pipeline_mode<synchronous>, transform_indices = @transform_8, window_bounds = array<i64: 256, 128>}, {pipeline_mode = #tpu.pipeline_mode<synchronous>, transform_indices = @transform_9, window_bounds = array<i64: 64, 256>}]} {
    %eq3A = arith.constant 0 : i32
    %eq3A_0 = arith.cmpi eq, %arg0, %eq3A : i32
    %convert_element_type3A = arith.extui %eq3A_0 : i1 to i32
    %cond3A = arith.constant 0 : i32
    %cond3A_1 = arith.cmpi ne, %convert_element_type3A, %cond3A : i32
    scf.if %cond3A_1 {
      %broadcast_in_dim3A_109 = arith.constant 0.000000e+00 : f32
      %broadcast_in_dim3A_110 = vector.broadcast %broadcast_in_dim3A_109 : f32 to vector<64x128xf32>
      %swap3A_111 = arith.constant 0 : index
      %swap3A_112 = arith.constant 0 : index
      %swap3A_113 = vector.load %arg11[%swap3A_111, %swap3A_112] : memref<64x128xf32, #tpu.memory_space<vmem>>, vector<64x128xf32>
      tpu.vector_store %arg11[%swap3A_111, %swap3A_112], %broadcast_in_dim3A_110 {strides = array<i32>} : memref<64x128xf32, #tpu.memory_space<vmem>>, vector<64x128xf32>,
      %broadcast_in_dim3A_114 = arith.constant 0.000000e+00 : f32
      %broadcast_in_dim3A_115 = vector.broadcast %broadcast_in_dim3A_114 : f32 to vector<64x128xf32>
      %swap3A_116 = arith.constant 0 : index
      %swap3A_117 = arith.constant 0 : index
      %swap3A_118 = vector.load %arg12[%swap3A_116, %swap3A_117] : memref<64x128xf32, #tpu.memory_space<vmem>>, vector<64x128xf32>
      tpu.vector_store %arg12[%swap3A_116, %swap3A_117], %broadcast_in_dim3A_115 {strides = array<i32>} : memref<64x128xf32, #tpu.memory_space<vmem>>, vector<64x128xf32>,
      %broadcast_in_dim3A_119 = arith.constant 0.000000e+00 : f32
      %broadcast_in_dim3A_120 = vector.broadcast %broadcast_in_dim3A_119 : f32 to vector<64x128xf32>
      %swap3A_121 = arith.constant 0 : index
      %swap3A_122 = arith.constant 0 : index
      %swap3A_123 = vector.load %arg13[%swap3A_121, %swap3A_122] : memref<64x128xf32, #tpu.memory_space<vmem>>, vector<64x128xf32>
      tpu.vector_store %arg13[%swap3A_121, %swap3A_122], %broadcast_in_dim3A_120 {strides = array<i32>} : memref<64x128xf32, #tpu.memory_space<vmem>>, vector<64x128xf32>,
    } else {
    }
    %get3A = arith.constant 0 : index
    %get3A_2 = arith.constant 0 : index
    %get3A_3 = vector.load %arg7[%get3A, %get3A_2] : memref<1000x8xf32, #tpu.memory_space<vmem>>, vector<1000x1xf32>
    %max3A = arith.constant 1.000000e+00 : f32
    %max3A_4 = vector.broadcast %max3A : f32 to vector<1000x1xf32>
    %max3A_5 = arith.maximumf %get3A_3, %max3A_4 : vector<1000x1xf32>
    %get3A_6 = arith.constant 0 : index
    %get3A_7 = arith.constant 1 : index
    %get3A_8 = vector.load %arg7[%get3A_6, %get3A_7] : memref<1000x8xf32, #tpu.memory_space<vmem>>, vector<1000x1xf32>
    %max3A_9 = arith.constant 1.000000e+00 : f32
    %max3A_10 = vector.broadcast %max3A_9 : f32 to vector<1000x1xf32>
    %max3A_11 = arith.maximumf %get3A_8, %max3A_10 : vector<1000x1xf32>
    %get3A_12 = arith.constant 0 : index
    %get3A_13 = arith.constant 2 : index
    %get3A_14 = vector.load %arg7[%get3A_12, %get3A_13] : memref<1000x8xf32, #tpu.memory_space<vmem>>, vector<1000x1xf32>
    %max3A_15 = arith.constant 1.000000e+00 : f32
    %max3A_16 = vector.broadcast %max3A_15 : f32 to vector<1000x1xf32>
    %max3A_17 = arith.maximumf %get3A_14, %max3A_16 : vector<1000x1xf32>
    %get3A_18 = arith.constant 0 : index
    %get3A_19 = arith.constant 3 : index
    %get3A_20 = vector.load %arg7[%get3A_18, %get3A_19] : memref<1000x8xf32, #tpu.memory_space<vmem>>, vector<1000x1xf32>
    %get3A_21 = arith.constant 0 : index
    %get3A_22 = arith.constant 0 : index
    %get3A_23 = vector.load %arg3[%get3A_21, %get3A_22] : memref<1000x128xf32, #tpu.memory_space<vmem>>, vector<1000x128xf32>
    %div3A = vector.broadcast %max3A_17 : vector<1000x1xf32> to vector<1000x128xf32>
    %div3A_24 = arith.divf %get3A_23, %div3A : vector<1000x128xf32>
    %get3A_25 = arith.constant 0 : index
    %get3A_26 = arith.constant 0 : index
    %get3A_27 = vector.load %arg4[%get3A_25, %get3A_26] : memref<1000x128xf32, #tpu.memory_space<vmem>>, vector<1000x128xf32>
    %div3A_28 = vector.broadcast %max3A_17 : vector<1000x1xf32> to vector<1000x128xf32>
    %div3A_29 = arith.divf %get3A_27, %div3A_28 : vector<1000x128xf32>
    %get3A_30 = arith.constant 0 : index
    %get3A_31 = arith.constant 0 : index
    %get3A_32 = vector.load %arg1[%get3A_30, %get3A_31] : memref<1000x128xf32, #tpu.memory_space<vmem>>, vector<1000x128xf32>
    %div3A_33 = vector.broadcast %max3A_5 : vector<1000x1xf32> to vector<1000x128xf32>
    %div3A_34 = arith.divf %get3A_32, %div3A_33 : vector<1000x128xf32>
    %get3A_35 = arith.constant 0 : index
    %get3A_36 = arith.constant 0 : index
    %get3A_37 = vector.load %arg8[%get3A_35, %get3A_36] : memref<256x128xf32, #tpu.memory_space<vmem>>, vector<128x128xf32>
    %dot_general3A = arith.constant dense<0.000000e+00> : vector<1000x128xf32>
    %dot_general3A_38 = tpu.matmul %div3A_24, %get3A_37, %dot_general3A {dimension_numbers = #tpu.dot_dimension_numbers<[1], [0], [0], [1], [0, 0, 1, 1], [], []>, transpose_lhs_hint = false} : vector<1000x128xf32>, vector<128x128xf32>, vector<1000x128xf32> -> vector<1000x128xf32>
    %add3A = arith.addf %div3A_34, %dot_general3A_38 : vector<1000x128xf32>
    %get3A_39 = arith.constant 128 : index
    %get3A_40 = arith.constant 0 : index
    %get3A_41 = vector.load %arg8[%get3A_39, %get3A_40] : memref<256x128xf32, #tpu.memory_space<vmem>>, vector<128x128xf32>
    %dot_general3A_42 = arith.constant dense<0.000000e+00> : vector<1000x128xf32>
    %dot_general3A_43 = tpu.matmul %div3A_29, %get3A_41, %dot_general3A_42 {dimension_numbers = #tpu.dot_dimension_numbers<[1], [0], [0], [1], [0, 0, 1, 1], [], []>, transpose_lhs_hint = false} : vector<1000x128xf32>, vector<128x128xf32>, vector<1000x128xf32> -> vector<1000x128xf32>
    %add3A_44 = arith.addf %add3A, %dot_general3A_43 : vector<1000x128xf32>
    %get3A_45 = arith.constant 0 : index
    %get3A_46 = arith.constant 0 : index
    %get3A_47 = vector.load %arg5[%get3A_45, %get3A_46] : memref<1000x128xf32, #tpu.memory_space<vmem>>, vector<1000x128xf32>
    %add3A_48 = arith.addf %add3A_44, %get3A_47 : vector<1000x128xf32>
    %tanh3A = math.tanh %add3A_48 : vector<1000x128xf32>
    %get3A_49 = arith.constant 0 : index
    %get3A_50 = arith.constant 0 : index
    %get3A_51 = vector.load %arg2[%get3A_49, %get3A_50] : memref<1000x128xf32, #tpu.memory_space<vmem>>, vector<1000x128xf32>
    %div3A_52 = vector.broadcast %max3A_11 : vector<1000x1xf32> to vector<1000x128xf32>
    %div3A_53 = arith.divf %get3A_51, %div3A_52 : vector<1000x128xf32>
    %get3A_54 = arith.constant 0 : index
    %get3A_55 = arith.constant 0 : index
    %get3A_56 = vector.load %arg9[%get3A_54, %get3A_55] : memref<256x128xf32, #tpu.memory_space<vmem>>, vector<128x128xf32>
    %dot_general3A_57 = arith.constant dense<0.000000e+00> : vector<1000x128xf32>
    %dot_general3A_58 = tpu.matmul %div3A_24, %get3A_56, %dot_general3A_57 {dimension_numbers = #tpu.dot_dimension_numbers<[1], [0], [0], [1], [0, 0, 1, 1], [], []>, transpose_lhs_hint = false} : vector<1000x128xf32>, vector<128x128xf32>, vector<1000x128xf32> -> vector<1000x128xf32>
    %add3A_59 = arith.addf %div3A_53, %dot_general3A_58 : vector<1000x128xf32>
    %get3A_60 = arith.constant 128 : index
    %get3A_61 = arith.constant 0 : index
    %get3A_62 = vector.load %arg9[%get3A_60, %get3A_61] : memref<256x128xf32, #tpu.memory_space<vmem>>, vector<128x128xf32>
    %dot_general3A_63 = arith.constant dense<0.000000e+00> : vector<1000x128xf32>
    %dot_general3A_64 = tpu.matmul %div3A_29, %get3A_62, %dot_general3A_63 {dimension_numbers = #tpu.dot_dimension_numbers<[1], [0], [0], [1], [0, 0, 1, 1], [], []>, transpose_lhs_hint = false} : vector<1000x128xf32>, vector<128x128xf32>, vector<1000x128xf32> -> vector<1000x128xf32>
    %add3A_65 = arith.addf %add3A_59, %dot_general3A_64 : vector<1000x128xf32>
    %get3A_66 = arith.constant 0 : index
    %get3A_67 = arith.constant 0 : index
    %get3A_68 = vector.load %arg6[%get3A_66, %get3A_67] : memref<1000x128xf32, #tpu.memory_space<vmem>>, vector<1000x128xf32>
    %add3A_69 = arith.addf %add3A_65, %get3A_68 : vector<1000x128xf32>
    %tanh3A_70 = math.tanh %add3A_69 : vector<1000x128xf32>
    %iota3A = tpu.iota {dimensions = array<i32: 1>} : vector<1x64xi32>
    %convert_element_type3A_71 = arith.sitofp %iota3A : vector<1x64xi32> to vector<1x64xf32>
    %eq3A_72 = vector.broadcast %get3A_20 : vector<1000x1xf32> to vector<1000x64xf32>
    %eq3A_73 = vector.broadcast %convert_element_type3A_71 : vector<1x64xf32> to vector<1000x64xf32>
    %eq3A_74 = arith.cmpf oeq, %eq3A_72, %eq3A_73 : vector<1000x64xf32>
    %convert_element_type3A_75 = arith.extui %eq3A_74 : vector<1000x64xi1> to vector<1000x64xi32>
    %convert_element_type3A_76 = arith.sitofp %convert_element_type3A_75 : vector<1000x64xi32> to vector<1000x64xf32>
    %get3A_77 = arith.constant 0 : index
    %get3A_78 = arith.constant 0 : index
    %get3A_79 = vector.load %arg11[%get3A_77, %get3A_78] : memref<64x128xf32, #tpu.memory_space<vmem>>, vector<64x128xf32>
    %dot_general3A_80 = arith.constant dense<0.000000e+00> : vector<64x128xf32>
    %dot_general3A_81 = tpu.matmul %convert_element_type3A_76, %tanh3A, %dot_general3A_80 {dimension_numbers = #tpu.dot_dimension_numbers<[0], [0], [1], [1], [0, 1, 1, 1], [], []>, transpose_lhs_hint = false} : vector<1000x64xf32>, vector<1000x128xf32>, vector<64x128xf32> -> vector<64x128xf32>
    %add3A_82 = arith.addf %get3A_79, %dot_general3A_81 : vector<64x128xf32>
    %swap3A = arith.constant 0 : index
    %swap3A_83 = arith.constant 0 : index
    %swap3A_84 = vector.load %arg11[%swap3A, %swap3A_83] : memref<64x128xf32, #tpu.memory_space<vmem>>, vector<64x128xf32>
    tpu.vector_store %arg11[%swap3A, %swap3A_83], %add3A_82 {strides = array<i32>} : memref<64x128xf32, #tpu.memory_space<vmem>>, vector<64x128xf32>,
    %get3A_85 = arith.constant 0 : index
    %get3A_86 = arith.constant 0 : index
    %get3A_87 = vector.load %arg12[%get3A_85, %get3A_86] : memref<64x128xf32, #tpu.memory_space<vmem>>, vector<64x128xf32>
    %dot_general3A_88 = arith.constant dense<0.000000e+00> : vector<64x128xf32>
    %dot_general3A_89 = tpu.matmul %convert_element_type3A_76, %tanh3A_70, %dot_general3A_88 {dimension_numbers = #tpu.dot_dimension_numbers<[0], [0], [1], [1], [0, 1, 1, 1], [], []>, transpose_lhs_hint = false} : vector<1000x64xf32>, vector<1000x128xf32>, vector<64x128xf32> -> vector<64x128xf32>
    %add3A_90 = arith.addf %get3A_87, %dot_general3A_89 : vector<64x128xf32>
    %swap3A_91 = arith.constant 0 : index
    %swap3A_92 = arith.constant 0 : index
    %swap3A_93 = vector.load %arg12[%swap3A_91, %swap3A_92] : memref<64x128xf32, #tpu.memory_space<vmem>>, vector<64x128xf32>
    tpu.vector_store %arg12[%swap3A_91, %swap3A_92], %add3A_90 {strides = array<i32>} : memref<64x128xf32, #tpu.memory_space<vmem>>, vector<64x128xf32>,
    %get3A_94 = arith.constant 0 : index
    %get3A_95 = arith.constant 0 : index
    %get3A_96 = vector.load %arg13[%get3A_94, %get3A_95] : memref<64x128xf32, #tpu.memory_space<vmem>>, vector<64x128xf32>
    %broadcast_in_dim3A = arith.constant 1.000000e+00 : f32
    %broadcast_in_dim3A_97 = vector.broadcast %broadcast_in_dim3A : f32 to vector<1000x128xf32>
    %dot_general3A_98 = arith.constant dense<0.000000e+00> : vector<64x128xf32>
    %dot_general3A_99 = tpu.matmul %convert_element_type3A_76, %broadcast_in_dim3A_97, %dot_general3A_98 {dimension_numbers = #tpu.dot_dimension_numbers<[0], [0], [1], [1], [0, 1, 1, 1], [], []>, transpose_lhs_hint = false} : vector<1000x64xf32>, vector<1000x128xf32>, vector<64x128xf32> -> vector<64x128xf32>
    %add3A_100 = arith.addf %get3A_96, %dot_general3A_99 : vector<64x128xf32>
    %swap3A_101 = arith.constant 0 : index
    %swap3A_102 = arith.constant 0 : index
    %swap3A_103 = vector.load %arg13[%swap3A_101, %swap3A_102] : memref<64x128xf32, #tpu.memory_space<vmem>>, vector<64x128xf32>
    tpu.vector_store %arg13[%swap3A_101, %swap3A_102], %add3A_100 {strides = array<i32>} : memref<64x128xf32, #tpu.memory_space<vmem>>, vector<64x128xf32>,
    %eq3A_104 = arith.constant 9 : i32
    %eq3A_105 = arith.cmpi eq, %arg0, %eq3A_104 : i32
    %convert_element_type3A_106 = arith.extui %eq3A_105 : i1 to i32
    %cond3A_107 = arith.constant 0 : i32
    %cond3A_108 = arith.cmpi ne, %convert_element_type3A_106, %cond3A_107 : i32
    scf.if %cond3A_108 {
      %get3A_109 = arith.constant 0 : index
      %get3A_110 = arith.constant 0 : index
      %get3A_111 = vector.load %arg13[%get3A_109, %get3A_110] : memref<64x128xf32, #tpu.memory_space<vmem>>, vector<64x128xf32>
      %max3A_112 = arith.constant 1.000000e+00 : f32
      %max3A_113 = vector.broadcast %max3A_112 : f32 to vector<64x128xf32>
      %max3A_114 = arith.maximumf %get3A_111, %max3A_113 : vector<64x128xf32>
      %get3A_115 = arith.constant 0 : index
      %get3A_116 = arith.constant 0 : index
      %get3A_117 = vector.load %arg11[%get3A_115, %get3A_116] : memref<64x128xf32, #tpu.memory_space<vmem>>, vector<64x128xf32>
      %div3A_118 = arith.divf %get3A_117, %max3A_114 : vector<64x128xf32>
      %swap3A_119 = arith.constant 0 : index
      %swap3A_120 = arith.constant 0 : index
      %swap3A_121 = vector.load %arg10[%swap3A_119, %swap3A_120] : memref<64x256xf32, #tpu.memory_space<vmem>>, vector<64x128xf32>
      tpu.vector_store %arg10[%swap3A_119, %swap3A_120], %div3A_118 {strides = array<i32>} : memref<64x256xf32, #tpu.memory_space<vmem>>, vector<64x128xf32>,
      %get3A_122 = arith.constant 0 : index
      %get3A_123 = arith.constant 0 : index
      %get3A_124 = vector.load %arg12[%get3A_122, %get3A_123] : memref<64x128xf32, #tpu.memory_space<vmem>>, vector<64x128xf32>
      %div3A_125 = arith.divf %get3A_124, %max3A_114 : vector<64x128xf32>
      %swap3A_126 = arith.constant 0 : index
      %swap3A_127 = arith.constant 128 : index
      %swap3A_128 = vector.load %arg10[%swap3A_126, %swap3A_127] : memref<64x256xf32, #tpu.memory_space<vmem>>, vector<64x128xf32>
      tpu.vector_store %arg10[%swap3A_126, %swap3A_127], %div3A_125 {strides = array<i32>} : memref<64x256xf32, #tpu.memory_space<vmem>>, vector<64x128xf32>,
    } else {
    }
    return
  }
  func.func @transform_0(%arg0: i32) -> (i32, i32) {
    %c0_i32 = arith.constant 0 : i32
    %c0_i32_0 = arith.constant 0 : i32
    return %arg0, %c0_i32 : i32, i32
  }
  func.func @transform_1(%arg0: i32) -> (i32, i32) {
    %c0_i32 = arith.constant 0 : i32
    %c0_i32_0 = arith.constant 0 : i32
    return %arg0, %c0_i32 : i32, i32
  }
  func.func @transform_2(%arg0: i32) -> (i32, i32) {
    %c0_i32 = arith.constant 0 : i32
    %c0_i32_0 = arith.constant 0 : i32
    return %arg0, %c0_i32 : i32, i32
  }
  func.func @transform_3(%arg0: i32) -> (i32, i32) {
    %c0_i32 = arith.constant 0 : i32
    %c0_i32_0 = arith.constant 0 : i32
    return %arg0, %c0_i32 : i32, i32
  }
  func.func @transform_4(%arg0: i32) -> (i32, i32) {
    %c0_i32 = arith.constant 0 : i32
    %c0_i32_0 = arith.constant 0 : i32
    return %arg0, %c0_i32 : i32, i32
  }
  func.func @transform_5(%arg0: i32) -> (i32, i32) {
    %c0_i32 = arith.constant 0 : i32
    %c0_i32_0 = arith.constant 0 : i32
    return %arg0, %c0_i32 : i32, i32
  }
  func.func @transform_6(%arg0: i32) -> (i32, i32) {
    %c0_i32 = arith.constant 0 : i32
    %c0_i32_0 = arith.constant 0 : i32
    return %arg0, %c0_i32 : i32, i32
  }
  func.func @transform_7(%arg0: i32) -> (i32, i32) {
    %c0_i32 = arith.constant 0 : i32
    %c0_i32_0 = arith.constant 0 : i32
    %c0_i32_1 = arith.constant 0 : i32
    return %c0_i32, %c0_i32_0 : i32, i32
  }
  func.func @transform_8(%arg0: i32) -> (i32, i32) {
    %c0_i32 = arith.constant 0 : i32
    %c0_i32_0 = arith.constant 0 : i32
    %c0_i32_1 = arith.constant 0 : i32
    return %c0_i32, %c0_i32_0 : i32, i32
  }
  func.func @transform_9(%arg0: i32) -> (i32, i32) {
    %c0_i32 = arith.constant 0 : i32
    %c0_i32_0 = arith.constant 0 : i32
    %c0_i32_1 = arith.constant 0 : i32
    return %c0_i32, %c0_i32_0 : i32, i32
  }
}

</mosaic_0001>

<sc_bundles>
// kernel: kernel.10.cloned.1.call-start
scs
__scs_entry_jumppad:
0x0: {  	(pc) =	sbr.rel $0x88, $3  }
0x1: {  	(tag) =	ssettag $0x0;
	lr =	simm.s32 $0x1  }
0x2: {  	[smem:$0x3F94] =	sst lr;
	_ =	strace $0xD0000000  }
0x3: {  	_ = 	snop  }
0x4: {  	_ = 	snop  }
0x5: {  	_ = 	snop  }
0x6: {  	_ = 	snop  }
0x7: {  	_ = 	snop  }
__scs_overlays_trampoline_lowered:
0x8: {  	[smem:$0x3FA3] =	sst s0  }
0x9: {  	[smem:$0x3FA4] =	sst s1  }
0xa: {  	[smem:$0x3FA5] =	sst s2  }
0xb: {  	[smem:$0x3FA6] =	sst s3  }
0xc: {  	[smem:$0x3FA7] =	sst s4  }
0xd: {  	[smem:$0x3FA8] =	sst s5  }
0xe: {  	[smem:$0x3FA9] =	sst s6  }
0xf: {  	[smem:$0x3FAA] =	sst s7  }
0x10: {  	[smem:$0x3FAB] =	sst s8  }
0x11: {  	[smem:$0x3FAC] =	sst s9;
	s0 =	simm.s32 @!p0 $0x0  }
0x12: {  	s1 =	sld [smem:$0x3F92];
	s0 =	simm.s32 @p0 $0x1  }
0x13: {  	[smem:$0x3FAD] =	sst s0;
	s0 =	simm.s32 @!p1 $0x0  }
0x14: {  	s2 =	sld [smem:$0x3F91];
	s0 =	simm.s32 @p1 $0x1  }
0x15: {  	[smem:$0x3FAE] =	sst s0;
	s0 =	simm.s32 @!p2 $0x0  }
0x16: {  	s3 =	sld [smem:$0x3FDB];
	s0 =	simm.s32 @p2 $0x1  }
0x17: {  	s4 =	simm.s32 $0x1BF5;
	[smem:$0x3FB0] =	sst s0  }
0x18: {  	s0 =	sld [smem:$0x3F93];
	_ =	swait.ge [sflag:s4], $0x0  }
0x19: {  	s7 =	sld [smem:$0x3F94]  }
0x1a: {  	s8 =	sadd.s32 $0xFFFFE003, lr  }
0x1b: {  	s9 =	sadd.s32 $0xFFFFFEF7, lr;
	s5 =	simm.s32 $0xFFFFFFFF;
	p2 =	slt.u32 s8, $0xFFFFF086  }
0x1c: {  	p1 =	slt.u32 s9, $0xF7A;
	s5 =	simm.s32 @!p2 $0x0  }
0x1d: {  	s5 =	simm.s32 @p1 $0x1;
	p0 =	seq.s32 s7, s2  }
0x1e: {  	s7 =	smul.u32 @!p0 $0xF7A, s2;
	p2 =	seq.s32 @!p0 s5, $0x0  }
0x1f: {  	s9 =	smul.u32 $0xF7A, s1;
	s8 =	simm.s32 @!p0 $0x1BF5;
	p2 =	por !p2, p0  }
0x20: {  	[sflag:s8] =	ssyncset.s32 @!p0 $0xFFFFF086;
	s6 =	sadd.s32 @!p0 s3, s7;
	s7 =	simm.s32 @!p0 $0x108  }
0x21: {  	s3 =	sadd.s32 s3, s9;
	s6 =	sadd.s32 @!p0 $0x88, s6;
	s7 =	simm.s32 @p2 $0x1082  }
0x22: {  	[simem:s7], [sflag:s8] =	dma.local @!p0 [hbm:s6], $0xF7A  }
0x23: {  	s9 =	sor.u32 $0xD0000000, s2;
	s6 =	simm.s32 $0x108;
	_ =	swait.ge @!p0 [sflag:s8], $0x0  }
0x24: {  	s3 =	sadd.s32 $0x88, s3;
	s6 =	simm.s32 @!p1 $0x1082;
	[sflag:s4] =	ssyncset.s32 $0xFFFFF086  }
0x25: {  	[simem:s6], [sflag:s4] =	dma.local [hbm:s3], $0xF7A  }
0x26: {  	[smem:$0x3F94] =	sst s1;
	(tag) =	ssettag s2;
	_ =	strace s9  }
0x27: {  	s1 =	sld [smem:$0x3FA4]  }
0x28: {  	s2 =	sld [smem:$0x3FA5]  }
0x29: {  	s4 =	sld [smem:$0x3FA7]  }
0x2a: {  	p0 =	seq.s32 s5, $0x0;
	s5 =	sld [smem:$0x3FA8]  }
0x2b: {  	s6 =	sld [smem:$0x3FA9]  }
0x2c: {  	s7 =	sld [smem:$0x3FAA]  }
0x2d: {  	s3 =	simm.s32 $0x108;
	s8 =	sld [smem:$0x3FAB]  }
0x2e: {  	s3 =	simm.s32 @!p0 $0x1082;
	s9 =	sld [smem:$0x3FAC]  }
0x2f: {  	lr =	sadd.s32 s0, s3;
	s0 =	sld [smem:$0x3FA3]  }
0x30: {  	s3 =	sld [smem:$0x3FA6]  }
0x31: {  	[smem:$0x3FAF] =	sst s10  }
0x32: {  	s10 =	sld [smem:$0x3FAD];
	_ =	sdelay $0x3  }
0x33: {  	p0 =	seq.s32 s10, $0x1;
	s10 =	sld [smem:$0x3FAF];
	_ =	sdelay $0x3  }
0x34: {  	[smem:$0x3FAF] =	sst s10  }
0x35: {  	s10 =	sld [smem:$0x3FAE];
	_ =	sdelay $0x3  }
0x36: {  	p1 =	seq.s32 s10, $0x1;
	s10 =	sld [smem:$0x3FAF];
	_ =	sdelay $0x3  }
0x37: {  	[smem:$0x3FAF] =	sst s10  }
0x38: {  	s10 =	sld [smem:$0x3FB0]  }
0x39: {  	_ = 	snop;
	(pc) =	sbr.ind lr, $3  }
0x3a: {  	_ = 	snop  }
0x3b: {  	_ = 	snop  }
0x3c: {  	p2 =	seq.s32 s10, $0x1;
	s10 =	sld [smem:$0x3FAF]  }
0x3d: {  	_ =	shalt  }
0x3e: {  	_ =	shalt  }
0x3f: {  	_ =	shalt  }
0x40: {  	_ =	shalt  }
0x41: {  	_ =	shalt  }
0x42: {  	_ =	shalt  }
0x43: {  	_ =	shalt  }
0x44: {  	_ =	shalt  }
0x45: {  	_ =	shalt  }
0x46: {  	_ =	shalt  }
0x47: {  	_ =	shalt  }
0x48: {  	_ =	shalt  }
0x49: {  	_ =	shalt  }
0x4a: {  	_ =	shalt  }
0x4b: {  	_ =	shalt  }
0x4c: {  	_ =	shalt  }
0x4d: {  	_ =	shalt  }
0x4e: {  	_ =	shalt  }
0x4f: {  	_ =	shalt  }
0x50: {  	_ =	shalt  }
0x51: {  	_ =	shalt  }
0x52: {  	_ =	shalt  }
0x53: {  	_ =	shalt  }
0x54: {  	_ =	shalt  }
0x55: {  	_ =	shalt  }
0x56: {  	_ =	shalt  }
0x57: {  	_ =	shalt  }
0x58: {  	_ =	shalt  }
0x59: {  	_ =	shalt  }
0x5a: {  	_ =	shalt  }
0x5b: {  	_ =	shalt  }
0x5c: {  	_ =	shalt  }
0x5d: {  	_ =	shalt  }
0x5e: {  	_ =	shalt  }
0x5f: {  	_ =	shalt  }
0x60: {  	_ =	shalt  }
0x61: {  	_ =	shalt  }
0x62: {  	_ =	shalt  }
0x63: {  	_ =	shalt  }
0x64: {  	_ =	shalt  }
0x65: {  	_ =	shalt  }
0x66: {  	_ =	shalt  }
0x67: {  	_ =	shalt  }
0x68: {  	_ =	shalt  }
0x69: {  	_ =	shalt  }
0x6a: {  	_ =	shalt  }
0x6b: {  	_ =	shalt  }
0x6c: {  	_ =	shalt  }
0x6d: {  	_ =	shalt  }
0x6e: {  	_ =	shalt  }
0x6f: {  	_ =	shalt  }
0x70: {  	_ =	shalt  }
0x71: {  	_ =	shalt  }
0x72: {  	_ =	shalt  }
0x73: {  	_ =	shalt  }
0x74: {  	_ =	shalt  }
0x75: {  	_ =	shalt  }
0x76: {  	_ =	shalt  }
0x77: {  	_ =	shalt  }
0x78: {  	_ =	shalt  }
0x79: {  	_ =	shalt  }
0x7a: {  	_ =	shalt  }
0x7b: {  	_ =	shalt  }
0x7c: {  	_ =	shalt  }
0x7d: {  	_ =	shalt  }
0x7e: {  	_ =	shalt  }
0x7f: {  	_ =	shalt  }
0x80: {  	_ =	shalt  }
0x81: {  	_ =	shalt  }
0x82: {  	_ =	shalt  }
0x83: {  	_ =	shalt  }
0x84: {  	_ =	shalt  }
0x85: {  	_ =	shalt  }
0x86: {  	_ =	shalt  }
0x87: {  	_ =	shalt  }
.Lfunc_end0:
.L_simem_size_0:
called_computation.1_lowered:
.L_overlay_start_0:
0x88: {  	s2 =	sld [smem:$0x3FD9]  }
0x89: {  	s3 =	sld [smem:$0x3FFE];
	_ =	sdelay $0x1  }
0x8a: {  	s1 =	srdreg.scid  }
0x8b: {  	s0 =	sand.u32 $0x1, s1  }
0x8c: {  	s17 =	sshll.u32 s0, $0xA;
	s2 =	sadd.s32 s3, s2  }
0x8d: {  	s2 =	sadd.s32 s2, s17  }
0x8e: {  	[smem:$0x3FBB] =	sst s2  }
0x8f: {  	_ = 	snop  }
0x90: {  	s18 =	sld [smem:$0x3FC7]  }
0x91: {  	s4 =	sld [smem:$0x3FC6];
	(tm) =	ssettm $0x1  }
0x92: {  	s19 =	sld [smem:$0x3FFB];
	_ =	sdelay $0x3  }
0x93: {  	_ =	strace s19  }
0x94: {  	s2 =	sld [smem:$0x3FFC];
	_ =	sdelay $0x3  }
0x95: {  	_ =	strace s2  }
0x96: {  	s2 =	sld [smem:$0x3FFD];
	_ =	sdelay $0x3  }
0x97: {  	_ =	strace s2  }
0x98: {  	_ =	strace $0x8FFFFFFF  }
0x99: {  	s20 =	sld [smem:$0x3FDB];
	_ =	sdelay $0x1  }
0x9a: {  	s5 =	simm.s32 $_scs_section_size  }
0x9b: {  	s6 =	simm.s32 $_size__tile_overlayer_lowered;
	s7 =	simm.s32 $_tile_overlayer_lowered  }
0x9c: {  	s8 =	simm.s32 $0x1BFF;
	s21 =	sshll.u32 s7, $0x1;
	s5 =	sadd.s32 s5, s20  }
0x9d: {  	s22 =	simm.s32 $0x0;
	s6 =	sshll.u32 s6, $0x1;
	s7 =	sadd.s32 s21, s5  }
0x9e: {  	[timem:s22], [sflag:s8] =	dma.local [hbm:s7], s6  }
0x9f: {  	_ =	swait.ge [sflag:s8], s6  }
0xa0: {  	s6 =	ssub.s32 $0x0, s6;
	[sflag:s8] =	ssyncset.done $0x0  }
0xa1: {  	[sflag:s8] =	ssyncadd.s32 s6;
	_ =	sdelay $0x1  }
0xa2: {  	s23 =	simm.s32 $0x1B8B  }
0xa3: {  	_ =	swait.ge [sflag:s23], $0x1  }
0xa4: {  	[sflag:s23] =	ssyncset.done $0x0  }
0xa5: {  	[sflag:s23] =	ssyncadd.s32 $0xFFFFFFFF  }
0xa6: {  	s6 =	sld [smem:$0x0]  }
0xa7: {  	s7 =	sand.u32 $0xFFFFFFFE, s1  }
0xa8: {  	p0 =	sne.s32 s1, s7  }
0xa9: {  	s7 =	sshll.u32 @p0 s7, $0xE  }
0xaa: {  	s7 =	sadd.s32 @p0 $0x11B8D, s7;
	s8 =	sshll.u32 @p0 s6, $0x11  }
0xab: {  	s7 =	sor.u32 @p0 s8, s7  }
0xac: {  	[sflag:s7] =	ssyncadd.remote.s32 @p0 $0x1;
	_ =	sdelay $0x1  }
0xad: {  	s7 =	simm.s32 @p0 $0x1B8D  }
0xae: {  	_ =	swait.eq @p0 [sflag:s7], $0x1  }
0xaf: {  	[sflag:s7] =	ssyncadd.s32 @p0 $0xFFFFFFFF  }
0xb0: {  	s8 =	sshll.u32 @!p0 s1, $0xE  }
0xb1: {  	s8 =	sor.u32 @!p0 $0x4000, s8;
	s7 =	simm.s32 @!p0 $0x1B8D  }
0xb2: {  	s6 =	sshll.u32 @!p0 s6, $0x11;
	s8 =	sadd.s32 @!p0 $0x11B8D, s8;
	_ =	swait.eq @!p0 [sflag:s7], $0x1  }
0xb3: {  	s6 =	sor.u32 @!p0 s6, s8;
	[sflag:s7] =	ssyncadd.s32 @!p0 $0xFFFFFFFF  }
0xb4: {  	s25 =	simm.s32 $0x1B8E;
	s24 =	sld [smem:$0x3FFE];
	[sflag:s6] =	ssyncadd.remote.s32 @!p0 $0x1  }
0xb5: {  	s26 =	simm.s32 $execute0_lowered;
	[smem:$0x3FD2] =	sst s25  }
0xb6: {  	s7 =	sshll.u32 s26, $0x1;
	_ =	strace $0x8000004C;
	[dreg:$0x1] =	wrdreg $0xFFFFFFFF  }
0xb7: {  	s28 =	simm.s32 $_size_execute0_lowered;
	s5 =	sadd.s32 s5, s7;
	[dreg:$0x0] =	wrdreg $0x0  }
0xb8: {  	s7 =	sshll.u32 s28, $0x1;
	[dreg:$0x2] =	wrdreg s5  }
0xb9: {  	[dreg:$0x3] =	wrdreg s7  }
0xba: {  	[dreg:$0x4] =	wrdreg $0xC0  }
0xbb: {  	_ =	task [dreg:s22], $0x5FFFF  }
0xbc: {  	[dreg:$0x1] =	wrdreg $0xFFFFFFFF  }
0xbd: {  	[dreg:$0x0] =	wrdreg $0x60  }
0xbe: {  	[dreg:$0x2] =	wrdreg s24  }
0xbf: {  	[dreg:$0x3] =	wrdreg s18  }
0xc0: {  	[dreg:$0x4] =	wrdreg s4  }
0xc1: {  	[dreg:$0x5] =	wrdreg $0x42000  }
0xc2: {  	[dreg:$0x6] =	wrdreg $0x9  }
0xc3: {  	_ =	task.clear_ibuf [dreg:s22], $0x7FFFF;
	_ =	strace $0x9000004C  }
0xc4: {  	s29 =	simm.s32 $0x9;
	_ =	strace $0x8000004E  }
0xc5: {  	_ =	swait.ge [sflag:s29], $0x1  }
0xc6: {  	[sflag:s29] =	ssyncadd.s32 $0xFFFFFFFF  }
0xc7: {  	_ =	strace $0x9000004E  }
0xc8: {  	_ =	sfence  }
0xc9: {  	s30 =	sld [smem:$0x0];
	_ =	sdelay $0x2  }
0xca: {  	s31 =	sshll.u32 s1, $0xD;
	s1 =	sshrl.u32 s1, $0x2  }
0xcb: {  	s4 =	sand.u32 $0x4000, s31;
	s1 =	sadd.s32 s1, s30  }
0xcc: {  	s0 =	sor.u32 s4, s0;
	s1 =	sshll.u32 s1, $0x11  }
0xcd: {  	s0 =	sor.u32 s1, s0  }
0xce: {  	s0 =	sadd.s32 $0x8F2B, s0  }
0xcf: {  	[sflag:s0] =	ssyncadd.remote.s32 $0x1  }
0xd0: {  	_ =	sfence.sel $0xFFFF  }
0xd1: {  	[dreg:$0x0] =	wrdreg $0xFFFFFFFF;
	(pc) =	sbr.abs _section_cstart, $3  }
0xd2: {  	[dreg:$0x1] =	wrdreg $0xFFFFFFFF  }
0xd3: {  	_ =	task.clear_ibuf [dreg:s22], $0x2FFFF;
	_ =	strace $0x9FFFFFFF  }
0xd4: {  	(tm) =	ssettm $0x7FFFFFFF  }
0xd5: {  	_ =	shalt  }
tec
execute0_lowered:
.L_overlay_start_1:
0x0: {  	(tag) =	ssettag $0x1  }
0x1: {  	s6 =	rddreg [dreg:$0x0]  }
0x2: {  	s10 =	rddreg [dreg:$0x1]  }
0x3: {  	s12 =	rddreg [dreg:$0x2]  }
0x4: {  	s1 =	rddreg [dreg:$0x3]  }
0x5: {  	s0 =	rddreg [dreg:$0x4]  }
0x6: {  	s2 =	simm.s32 $0x0;
	s3 =	srdreg.scid;
	s15 =	simm.s32 $0x4000  }
0x7: {  	s16 =	simm.s32 $0x80;
	s17 =	simm.s32 $0x1;
	s18 =	simm.s32 $0x4080  }
0x8: {  	s19 =	simm.s32 $0x0;
	[smem:$0x7FF] =	sst s2;
	s7 =	sand.u32 $0x1, s3  }
0x9: {  	s4 =	sadd.s32 $0x52C00, s6;
	s3 =	stileid.u32;
	s5 =	sadd.s32 $0xC9A00, s6  }
0xa: {  	_ =	strace $0x8000004D;
	s8 =	ssub.s32 $0x2, s7;
	s9 =	sshll.u32 s3, $0xB  }
0xb: {  	s29 =	ssub.s32 $0x5E, s3;
	p0 =	seq.s32 s7, $0x1;
	s30 =	sshll.u32 s3, $0xE  }
.Ltmp0:
0xc: {  	s31 =	ssub.s32 $0x4F1, s3;
	s14 =	sshll.u32 s3, $0x5;
	(pc) =	sbr.rel .LBB2_1-.Ltmp0, $4  }
0xd: {  	s11 =	sshrl.u32 s8, $0x1;
	s13 =	sadd.s32 s9, s6;
	s6 =	sshrl.u32 s29, $0x4  }
0xe: {  	s7 =	sadd.s32 s30, s1;
	s10 =	sadd.s32 s14, s10;
	s12 =	sadd.s32 s14, s12  }
0xf: {  	s14 =	simm.s32 $0x2;
	s28 =	ssub.s32 s8, s11;
	s8 =	sshrl.u32 s31, $0x4  }
0x10: {  	v0 =	vimm.f32 $0.0e+00;
	v1 =	vimm.f32 $1.000000000e+00;
	s11 =	sadd.s32 $0x13FC00, s13;
	s13 =	sadd.s32 $0x167400, s13;
	s9 =	smax.u32 s28, $0x1  }
.LBB2_17:
0x11: {  	[sflag:s14] =	ssyncset.done $0x0  }
0x12: {  	[sflag:s14] =	ssyncadd.s32 $0xFFFFF800  }
.LBB2_18:
0x13: {  	s19 =	sadd.s32 $0x1, s19  }
0x14: {  	p1 =	sne.s32 s19, s9  }
.Ltmp1:
0x15: {  	_ = 	snop;
	(pc) =	sbr.rel @!p1 .LBB2_19-.Ltmp1, $1  }
0x16: {  	_ =	sdelay $0x3  }
.LBB2_1:
0x17: {  	s20 =	simm.s32 $0x0;
	s21 =	simm.s32 $0x200  }
.LBB2_2:
0x18: {  	p1 =	sne.s32 s21, $0xFE00;
	[tilespmem:s20+$0x70] =	vst v0  }
0x19: {  	[tilespmem:s20+$0x0] =	vst v0  }
0x1a: {  	[tilespmem:s20+$0x10] =	vst v0  }
.Ltmp2:
0x1b: {  	[tilespmem:s20+$0x20] =	vst v0;
	(pc) =	sbr.rel @p1 .LBB2_2-.Ltmp2, $4  }
0x1c: {  	[tilespmem:s20+$0x30] =	vst v0  }
0x1d: {  	[tilespmem:s20+$0x40] =	vst v0  }
0x1e: {  	[tilespmem:s20+$0x50] =	vst v0  }
0x1f: {  	[tilespmem:s20+$0x60] =	vst v0;
	s20 =	sshra.s32 s21, $0x2;
	s21 =	sadd.s32 $0x200, s21  }
0x20: {  	[tilespmem:s20+$0x70] =	vst v0  }
0x21: {  	[tilespmem:s20+$0x0] =	vst v0  }
0x22: {  	[tilespmem:s20+$0x10] =	vst v0  }
0x23: {  	[tilespmem:s20+$0x20] =	vst v0  }
0x24: {  	[tilespmem:s20+$0x30] =	vst v0  }
0x25: {  	[tilespmem:s20+$0x40] =	vst v0  }
0x26: {  	[tilespmem:s20+$0x50] =	vst v0  }
0x27: {  	[tilespmem:s20+$0x60] =	vst v0  }
0x28: {  	[tilespmem:$0x4100] =	vst v1  }
0x29: {  	[tilespmem:$0x4180] =	vst v0  }
0x2a: {  	[tilespmem:$0x4110] =	vst v1  }
0x2b: {  	[tilespmem:$0x4190] =	vst v0  }
0x2c: {  	[tilespmem:$0x4120] =	vst v1  }
0x2d: {  	[tilespmem:$0x41A0] =	vst v0  }
0x2e: {  	[tilespmem:$0x4130] =	vst v1  }
0x2f: {  	[tilespmem:$0x41B0] =	vst v0  }
0x30: {  	[tilespmem:$0x4140] =	vst v1  }
0x31: {  	[tilespmem:$0x41C0] =	vst v0  }
0x32: {  	[tilespmem:$0x4150] =	vst v1  }
.Ltmp3:
0x33: {  	[tilespmem:$0x41D0] =	vst v0;
	(pc) =	sbr.rel @!p0 .LBB2_4-.Ltmp3, $4  }
0x34: {  	[tilespmem:$0x4160] =	vst v1  }
0x35: {  	[tilespmem:$0x41E0] =	vst v0  }
0x36: {  	[tilespmem:$0x4170] =	vst v1  }
0x37: {  	[tilespmem:$0x41F0] =	vst v0  }
0x38: {  	p1 =	sne.s32 s6, $0x1  }
.Ltmp4:
0x39: {  	_ = 	snop;
	(pc) =	sbr.rel @!p1 .LBB2_13-.Ltmp4, $4  }
0x3a: {  	_ = 	snop  }
0x3b: {  	[spmem:s7] =	stream.linear.scatter [tilespmem:s2], [sflag:$0x2], $0x4000, $0x38;
	[tilespmem:$0x17E00] =	vst v63  }
0x3c: {  	_ =	swait.ge [sflag:s14], $0x4000  }
0x3d: {  	s20 =	sadd.s32 $0xFFFFFFFF, s6;
	s21 =	smov.u32 s7;
	[sflag:s14] =	ssyncset.done $0x0  }
.LBB2_12:
0x3e: {  	p1 =	sne.s32 s20, $0x1;
	[sflag:s14] =	ssyncadd.s32 $0xFFFFC000;
	s21 =	sadd.s32 $0x40000, s21  }
.Ltmp5:
0x3f: {  	s20 =	sadd.s32 $0xFFFFFFFF, s20;
	(pc) =	sbr.rel @p1 .LBB2_12-.Ltmp5, $4  }
0x40: {  	_ = 	snop  }
0x41: {  	[spmem:s21] =	stream.linear.scatter [tilespmem:s2], [sflag:$0x2], $0x4000, $0x38;
	[tilespmem:$0x17E00] =	vst v63  }
0x42: {  	_ =	swait.ge [sflag:s14], $0x4000  }
0x43: {  	[sflag:s14] =	ssyncset.done $0x0  }
.LBB2_13:
0x44: {  	[sflag:s14] =	ssyncadd.s32 $0xFFFFC000  }
0x45: {  	[bflag:$0x0] =	sbarrier.arrive $0xFFFF  }
0x46: {  	[tilespmem:s15], [sflag:$0x2] =	stream.linear.gather [hbm4b:s12+s2], $0x100, $0x38;
	[tilespmem:$0x17E00] =	vst v63  }
0x47: {  	_ =	swait.ge [sflag:s14], $0x100  }
0x48: {  	[sflag:s14] =	ssyncset.done $0x0  }
0x49: {  	[sflag:s14] =	ssyncadd.s32 $0xFFFFFF00  }
0x4a: {  	[tilespmem:s2], [sflag:$0x1] =	stream.indirect.gather [hbm4b:s5+s16], $0x80, s15, s16, $0xb8;
	[tilespmem:$0x17E00] =	vst v63  }
0x4b: {  	p1 =	sne.s32 s8, $0x1;
	_ =	swait.ge [sflag:s17], $0x4000  }
.Ltmp6:
0x4c: {  	[sflag:s17] =	ssyncset.done $0x0;
	(pc) =	sbr.rel @!p1 .LBB2_15-.Ltmp6, $4  }
0x4d: {  	[sflag:s17] =	ssyncadd.s32 $0xFFFFC000  }
0x4e: {  	[spmem:s1] =	stream.indirect.scatter.add.f32 [tilespmem:s2], [sflag:$0x2], $0x80, s18, s16, $0xb8;
	[tilespmem:$0x17E00] =	vst v63  }
0x4f: {  	_ =	swait.ge [sflag:s14], $0x4000  }
0x50: {  	s20 =	sadd.s32 $0xFFFFFFFF, s8;
	s21 =	smov.u32 s12;
	[sflag:s14] =	ssyncset.done $0x0  }
.LBB2_14:
0x51: {  	p1 =	sne.s32 s20, $0x1;
	[sflag:s14] =	ssyncadd.s32 $0xFFFFC000;
	s21 =	sadd.s32 $0x200, s21  }
0x52: {  	[tilespmem:s15], [sflag:$0x2] =	stream.linear.gather [hbm4b:s21+s2], $0x100, $0x38;
	[tilespmem:$0x17E00] =	vst v63  }
0x53: {  	s20 =	sadd.s32 $0xFFFFFFFF, s20;
	_ =	swait.ge [sflag:s14], $0x100  }
0x54: {  	[sflag:s14] =	ssyncset.done $0x0  }
0x55: {  	[sflag:s14] =	ssyncadd.s32 $0xFFFFFF00  }
0x56: {  	[tilespmem:s2], [sflag:$0x1] =	stream.indirect.gather [hbm4b:s5+s16], $0x80, s15, s16, $0xb8;
	[tilespmem:$0x17E00] =	vst v63  }
0x57: {  	_ =	swait.ge [sflag:s17], $0x4000  }
.Ltmp7:
0x58: {  	[sflag:s17] =	ssyncset.done $0x0;
	(pc) =	sbr.rel @p1 .LBB2_14-.Ltmp7, $4  }
0x59: {  	[sflag:s17] =	ssyncadd.s32 $0xFFFFC000  }
0x5a: {  	[spmem:s1] =	stream.indirect.scatter.add.f32 [tilespmem:s2], [sflag:$0x2], $0x80, s18, s16, $0xb8;
	[tilespmem:$0x17E00] =	vst v63  }
0x5b: {  	_ =	swait.ge [sflag:s14], $0x4000  }
0x5c: {  	[sflag:s14] =	ssyncset.done $0x0  }
.LBB2_15:
0x5d: {  	p1 =	sne.s32 s6, $0x1  }
.Ltmp8:
0x5e: {  	_ = 	snop;
	(pc) =	sbr.rel @!p1 .LBB2_17-.Ltmp8, $4  }
0x5f: {  	[sflag:s14] =	ssyncadd.s32 $0xFFFFC000;
	s20 =	sshll.u32 s3, $0x6;
	s21 =	sshrl.u32 s7, $0x3  }
0x60: {  	s22 =	sadd.s32 $0x8000, s13;
	[bflag:$0x0] =	sbarrier.arrive $0xFFFF;
	s20 =	sor.u32 $0x1C02, s20  }
0x61: {  	[hbm:s13], [sflag:s20] =	dma.local [spmem:s21], $0x800  }
0x62: {  	s23 =	smov.u32 s7;
	s21 =	sadd.s32 $0xFFFFFFFF, s6;
	_ =	swait.ge [sflag:s14], $0x800  }
.LBB2_16:
0x63: {  	[sflag:s14] =	ssyncset.done $0x0;
	s23 =	sadd.s32 $0x40000, s23;
	p1 =	sne.s32 s21, $0x1  }
.Ltmp9:
0x64: {  	s24 =	sshrl.u32 s23, $0x3;
	[sflag:s14] =	ssyncadd.s32 $0xFFFFF800;
	(pc) =	sbr.rel @p1 .LBB2_16-.Ltmp9, $3  }
0x65: {  	[hbm:s22], [sflag:s20] =	dma.local [spmem:s24], $0x800  }
0x66: {  	s21 =	sadd.s32 $0xFFFFFFFF, s21;
	_ =	sdelay $0x1  }
0x67: {  	s22 =	sadd.s32 $0x8000, s22;
	_ =	swait.ge [sflag:s14], $0x800  }
.Ltmp10:
0x68: {  	_ = 	snop;
	(pc) =	sbr.rel .LBB2_17-.Ltmp10, $1  }
0x69: {  	_ =	sdelay $0x3  }
.LBB2_4:
0x6a: {  	p1 =	sne.s32 s6, $0x1  }
.Ltmp11:
0x6b: {  	_ = 	snop;
	(pc) =	sbr.rel @!p1 .LBB2_6-.Ltmp11, $4  }
0x6c: {  	_ = 	snop  }
0x6d: {  	[spmem:s7] =	stream.linear.scatter [tilespmem:s2], [sflag:$0x2], $0x4000, $0x38;
	[tilespmem:$0x17E00] =	vst v63  }
0x6e: {  	_ =	swait.ge [sflag:s14], $0x4000  }
0x6f: {  	s20 =	sadd.s32 $0xFFFFFFFF, s6;
	s21 =	smov.u32 s7;
	[sflag:s14] =	ssyncset.done $0x0  }
.LBB2_5:
0x70: {  	p1 =	sne.s32 s20, $0x1;
	[sflag:s14] =	ssyncadd.s32 $0xFFFFC000;
	s21 =	sadd.s32 $0x40000, s21  }
.Ltmp12:
0x71: {  	s20 =	sadd.s32 $0xFFFFFFFF, s20;
	(pc) =	sbr.rel @p1 .LBB2_5-.Ltmp12, $4  }
0x72: {  	_ = 	snop  }
0x73: {  	[spmem:s21] =	stream.linear.scatter [tilespmem:s2], [sflag:$0x2], $0x4000, $0x38;
	[tilespmem:$0x17E00] =	vst v63  }
0x74: {  	_ =	swait.ge [sflag:s14], $0x4000  }
0x75: {  	[sflag:s14] =	ssyncset.done $0x0  }
.LBB2_6:
0x76: {  	[sflag:s14] =	ssyncadd.s32 $0xFFFFC000  }
0x77: {  	[bflag:$0x0] =	sbarrier.arrive $0xFFFF  }
0x78: {  	[tilespmem:s15], [sflag:$0x2] =	stream.linear.gather [hbm4b:s10+s2], $0x100, $0x38;
	[tilespmem:$0x17E00] =	vst v63  }
0x79: {  	_ =	swait.ge [sflag:s14], $0x100  }
0x7a: {  	[sflag:s14] =	ssyncset.done $0x0  }
0x7b: {  	[sflag:s14] =	ssyncadd.s32 $0xFFFFFF00  }
0x7c: {  	[tilespmem:s2], [sflag:$0x1] =	stream.indirect.gather [hbm4b:s4+s16], $0x80, s15, s16, $0xb8;
	[tilespmem:$0x17E00] =	vst v63  }
0x7d: {  	p1 =	sne.s32 s8, $0x1;
	_ =	swait.ge [sflag:s17], $0x4000  }
.Ltmp13:
0x7e: {  	[sflag:s17] =	ssyncset.done $0x0;
	(pc) =	sbr.rel @!p1 .LBB2_8-.Ltmp13, $4  }
0x7f: {  	[sflag:s17] =	ssyncadd.s32 $0xFFFFC000  }
0x80: {  	[spmem:s1] =	stream.indirect.scatter.add.f32 [tilespmem:s2], [sflag:$0x2], $0x80, s18, s16, $0xb8;
	[tilespmem:$0x17E00] =	vst v63  }
0x81: {  	_ =	swait.ge [sflag:s14], $0x4000  }
0x82: {  	s20 =	sadd.s32 $0xFFFFFFFF, s8;
	s21 =	smov.u32 s10;
	[sflag:s14] =	ssyncset.done $0x0  }
.LBB2_7:
0x83: {  	p1 =	sne.s32 s20, $0x1;
	[sflag:s14] =	ssyncadd.s32 $0xFFFFC000;
	s21 =	sadd.s32 $0x200, s21  }
0x84: {  	[tilespmem:s15], [sflag:$0x2] =	stream.linear.gather [hbm4b:s21+s2], $0x100, $0x38;
	[tilespmem:$0x17E00] =	vst v63  }
0x85: {  	s20 =	sadd.s32 $0xFFFFFFFF, s20;
	_ =	swait.ge [sflag:s14], $0x100  }
0x86: {  	[sflag:s14] =	ssyncset.done $0x0  }
0x87: {  	[sflag:s14] =	ssyncadd.s32 $0xFFFFFF00  }
0x88: {  	[tilespmem:s2], [sflag:$0x1] =	stream.indirect.gather [hbm4b:s4+s16], $0x80, s15, s16, $0xb8;
	[tilespmem:$0x17E00] =	vst v63  }
0x89: {  	_ =	swait.ge [sflag:s17], $0x4000  }
.Ltmp14:
0x8a: {  	[sflag:s17] =	ssyncset.done $0x0;
	(pc) =	sbr.rel @p1 .LBB2_7-.Ltmp14, $4  }
0x8b: {  	[sflag:s17] =	ssyncadd.s32 $0xFFFFC000  }
0x8c: {  	[spmem:s1] =	stream.indirect.scatter.add.f32 [tilespmem:s2], [sflag:$0x2], $0x80, s18, s16, $0xb8;
	[tilespmem:$0x17E00] =	vst v63  }
0x8d: {  	_ =	swait.ge [sflag:s14], $0x4000  }
0x8e: {  	[sflag:s14] =	ssyncset.done $0x0  }
.LBB2_8:
0x8f: {  	p1 =	seq.s32 s6, $0x1  }
.Ltmp15:
0x90: {  	_ = 	snop;
	(pc) =	sbr.rel @p1 .LBB2_10-.Ltmp15, $4  }
0x91: {  	[sflag:s14] =	ssyncadd.s32 $0xFFFFC000;
	s20 =	sshll.u32 s3, $0x6;
	s21 =	sshrl.u32 s7, $0x3  }
0x92: {  	s22 =	sadd.s32 $0x8000, s11;
	[bflag:$0x0] =	sbarrier.arrive $0xFFFF;
	s20 =	sor.u32 $0x1C02, s20  }
0x93: {  	[hbm:s11], [sflag:s20] =	dma.local [spmem:s21], $0x800  }
0x94: {  	s23 =	smov.u32 s7;
	s21 =	sadd.s32 $0xFFFFFFFF, s6;
	_ =	swait.ge [sflag:s14], $0x800  }
.LBB2_9:
0x95: {  	[sflag:s14] =	ssyncset.done $0x0;
	s23 =	sadd.s32 $0x40000, s23;
	p1 =	seq.s32 s21, $0x1  }
.Ltmp16:
0x96: {  	s24 =	sshrl.u32 s23, $0x3;
	[sflag:s14] =	ssyncadd.s32 $0xFFFFF800;
	(pc) =	sbr.rel @!p1 .LBB2_9-.Ltmp16, $3  }
0x97: {  	[hbm:s22], [sflag:s20] =	dma.local [spmem:s24], $0x800  }
0x98: {  	s21 =	sadd.s32 $0xFFFFFFFF, s21;
	_ =	sdelay $0x1  }
0x99: {  	s22 =	sadd.s32 $0x8000, s22;
	_ =	swait.ge [sflag:s14], $0x800  }
.LBB2_10:
.Ltmp17:
0x9a: {  	(pc) =	sbr.rel .LBB2_18-.Ltmp17, $3  }
0x9b: {  	_ =	sdelay $0x1  }
0x9c: {  	[sflag:s14] =	ssyncset.done $0x0  }
0x9d: {  	[sflag:s14] =	ssyncadd.s32 $0xFFFFF800  }
.LBB2_19:
0x9e: {  	_ =	sfence.sel $0x180000  }
0x9f: {  	[bflag:$0x0] =	sbarrier.arrive $0xFFFF  }
0xa0: {  	p0 =	sne.s32 s3, $0x0;
	_ =	strace $0x9000004D  }
0xa1: {  	s0 =	sadd.s32 @!p0 $0x100000, s0;
	[bflag:$0x2] =	sbarrier.arrive $0xFFFF  }
0xa2: {  	[sflag:s0] =	ssyncadd.tile.s32 @!p0 $0x1;
	_ =	shalt  }
.Lfunc_end2:
_tile_overlayer_lowered:
.L_overlay_start_2:
0xa3: {  	(tag) =	ssettag $0x2  }
0xa4: {  	s0 =	rddreg [dreg:$0x0];
	s2 =	stileid.u32  }
0xa5: {  	s1 =	rddreg [dreg:$0x1];
	p0 =	sne.s32 s2, $0x0  }
0xa6: {  	s3 =	rddreg [dreg:$0x2];
	[bflag:$0x3] =	sbarrier.arrive $0xFFFF;
	s2 =	simm.s32 @!p0 $0x1C02  }
0xa7: {  	[timem:s3], [sflag:s2] =	dma.local @!p0 [hbm:s0], s1  }
0xa8: {  	s0 =	simm.s32 @!p0 $0x2  }
0xa9: {  	_ =	swait.ge @!p0 [sflag:s0], s1  }
0xaa: {  	s1 =	ssub.s32 @!p0 $0x0, s1;
	[sflag:s0] =	ssyncset.done @!p0 $0x0  }
0xab: {  	[sflag:s0] =	ssyncadd.s32 @!p0 s1  }
0xac: {  	[bflag:$0x3] =	sbarrier.arrive $0xFFFF  }
0xad: {  	_ =	shalt  }

// kernel: kernel.13.cloned.1.call-start
scs
__scs_entry_jumppad:
0x0: {  	(pc) =	sbr.rel $0x88, $3  }
0x1: {  	(tag) =	ssettag $0x0;
	lr =	simm.s32 $0x1  }
0x2: {  	[smem:$0x3F94] =	sst lr;
	_ =	strace $0xD0000000  }
0x3: {  	_ = 	snop  }
0x4: {  	_ = 	snop  }
0x5: {  	_ = 	snop  }
0x6: {  	_ = 	snop  }
0x7: {  	_ = 	snop  }
__scs_overlays_trampoline_lowered:
0x8: {  	[smem:$0x3FA3] =	sst s0  }
0x9: {  	[smem:$0x3FA4] =	sst s1  }
0xa: {  	[smem:$0x3FA5] =	sst s2  }
0xb: {  	[smem:$0x3FA6] =	sst s3  }
0xc: {  	[smem:$0x3FA7] =	sst s4  }
0xd: {  	[smem:$0x3FA8] =	sst s5  }
0xe: {  	[smem:$0x3FA9] =	sst s6  }
0xf: {  	[smem:$0x3FAA] =	sst s7  }
0x10: {  	[smem:$0x3FAB] =	sst s8  }
0x11: {  	[smem:$0x3FAC] =	sst s9;
	s0 =	simm.s32 @!p0 $0x0  }
0x12: {  	s1 =	sld [smem:$0x3F92];
	s0 =	simm.s32 @p0 $0x1  }
0x13: {  	[smem:$0x3FAD] =	sst s0;
	s0 =	simm.s32 @!p1 $0x0  }
0x14: {  	s2 =	sld [smem:$0x3F91];
	s0 =	simm.s32 @p1 $0x1  }
0x15: {  	[smem:$0x3FAE] =	sst s0;
	s0 =	simm.s32 @!p2 $0x0  }
0x16: {  	s3 =	sld [smem:$0x3FDB];
	s0 =	simm.s32 @p2 $0x1  }
0x17: {  	s4 =	simm.s32 $0x1BF5;
	[smem:$0x3FB0] =	sst s0  }
0x18: {  	s0 =	sld [smem:$0x3F93];
	_ =	swait.ge [sflag:s4], $0x0  }
0x19: {  	s7 =	sld [smem:$0x3F94]  }
0x1a: {  	s8 =	sadd.s32 $0xFFFFE003, lr  }
0x1b: {  	s9 =	sadd.s32 $0xFFFFFEF7, lr;
	s5 =	simm.s32 $0xFFFFFFFF;
	p2 =	slt.u32 s8, $0xFFFFF086  }
0x1c: {  	p1 =	slt.u32 s9, $0xF7A;
	s5 =	simm.s32 @!p2 $0x0  }
0x1d: {  	s5 =	simm.s32 @p1 $0x1;
	p0 =	seq.s32 s7, s2  }
0x1e: {  	s7 =	smul.u32 @!p0 $0xF7A, s2;
	p2 =	seq.s32 @!p0 s5, $0x0  }
0x1f: {  	s9 =	smul.u32 $0xF7A, s1;
	s8 =	simm.s32 @!p0 $0x1BF5;
	p2 =	por !p2, p0  }
0x20: {  	[sflag:s8] =	ssyncset.s32 @!p0 $0xFFFFF086;
	s6 =	sadd.s32 @!p0 s3, s7;
	s7 =	simm.s32 @!p0 $0x108  }
0x21: {  	s3 =	sadd.s32 s3, s9;
	s6 =	sadd.s32 @!p0 $0x88, s6;
	s7 =	simm.s32 @p2 $0x1082  }
0x22: {  	[simem:s7], [sflag:s8] =	dma.local @!p0 [hbm:s6], $0xF7A  }
0x23: {  	s9 =	sor.u32 $0xD0000000, s2;
	s6 =	simm.s32 $0x108;
	_ =	swait.ge @!p0 [sflag:s8], $0x0  }
0x24: {  	s3 =	sadd.s32 $0x88, s3;
	s6 =	simm.s32 @!p1 $0x1082;
	[sflag:s4] =	ssyncset.s32 $0xFFFFF086  }
0x25: {  	[simem:s6], [sflag:s4] =	dma.local [hbm:s3], $0xF7A  }
0x26: {  	[smem:$0x3F94] =	sst s1;
	(tag) =	ssettag s2;
	_ =	strace s9  }
0x27: {  	s1 =	sld [smem:$0x3FA4]  }
0x28: {  	s2 =	sld [smem:$0x3FA5]  }
0x29: {  	s4 =	sld [smem:$0x3FA7]  }
0x2a: {  	p0 =	seq.s32 s5, $0x0;
	s5 =	sld [smem:$0x3FA8]  }
0x2b: {  	s6 =	sld [smem:$0x3FA9]  }
0x2c: {  	s7 =	sld [smem:$0x3FAA]  }
0x2d: {  	s3 =	simm.s32 $0x108;
	s8 =	sld [smem:$0x3FAB]  }
0x2e: {  	s3 =	simm.s32 @!p0 $0x1082;
	s9 =	sld [smem:$0x3FAC]  }
0x2f: {  	lr =	sadd.s32 s0, s3;
	s0 =	sld [smem:$0x3FA3]  }
0x30: {  	s3 =	sld [smem:$0x3FA6]  }
0x31: {  	[smem:$0x3FAF] =	sst s10  }
0x32: {  	s10 =	sld [smem:$0x3FAD];
	_ =	sdelay $0x3  }
0x33: {  	p0 =	seq.s32 s10, $0x1;
	s10 =	sld [smem:$0x3FAF];
	_ =	sdelay $0x3  }
0x34: {  	[smem:$0x3FAF] =	sst s10  }
0x35: {  	s10 =	sld [smem:$0x3FAE];
	_ =	sdelay $0x3  }
0x36: {  	p1 =	seq.s32 s10, $0x1;
	s10 =	sld [smem:$0x3FAF];
	_ =	sdelay $0x3  }
0x37: {  	[smem:$0x3FAF] =	sst s10  }
0x38: {  	s10 =	sld [smem:$0x3FB0]  }
0x39: {  	_ = 	snop;
	(pc) =	sbr.ind lr, $3  }
0x3a: {  	_ = 	snop  }
0x3b: {  	_ = 	snop  }
0x3c: {  	p2 =	seq.s32 s10, $0x1;
	s10 =	sld [smem:$0x3FAF]  }
0x3d: {  	_ =	shalt  }
0x3e: {  	_ =	shalt  }
0x3f: {  	_ =	shalt  }
0x40: {  	_ =	shalt  }
0x41: {  	_ =	shalt  }
0x42: {  	_ =	shalt  }
0x43: {  	_ =	shalt  }
0x44: {  	_ =	shalt  }
0x45: {  	_ =	shalt  }
0x46: {  	_ =	shalt  }
0x47: {  	_ =	shalt  }
0x48: {  	_ =	shalt  }
0x49: {  	_ =	shalt  }
0x4a: {  	_ =	shalt  }
0x4b: {  	_ =	shalt  }
0x4c: {  	_ =	shalt  }
0x4d: {  	_ =	shalt  }
0x4e: {  	_ =	shalt  }
0x4f: {  	_ =	shalt  }
0x50: {  	_ =	shalt  }
0x51: {  	_ =	shalt  }
0x52: {  	_ =	shalt  }
0x53: {  	_ =	shalt  }
0x54: {  	_ =	shalt  }
0x55: {  	_ =	shalt  }
0x56: {  	_ =	shalt  }
0x57: {  	_ =	shalt  }
0x58: {  	_ =	shalt  }
0x59: {  	_ =	shalt  }
0x5a: {  	_ =	shalt  }
0x5b: {  	_ =	shalt  }
0x5c: {  	_ =	shalt  }
0x5d: {  	_ =	shalt  }
0x5e: {  	_ =	shalt  }
0x5f: {  	_ =	shalt  }
0x60: {  	_ =	shalt  }
0x61: {  	_ =	shalt  }
0x62: {  	_ =	shalt  }
0x63: {  	_ =	shalt  }
0x64: {  	_ =	shalt  }
0x65: {  	_ =	shalt  }
0x66: {  	_ =	shalt  }
0x67: {  	_ =	shalt  }
0x68: {  	_ =	shalt  }
0x69: {  	_ =	shalt  }
0x6a: {  	_ =	shalt  }
0x6b: {  	_ =	shalt  }
0x6c: {  	_ =	shalt  }
0x6d: {  	_ =	shalt  }
0x6e: {  	_ =	shalt  }
0x6f: {  	_ =	shalt  }
0x70: {  	_ =	shalt  }
0x71: {  	_ =	shalt  }
0x72: {  	_ =	shalt  }
0x73: {  	_ =	shalt  }
0x74: {  	_ =	shalt  }
0x75: {  	_ =	shalt  }
0x76: {  	_ =	shalt  }
0x77: {  	_ =	shalt  }
0x78: {  	_ =	shalt  }
0x79: {  	_ =	shalt  }
0x7a: {  	_ =	shalt  }
0x7b: {  	_ =	shalt  }
0x7c: {  	_ =	shalt  }
0x7d: {  	_ =	shalt  }
0x7e: {  	_ =	shalt  }
0x7f: {  	_ =	shalt  }
0x80: {  	_ =	shalt  }
0x81: {  	_ =	shalt  }
0x82: {  	_ =	shalt  }
0x83: {  	_ =	shalt  }
0x84: {  	_ =	shalt  }
0x85: {  	_ =	shalt  }
0x86: {  	_ =	shalt  }
0x87: {  	_ =	shalt  }
.Lfunc_end0:
.L_simem_size_0:
called_computation.2_lowered:
.L_overlay_start_0:
0x88: {  	s2 =	sld [smem:$0x3FD9]  }
0x89: {  	s3 =	sld [smem:$0x3FFE];
	_ =	sdelay $0x1  }
0x8a: {  	s1 =	srdreg.scid  }
0x8b: {  	s0 =	sand.u32 $0x1, s1  }
0x8c: {  	s17 =	sshll.u32 s0, $0xA;
	s2 =	sadd.s32 s3, s2  }
0x8d: {  	s2 =	sadd.s32 s2, s17  }
0x8e: {  	[smem:$0x3FBB] =	sst s2  }
0x8f: {  	_ = 	snop  }
0x90: {  	s2 =	sld [smem:$0x3FC8];
	(tm) =	ssettm $0x1  }
0x91: {  	s18 =	sld [smem:$0x3FFB];
	_ =	sdelay $0x3  }
0x92: {  	_ =	strace s18  }
0x93: {  	s3 =	sld [smem:$0x3FFC];
	_ =	sdelay $0x3  }
0x94: {  	_ =	strace s3  }
0x95: {  	s3 =	sld [smem:$0x3FFD];
	_ =	sdelay $0x3  }
0x96: {  	_ =	strace s3  }
0x97: {  	_ =	strace $0x8FFFFFFF  }
0x98: {  	s19 =	sld [smem:$0x3FDB];
	_ =	sdelay $0x1  }
0x99: {  	s4 =	simm.s32 $_scs_section_size  }
0x9a: {  	s5 =	simm.s32 $_size__tile_overlayer_lowered;
	s6 =	simm.s32 $_tile_overlayer_lowered  }
0x9b: {  	s22 =	simm.s32 $0x1BFF;
	s21 =	sshll.u32 s6, $0x1;
	s3 =	sadd.s32 s4, s19  }
0x9c: {  	s7 =	simm.s32 $0x0;
	s20 =	sshll.u32 s5, $0x1;
	s5 =	sadd.s32 s21, s3  }
0x9d: {  	[timem:s7], [sflag:s22] =	dma.local [hbm:s5], s20  }
0x9e: {  	_ =	swait.ge [sflag:s22], s20  }
0x9f: {  	s4 =	ssub.s32 $0x0, s20;
	[sflag:s22] =	ssyncset.done $0x0  }
0xa0: {  	[sflag:s22] =	ssyncadd.s32 s4;
	_ =	sdelay $0x1  }
0xa1: {  	s23 =	simm.s32 $0x1B8B  }
0xa2: {  	_ =	swait.ge [sflag:s23], $0x1  }
0xa3: {  	[sflag:s23] =	ssyncset.done $0x0  }
0xa4: {  	s25 =	simm.s32 $0x1B8E;
	s24 =	sld [smem:$0x3FFE];
	[sflag:s23] =	ssyncadd.s32 $0xFFFFFFFF  }
0xa5: {  	s26 =	simm.s32 $execute0_lowered;
	[smem:$0x3FD2] =	sst s25  }
0xa6: {  	s5 =	sshll.u32 s26, $0x1;
	_ =	strace $0x80000049;
	[dreg:$0x1] =	wrdreg $0xFFFFFFFF  }
0xa7: {  	s28 =	simm.s32 $_size_execute0_lowered;
	s3 =	sadd.s32 s3, s5;
	[dreg:$0x0] =	wrdreg $0x0  }
0xa8: {  	s5 =	sshll.u32 s28, $0x1;
	[dreg:$0x2] =	wrdreg s3  }
0xa9: {  	[dreg:$0x3] =	wrdreg s5  }
0xaa: {  	[dreg:$0x4] =	wrdreg $0xC0  }
0xab: {  	_ =	task [dreg:s7], $0x5FFFF  }
0xac: {  	[dreg:$0x1] =	wrdreg $0xFFFFFFFF  }
0xad: {  	[dreg:$0x0] =	wrdreg $0x60  }
0xae: {  	[dreg:$0x2] =	wrdreg s24  }
0xaf: {  	[dreg:$0x3] =	wrdreg s2  }
0xb0: {  	[dreg:$0x4] =	wrdreg $0x42000  }
0xb1: {  	[dreg:$0x5] =	wrdreg $0x17E000  }
0xb2: {  	[dreg:$0x6] =	wrdreg $0xA  }
0xb3: {  	_ =	task.clear_ibuf [dreg:s7], $0x7FFFF;
	_ =	strace $0x90000049  }
0xb4: {  	s29 =	simm.s32 $0xA;
	_ =	strace $0x8000004B  }
0xb5: {  	_ =	swait.ge [sflag:s29], $0x1  }
0xb6: {  	[sflag:s29] =	ssyncadd.s32 $0xFFFFFFFF  }
0xb7: {  	_ =	strace $0x9000004B  }
0xb8: {  	_ =	sfence  }
0xb9: {  	s30 =	sld [smem:$0x0];
	_ =	sdelay $0x2  }
0xba: {  	s31 =	sshll.u32 s1, $0xD;
	s1 =	sshrl.u32 s1, $0x2  }
0xbb: {  	s3 =	sand.u32 $0x4000, s31;
	s1 =	sadd.s32 s1, s30  }
0xbc: {  	s0 =	sor.u32 s3, s0;
	s1 =	sshll.u32 s1, $0x11  }
0xbd: {  	s0 =	sor.u32 s1, s0  }
0xbe: {  	s0 =	sadd.s32 $0x8F2B, s0  }
0xbf: {  	[sflag:s0] =	ssyncadd.remote.s32 $0x1  }
0xc0: {  	_ =	sfence.sel $0xFFFF  }
0xc1: {  	[dreg:$0x0] =	wrdreg $0xFFFFFFFF;
	(pc) =	sbr.abs _section_cstart, $3  }
0xc2: {  	[dreg:$0x1] =	wrdreg $0xFFFFFFFF  }
0xc3: {  	_ =	task.clear_ibuf [dreg:s7], $0x2FFFF;
	_ =	strace $0x9FFFFFFF  }
0xc4: {  	(tm) =	ssettm $0x7FFFFFFF  }
0xc5: {  	_ =	shalt  }
tec
execute0_lowered:
.L_overlay_start_1:
0x0: {  	(tag) =	ssettag $0x1  }
0x1: {  	s7 =	rddreg [dreg:$0x0]  }
0x2: {  	s12 =	rddreg [dreg:$0x1]  }
0x3: {  	s1 =	rddreg [dreg:$0x2]  }
0x4: {  	s2 =	rddreg [dreg:$0x3];
	s4 =	simm.s32 $0x0  }
0x5: {  	s30 =	stileid.u32;
	s6 =	srdreg.scid;
	s16 =	simm.s32 $0x2  }
0x6: {  	s17 =	simm.s32 $0x4000;
	s18 =	simm.s32 $0x80;
	s19 =	simm.s32 $0x1  }
0x7: {  	s20 =	simm.s32 $0x4080;
	s21 =	simm.s32 $0x4180;
	s22 =	simm.s32 $0x4100  }
0x8: {  	s23 =	simm.s32 $0x0;
	[smem:$0x7FF] =	sst s4;
	s5 =	sadd.s32 $0x4800, s7  }
0x9: {  	s8 =	sshll.u32 s30, $0xB;
	s9 =	sand.u32 $0x1, s6;
	s6 =	sadd.s32 $0x2BA00, s7  }
0xa: {  	s10 =	sshll.u32 s30, $0x4;
	s13 =	ssub.s32 $0x5E, s30;
	s26 =	ssub.s32 $0x9D3, s30  }
0xb: {  	s28 =	sshll.u32 s30, $0xE;
	s29 =	sshll.u32 s30, $0x7;
	s31 =	sshll.u32 s30, $0x5  }
0xc: {  	_ =	strace $0x8000004A;
	s15 =	sadd.s32 s8, s7;
	s24 =	ssub.s32 $0x2, s9  }
.Ltmp0:
0xd: {  	s14 =	sadd.s32 s10, s7;
	s7 =	sshrl.u32 s13, $0x4;
	(pc) =	sbr.rel .LBB2_1-.Ltmp0, $4  }
0xe: {  	p0 =	seq.s32 s9, $0x1;
	s8 =	sshrl.u32 s26, $0x4;
	s9 =	sadd.s32 s28, s1  }
0xf: {  	s12 =	sadd.s32 s31, s12;
	s11 =	sshrl.u32 s24, $0x1;
	s13 =	sadd.s32 $0xF0C00, s15  }
0x10: {  	s14 =	sadd.s32 $0x7A400, s14;
	s0 =	sadd.s32 $0x118400, s15;
	s25 =	ssub.s32 s24, s11  }
0x11: {  	v0 =	vimm.f32 $0.0e+00;
	v1 =	vimm.f32 $1.000000000e+00;
	s11 =	sadd.s32 s29, s2;
	[dreg:$0x5] =	wrdreg s0;
	s10 =	smax.u32 s25, $0x1  }
.LBB2_9:
0x12: {  	s25 =	smov.u32 s14;
	s29 =	smov.u32 s13;
	s28 =	smov.u32 s11  }
.LBB2_14:
0x13: {  	s0 =	sor.u32 $0x1C02, s24;
	[sflag:s16] =	ssyncadd.s32 @p1 $0xFFFFFFF0  }
0x14: {  	[hbm:s29], [sflag:s0] =	dma.local [spmem:s26], $0x800  }
0x15: {  	_ =	swait.ge [sflag:s16], $0x800  }
0x16: {  	[sflag:s16] =	ssyncset.done $0x0  }
0x17: {  	s3 =	sshrl.u32 s28, $0x3;
	[sflag:s16] =	ssyncadd.s32 $0xFFFFF800  }
0x18: {  	[hbm:s25], [sflag:s0] =	dma.local [spmem:s3], $0x10  }
0x19: {  	_ =	swait.ge [sflag:s16], $0x10  }
0x1a: {  	[sflag:s16] =	ssyncset.done $0x0  }
0x1b: {  	[sflag:s16] =	ssyncadd.s32 $0xFFFFFFF0  }
.LBB2_22:
0x1c: {  	s23 =	sadd.s32 $0x1, s23  }
0x1d: {  	p1 =	sne.s32 s23, s10  }
.Ltmp1:
0x1e: {  	_ = 	snop;
	(pc) =	sbr.rel @!p1 .LBB2_23-.Ltmp1, $1  }
0x1f: {  	_ =	sdelay $0x3  }
.LBB2_1:
0x20: {  	s24 =	simm.s32 $0x0;
	s25 =	simm.s32 $0x200  }
.LBB2_2:
0x21: {  	p1 =	sne.s32 s25, $0xFE00;
	[tilespmem:s24+$0x70] =	vst v0  }
0x22: {  	[tilespmem:s24+$0x0] =	vst v0  }
0x23: {  	[tilespmem:s24+$0x10] =	vst v0  }
.Ltmp2:
0x24: {  	[tilespmem:s24+$0x20] =	vst v0;
	(pc) =	sbr.rel @p1 .LBB2_2-.Ltmp2, $4  }
0x25: {  	[tilespmem:s24+$0x30] =	vst v0  }
0x26: {  	[tilespmem:s24+$0x40] =	vst v0  }
0x27: {  	[tilespmem:s24+$0x50] =	vst v0  }
0x28: {  	[tilespmem:s24+$0x60] =	vst v0;
	s24 =	sshra.s32 s25, $0x2;
	s25 =	sadd.s32 $0x200, s25  }
0x29: {  	[tilespmem:s24+$0x70] =	vst v0  }
0x2a: {  	[tilespmem:s24+$0x0] =	vst v0  }
0x2b: {  	[tilespmem:s24+$0x10] =	vst v0  }
0x2c: {  	[tilespmem:s24+$0x20] =	vst v0  }
0x2d: {  	[tilespmem:s24+$0x30] =	vst v0  }
0x2e: {  	[tilespmem:s24+$0x40] =	vst v0  }
0x2f: {  	[tilespmem:s24+$0x50] =	vst v0  }
0x30: {  	[tilespmem:s24+$0x60] =	vst v0  }
0x31: {  	[tilespmem:$0x4100] =	vst v1  }
0x32: {  	[tilespmem:$0x4180] =	vst v0  }
0x33: {  	[tilespmem:$0x4110] =	vst v1  }
0x34: {  	[tilespmem:$0x4190] =	vst v0  }
0x35: {  	[tilespmem:$0x4120] =	vst v1  }
0x36: {  	[tilespmem:$0x41A0] =	vst v0  }
0x37: {  	[tilespmem:$0x4130] =	vst v1  }
0x38: {  	[tilespmem:$0x41B0] =	vst v0  }
0x39: {  	[tilespmem:$0x4140] =	vst v1  }
0x3a: {  	[tilespmem:$0x41C0] =	vst v0  }
0x3b: {  	[tilespmem:$0x4150] =	vst v1  }
.Ltmp3:
0x3c: {  	[tilespmem:$0x41D0] =	vst v0;
	(pc) =	sbr.rel @!p0 .LBB2_4-.Ltmp3, $4  }
0x3d: {  	[tilespmem:$0x4160] =	vst v1  }
0x3e: {  	[tilespmem:$0x41E0] =	vst v0  }
0x3f: {  	[tilespmem:$0x4170] =	vst v1  }
0x40: {  	[tilespmem:$0x41F0] =	vst v0  }
0x41: {  	p1 =	sne.s32 s7, $0x1  }
.Ltmp4:
0x42: {  	_ = 	snop;
	(pc) =	sbr.rel @!p1 .LBB2_17-.Ltmp4, $4  }
0x43: {  	_ = 	snop  }
0x44: {  	[spmem:s9] =	stream.linear.scatter [tilespmem:s4], [sflag:$0x2], $0x4000, $0x38;
	[tilespmem:$0x18078] =	vst v63  }
0x45: {  	_ =	swait.ge [sflag:s16], $0x4000  }
0x46: {  	s24 =	sadd.s32 $0xFFFFFFFF, s7;
	s25 =	smov.u32 s9;
	[sflag:s16] =	ssyncset.done $0x0  }
.LBB2_16:
0x47: {  	p1 =	sne.s32 s24, $0x1;
	[sflag:s16] =	ssyncadd.s32 $0xFFFFC000;
	s25 =	sadd.s32 $0x40000, s25  }
.Ltmp5:
0x48: {  	s24 =	sadd.s32 $0xFFFFFFFF, s24;
	(pc) =	sbr.rel @p1 .LBB2_16-.Ltmp5, $4  }
0x49: {  	_ = 	snop  }
0x4a: {  	[spmem:s25] =	stream.linear.scatter [tilespmem:s4], [sflag:$0x2], $0x4000, $0x38;
	[tilespmem:$0x18078] =	vst v63  }
0x4b: {  	_ =	swait.ge [sflag:s16], $0x4000  }
0x4c: {  	[sflag:s16] =	ssyncset.done $0x0  }
.LBB2_17:
0x4d: {  	[sflag:s16] =	ssyncadd.s32 $0xFFFFC000  }
0x4e: {  	[bflag:$0x0] =	sbarrier.arrive $0xFFFF  }
0x4f: {  	[tilespmem:s17], [sflag:$0x2] =	stream.linear.gather [hbm4b:s12+s4], $0x100, $0x38;
	[tilespmem:$0x18078] =	vst v63  }
0x50: {  	_ =	swait.ge [sflag:s16], $0x100  }
0x51: {  	[sflag:s16] =	ssyncset.done $0x0  }
0x52: {  	[sflag:s16] =	ssyncadd.s32 $0xFFFFFF00  }
0x53: {  	[tilespmem:s4], [sflag:$0x1] =	stream.indirect.gather [hbm4b:s6+s18], $0x80, s17, s18, $0xb8;
	[tilespmem:$0x18078] =	vst v63  }
0x54: {  	p1 =	sne.s32 s8, $0x1;
	_ =	swait.ge [sflag:s19], $0x4000  }
.Ltmp6:
0x55: {  	[sflag:s19] =	ssyncset.done $0x0;
	(pc) =	sbr.rel @!p1 .LBB2_19-.Ltmp6, $4  }
0x56: {  	[sflag:s19] =	ssyncadd.s32 $0xFFFFC000  }
0x57: {  	[spmem:s1] =	stream.indirect.scatter.add.f32 [tilespmem:s4], [sflag:$0x2], $0x80, s20, s18, $0xb8;
	[tilespmem:$0x18078] =	vst v63  }
0x58: {  	_ =	swait.ge [sflag:s16], $0x4000  }
0x59: {  	s24 =	sadd.s32 $0xFFFFFFFF, s8;
	s25 =	smov.u32 s12;
	[sflag:s16] =	ssyncset.done $0x0  }
.LBB2_18:
0x5a: {  	p1 =	sne.s32 s24, $0x1;
	[sflag:s16] =	ssyncadd.s32 $0xFFFFC000;
	s25 =	sadd.s32 $0x200, s25  }
0x5b: {  	[tilespmem:s17], [sflag:$0x2] =	stream.linear.gather [hbm4b:s25+s4], $0x100, $0x38;
	[tilespmem:$0x18078] =	vst v63  }
0x5c: {  	s24 =	sadd.s32 $0xFFFFFFFF, s24;
	_ =	swait.ge [sflag:s16], $0x100  }
0x5d: {  	[sflag:s16] =	ssyncset.done $0x0  }
0x5e: {  	[sflag:s16] =	ssyncadd.s32 $0xFFFFFF00  }
0x5f: {  	[tilespmem:s4], [sflag:$0x1] =	stream.indirect.gather [hbm4b:s6+s18], $0x80, s17, s18, $0xb8;
	[tilespmem:$0x18078] =	vst v63  }
0x60: {  	_ =	swait.ge [sflag:s19], $0x4000  }
.Ltmp7:
0x61: {  	[sflag:s19] =	ssyncset.done $0x0;
	(pc) =	sbr.rel @p1 .LBB2_18-.Ltmp7, $4  }
0x62: {  	[sflag:s19] =	ssyncadd.s32 $0xFFFFC000  }
0x63: {  	[spmem:s1] =	stream.indirect.scatter.add.f32 [tilespmem:s4], [sflag:$0x2], $0x80, s20, s18, $0xb8;
	[tilespmem:$0x18078] =	vst v63  }
0x64: {  	_ =	swait.ge [sflag:s16], $0x4000  }
0x65: {  	[sflag:s16] =	ssyncset.done $0x0  }
.LBB2_19:
0x66: {  	p1 =	sne.s32 s7, $0x1  }
.Ltmp8:
0x67: {  	[sflag:s16] =	ssyncadd.s32 $0xFFFFC000;
	(pc) =	sbr.rel @!p1 .LBB2_21-.Ltmp8, $4  }
0x68: {  	s0 =	sshll.u32 s30, $0x6;
	s31 =	sshrl.u32 s9, $0x3;
	[bflag:$0x0] =	sbarrier.arrive $0xFFFF  }
0x69: {  	s25 =	sadd.s32 $0xFFFFFFFF, s7;
	s24 =	sor.u32 $0x1C02, s0;
	s3 =	rddreg [dreg:$0x5]  }
0x6a: {  	[hbm:s3], [sflag:s24] =	dma.local [spmem:s31], $0x800  }
0x6b: {  	s28 =	smov.u32 s9;
	s26 =	sadd.s32 $0x8000, s3;
	_ =	swait.ge [sflag:s16], $0x800  }
.LBB2_20:
0x6c: {  	[sflag:s16] =	ssyncset.done $0x0;
	s28 =	sadd.s32 $0x40000, s28;
	p1 =	sne.s32 s25, $0x1  }
.Ltmp9:
0x6d: {  	s0 =	sshrl.u32 s28, $0x3;
	[sflag:s16] =	ssyncadd.s32 $0xFFFFF800;
	(pc) =	sbr.rel @p1 .LBB2_20-.Ltmp9, $3  }
0x6e: {  	[hbm:s26], [sflag:s24] =	dma.local [spmem:s0], $0x800  }
0x6f: {  	s25 =	sadd.s32 $0xFFFFFFFF, s25;
	_ =	sdelay $0x1  }
0x70: {  	s26 =	sadd.s32 $0x8000, s26;
	_ =	swait.ge [sflag:s16], $0x800  }
.LBB2_21:
.Ltmp10:
0x71: {  	(pc) =	sbr.rel .LBB2_22-.Ltmp10, $3  }
0x72: {  	_ =	sdelay $0x1  }
0x73: {  	[sflag:s16] =	ssyncset.done $0x0  }
0x74: {  	[sflag:s16] =	ssyncadd.s32 $0xFFFFF800  }
.LBB2_4:
0x75: {  	[spmem:s9] =	stream.linear.scatter [tilespmem:s4], [sflag:$0x2], $0x4000, $0x38;
	[tilespmem:$0x18078] =	vst v63  }
0x76: {  	p1 =	sne.s32 s7, $0x1;
	_ =	swait.ge [sflag:s16], $0x4000  }
.Ltmp11:
0x77: {  	[sflag:s16] =	ssyncset.done $0x0;
	(pc) =	sbr.rel @!p1 .LBB2_6-.Ltmp11, $4  }
0x78: {  	[sflag:s16] =	ssyncadd.s32 $0xFFFFC000  }
0x79: {  	[spmem:s11] =	stream.linear.scatter [tilespmem:s21], [sflag:$0x2], $0x80, $0x38;
	[tilespmem:$0x18078] =	vst v63  }
0x7a: {  	s24 =	sadd.s32 $0xFFFFFFFF, s7;
	_ =	swait.ge [sflag:s16], $0x80  }
0x7b: {  	s25 =	smov.u32 s9;
	s26 =	smov.u32 s11;
	[sflag:s16] =	ssyncset.done $0x0  }
.LBB2_5:
0x7c: {  	[sflag:s16] =	ssyncadd.s32 $0xFFFFFF80;
	s25 =	sadd.s32 $0x40000, s25;
	s26 =	sadd.s32 $0x800, s26  }
0x7d: {  	[spmem:s25] =	stream.linear.scatter [tilespmem:s4], [sflag:$0x2], $0x4000, $0x38;
	[tilespmem:$0x18078] =	vst v63  }
0x7e: {  	p1 =	sne.s32 s24, $0x1;
	s24 =	sadd.s32 $0xFFFFFFFF, s24;
	_ =	swait.ge [sflag:s16], $0x4000  }
.Ltmp12:
0x7f: {  	[sflag:s16] =	ssyncset.done $0x0;
	(pc) =	sbr.rel @p1 .LBB2_5-.Ltmp12, $4  }
0x80: {  	[sflag:s16] =	ssyncadd.s32 $0xFFFFC000  }
0x81: {  	[spmem:s26] =	stream.linear.scatter [tilespmem:s21], [sflag:$0x2], $0x80, $0x38;
	[tilespmem:$0x18078] =	vst v63  }
0x82: {  	_ =	swait.ge [sflag:s16], $0x80  }
0x83: {  	[sflag:s16] =	ssyncset.done $0x0  }
.LBB2_6:
0x84: {  	[sflag:s16] =	ssyncadd.s32 $0xFFFFFF80  }
0x85: {  	[bflag:$0x0] =	sbarrier.arrive $0xFFFF  }
0x86: {  	[tilespmem:s17], [sflag:$0x2] =	stream.linear.gather [hbm4b:s12+s4], $0x100, $0x38;
	[tilespmem:$0x18078] =	vst v63  }
0x87: {  	_ =	swait.ge [sflag:s16], $0x100  }
0x88: {  	[sflag:s16] =	ssyncset.done $0x0  }
0x89: {  	[sflag:s16] =	ssyncadd.s32 $0xFFFFFF00  }
0x8a: {  	[tilespmem:s4], [sflag:$0x1] =	stream.indirect.gather [hbm4b:s5+s18], $0x80, s17, s18, $0xb8;
	[tilespmem:$0x18078] =	vst v63  }
0x8b: {  	_ =	swait.ge [sflag:s19], $0x4000  }
0x8c: {  	[sflag:s19] =	ssyncset.done $0x0  }
0x8d: {  	[sflag:s19] =	ssyncadd.s32 $0xFFFFC000  }
0x8e: {  	[spmem:s1] =	stream.indirect.scatter.add.f32 [tilespmem:s4], [sflag:$0x2], $0x80, s20, s18, $0xb8;
	[tilespmem:$0x18078] =	vst v63  }
0x8f: {  	p1 =	sne.s32 s8, $0x1;
	_ =	swait.ge [sflag:s16], $0x4000  }
.Ltmp13:
0x90: {  	[sflag:s16] =	ssyncset.done $0x0;
	(pc) =	sbr.rel @!p1 .LBB2_8-.Ltmp13, $4  }
0x91: {  	[sflag:s16] =	ssyncadd.s32 $0xFFFFC000  }
0x92: {  	[spmem:s2] =	stream.indirect.scatter.add.f32 [tilespmem:s22], [sflag:$0x2], $0x1, s20, s18, $0xb8;
	[tilespmem:$0x18078] =	vst v63  }
0x93: {  	_ =	swait.ge [sflag:s16], $0x80  }
0x94: {  	s24 =	sadd.s32 $0xFFFFFFFF, s8;
	s25 =	smov.u32 s12;
	[sflag:s16] =	ssyncset.done $0x0  }
.LBB2_7:
0x95: {  	p1 =	sne.s32 s24, $0x1;
	[sflag:s16] =	ssyncadd.s32 $0xFFFFFF80;
	s25 =	sadd.s32 $0x200, s25  }
0x96: {  	[tilespmem:s17], [sflag:$0x2] =	stream.linear.gather [hbm4b:s25+s4], $0x100, $0x38;
	[tilespmem:$0x18078] =	vst v63  }
0x97: {  	s24 =	sadd.s32 $0xFFFFFFFF, s24;
	_ =	swait.ge [sflag:s16], $0x100  }
0x98: {  	[sflag:s16] =	ssyncset.done $0x0  }
0x99: {  	[sflag:s16] =	ssyncadd.s32 $0xFFFFFF00  }
0x9a: {  	[tilespmem:s4], [sflag:$0x1] =	stream.indirect.gather [hbm4b:s5+s18], $0x80, s17, s18, $0xb8;
	[tilespmem:$0x18078] =	vst v63  }
0x9b: {  	_ =	swait.ge [sflag:s19], $0x4000  }
0x9c: {  	[sflag:s19] =	ssyncset.done $0x0  }
0x9d: {  	[sflag:s19] =	ssyncadd.s32 $0xFFFFC000  }
0x9e: {  	[spmem:s1] =	stream.indirect.scatter.add.f32 [tilespmem:s4], [sflag:$0x2], $0x80, s20, s18, $0xb8;
	[tilespmem:$0x18078] =	vst v63  }
0x9f: {  	_ =	swait.ge [sflag:s16], $0x4000  }
.Ltmp14:
0xa0: {  	[sflag:s16] =	ssyncset.done $0x0;
	(pc) =	sbr.rel @p1 .LBB2_7-.Ltmp14, $4  }
0xa1: {  	[sflag:s16] =	ssyncadd.s32 $0xFFFFC000  }
0xa2: {  	[spmem:s2] =	stream.indirect.scatter.add.f32 [tilespmem:s22], [sflag:$0x2], $0x1, s20, s18, $0xb8;
	[tilespmem:$0x18078] =	vst v63  }
0xa3: {  	_ =	swait.ge [sflag:s16], $0x80  }
0xa4: {  	[sflag:s16] =	ssyncset.done $0x0  }
.LBB2_8:
0xa5: {  	p2 =	seq.s32 s7, $0x1  }
.Ltmp15:
0xa6: {  	_ = 	snop;
	(pc) =	sbr.rel @p2 .LBB2_9-.Ltmp15, $4  }
0xa7: {  	_ = 	snop  }
0xa8: {  	[sflag:s16] =	ssyncadd.s32 $0xFFFFFF80  }
0xa9: {  	s26 =	sshrl.u32 s9, $0x3;
	s25 =	sadd.s32 $0xFFFFFFFF, s7;
	[bflag:$0x0] =	sbarrier.arrive $0xFFFF  }
0xaa: {  	s24 =	sshll.u32 s30, $0x6;
	s31 =	sadd.s32 $0x40000, s9;
	p1 =	por $0x0, $0x0  }
0xab: {  	s15 =	smov.u32 s10;
	s28 =	sor.u32 $0x1C02, s24  }
0xac: {  	[hbm:s13], [sflag:s28] =	dma.local [spmem:s26], $0x800  }
0xad: {  	p2 =	seq.s32 s25, $0x1;
	s30 =	sadd.s32 $0xFFFFFFFF, s25;
	_ =	swait.ge [sflag:s16], $0x800  }
.Ltmp16:
0xae: {  	s29 =	sshrl.u32 s11, $0x3;
	[sflag:s16] =	ssyncset.done $0x0;
	(pc) =	sbr.rel @p2 .LBB2_11-.Ltmp16, $4  }
0xaf: {  	s25 =	sadd.s32 $0x100, s14;
	p1 =	por $0x1, $0x1;
	[sflag:s16] =	ssyncadd.s32 $0xFFFFF800  }
0xb0: {  	[hbm:s14], [sflag:s28] =	dma.local [spmem:s29], $0x10  }
0xb1: {  	s26 =	sshrl.u32 s31, $0x3;
	s31 =	sadd.s32 $0x40000, s31;
	_ =	swait.ge [sflag:s16], $0x10  }
0xb2: {  	s29 =	sadd.s32 $0x8000, s13;
	s28 =	sadd.s32 $0x800, s11;
	[sflag:s16] =	ssyncset.done $0x0  }
.LBB2_12:
0xb3: {  	s0 =	sshrl.u32 s31, $0x3  }
0xb4: {  	s3 =	sor.u32 $0x1C02, s24;
	[sflag:s16] =	ssyncadd.s32 $0xFFFFFFF0;
	s10 =	smov.u32 s25  }
0xb5: {  	[hbm:s29], [sflag:s3] =	dma.local [spmem:s26], $0x800  }
0xb6: {  	p2 =	seq.s32 s30, $0x1;
	s30 =	sadd.s32 $0xFFFFFFFF, s30;
	_ =	swait.ge [sflag:s16], $0x800  }
.Ltmp17:
0xb7: {  	s26 =	smov.u32 s0;
	[sflag:s16] =	ssyncset.done $0x0;
	(pc) =	sbr.rel @!p2 .LBB2_12-.Ltmp17, $4  }
0xb8: {  	s25 =	sadd.s32 $0x100, s25;
	s0 =	sshrl.u32 s28, $0x3;
	[sflag:s16] =	ssyncadd.s32 $0xFFFFF800  }
0xb9: {  	[hbm:s10], [sflag:s3] =	dma.local [spmem:s0], $0x10  }
0xba: {  	s29 =	sadd.s32 $0x8000, s29;
	s28 =	sadd.s32 $0x800, s28;
	_ =	swait.ge [sflag:s16], $0x10  }
0xbb: {  	s31 =	sadd.s32 $0x40000, s31;
	[sflag:s16] =	ssyncset.done $0x0  }
.Ltmp18:
0xbc: {  	(pc) =	sbr.rel .LBB2_14-.Ltmp18, $2  }
0xbd: {  	_ =	sdelay $0x2  }
0xbe: {  	s30 =	stileid.u32;
	s10 =	smov.u32 s15  }
.LBB2_11:
.Ltmp19:
0xbf: {  	(pc) =	sbr.rel .LBB2_14-.Ltmp19, $2  }
0xc0: {  	_ =	sdelay $0x2  }
0xc1: {  	s30 =	stileid.u32;
	s10 =	smov.u32 s15  }
.LBB2_23:
0xc2: {  	_ =	sfence.sel $0x180000  }
0xc3: {  	[bflag:$0x0] =	sbarrier.arrive $0xFFFF  }
0xc4: {  	_ =	strace $0x9000004A  }
0xc5: {  	[bflag:$0x2] =	sbarrier.arrive $0xFFFF  }
0xc6: {  	p0 =	sne.s32 s30, $0x0;
	s0 =	rddreg [dreg:$0x4]  }
0xc7: {  	s0 =	sadd.s32 @!p0 $0x100000, s0  }
0xc8: {  	[sflag:s0] =	ssyncadd.tile.s32 @!p0 $0x1;
	_ =	shalt  }
.Lfunc_end2:
_tile_overlayer_lowered:
.L_overlay_start_2:
0xc9: {  	(tag) =	ssettag $0x2  }
0xca: {  	s0 =	rddreg [dreg:$0x0];
	s2 =	stileid.u32  }
0xcb: {  	s1 =	rddreg [dreg:$0x1];
	p0 =	sne.s32 s2, $0x0  }
0xcc: {  	s3 =	rddreg [dreg:$0x2];
	[bflag:$0x3] =	sbarrier.arrive $0xFFFF;
	s2 =	simm.s32 @!p0 $0x1C02  }
0xcd: {  	[timem:s3], [sflag:s2] =	dma.local @!p0 [hbm:s0], s1  }
0xce: {  	s0 =	simm.s32 @!p0 $0x2  }
0xcf: {  	_ =	swait.ge @!p0 [sflag:s0], s1  }
0xd0: {  	s1 =	ssub.s32 @!p0 $0x0, s1;
	[sflag:s0] =	ssyncset.done @!p0 $0x0  }
0xd1: {  	[sflag:s0] =	ssyncadd.s32 @!p0 s1  }
0xd2: {  	[bflag:$0x3] =	sbarrier.arrive $0xFFFF  }
0xd3: {  	_ =	shalt  }

// kernel: kernel.7.cloned.1.call-start
scs
__scs_entry_jumppad:
0x0: {  	(pc) =	sbr.rel $0x88, $3  }
0x1: {  	(tag) =	ssettag $0x0;
	lr =	simm.s32 $0x1  }
0x2: {  	[smem:$0x3F94] =	sst lr;
	_ =	strace $0xD0000000  }
0x3: {  	_ = 	snop  }
0x4: {  	_ = 	snop  }
0x5: {  	_ = 	snop  }
0x6: {  	_ = 	snop  }
0x7: {  	_ = 	snop  }
__scs_overlays_trampoline_lowered:
0x8: {  	[smem:$0x3FA3] =	sst s0  }
0x9: {  	[smem:$0x3FA4] =	sst s1  }
0xa: {  	[smem:$0x3FA5] =	sst s2  }
0xb: {  	[smem:$0x3FA6] =	sst s3  }
0xc: {  	[smem:$0x3FA7] =	sst s4  }
0xd: {  	[smem:$0x3FA8] =	sst s5  }
0xe: {  	[smem:$0x3FA9] =	sst s6  }
0xf: {  	[smem:$0x3FAA] =	sst s7  }
0x10: {  	[smem:$0x3FAB] =	sst s8  }
0x11: {  	[smem:$0x3FAC] =	sst s9;
	s0 =	simm.s32 @!p0 $0x0  }
0x12: {  	s1 =	sld [smem:$0x3F92];
	s0 =	simm.s32 @p0 $0x1  }
0x13: {  	[smem:$0x3FAD] =	sst s0;
	s0 =	simm.s32 @!p1 $0x0  }
0x14: {  	s2 =	sld [smem:$0x3F91];
	s0 =	simm.s32 @p1 $0x1  }
0x15: {  	[smem:$0x3FAE] =	sst s0;
	s0 =	simm.s32 @!p2 $0x0  }
0x16: {  	s3 =	sld [smem:$0x3FDB];
	s0 =	simm.s32 @p2 $0x1  }
0x17: {  	s4 =	simm.s32 $0x1BF5;
	[smem:$0x3FB0] =	sst s0  }
0x18: {  	s0 =	sld [smem:$0x3F93];
	_ =	swait.ge [sflag:s4], $0x0  }
0x19: {  	s7 =	sld [smem:$0x3F94]  }
0x1a: {  	s8 =	sadd.s32 $0xFFFFE003, lr  }
0x1b: {  	s9 =	sadd.s32 $0xFFFFFEF7, lr;
	s5 =	simm.s32 $0xFFFFFFFF;
	p2 =	slt.u32 s8, $0xFFFFF086  }
0x1c: {  	p1 =	slt.u32 s9, $0xF7A;
	s5 =	simm.s32 @!p2 $0x0  }
0x1d: {  	s5 =	simm.s32 @p1 $0x1;
	p0 =	seq.s32 s7, s2  }
0x1e: {  	s7 =	smul.u32 @!p0 $0xF7A, s2;
	p2 =	seq.s32 @!p0 s5, $0x0  }
0x1f: {  	s9 =	smul.u32 $0xF7A, s1;
	s8 =	simm.s32 @!p0 $0x1BF5;
	p2 =	por !p2, p0  }
0x20: {  	[sflag:s8] =	ssyncset.s32 @!p0 $0xFFFFF086;
	s6 =	sadd.s32 @!p0 s3, s7;
	s7 =	simm.s32 @!p0 $0x108  }
0x21: {  	s3 =	sadd.s32 s3, s9;
	s6 =	sadd.s32 @!p0 $0x88, s6;
	s7 =	simm.s32 @p2 $0x1082  }
0x22: {  	[simem:s7], [sflag:s8] =	dma.local @!p0 [hbm:s6], $0xF7A  }
0x23: {  	s9 =	sor.u32 $0xD0000000, s2;
	s6 =	simm.s32 $0x108;
	_ =	swait.ge @!p0 [sflag:s8], $0x0  }
0x24: {  	s3 =	sadd.s32 $0x88, s3;
	s6 =	simm.s32 @!p1 $0x1082;
	[sflag:s4] =	ssyncset.s32 $0xFFFFF086  }
0x25: {  	[simem:s6], [sflag:s4] =	dma.local [hbm:s3], $0xF7A  }
0x26: {  	[smem:$0x3F94] =	sst s1;
	(tag) =	ssettag s2;
	_ =	strace s9  }
0x27: {  	s1 =	sld [smem:$0x3FA4]  }
0x28: {  	s2 =	sld [smem:$0x3FA5]  }
0x29: {  	s4 =	sld [smem:$0x3FA7]  }
0x2a: {  	p0 =	seq.s32 s5, $0x0;
	s5 =	sld [smem:$0x3FA8]  }
0x2b: {  	s6 =	sld [smem:$0x3FA9]  }
0x2c: {  	s7 =	sld [smem:$0x3FAA]  }
0x2d: {  	s3 =	simm.s32 $0x108;
	s8 =	sld [smem:$0x3FAB]  }
0x2e: {  	s3 =	simm.s32 @!p0 $0x1082;
	s9 =	sld [smem:$0x3FAC]  }
0x2f: {  	lr =	sadd.s32 s0, s3;
	s0 =	sld [smem:$0x3FA3]  }
0x30: {  	s3 =	sld [smem:$0x3FA6]  }
0x31: {  	[smem:$0x3FAF] =	sst s10  }
0x32: {  	s10 =	sld [smem:$0x3FAD];
	_ =	sdelay $0x3  }
0x33: {  	p0 =	seq.s32 s10, $0x1;
	s10 =	sld [smem:$0x3FAF];
	_ =	sdelay $0x3  }
0x34: {  	[smem:$0x3FAF] =	sst s10  }
0x35: {  	s10 =	sld [smem:$0x3FAE];
	_ =	sdelay $0x3  }
0x36: {  	p1 =	seq.s32 s10, $0x1;
	s10 =	sld [smem:$0x3FAF];
	_ =	sdelay $0x3  }
0x37: {  	[smem:$0x3FAF] =	sst s10  }
0x38: {  	s10 =	sld [smem:$0x3FB0]  }
0x39: {  	_ = 	snop;
	(pc) =	sbr.ind lr, $3  }
0x3a: {  	_ = 	snop  }
0x3b: {  	_ = 	snop  }
0x3c: {  	p2 =	seq.s32 s10, $0x1;
	s10 =	sld [smem:$0x3FAF]  }
0x3d: {  	_ =	shalt  }
0x3e: {  	_ =	shalt  }
0x3f: {  	_ =	shalt  }
0x40: {  	_ =	shalt  }
0x41: {  	_ =	shalt  }
0x42: {  	_ =	shalt  }
0x43: {  	_ =	shalt  }
0x44: {  	_ =	shalt  }
0x45: {  	_ =	shalt  }
0x46: {  	_ =	shalt  }
0x47: {  	_ =	shalt  }
0x48: {  	_ =	shalt  }
0x49: {  	_ =	shalt  }
0x4a: {  	_ =	shalt  }
0x4b: {  	_ =	shalt  }
0x4c: {  	_ =	shalt  }
0x4d: {  	_ =	shalt  }
0x4e: {  	_ =	shalt  }
0x4f: {  	_ =	shalt  }
0x50: {  	_ =	shalt  }
0x51: {  	_ =	shalt  }
0x52: {  	_ =	shalt  }
0x53: {  	_ =	shalt  }
0x54: {  	_ =	shalt  }
0x55: {  	_ =	shalt  }
0x56: {  	_ =	shalt  }
0x57: {  	_ =	shalt  }
0x58: {  	_ =	shalt  }
0x59: {  	_ =	shalt  }
0x5a: {  	_ =	shalt  }
0x5b: {  	_ =	shalt  }
0x5c: {  	_ =	shalt  }
0x5d: {  	_ =	shalt  }
0x5e: {  	_ =	shalt  }
0x5f: {  	_ =	shalt  }
0x60: {  	_ =	shalt  }
0x61: {  	_ =	shalt  }
0x62: {  	_ =	shalt  }
0x63: {  	_ =	shalt  }
0x64: {  	_ =	shalt  }
0x65: {  	_ =	shalt  }
0x66: {  	_ =	shalt  }
0x67: {  	_ =	shalt  }
0x68: {  	_ =	shalt  }
0x69: {  	_ =	shalt  }
0x6a: {  	_ =	shalt  }
0x6b: {  	_ =	shalt  }
0x6c: {  	_ =	shalt  }
0x6d: {  	_ =	shalt  }
0x6e: {  	_ =	shalt  }
0x6f: {  	_ =	shalt  }
0x70: {  	_ =	shalt  }
0x71: {  	_ =	shalt  }
0x72: {  	_ =	shalt  }
0x73: {  	_ =	shalt  }
0x74: {  	_ =	shalt  }
0x75: {  	_ =	shalt  }
0x76: {  	_ =	shalt  }
0x77: {  	_ =	shalt  }
0x78: {  	_ =	shalt  }
0x79: {  	_ =	shalt  }
0x7a: {  	_ =	shalt  }
0x7b: {  	_ =	shalt  }
0x7c: {  	_ =	shalt  }
0x7d: {  	_ =	shalt  }
0x7e: {  	_ =	shalt  }
0x7f: {  	_ =	shalt  }
0x80: {  	_ =	shalt  }
0x81: {  	_ =	shalt  }
0x82: {  	_ =	shalt  }
0x83: {  	_ =	shalt  }
0x84: {  	_ =	shalt  }
0x85: {  	_ =	shalt  }
0x86: {  	_ =	shalt  }
0x87: {  	_ =	shalt  }
.Lfunc_end0:
.L_simem_size_0:
called_computation_lowered:
.L_overlay_start_0:
0x88: {  	s2 =	sld [smem:$0x3FD9]  }
0x89: {  	s3 =	sld [smem:$0x3FFE];
	_ =	sdelay $0x1  }
0x8a: {  	s1 =	srdreg.scid  }
0x8b: {  	s0 =	sand.u32 $0x1, s1  }
0x8c: {  	s17 =	sshll.u32 s0, $0xA;
	s2 =	sadd.s32 s3, s2  }
0x8d: {  	s2 =	sadd.s32 s2, s17  }
0x8e: {  	[smem:$0x3FBB] =	sst s2  }
0x8f: {  	_ = 	snop  }
0x90: {  	s2 =	sld [smem:$0x3FC9]  }
0x91: {  	s18 =	sld [smem:$0x3FC7]  }
0x92: {  	s4 =	sld [smem:$0x3FC6]  }
0x93: {  	s5 =	sld [smem:$0x3FD0];
	(tm) =	ssettm $0x1  }
0x94: {  	s6 =	sld [smem:$0x3FFB];
	_ =	sdelay $0x3  }
0x95: {  	_ =	strace s6  }
0x96: {  	s6 =	sld [smem:$0x3FFC];
	_ =	sdelay $0x3  }
0x97: {  	_ =	strace s6  }
0x98: {  	s6 =	sld [smem:$0x3FFD];
	_ =	sdelay $0x3  }
0x99: {  	_ =	strace s6  }
0x9a: {  	_ =	strace $0x8FFFFFFF  }
0x9b: {  	s19 =	sld [smem:$0x3FDB];
	_ =	sdelay $0x1  }
0x9c: {  	s7 =	simm.s32 $_scs_section_size  }
0x9d: {  	s8 =	simm.s32 $_size__tile_overlayer_lowered;
	s9 =	simm.s32 $_tile_overlayer_lowered  }
0x9e: {  	s22 =	simm.s32 $0x1BFF;
	s21 =	sshll.u32 s9, $0x1;
	s6 =	sadd.s32 s7, s19  }
0x9f: {  	s10 =	simm.s32 $0x0;
	s20 =	sshll.u32 s8, $0x1;
	s8 =	sadd.s32 s21, s6  }
0xa0: {  	[timem:s10], [sflag:s22] =	dma.local [hbm:s8], s20  }
0xa1: {  	_ =	swait.ge [sflag:s22], s20  }
0xa2: {  	s7 =	ssub.s32 $0x0, s20;
	[sflag:s22] =	ssyncset.done $0x0  }
0xa3: {  	[sflag:s22] =	ssyncadd.s32 s7;
	_ =	sdelay $0x1  }
0xa4: {  	s23 =	simm.s32 $0x1B8B  }
0xa5: {  	_ =	swait.ge [sflag:s23], $0x1  }
0xa6: {  	[sflag:s23] =	ssyncset.done $0x0  }
0xa7: {  	s25 =	simm.s32 $0x1B8E;
	s24 =	sld [smem:$0x3FFE];
	[sflag:s23] =	ssyncadd.s32 $0xFFFFFFFF  }
0xa8: {  	s26 =	simm.s32 $execute0_lowered;
	[smem:$0x3FD2] =	sst s25  }
0xa9: {  	s8 =	sshll.u32 s26, $0x1;
	_ =	strace $0x80000046;
	[dreg:$0x1] =	wrdreg $0xFFFFFFFF  }
0xaa: {  	s28 =	simm.s32 $_size_execute0_lowered;
	s6 =	sadd.s32 s6, s8;
	[dreg:$0x0] =	wrdreg $0x0  }
0xab: {  	s8 =	sshll.u32 s28, $0x1;
	[dreg:$0x2] =	wrdreg s6  }
0xac: {  	[dreg:$0x3] =	wrdreg s8  }
0xad: {  	[dreg:$0x4] =	wrdreg $0xC0  }
0xae: {  	_ =	task [dreg:s10], $0x5FFFF  }
0xaf: {  	[dreg:$0x1] =	wrdreg $0xFFFFFFFF  }
0xb0: {  	[dreg:$0x0] =	wrdreg $0x60  }
0xb1: {  	[dreg:$0x2] =	wrdreg s2  }
0xb2: {  	[dreg:$0x3] =	wrdreg s18  }
0xb3: {  	[dreg:$0x4] =	wrdreg s4  }
0xb4: {  	[dreg:$0x5] =	wrdreg s24  }
0xb5: {  	[dreg:$0x6] =	wrdreg s5  }
0xb6: {  	[dreg:$0x7] =	wrdreg $0x42000  }
0xb7: {  	[dreg:$0x8] =	wrdreg $0x17E000  }
0xb8: {  	[dreg:$0x9] =	wrdreg $0x9  }
0xb9: {  	_ =	task.clear_ibuf [dreg:s10], $0xAFFFF;
	_ =	strace $0x90000046  }
0xba: {  	s29 =	simm.s32 $0x9;
	_ =	strace $0x80000048  }
0xbb: {  	_ =	swait.ge [sflag:s29], $0x1  }
0xbc: {  	[sflag:s29] =	ssyncadd.s32 $0xFFFFFFFF  }
0xbd: {  	_ =	strace $0x90000048  }
0xbe: {  	_ =	sfence  }
0xbf: {  	s30 =	sld [smem:$0x0];
	_ =	sdelay $0x2  }
0xc0: {  	s31 =	sshll.u32 s1, $0xD;
	s1 =	sshrl.u32 s1, $0x2  }
0xc1: {  	s3 =	sand.u32 $0x4000, s31;
	s1 =	sadd.s32 s1, s30  }
0xc2: {  	s0 =	sor.u32 s3, s0;
	s1 =	sshll.u32 s1, $0x11  }
0xc3: {  	s0 =	sor.u32 s1, s0  }
0xc4: {  	s0 =	sadd.s32 $0x8F2B, s0  }
0xc5: {  	[sflag:s0] =	ssyncadd.remote.s32 $0x1  }
0xc6: {  	_ =	sfence.sel $0xFFFF  }
0xc7: {  	[dreg:$0x0] =	wrdreg $0xFFFFFFFF;
	(pc) =	sbr.abs _section_cstart, $3  }
0xc8: {  	[dreg:$0x1] =	wrdreg $0xFFFFFFFF  }
0xc9: {  	_ =	task.clear_ibuf [dreg:s10], $0x2FFFF;
	_ =	strace $0x9FFFFFFF  }
0xca: {  	(tm) =	ssettm $0x7FFFFFFF  }
0xcb: {  	_ =	shalt  }
tec
execute0_lowered:
.L_overlay_start_1:
0x0: {  	(tag) =	ssettag $0x1  }
0x1: {  	s0 =	rddreg [dreg:$0x0]  }
0x2: {  	s1 =	rddreg [dreg:$0x1]  }
0x3: {  	s14 =	rddreg [dreg:$0x2]  }
0x4: {  	s6 =	rddreg [dreg:$0x3]  }
0x5: {  	s13 =	rddreg [dreg:$0x4]  }
0x6: {  	s2 =	rddreg [dreg:$0x5]  }
0x7: {  	s3 =	rddreg [dreg:$0x6];
	s5 =	simm.s32 $0x0;
	s7 =	srdreg.scid  }
0x8: {  	s4 =	stileid.u32;
	s19 =	simm.s32 $0x4000;
	s20 =	simm.s32 $0x80  }
0x9: {  	s21 =	simm.s32 $0x1;
	s22 =	simm.s32 $0x4080;
	s23 =	simm.s32 $0x4100  }
0xa: {  	s24 =	simm.s32 $0x0;
	[smem:$0x7FF] =	sst s5;
	s7 =	sand.u32 $0x1, s7  }
0xb: {  	s8 =	sshll.u32 s4, $0xB;
	s16 =	sshll.u32 s4, $0x4;
	s29 =	ssub.s32 $0x5E, s4  }
0xc: {  	s30 =	ssub.s32 $0x4F1, s4;
	s31 =	sshll.u32 s4, $0xE;
	s10 =	sshll.u32 s4, $0x7  }
0xd: {  	s18 =	sshll.u32 s4, $0x5;
	_ =	strace $0x80000047;
	s9 =	ssub.s32 $0x2, s7  }
0xe: {  	s15 =	sadd.s32 s8, s6;
	s17 =	sadd.s32 s16, s6;
	s6 =	sshrl.u32 s29, $0x4  }
0xf: {  	p0 =	seq.s32 s7, $0x1;
	s7 =	sshrl.u32 s30, $0x4;
	s10 =	sadd.s32 s10, s3  }
.Ltmp0:
0x10: {  	s1 =	sadd.s32 s18, s1;
	s13 =	sadd.s32 s16, s13;
	(pc) =	sbr.rel .LBB2_1-.Ltmp0, $4  }
0x11: {  	s14 =	sadd.s32 s18, s14;
	s18 =	simm.s32 $0x4180;
	s28 =	sshrl.u32 s9, $0x1  }
0x12: {  	[dreg:$0x9] =	wrdreg s1;
	s12 =	sadd.s32 $0x4E00, s15;
	s8 =	ssub.s32 s9, s28  }
0x13: {  	s15 =	sadd.s32 $0x2C600, s15;
	s16 =	sadd.s32 $0x4800, s17;
	s8 =	smax.u32 s8, $0x1  }
0x14: {  	v0 =	vimm.f32 $0.0e+00;
	v1 =	vimm.f32 $1.000000000e+00;
	s17 =	simm.s32 $0x2;
	s9 =	sadd.s32 s31, s2;
	[dreg:$0x8] =	wrdreg s8  }
.LBB2_18:
0x15: {  	s26 =	smov.u32 s16;
	s30 =	smov.u32 s15;
	s29 =	smov.u32 s10  }
.LBB2_21:
0x16: {  	s1 =	sor.u32 $0x1C02, s25;
	[sflag:s17] =	ssyncadd.s32 @p1 $0xFFFFFFF0  }
0x17: {  	[hbm:s30], [sflag:s1] =	dma.local [spmem:s28], $0x800  }
0x18: {  	_ =	swait.ge [sflag:s17], $0x800  }
0x19: {  	[sflag:s17] =	ssyncset.done $0x0  }
0x1a: {  	s4 =	sshrl.u32 s29, $0x3;
	[sflag:s17] =	ssyncadd.s32 $0xFFFFF800  }
0x1b: {  	[hbm:s26], [sflag:s1] =	dma.local [spmem:s4], $0x10  }
0x1c: {  	_ =	swait.ge [sflag:s17], $0x10  }
0x1d: {  	[sflag:s17] =	ssyncset.done $0x0  }
0x1e: {  	[sflag:s17] =	ssyncadd.s32 $0xFFFFFFF0  }
.LBB2_22:
0x1f: {  	s24 =	sadd.s32 $0x1, s24;
	s1 =	rddreg [dreg:$0x8]  }
0x20: {  	p1 =	sne.s32 s24, s1  }
.Ltmp1:
0x21: {  	_ = 	snop;
	(pc) =	sbr.rel @!p1 .LBB2_23-.Ltmp1, $1  }
0x22: {  	_ =	sdelay $0x3  }
.LBB2_1:
0x23: {  	s1 =	simm.s32 $0x0;
	s25 =	simm.s32 $0x200  }
.LBB2_2:
0x24: {  	p1 =	sne.s32 s25, $0xFE00;
	[tilespmem:s1+$0x70] =	vst v0  }
0x25: {  	[tilespmem:s1+$0x0] =	vst v0  }
0x26: {  	[tilespmem:s1+$0x10] =	vst v0  }
.Ltmp2:
0x27: {  	[tilespmem:s1+$0x20] =	vst v0;
	(pc) =	sbr.rel @p1 .LBB2_2-.Ltmp2, $4  }
0x28: {  	[tilespmem:s1+$0x30] =	vst v0  }
0x29: {  	[tilespmem:s1+$0x40] =	vst v0  }
0x2a: {  	[tilespmem:s1+$0x50] =	vst v0  }
0x2b: {  	[tilespmem:s1+$0x60] =	vst v0;
	s1 =	sshra.s32 s25, $0x2;
	s25 =	sadd.s32 $0x200, s25  }
0x2c: {  	[tilespmem:s1+$0x70] =	vst v0  }
0x2d: {  	[tilespmem:s1+$0x0] =	vst v0  }
0x2e: {  	[tilespmem:s1+$0x10] =	vst v0  }
0x2f: {  	[tilespmem:s1+$0x20] =	vst v0  }
0x30: {  	[tilespmem:s1+$0x30] =	vst v0  }
0x31: {  	[tilespmem:s1+$0x40] =	vst v0  }
0x32: {  	[tilespmem:s1+$0x50] =	vst v0  }
0x33: {  	[tilespmem:s1+$0x60] =	vst v0  }
0x34: {  	[tilespmem:$0x4100] =	vst v1  }
0x35: {  	[tilespmem:$0x4180] =	vst v0  }
0x36: {  	[tilespmem:$0x4110] =	vst v1  }
0x37: {  	[tilespmem:$0x4190] =	vst v0  }
0x38: {  	[tilespmem:$0x4120] =	vst v1  }
0x39: {  	[tilespmem:$0x41A0] =	vst v0  }
0x3a: {  	[tilespmem:$0x4130] =	vst v1  }
0x3b: {  	[tilespmem:$0x41B0] =	vst v0  }
0x3c: {  	[tilespmem:$0x4140] =	vst v1  }
0x3d: {  	[tilespmem:$0x41C0] =	vst v0  }
0x3e: {  	[tilespmem:$0x4150] =	vst v1  }
.Ltmp3:
0x3f: {  	[tilespmem:$0x41D0] =	vst v0;
	(pc) =	sbr.rel @!p0 .LBB2_4-.Ltmp3, $4  }
0x40: {  	[tilespmem:$0x4160] =	vst v1  }
0x41: {  	[tilespmem:$0x41E0] =	vst v0  }
0x42: {  	[tilespmem:$0x4170] =	vst v1  }
0x43: {  	[tilespmem:$0x41F0] =	vst v0  }
0x44: {  	[spmem:s9] =	stream.linear.scatter [tilespmem:s5], [sflag:$0x2], $0x4000, $0x38;
	[tilespmem:$0x18078] =	vst v63  }
0x45: {  	p1 =	sne.s32 s6, $0x1;
	_ =	swait.ge [sflag:s17], $0x4000  }
.Ltmp4:
0x46: {  	[sflag:s17] =	ssyncset.done $0x0;
	(pc) =	sbr.rel @!p1 .LBB2_15-.Ltmp4, $4  }
0x47: {  	[sflag:s17] =	ssyncadd.s32 $0xFFFFC000  }
0x48: {  	[spmem:s10] =	stream.linear.scatter [tilespmem:s18], [sflag:$0x2], $0x80, $0x38;
	[tilespmem:$0x18078] =	vst v63  }
0x49: {  	s1 =	sadd.s32 $0xFFFFFFFF, s6;
	_ =	swait.ge [sflag:s17], $0x80  }
0x4a: {  	s25 =	smov.u32 s9;
	s26 =	smov.u32 s10;
	[sflag:s17] =	ssyncset.done $0x0  }
.LBB2_14:
0x4b: {  	[sflag:s17] =	ssyncadd.s32 $0xFFFFFF80;
	s25 =	sadd.s32 $0x40000, s25;
	s26 =	sadd.s32 $0x800, s26  }
0x4c: {  	[spmem:s25] =	stream.linear.scatter [tilespmem:s5], [sflag:$0x2], $0x4000, $0x38;
	[tilespmem:$0x18078] =	vst v63  }
0x4d: {  	p1 =	sne.s32 s1, $0x1;
	s1 =	sadd.s32 $0xFFFFFFFF, s1;
	_ =	swait.ge [sflag:s17], $0x4000  }
.Ltmp5:
0x4e: {  	[sflag:s17] =	ssyncset.done $0x0;
	(pc) =	sbr.rel @p1 .LBB2_14-.Ltmp5, $4  }
0x4f: {  	[sflag:s17] =	ssyncadd.s32 $0xFFFFC000  }
0x50: {  	[spmem:s26] =	stream.linear.scatter [tilespmem:s18], [sflag:$0x2], $0x80, $0x38;
	[tilespmem:$0x18078] =	vst v63  }
0x51: {  	_ =	swait.ge [sflag:s17], $0x80  }
0x52: {  	[sflag:s17] =	ssyncset.done $0x0  }
.LBB2_15:
0x53: {  	[sflag:s17] =	ssyncadd.s32 $0xFFFFFF80  }
0x54: {  	[bflag:$0x0] =	sbarrier.arrive $0xFFFF  }
0x55: {  	[tilespmem:s19], [sflag:$0x2] =	stream.linear.gather [hbm4b:s14+s5], $0x100, $0x38;
	[tilespmem:$0x18078] =	vst v63  }
0x56: {  	_ =	swait.ge [sflag:s17], $0x100  }
0x57: {  	[sflag:s17] =	ssyncset.done $0x0  }
0x58: {  	[sflag:s17] =	ssyncadd.s32 $0xFFFFFF00  }
0x59: {  	[tilespmem:s5], [sflag:$0x1] =	stream.indirect.gather [hbm4b:s0+s20], $0x80, s19, s20, $0xb8;
	[tilespmem:$0x18078] =	vst v63  }
0x5a: {  	_ =	swait.ge [sflag:s21], $0x4000  }
0x5b: {  	[sflag:s21] =	ssyncset.done $0x0  }
0x5c: {  	[sflag:s21] =	ssyncadd.s32 $0xFFFFC000  }
0x5d: {  	[spmem:s2] =	stream.indirect.scatter.add.f32 [tilespmem:s5], [sflag:$0x2], $0x80, s22, s20, $0xb8;
	[tilespmem:$0x18078] =	vst v63  }
0x5e: {  	p1 =	sne.s32 s7, $0x1;
	_ =	swait.ge [sflag:s17], $0x4000  }
.Ltmp6:
0x5f: {  	[sflag:s17] =	ssyncset.done $0x0;
	(pc) =	sbr.rel @!p1 .LBB2_17-.Ltmp6, $4  }
0x60: {  	[sflag:s17] =	ssyncadd.s32 $0xFFFFC000  }
0x61: {  	[spmem:s3] =	stream.indirect.scatter.add.f32 [tilespmem:s23], [sflag:$0x2], $0x1, s22, s20, $0xb8;
	[tilespmem:$0x18078] =	vst v63  }
0x62: {  	_ =	swait.ge [sflag:s17], $0x80  }
0x63: {  	s25 =	sadd.s32 $0xFFFFFFFF, s7;
	s26 =	smov.u32 s14;
	[sflag:s17] =	ssyncset.done $0x0  }
.LBB2_16:
0x64: {  	p1 =	sne.s32 s25, $0x1;
	[sflag:s17] =	ssyncadd.s32 $0xFFFFFF80;
	s26 =	sadd.s32 $0x200, s26  }
0x65: {  	[tilespmem:s19], [sflag:$0x2] =	stream.linear.gather [hbm4b:s26+s5], $0x100, $0x38;
	[tilespmem:$0x18078] =	vst v63  }
0x66: {  	s25 =	sadd.s32 $0xFFFFFFFF, s25;
	_ =	swait.ge [sflag:s17], $0x100  }
0x67: {  	[sflag:s17] =	ssyncset.done $0x0  }
0x68: {  	[sflag:s17] =	ssyncadd.s32 $0xFFFFFF00  }
0x69: {  	[tilespmem:s5], [sflag:$0x1] =	stream.indirect.gather [hbm4b:s0+s20], $0x80, s19, s20, $0xb8;
	[tilespmem:$0x18078] =	vst v63  }
0x6a: {  	_ =	swait.ge [sflag:s21], $0x4000  }
0x6b: {  	[sflag:s21] =	ssyncset.done $0x0  }
0x6c: {  	[sflag:s21] =	ssyncadd.s32 $0xFFFFC000  }
0x6d: {  	[spmem:s2] =	stream.indirect.scatter.add.f32 [tilespmem:s5], [sflag:$0x2], $0x80, s22, s20, $0xb8;
	[tilespmem:$0x18078] =	vst v63  }
0x6e: {  	_ =	swait.ge [sflag:s17], $0x4000  }
.Ltmp7:
0x6f: {  	[sflag:s17] =	ssyncset.done $0x0;
	(pc) =	sbr.rel @p1 .LBB2_16-.Ltmp7, $4  }
0x70: {  	[sflag:s17] =	ssyncadd.s32 $0xFFFFC000  }
0x71: {  	[spmem:s3] =	stream.indirect.scatter.add.f32 [tilespmem:s23], [sflag:$0x2], $0x1, s22, s20, $0xb8;
	[tilespmem:$0x18078] =	vst v63  }
0x72: {  	_ =	swait.ge [sflag:s17], $0x80  }
0x73: {  	[sflag:s17] =	ssyncset.done $0x0  }
.LBB2_17:
0x74: {  	p2 =	sne.s32 s6, $0x1  }
.Ltmp8:
0x75: {  	_ = 	snop;
	(pc) =	sbr.rel @!p2 .LBB2_18-.Ltmp8, $4  }
0x76: {  	_ = 	snop  }
0x77: {  	[sflag:s17] =	ssyncadd.s32 $0xFFFFFF80;
	s28 =	sshrl.u32 s9, $0x3  }
0x78: {  	s26 =	sadd.s32 $0xFFFFFFFF, s6;
	s1 =	stileid.u32;
	[bflag:$0x0] =	sbarrier.arrive $0xFFFF  }
0x79: {  	p1 =	por $0x0, $0x0;
	s25 =	sshll.u32 s1, $0x6;
	s1 =	sadd.s32 $0x40000, s9  }
0x7a: {  	s4 =	sor.u32 $0x1C02, s25  }
0x7b: {  	[hbm:s15], [sflag:s4] =	dma.local [spmem:s28], $0x800  }
0x7c: {  	p2 =	sne.s32 s26, $0x1;
	s31 =	sadd.s32 $0xFFFFFFFF, s26;
	_ =	swait.ge [sflag:s17], $0x800  }
.Ltmp9:
0x7d: {  	s8 =	sshrl.u32 s10, $0x3;
	[sflag:s17] =	ssyncset.done $0x0;
	(pc) =	sbr.rel @!p2 .LBB2_21-.Ltmp9, $4  }
0x7e: {  	s26 =	sadd.s32 $0x100, s16;
	s30 =	sadd.s32 $0x8000, s15;
	[sflag:s17] =	ssyncadd.s32 $0xFFFFF800  }
0x7f: {  	[hbm:s16], [sflag:s4] =	dma.local [spmem:s8], $0x10  }
0x80: {  	s29 =	sadd.s32 $0x800, s10;
	p1 =	por $0x1, $0x1;
	_ =	swait.ge [sflag:s17], $0x10  }
0x81: {  	s28 =	sshrl.u32 s1, $0x3;
	s1 =	sadd.s32 $0x40000, s1;
	[sflag:s17] =	ssyncset.done $0x0  }
.LBB2_20:
0x82: {  	s4 =	sshrl.u32 s1, $0x3  }
0x83: {  	s8 =	sor.u32 $0x1C02, s25;
	[sflag:s17] =	ssyncadd.s32 $0xFFFFFFF0;
	s11 =	smov.u32 s26  }
0x84: {  	[hbm:s30], [sflag:s8] =	dma.local [spmem:s28], $0x800  }
0x85: {  	p2 =	sne.s32 s31, $0x1;
	s31 =	sadd.s32 $0xFFFFFFFF, s31;
	_ =	swait.ge [sflag:s17], $0x800  }
.Ltmp10:
0x86: {  	s28 =	smov.u32 s4;
	[sflag:s17] =	ssyncset.done $0x0;
	(pc) =	sbr.rel @p2 .LBB2_20-.Ltmp10, $4  }
0x87: {  	s26 =	sadd.s32 $0x100, s26;
	s4 =	sshrl.u32 s29, $0x3;
	[sflag:s17] =	ssyncadd.s32 $0xFFFFF800  }
0x88: {  	[hbm:s11], [sflag:s8] =	dma.local [spmem:s4], $0x10  }
0x89: {  	s30 =	sadd.s32 $0x8000, s30;
	s29 =	sadd.s32 $0x800, s29;
	_ =	swait.ge [sflag:s17], $0x10  }
0x8a: {  	s1 =	sadd.s32 $0x40000, s1;
	[sflag:s17] =	ssyncset.done $0x0  }
.Ltmp11:
0x8b: {  	_ = 	snop;
	(pc) =	sbr.rel .LBB2_21-.Ltmp11, $1  }
0x8c: {  	_ =	sdelay $0x3  }
.LBB2_4:
0x8d: {  	[spmem:s9] =	stream.linear.scatter [tilespmem:s5], [sflag:$0x2], $0x4000, $0x38;
	[tilespmem:$0x18078] =	vst v63  }
0x8e: {  	p1 =	sne.s32 s6, $0x1;
	_ =	swait.ge [sflag:s17], $0x4000  }
.Ltmp12:
0x8f: {  	[sflag:s17] =	ssyncset.done $0x0;
	(pc) =	sbr.rel @!p1 .LBB2_6-.Ltmp12, $4  }
0x90: {  	[sflag:s17] =	ssyncadd.s32 $0xFFFFC000  }
0x91: {  	[spmem:s10] =	stream.linear.scatter [tilespmem:s18], [sflag:$0x2], $0x80, $0x38;
	[tilespmem:$0x18078] =	vst v63  }
0x92: {  	s1 =	sadd.s32 $0xFFFFFFFF, s6;
	_ =	swait.ge [sflag:s17], $0x80  }
0x93: {  	s25 =	smov.u32 s9;
	s26 =	smov.u32 s10;
	[sflag:s17] =	ssyncset.done $0x0  }
.LBB2_5:
0x94: {  	[sflag:s17] =	ssyncadd.s32 $0xFFFFFF80;
	s25 =	sadd.s32 $0x40000, s25;
	s26 =	sadd.s32 $0x800, s26  }
0x95: {  	[spmem:s25] =	stream.linear.scatter [tilespmem:s5], [sflag:$0x2], $0x4000, $0x38;
	[tilespmem:$0x18078] =	vst v63  }
0x96: {  	p1 =	sne.s32 s1, $0x1;
	s1 =	sadd.s32 $0xFFFFFFFF, s1;
	_ =	swait.ge [sflag:s17], $0x4000  }
.Ltmp13:
0x97: {  	[sflag:s17] =	ssyncset.done $0x0;
	(pc) =	sbr.rel @p1 .LBB2_5-.Ltmp13, $4  }
0x98: {  	[sflag:s17] =	ssyncadd.s32 $0xFFFFC000  }
0x99: {  	[spmem:s26] =	stream.linear.scatter [tilespmem:s18], [sflag:$0x2], $0x80, $0x38;
	[tilespmem:$0x18078] =	vst v63  }
0x9a: {  	_ =	swait.ge [sflag:s17], $0x80  }
0x9b: {  	[sflag:s17] =	ssyncset.done $0x0  }
.LBB2_6:
0x9c: {  	[sflag:s17] =	ssyncadd.s32 $0xFFFFFF80  }
0x9d: {  	[bflag:$0x0] =	sbarrier.arrive $0xFFFF  }
0x9e: {  	s26 =	rddreg [dreg:$0x9]  }
0x9f: {  	[tilespmem:s19], [sflag:$0x2] =	stream.linear.gather [hbm4b:s26+s5], $0x100, $0x38;
	[tilespmem:$0x18078] =	vst v63  }
0xa0: {  	_ =	swait.ge [sflag:s17], $0x100  }
0xa1: {  	[sflag:s17] =	ssyncset.done $0x0  }
0xa2: {  	[sflag:s17] =	ssyncadd.s32 $0xFFFFFF00  }
0xa3: {  	[tilespmem:s5], [sflag:$0x1] =	stream.indirect.gather [hbm4b:s0+s20], $0x80, s19, s20, $0xb8;
	[tilespmem:$0x18078] =	vst v63  }
0xa4: {  	_ =	swait.ge [sflag:s21], $0x4000  }
0xa5: {  	[sflag:s21] =	ssyncset.done $0x0  }
0xa6: {  	[sflag:s21] =	ssyncadd.s32 $0xFFFFC000  }
0xa7: {  	[spmem:s2] =	stream.indirect.scatter.add.f32 [tilespmem:s5], [sflag:$0x2], $0x80, s22, s20, $0xb8;
	[tilespmem:$0x18078] =	vst v63  }
0xa8: {  	p1 =	sne.s32 s7, $0x1;
	_ =	swait.ge [sflag:s17], $0x4000  }
.Ltmp14:
0xa9: {  	[sflag:s17] =	ssyncset.done $0x0;
	(pc) =	sbr.rel @!p1 .LBB2_8-.Ltmp14, $4  }
0xaa: {  	[sflag:s17] =	ssyncadd.s32 $0xFFFFC000  }
0xab: {  	[spmem:s3] =	stream.indirect.scatter.add.f32 [tilespmem:s23], [sflag:$0x2], $0x1, s22, s20, $0xb8;
	[tilespmem:$0x18078] =	vst v63  }
0xac: {  	_ =	swait.ge [sflag:s17], $0x80  }
0xad: {  	s25 =	sadd.s32 $0xFFFFFFFF, s7;
	[sflag:s17] =	ssyncset.done $0x0  }
.LBB2_7:
0xae: {  	p1 =	sne.s32 s25, $0x1;
	[sflag:s17] =	ssyncadd.s32 $0xFFFFFF80;
	s26 =	sadd.s32 $0x200, s26  }
0xaf: {  	[tilespmem:s19], [sflag:$0x2] =	stream.linear.gather [hbm4b:s26+s5], $0x100, $0x38;
	[tilespmem:$0x18078] =	vst v63  }
0xb0: {  	s25 =	sadd.s32 $0xFFFFFFFF, s25;
	_ =	swait.ge [sflag:s17], $0x100  }
0xb1: {  	[sflag:s17] =	ssyncset.done $0x0  }
0xb2: {  	[sflag:s17] =	ssyncadd.s32 $0xFFFFFF00  }
0xb3: {  	[tilespmem:s5], [sflag:$0x1] =	stream.indirect.gather [hbm4b:s0+s20], $0x80, s19, s20, $0xb8;
	[tilespmem:$0x18078] =	vst v63  }
0xb4: {  	_ =	swait.ge [sflag:s21], $0x4000  }
0xb5: {  	[sflag:s21] =	ssyncset.done $0x0  }
0xb6: {  	[sflag:s21] =	ssyncadd.s32 $0xFFFFC000  }
0xb7: {  	[spmem:s2] =	stream.indirect.scatter.add.f32 [tilespmem:s5], [sflag:$0x2], $0x80, s22, s20, $0xb8;
	[tilespmem:$0x18078] =	vst v63  }
0xb8: {  	_ =	swait.ge [sflag:s17], $0x4000  }
.Ltmp15:
0xb9: {  	[sflag:s17] =	ssyncset.done $0x0;
	(pc) =	sbr.rel @p1 .LBB2_7-.Ltmp15, $4  }
0xba: {  	[sflag:s17] =	ssyncadd.s32 $0xFFFFC000  }
0xbb: {  	[spmem:s3] =	stream.indirect.scatter.add.f32 [tilespmem:s23], [sflag:$0x2], $0x1, s22, s20, $0xb8;
	[tilespmem:$0x18078] =	vst v63  }
0xbc: {  	_ =	swait.ge [sflag:s17], $0x80  }
0xbd: {  	[sflag:s17] =	ssyncset.done $0x0  }
.LBB2_8:
0xbe: {  	p2 =	seq.s32 s6, $0x1  }
.Ltmp16:
0xbf: {  	_ = 	snop;
	(pc) =	sbr.rel @p2 .LBB2_9-.Ltmp16, $4  }
0xc0: {  	_ = 	snop  }
0xc1: {  	[sflag:s17] =	ssyncadd.s32 $0xFFFFFF80;
	s28 =	sshrl.u32 s9, $0x3  }
0xc2: {  	s26 =	sadd.s32 $0xFFFFFFFF, s6;
	s1 =	stileid.u32;
	[bflag:$0x0] =	sbarrier.arrive $0xFFFF  }
0xc3: {  	p1 =	por $0x0, $0x0;
	s25 =	sshll.u32 s1, $0x6;
	s1 =	sadd.s32 $0x40000, s9  }
0xc4: {  	s29 =	sor.u32 $0x1C02, s25  }
0xc5: {  	[hbm:s12], [sflag:s29] =	dma.local [spmem:s28], $0x800  }
0xc6: {  	p2 =	seq.s32 s26, $0x1;
	s31 =	sadd.s32 $0xFFFFFFFF, s26;
	_ =	swait.ge [sflag:s17], $0x800  }
.Ltmp17:
0xc7: {  	s30 =	sshrl.u32 s10, $0x3;
	[sflag:s17] =	ssyncset.done $0x0;
	(pc) =	sbr.rel @p2 .LBB2_12-.Ltmp17, $4  }
0xc8: {  	s26 =	sadd.s32 $0x100, s13;
	p1 =	por $0x1, $0x1;
	[sflag:s17] =	ssyncadd.s32 $0xFFFFF800  }
0xc9: {  	[hbm:s13], [sflag:s29] =	dma.local [spmem:s30], $0x10  }
0xca: {  	s28 =	sshrl.u32 s1, $0x3;
	s1 =	sadd.s32 $0x40000, s1;
	_ =	swait.ge [sflag:s17], $0x10  }
0xcb: {  	s30 =	sadd.s32 $0x8000, s12;
	s29 =	sadd.s32 $0x800, s10;
	[sflag:s17] =	ssyncset.done $0x0  }
.LBB2_11:
0xcc: {  	s4 =	sshrl.u32 s1, $0x3  }
0xcd: {  	s8 =	sor.u32 $0x1C02, s25;
	[sflag:s17] =	ssyncadd.s32 $0xFFFFFFF0;
	s11 =	smov.u32 s26  }
0xce: {  	[hbm:s30], [sflag:s8] =	dma.local [spmem:s28], $0x800  }
0xcf: {  	p2 =	seq.s32 s31, $0x1;
	s31 =	sadd.s32 $0xFFFFFFFF, s31;
	_ =	swait.ge [sflag:s17], $0x800  }
.Ltmp18:
0xd0: {  	s28 =	smov.u32 s4;
	[sflag:s17] =	ssyncset.done $0x0;
	(pc) =	sbr.rel @!p2 .LBB2_11-.Ltmp18, $4  }
0xd1: {  	s26 =	sadd.s32 $0x100, s26;
	s4 =	sshrl.u32 s29, $0x3;
	[sflag:s17] =	ssyncadd.s32 $0xFFFFF800  }
0xd2: {  	[hbm:s11], [sflag:s8] =	dma.local [spmem:s4], $0x10  }
0xd3: {  	s30 =	sadd.s32 $0x8000, s30;
	s29 =	sadd.s32 $0x800, s29;
	_ =	swait.ge [sflag:s17], $0x10  }
0xd4: {  	s1 =	sadd.s32 $0x40000, s1;
	[sflag:s17] =	ssyncset.done $0x0  }
.LBB2_12:
0xd5: {  	s1 =	sor.u32 $0x1C02, s25;
	[sflag:s17] =	ssyncadd.s32 @p1 $0xFFFFFFF0  }
0xd6: {  	[hbm:s30], [sflag:s1] =	dma.local [spmem:s28], $0x800  }
0xd7: {  	_ =	swait.ge [sflag:s17], $0x800  }
0xd8: {  	[sflag:s17] =	ssyncset.done $0x0  }
.Ltmp19:
0xd9: {  	s4 =	sshrl.u32 s29, $0x3;
	[sflag:s17] =	ssyncadd.s32 $0xFFFFF800;
	(pc) =	sbr.rel .LBB2_22-.Ltmp19, $4  }
0xda: {  	[hbm:s26], [sflag:s1] =	dma.local [spmem:s4], $0x10  }
0xdb: {  	_ =	swait.ge [sflag:s17], $0x10  }
0xdc: {  	[sflag:s17] =	ssyncset.done $0x0  }
0xdd: {  	[sflag:s17] =	ssyncadd.s32 $0xFFFFFFF0  }
.LBB2_9:
.Ltmp20:
0xde: {  	(pc) =	sbr.rel .LBB2_12-.Ltmp20, $2  }
0xdf: {  	_ =	sdelay $0x2  }
0xe0: {  	s26 =	smov.u32 s13;
	s30 =	smov.u32 s12;
	s29 =	smov.u32 s10  }
.LBB2_23:
0xe1: {  	_ =	sfence.sel $0x180000  }
0xe2: {  	[bflag:$0x0] =	sbarrier.arrive $0xFFFF  }
0xe3: {  	_ =	strace $0x90000047  }
0xe4: {  	s0 =	stileid.u32;
	[bflag:$0x2] =	sbarrier.arrive $0xFFFF  }
0xe5: {  	p0 =	sne.s32 s0, $0x0;
	s0 =	rddreg [dreg:$0x7]  }
0xe6: {  	s0 =	sadd.s32 @!p0 $0x100000, s0  }
0xe7: {  	[sflag:s0] =	ssyncadd.tile.s32 @!p0 $0x1;
	_ =	shalt  }
.Lfunc_end2:
_tile_overlayer_lowered:
.L_overlay_start_2:
0xe8: {  	(tag) =	ssettag $0x2  }
0xe9: {  	s0 =	rddreg [dreg:$0x0];
	s2 =	stileid.u32  }
0xea: {  	s1 =	rddreg [dreg:$0x1];
	p0 =	sne.s32 s2, $0x0  }
0xeb: {  	s3 =	rddreg [dreg:$0x2];
	[bflag:$0x3] =	sbarrier.arrive $0xFFFF;
	s2 =	simm.s32 @!p0 $0x1C02  }
0xec: {  	[timem:s3], [sflag:s2] =	dma.local @!p0 [hbm:s0], s1  }
0xed: {  	s0 =	simm.s32 @!p0 $0x2  }
0xee: {  	_ =	swait.ge @!p0 [sflag:s0], s1  }
0xef: {  	s1 =	ssub.s32 @!p0 $0x0, s1;
	[sflag:s0] =	ssyncset.done @!p0 $0x0  }
0xf0: {  	[sflag:s0] =	ssyncadd.s32 @!p0 s1  }
0xf1: {  	[bflag:$0x3] =	sbarrier.arrive $0xFFFF  }
0xf2: {  	_ =	shalt  }

</sc_bundles>
